<compile_context>
chip_gen: v7x
topology: tpu7x:2x2x1
jax: 0.10.2.dev20260603
libtpu: 0.0.44.dev20260713+nightly
codegen_flags: <defaults>
</compile_context>

<pallas_src>
import dataclasses
import functools

import jax
import jax.numpy as jnp
from jax import lax
from jax.experimental import pallas as pl
from jax.experimental.pallas import tpu as pltpu
from jax.experimental.pallas import tpu_sc as plsc

N_NODES = 10000
N_EDGES = 320000
D = 128

E_BLK = 128
N_BLOCKS = N_EDGES // E_BLK
BLOCKS_PER_CORE = N_BLOCKS // 2
N_SUBCORES = 16
ITERS = (BLOCKS_PER_CORE + N_SUBCORES - 1) // N_SUBCORES
ITERS_PAD = 81
ROWS_MAIN = 624
ROWS_TAIL = N_NODES - N_SUBCORES * ROWS_MAIN



def _mm_body(x_ref, w_ref, h_ref):
    h_ref[...] = jnp.dot(x_ref[...], w_ref[...],
                         preferred_element_type=jnp.float32)


def _matmul(x, W):
    grid = 10
    blk = N_NODES // grid
    return pl.pallas_call(
        _mm_body,
        grid=(grid,),
        in_specs=[
            pl.BlockSpec((blk, D), lambda i: (i, 0)),
            pl.BlockSpec((D, D), lambda i: (0, 0)),
        ],
        out_specs=pl.BlockSpec((blk, D), lambda i: (i, 0)),
        out_shape=jax.ShapeDtypeStruct((N_NODES, D), jnp.float32),
    )(x, W)



def _sc_body(h_hbm, meta_hbm, out_hbm,
             ma, mb_, mc, ra, rb, rc, acc,
             ia, ib, ic, ga, gb, gc, pa, pb, pc):
    c = lax.axis_index("c")
    t = lax.axis_index("s")

    meta = (ma, mb_, mc)
    rows = (ra, rb, rc)
    isem = (ia, ib, ic)
    gsem = (ga, gb, gc)
    ssem = (pa, pb, pc)

    def idx_start(rel, b):
        base = c * BLOCKS_PER_CORE + rel
        pltpu.async_copy(meta_hbm.at[base], meta[b], isem[b])

    def idx_wait(rel, b):
        base = c * BLOCKS_PER_CORE + rel
        pltpu.make_async_copy(meta_hbm.at[base], meta[b], isem[b]).wait()

    idx_start(t, 0)
    idx_start(t + N_SUBCORES, 1)

    @pl.loop(0, E_BLK)
    def _zero_rows(r):
        for j in range(D // 16):
            ra[r, pl.ds(16 * j, 16)] = jnp.zeros((16,), jnp.float32)

    for k, sz in ((0, 128), (128, 128), (256, 128), (384, 128), (512, 112)):
        pltpu.sync_copy(ra.at[pl.ds(0, sz)],
                        acc.at[pl.ds(t * ROWS_MAIN + k, sz)])

    @pl.when(t == N_SUBCORES - 1)
    def _zero_tail():
        pltpu.sync_copy(ra.at[pl.ds(0, ROWS_TAIL)],
                        acc.at[pl.ds(N_SUBCORES * ROWS_MAIN, ROWS_TAIL)])

    def gather_start(b):
        pltpu.async_copy(h_hbm.at[meta[b].at[0]], rows[b], gsem[b])

    def gather_wait(b):
        pltpu.make_async_copy(h_hbm.at[meta[b].at[0]], rows[b],
                              gsem[b]).wait()

    def scale(b):
        buf = rows[b]
        wref = meta[b]

        @pl.loop(0, E_BLK, step=8)
        def _scale(e):
            for v in range(8):
                w16i = plsc.load_gather(
                    wref, [jnp.full((16,), 2, jnp.int32),
                           jnp.full((16,), e + v, jnp.int32)])
                w16 = plsc.bitcast(w16i, jnp.float32)
                for u in range(D // 16):
                    sl = pl.ds(16 * u, 16)
                    buf[e + v, sl] = buf[e + v, sl] * w16

    def scatter_start(b):
        pltpu.async_copy(rows[b], acc.at[meta[b].at[1]], ssem[b], add=True)

    def scatter_wait(b):
        pltpu.make_async_copy(rows[b], acc.at[meta[b].at[1]],
                              ssem[b]).wait()

    idx_wait(t, 0)
    gather_start(0)
    plsc.subcore_barrier()

    @pl.loop(0, ITERS_PAD, step=3)
    def _edge_iter(i):
        for u in range(3):
            k = i + u
            S = u
            P = (u + 1) % 3
            Q = (u + 2) % 3
            rel = k * N_SUBCORES + t

            @pl.when(rel + N_SUBCORES < BLOCKS_PER_CORE)
            def _launch_next():
                idx_wait(rel + N_SUBCORES, P)
                gather_start(P)

            @pl.when(rel < BLOCKS_PER_CORE)
            def _process():
                gather_wait(S)
                scale(S)
                scatter_start(S)

            @pl.when((k >= 1) & (rel - N_SUBCORES < BLOCKS_PER_CORE))
            def _retire_prev():
                scatter_wait(Q)

            @pl.when(rel + 2 * N_SUBCORES < BLOCKS_PER_CORE)
            def _prefetch_idx():
                idx_start(rel + 2 * N_SUBCORES, Q)

    plsc.subcore_barrier()

    d0 = t * ROWS_MAIN
    pltpu.sync_copy(acc.at[pl.ds(d0, ROWS_MAIN)],
                    out_hbm.at[c, pl.ds(d0, ROWS_MAIN)])

    @pl.when(t == N_SUBCORES - 1)
    def _drain_tail():
        d1 = N_SUBCORES * ROWS_MAIN
        pltpu.sync_copy(acc.at[pl.ds(d1, ROWS_TAIL)],
                        out_hbm.at[c, pl.ds(d1, ROWS_TAIL)])


def _sc_aggregate(h, meta):
    mesh = plsc.VectorSubcoreMesh(core_axis_name="c", subcore_axis_name="s")
    cp = pltpu.CompilerParams()
    if "needs_layout_passes" in pltpu.CompilerParams.__dataclass_fields__:
        cp = dataclasses.replace(cp, needs_layout_passes=False)
    kern = pl.kernel(
        _sc_body,
        out_type=jax.ShapeDtypeStruct((2, N_NODES, D), jnp.float32),
        mesh=mesh,
        scratch_types=[
            pltpu.VMEM((3, E_BLK), jnp.int32),
            pltpu.VMEM((3, E_BLK), jnp.int32),
            pltpu.VMEM((3, E_BLK), jnp.int32),
            pltpu.VMEM((E_BLK, D), jnp.float32),
            pltpu.VMEM((E_BLK, D), jnp.float32),
            pltpu.VMEM((E_BLK, D), jnp.float32),
            pltpu.VMEM_SHARED((N_NODES, D), jnp.float32),
            pltpu.SemaphoreType.DMA,
            pltpu.SemaphoreType.DMA,
            pltpu.SemaphoreType.DMA,
            pltpu.SemaphoreType.DMA,
            pltpu.SemaphoreType.DMA,
            pltpu.SemaphoreType.DMA,
            pltpu.SemaphoreType.DMA,
            pltpu.SemaphoreType.DMA,
            pltpu.SemaphoreType.DMA,
        ],
        compiler_params=cp,
    )
    return kern(h, meta)



def _add_body(p_ref, o_ref):
    o_ref[...] = p_ref[0] + p_ref[1]


def _sum_partials(partials):
    grid = 10
    blk = N_NODES // grid
    return pl.pallas_call(
        _add_body,
        grid=(grid,),
        in_specs=[pl.BlockSpec((2, blk, D), lambda i: (0, i, 0))],
        out_specs=pl.BlockSpec((blk, D), lambda i: (i, 0)),
        out_shape=jax.ShapeDtypeStruct((N_NODES, D), jnp.float32),
    )(partials)


def kernel(x, edge_index, edge_weight, W):
    h = _matmul(x, W)
    srcr = edge_index[0].reshape(N_BLOCKS, 1, E_BLK)
    dstr = edge_index[1].reshape(N_BLOCKS, 1, E_BLK)
    wbits = lax.bitcast_convert_type(edge_weight, jnp.int32)
    wr = wbits.reshape(N_BLOCKS, 1, E_BLK)
    meta = jnp.concatenate([srcr, dstr, wr], axis=1)
    partials = _sc_aggregate(h, meta)
    return _sum_partials(partials)

# --- scband reference (transcript-rebuilt; emitter-appended) ---
"""Pipeline reference for scband-gcnmodel-87402584474115 (READ-ONLY COPY).

The authoritative reference and input builder live on the scoring server;
editing this copy changes nothing except your own understanding.
"""

import jax, jax.numpy as jnp
import numpy as np

N_NODES = 10000
N_EDGES = 320000
D_IN = 128
D_OUT = 128


def setup_inputs(seed: int = 0) -> dict:
    key = jax.random.key(seed)
    k1, k2, k3, k4 = jax.random.split(key, 4)
    x = jax.random.normal(k1, (N_NODES, D_IN), dtype=jnp.float32)
    edge_index = jax.random.randint(k2, (2, N_EDGES), 0, N_NODES, dtype=jnp.int32)
    edge_weight = jax.random.uniform(k3, (N_EDGES,), dtype=jnp.float32)
    # Xavier-uniform weight, matching nn.init.xavier_uniform_ on (D_IN, D_OUT)
    limit = float(np.sqrt(6.0 / (D_IN + D_OUT)))
    W = jax.random.uniform(k4, (D_IN, D_OUT), minval=-limit, maxval=limit, dtype=jnp.float32)
    return {"x": x, "edge_index": edge_index, "edge_weight": edge_weight, "W": W}


def reference(x, edge_index, edge_weight, W):
    # GraphConvolution forward with support=1, num_bases=-1, linear activation:
    #   support_feat = spmm(features, W)  -> dense matmul
    #   output       = spmm(A, support_feat) -> sparse A applied via gather + segment-sum
    h = x @ W  # [N, D_OUT]
    src = edge_index[0]
    dst = edge_index[1]
    msgs = jnp.take(h, src, axis=0) * edge_weight[:, None]  # gather (SparseCore)
    out = jax.ops.segment_sum(msgs, dst, num_segments=N_NODES)  # scatter-add
    return out

if __name__ == "__main__":
    import jax
    _d = setup_inputs()
    print(jax.jit(kernel)(*tuple(_d.values())))

</pallas_src>

<mosaic_0001>
#map = affine_map<(d0, d1) -> (0, 0)>
#map1 = affine_map<(d0, d1) -> (0, 0, 0)>
module attributes {stable_mosaic.version = 14 : i64} {
  func.func @_sc_body(%arg0: i32, %arg1: i32, %arg2: memref<10000x128xf32, #tpu.memory_space<hbm>>, %arg3: memref<2500x3x128xi32, #tpu.memory_space<hbm>>, %arg4: memref<2x10000x128xf32, #tpu.memory_space<hbm>>, %arg5: memref<3x128xi32, #tpu.memory_space<vmem>>, %arg6: memref<3x128xi32, #tpu.memory_space<vmem>>, %arg7: memref<3x128xi32, #tpu.memory_space<vmem>>, %arg8: memref<128x128xf32, #tpu.memory_space<vmem>>, %arg9: memref<128x128xf32, #tpu.memory_space<vmem>>, %arg10: memref<128x128xf32, #tpu.memory_space<vmem>>, %arg11: memref<10000x128xf32, #tpu.memory_space<vmem_shared>>, %arg12: memref<!tpu.dma_semaphore, #tpu.memory_space<semaphore_mem>>, %arg13: memref<!tpu.dma_semaphore, #tpu.memory_space<semaphore_mem>>, %arg14: memref<!tpu.dma_semaphore, #tpu.memory_space<semaphore_mem>>, %arg15: memref<!tpu.dma_semaphore, #tpu.memory_space<semaphore_mem>>, %arg16: memref<!tpu.dma_semaphore, #tpu.memory_space<semaphore_mem>>, %arg17: memref<!tpu.dma_semaphore, #tpu.memory_space<semaphore_mem>>, %arg18: memref<!tpu.dma_semaphore, #tpu.memory_space<semaphore_mem>>, %arg19: memref<!tpu.dma_semaphore, #tpu.memory_space<semaphore_mem>>, %arg20: memref<!tpu.dma_semaphore, #tpu.memory_space<semaphore_mem>>) attributes {dimension_semantics = [#tpu.dimension_semantics<core_parallel>, #tpu.dimension_semantics<subcore_parallel>], iteration_bounds = array<i64: 2, 16>, scalar_prefetch = 0 : i64, scratch_operands = 16 : i64, tpu.core_type = #tpu.core_type<sc_vector_subcore>, window_params = [{transform_indices = #map}, {transform_indices = #map1}, {transform_indices = #map1}]} {
    %mul3A = arith.constant 1250 : i32
    %mul3A_0 = arith.muli %arg0, %mul3A : i32
    %add3A = arith.addi %mul3A_0, %arg1 : i32
    %dma_start3A = arith.constant 0 : i32
    %dma_start3A_1 = arith.constant 0 : i32
    %dma_start3A_2 = tpu.memref_slice %arg3[%add3A, %dma_start3A, %dma_start3A_1] : memref<2500x3x128xi32, #tpu.memory_space<hbm>> -> memref<1x3x128xi32, #tpu.memory_space<hbm>>
    %dma_start3A_3 = tpu.memref_squeeze %dma_start3A_2 : memref<1x3x128xi32, #tpu.memory_space<hbm>> -> memref<3x128xi32, #tpu.memory_space<hbm>>
    %dma_start3A_4 = arith.constant 0 : i32
    %dma_start3A_5 = arith.constant 0 : i32
    %dma_start3A_6 = tpu.memref_slice %arg3[%add3A, %dma_start3A_4, %dma_start3A_5] : memref<2500x3x128xi32, #tpu.memory_space<hbm>> -> memref<1x3x128xi32, #tpu.memory_space<hbm>>
    %dma_start3A_7 = tpu.memref_squeeze %dma_start3A_6 : memref<1x3x128xi32, #tpu.memory_space<hbm>> -> memref<3x128xi32, #tpu.memory_space<hbm>>
    tpu.enqueue_dma source(%dma_start3A_7 : memref<3x128xi32, #tpu.memory_space<hbm>>) target(%arg5 : memref<3x128xi32, #tpu.memory_space<vmem>>) target_semaphore(%arg12 : memref<!tpu.dma_semaphore, #tpu.memory_space<semaphore_mem>>)
    %add3A_8 = arith.constant 16 : i32
    %add3A_9 = arith.addi %arg1, %add3A_8 : i32
    %mul3A_10 = arith.constant 1250 : i32
    %mul3A_11 = arith.muli %arg0, %mul3A_10 : i32
    %add3A_12 = arith.addi %mul3A_11, %add3A_9 : i32
    %dma_start3A_13 = arith.constant 0 : i32
    %dma_start3A_14 = arith.constant 0 : i32
    %dma_start3A_15 = tpu.memref_slice %arg3[%add3A_12, %dma_start3A_13, %dma_start3A_14] : memref<2500x3x128xi32, #tpu.memory_space<hbm>> -> memref<1x3x128xi32, #tpu.memory_space<hbm>>
    %dma_start3A_16 = tpu.memref_squeeze %dma_start3A_15 : memref<1x3x128xi32, #tpu.memory_space<hbm>> -> memref<3x128xi32, #tpu.memory_space<hbm>>
    %dma_start3A_17 = arith.constant 0 : i32
    %dma_start3A_18 = arith.constant 0 : i32
    %dma_start3A_19 = tpu.memref_slice %arg3[%add3A_12, %dma_start3A_17, %dma_start3A_18] : memref<2500x3x128xi32, #tpu.memory_space<hbm>> -> memref<1x3x128xi32, #tpu.memory_space<hbm>>
    %dma_start3A_20 = tpu.memref_squeeze %dma_start3A_19 : memref<1x3x128xi32, #tpu.memory_space<hbm>> -> memref<3x128xi32, #tpu.memory_space<hbm>>
    tpu.enqueue_dma source(%dma_start3A_20 : memref<3x128xi32, #tpu.memory_space<hbm>>) target(%arg6 : memref<3x128xi32, #tpu.memory_space<vmem>>) target_semaphore(%arg13 : memref<!tpu.dma_semaphore, #tpu.memory_space<semaphore_mem>>)
    %scan3A = arith.constant 0 : i32
    %scan3A_21 = arith.constant 128 : i32
    %scan3A_22 = arith.addi %scan3A, %scan3A_21 : i32
    %scan3A_23 = arith.constant 1 : i32
    scf.for %scan3A_77 = %scan3A to %scan3A_22 step %scan3A_23  : i32 {
      %mul3A_78 = arith.constant 1 : i32
      %mul3A_79 = arith.muli %scan3A_77, %mul3A_78 : i32
      %add3A_80 = arith.constant 0 : i32
      %add3A_81 = arith.addi %add3A_80, %mul3A_79 : i32
      %broadcast_in_dim3A = arith.constant 0.000000e+00 : f32
      %broadcast_in_dim3A_82 = vector.broadcast %broadcast_in_dim3A : f32 to vector<16xf32>
      %swap3A = arith.index_cast %add3A_81 : i32 to index
      %swap3A_83 = arith.constant 0 : index
      %swap3A_84 = tpu.vector_load %arg8[%swap3A, %swap3A_83] {strides = array<i32>} : memref<128x128xf32, #tpu.memory_space<vmem>>, vector<16xf32>,
      tpu.vector_store %arg8[%swap3A, %swap3A_83], %broadcast_in_dim3A_82 {strides = array<i32>} : memref<128x128xf32, #tpu.memory_space<vmem>>, vector<16xf32>,
      %broadcast_in_dim3A_85 = arith.constant 0.000000e+00 : f32
      %broadcast_in_dim3A_86 = vector.broadcast %broadcast_in_dim3A_85 : f32 to vector<16xf32>
      %swap3A_87 = arith.index_cast %add3A_81 : i32 to index
      %swap3A_88 = arith.constant 16 : index
      %swap3A_89 = tpu.vector_load %arg8[%swap3A_87, %swap3A_88] {strides = array<i32>} : memref<128x128xf32, #tpu.memory_space<vmem>>, vector<16xf32>,
      tpu.vector_store %arg8[%swap3A_87, %swap3A_88], %broadcast_in_dim3A_86 {strides = array<i32>} : memref<128x128xf32, #tpu.memory_space<vmem>>, vector<16xf32>,
      %broadcast_in_dim3A_90 = arith.constant 0.000000e+00 : f32
      %broadcast_in_dim3A_91 = vector.broadcast %broadcast_in_dim3A_90 : f32 to vector<16xf32>
      %swap3A_92 = arith.index_cast %add3A_81 : i32 to index
      %swap3A_93 = arith.constant 32 : index
      %swap3A_94 = tpu.vector_load %arg8[%swap3A_92, %swap3A_93] {strides = array<i32>} : memref<128x128xf32, #tpu.memory_space<vmem>>, vector<16xf32>,
      tpu.vector_store %arg8[%swap3A_92, %swap3A_93], %broadcast_in_dim3A_91 {strides = array<i32>} : memref<128x128xf32, #tpu.memory_space<vmem>>, vector<16xf32>,
      %broadcast_in_dim3A_95 = arith.constant 0.000000e+00 : f32
      %broadcast_in_dim3A_96 = vector.broadcast %broadcast_in_dim3A_95 : f32 to vector<16xf32>
      %swap3A_97 = arith.index_cast %add3A_81 : i32 to index
      %swap3A_98 = arith.constant 48 : index
      %swap3A_99 = tpu.vector_load %arg8[%swap3A_97, %swap3A_98] {strides = array<i32>} : memref<128x128xf32, #tpu.memory_space<vmem>>, vector<16xf32>,
      tpu.vector_store %arg8[%swap3A_97, %swap3A_98], %broadcast_in_dim3A_96 {strides = array<i32>} : memref<128x128xf32, #tpu.memory_space<vmem>>, vector<16xf32>,
      %broadcast_in_dim3A_100 = arith.constant 0.000000e+00 : f32
      %broadcast_in_dim3A_101 = vector.broadcast %broadcast_in_dim3A_100 : f32 to vector<16xf32>
      %swap3A_102 = arith.index_cast %add3A_81 : i32 to index
      %swap3A_103 = arith.constant 64 : index
      %swap3A_104 = tpu.vector_load %arg8[%swap3A_102, %swap3A_103] {strides = array<i32>} : memref<128x128xf32, #tpu.memory_space<vmem>>, vector<16xf32>,
      tpu.vector_store %arg8[%swap3A_102, %swap3A_103], %broadcast_in_dim3A_101 {strides = array<i32>} : memref<128x128xf32, #tpu.memory_space<vmem>>, vector<16xf32>,
      %broadcast_in_dim3A_105 = arith.constant 0.000000e+00 : f32
      %broadcast_in_dim3A_106 = vector.broadcast %broadcast_in_dim3A_105 : f32 to vector<16xf32>
      %swap3A_107 = arith.index_cast %add3A_81 : i32 to index
      %swap3A_108 = arith.constant 80 : index
      %swap3A_109 = tpu.vector_load %arg8[%swap3A_107, %swap3A_108] {strides = array<i32>} : memref<128x128xf32, #tpu.memory_space<vmem>>, vector<16xf32>,
      tpu.vector_store %arg8[%swap3A_107, %swap3A_108], %broadcast_in_dim3A_106 {strides = array<i32>} : memref<128x128xf32, #tpu.memory_space<vmem>>, vector<16xf32>,
      %broadcast_in_dim3A_110 = arith.constant 0.000000e+00 : f32
      %broadcast_in_dim3A_111 = vector.broadcast %broadcast_in_dim3A_110 : f32 to vector<16xf32>
      %swap3A_112 = arith.index_cast %add3A_81 : i32 to index
      %swap3A_113 = arith.constant 96 : index
      %swap3A_114 = tpu.vector_load %arg8[%swap3A_112, %swap3A_113] {strides = array<i32>} : memref<128x128xf32, #tpu.memory_space<vmem>>, vector<16xf32>,
      tpu.vector_store %arg8[%swap3A_112, %swap3A_113], %broadcast_in_dim3A_111 {strides = array<i32>} : memref<128x128xf32, #tpu.memory_space<vmem>>, vector<16xf32>,
      %broadcast_in_dim3A_115 = arith.constant 0.000000e+00 : f32
      %broadcast_in_dim3A_116 = vector.broadcast %broadcast_in_dim3A_115 : f32 to vector<16xf32>
      %swap3A_117 = arith.index_cast %add3A_81 : i32 to index
      %swap3A_118 = arith.constant 112 : index
      %swap3A_119 = tpu.vector_load %arg8[%swap3A_117, %swap3A_118] {strides = array<i32>} : memref<128x128xf32, #tpu.memory_space<vmem>>, vector<16xf32>,
      tpu.vector_store %arg8[%swap3A_117, %swap3A_118], %broadcast_in_dim3A_116 {strides = array<i32>} : memref<128x128xf32, #tpu.memory_space<vmem>>, vector<16xf32>,
    }
    %scan3A_24 = arith.constant 128 : i32
    %mul3A_25 = arith.constant 624 : i32
    %mul3A_26 = arith.muli %arg1, %mul3A_25 : i32
    %add3A_27 = arith.constant 0 : i32
    %add3A_28 = arith.addi %mul3A_26, %add3A_27 : i32
    "tpu.region"() ({
      %run_scoped3A = tpu.sem_alloc : memref<!tpu.dma_semaphore, #tpu.memory_space<semaphore_mem>>
      %dma_start3A_77 = arith.constant 0 : i32
      %dma_start3A_78 = arith.constant 0 : i32
      %dma_start3A_79 = tpu.memref_slice %arg8[%dma_start3A_77, %dma_start3A_78] : memref<128x128xf32, #tpu.memory_space<vmem>> -> memref<128x128xf32, #tpu.memory_space<vmem>>
      %dma_start3A_80 = arith.constant 0 : i32
      %dma_start3A_81 = tpu.memref_slice %arg11[%add3A_28, %dma_start3A_80] : memref<10000x128xf32, #tpu.memory_space<vmem_shared>> -> memref<128x128xf32, #tpu.memory_space<vmem_shared>>
      %dma_start3A_82 = arith.constant 0 : i32
      %dma_start3A_83 = tpu.memref_slice %arg11[%add3A_28, %dma_start3A_82] : memref<10000x128xf32, #tpu.memory_space<vmem_shared>> -> memref<128x128xf32, #tpu.memory_space<vmem_shared>>
      %dma_start3A_84 = arith.constant 0 : i32
      %dma_start3A_85 = arith.constant 0 : i32
      %dma_start3A_86 = tpu.memref_slice %arg8[%dma_start3A_84, %dma_start3A_85] : memref<128x128xf32, #tpu.memory_space<vmem>> -> memref<128x128xf32, #tpu.memory_space<vmem>>
      tpu.enqueue_dma source(%dma_start3A_86 : memref<128x128xf32, #tpu.memory_space<vmem>>) target(%dma_start3A_83 : memref<128x128xf32, #tpu.memory_space<vmem_shared>>) target_semaphore(%run_scoped3A : memref<!tpu.dma_semaphore, #tpu.memory_space<semaphore_mem>>)
      %dma_wait3A_87 = arith.constant 0 : i32
      %dma_wait3A_88 = arith.constant 0 : i32
      %dma_wait3A_89 = tpu.memref_slice %arg8[%dma_wait3A_87, %dma_wait3A_88] : memref<128x128xf32, #tpu.memory_space<vmem>> -> memref<128x128xf32, #tpu.memory_space<vmem>>
      %dma_wait3A_90 = arith.constant 0 : i32
      %dma_wait3A_91 = tpu.memref_slice %arg11[%add3A_28, %dma_wait3A_90] : memref<10000x128xf32, #tpu.memory_space<vmem_shared>> -> memref<128x128xf32, #tpu.memory_space<vmem_shared>>
      %dma_wait3A_92 = arith.constant 0 : i32
      %dma_wait3A_93 = tpu.memref_slice %arg11[%add3A_28, %dma_wait3A_92] : memref<10000x128xf32, #tpu.memory_space<vmem_shared>> -> memref<128x128xf32, #tpu.memory_space<vmem_shared>>
      %dma_wait3A_94 = arith.constant 0 : i32
      %dma_wait3A_95 = arith.constant 0 : i32
      %dma_wait3A_96 = tpu.memref_slice %arg8[%dma_wait3A_94, %dma_wait3A_95] : memref<128x128xf32, #tpu.memory_space<vmem>> -> memref<128x128xf32, #tpu.memory_space<vmem>>
      tpu.wait_dma2 semaphore(%run_scoped3A : memref<!tpu.dma_semaphore, #tpu.memory_space<semaphore_mem>>) src(%dma_wait3A_96 : memref<128x128xf32, #tpu.memory_space<vmem>>) dst(%dma_wait3A_93 : memref<128x128xf32, #tpu.memory_space<vmem_shared>>)
      tpu.yield
    }) : () -> ()
    %mul3A_29 = arith.constant 624 : i32
    %mul3A_30 = arith.muli %arg1, %mul3A_29 : i32
    %add3A_31 = arith.constant 128 : i32
    %add3A_32 = arith.addi %mul3A_30, %add3A_31 : i32
    "tpu.region"() ({
      %run_scoped3A = tpu.sem_alloc : memref<!tpu.dma_semaphore, #tpu.memory_space<semaphore_mem>>
      %dma_start3A_77 = arith.constant 0 : i32
      %dma_start3A_78 = arith.constant 0 : i32
      %dma_start3A_79 = tpu.memref_slice %arg8[%dma_start3A_77, %dma_start3A_78] : memref<128x128xf32, #tpu.memory_space<vmem>> -> memref<128x128xf32, #tpu.memory_space<vmem>>
      %dma_start3A_80 = arith.constant 0 : i32
      %dma_start3A_81 = tpu.memref_slice %arg11[%add3A_32, %dma_start3A_80] : memref<10000x128xf32, #tpu.memory_space<vmem_shared>> -> memref<128x128xf32, #tpu.memory_space<vmem_shared>>
      %dma_start3A_82 = arith.constant 0 : i32
      %dma_start3A_83 = tpu.memref_slice %arg11[%add3A_32, %dma_start3A_82] : memref<10000x128xf32, #tpu.memory_space<vmem_shared>> -> memref<128x128xf32, #tpu.memory_space<vmem_shared>>
      %dma_start3A_84 = arith.constant 0 : i32
      %dma_start3A_85 = arith.constant 0 : i32
      %dma_start3A_86 = tpu.memref_slice %arg8[%dma_start3A_84, %dma_start3A_85] : memref<128x128xf32, #tpu.memory_space<vmem>> -> memref<128x128xf32, #tpu.memory_space<vmem>>
      tpu.enqueue_dma source(%dma_start3A_86 : memref<128x128xf32, #tpu.memory_space<vmem>>) target(%dma_start3A_83 : memref<128x128xf32, #tpu.memory_space<vmem_shared>>) target_semaphore(%run_scoped3A : memref<!tpu.dma_semaphore, #tpu.memory_space<semaphore_mem>>)
      %dma_wait3A_87 = arith.constant 0 : i32
      %dma_wait3A_88 = arith.constant 0 : i32
      %dma_wait3A_89 = tpu.memref_slice %arg8[%dma_wait3A_87, %dma_wait3A_88] : memref<128x128xf32, #tpu.memory_space<vmem>> -> memref<128x128xf32, #tpu.memory_space<vmem>>
      %dma_wait3A_90 = arith.constant 0 : i32
      %dma_wait3A_91 = tpu.memref_slice %arg11[%add3A_32, %dma_wait3A_90] : memref<10000x128xf32, #tpu.memory_space<vmem_shared>> -> memref<128x128xf32, #tpu.memory_space<vmem_shared>>
      %dma_wait3A_92 = arith.constant 0 : i32
      %dma_wait3A_93 = tpu.memref_slice %arg11[%add3A_32, %dma_wait3A_92] : memref<10000x128xf32, #tpu.memory_space<vmem_shared>> -> memref<128x128xf32, #tpu.memory_space<vmem_shared>>
      %dma_wait3A_94 = arith.constant 0 : i32
      %dma_wait3A_95 = arith.constant 0 : i32
      %dma_wait3A_96 = tpu.memref_slice %arg8[%dma_wait3A_94, %dma_wait3A_95] : memref<128x128xf32, #tpu.memory_space<vmem>> -> memref<128x128xf32, #tpu.memory_space<vmem>>
      tpu.wait_dma2 semaphore(%run_scoped3A : memref<!tpu.dma_semaphore, #tpu.memory_space<semaphore_mem>>) src(%dma_wait3A_96 : memref<128x128xf32, #tpu.memory_space<vmem>>) dst(%dma_wait3A_93 : memref<128x128xf32, #tpu.memory_space<vmem_shared>>)
      tpu.yield
    }) : () -> ()
    %mul3A_33 = arith.constant 624 : i32
    %mul3A_34 = arith.muli %arg1, %mul3A_33 : i32
    %add3A_35 = arith.constant 256 : i32
    %add3A_36 = arith.addi %mul3A_34, %add3A_35 : i32
    "tpu.region"() ({
      %run_scoped3A = tpu.sem_alloc : memref<!tpu.dma_semaphore, #tpu.memory_space<semaphore_mem>>
      %dma_start3A_77 = arith.constant 0 : i32
      %dma_start3A_78 = arith.constant 0 : i32
      %dma_start3A_79 = tpu.memref_slice %arg8[%dma_start3A_77, %dma_start3A_78] : memref<128x128xf32, #tpu.memory_space<vmem>> -> memref<128x128xf32, #tpu.memory_space<vmem>>
      %dma_start3A_80 = arith.constant 0 : i32
      %dma_start3A_81 = tpu.memref_slice %arg11[%add3A_36, %dma_start3A_80] : memref<10000x128xf32, #tpu.memory_space<vmem_shared>> -> memref<128x128xf32, #tpu.memory_space<vmem_shared>>
      %dma_start3A_82 = arith.constant 0 : i32
      %dma_start3A_83 = tpu.memref_slice %arg11[%add3A_36, %dma_start3A_82] : memref<10000x128xf32, #tpu.memory_space<vmem_shared>> -> memref<128x128xf32, #tpu.memory_space<vmem_shared>>
      %dma_start3A_84 = arith.constant 0 : i32
      %dma_start3A_85 = arith.constant 0 : i32
      %dma_start3A_86 = tpu.memref_slice %arg8[%dma_start3A_84, %dma_start3A_85] : memref<128x128xf32, #tpu.memory_space<vmem>> -> memref<128x128xf32, #tpu.memory_space<vmem>>
      tpu.enqueue_dma source(%dma_start3A_86 : memref<128x128xf32, #tpu.memory_space<vmem>>) target(%dma_start3A_83 : memref<128x128xf32, #tpu.memory_space<vmem_shared>>) target_semaphore(%run_scoped3A : memref<!tpu.dma_semaphore, #tpu.memory_space<semaphore_mem>>)
      %dma_wait3A_87 = arith.constant 0 : i32
      %dma_wait3A_88 = arith.constant 0 : i32
      %dma_wait3A_89 = tpu.memref_slice %arg8[%dma_wait3A_87, %dma_wait3A_88] : memref<128x128xf32, #tpu.memory_space<vmem>> -> memref<128x128xf32, #tpu.memory_space<vmem>>
      %dma_wait3A_90 = arith.constant 0 : i32
      %dma_wait3A_91 = tpu.memref_slice %arg11[%add3A_36, %dma_wait3A_90] : memref<10000x128xf32, #tpu.memory_space<vmem_shared>> -> memref<128x128xf32, #tpu.memory_space<vmem_shared>>
      %dma_wait3A_92 = arith.constant 0 : i32
      %dma_wait3A_93 = tpu.memref_slice %arg11[%add3A_36, %dma_wait3A_92] : memref<10000x128xf32, #tpu.memory_space<vmem_shared>> -> memref<128x128xf32, #tpu.memory_space<vmem_shared>>
      %dma_wait3A_94 = arith.constant 0 : i32
      %dma_wait3A_95 = arith.constant 0 : i32
      %dma_wait3A_96 = tpu.memref_slice %arg8[%dma_wait3A_94, %dma_wait3A_95] : memref<128x128xf32, #tpu.memory_space<vmem>> -> memref<128x128xf32, #tpu.memory_space<vmem>>
      tpu.wait_dma2 semaphore(%run_scoped3A : memref<!tpu.dma_semaphore, #tpu.memory_space<semaphore_mem>>) src(%dma_wait3A_96 : memref<128x128xf32, #tpu.memory_space<vmem>>) dst(%dma_wait3A_93 : memref<128x128xf32, #tpu.memory_space<vmem_shared>>)
      tpu.yield
    }) : () -> ()
    %mul3A_37 = arith.constant 624 : i32
    %mul3A_38 = arith.muli %arg1, %mul3A_37 : i32
    %add3A_39 = arith.constant 384 : i32
    %add3A_40 = arith.addi %mul3A_38, %add3A_39 : i32
    "tpu.region"() ({
      %run_scoped3A = tpu.sem_alloc : memref<!tpu.dma_semaphore, #tpu.memory_space<semaphore_mem>>
      %dma_start3A_77 = arith.constant 0 : i32
      %dma_start3A_78 = arith.constant 0 : i32
      %dma_start3A_79 = tpu.memref_slice %arg8[%dma_start3A_77, %dma_start3A_78] : memref<128x128xf32, #tpu.memory_space<vmem>> -> memref<128x128xf32, #tpu.memory_space<vmem>>
      %dma_start3A_80 = arith.constant 0 : i32
      %dma_start3A_81 = tpu.memref_slice %arg11[%add3A_40, %dma_start3A_80] : memref<10000x128xf32, #tpu.memory_space<vmem_shared>> -> memref<128x128xf32, #tpu.memory_space<vmem_shared>>
      %dma_start3A_82 = arith.constant 0 : i32
      %dma_start3A_83 = tpu.memref_slice %arg11[%add3A_40, %dma_start3A_82] : memref<10000x128xf32, #tpu.memory_space<vmem_shared>> -> memref<128x128xf32, #tpu.memory_space<vmem_shared>>
      %dma_start3A_84 = arith.constant 0 : i32
      %dma_start3A_85 = arith.constant 0 : i32
      %dma_start3A_86 = tpu.memref_slice %arg8[%dma_start3A_84, %dma_start3A_85] : memref<128x128xf32, #tpu.memory_space<vmem>> -> memref<128x128xf32, #tpu.memory_space<vmem>>
      tpu.enqueue_dma source(%dma_start3A_86 : memref<128x128xf32, #tpu.memory_space<vmem>>) target(%dma_start3A_83 : memref<128x128xf32, #tpu.memory_space<vmem_shared>>) target_semaphore(%run_scoped3A : memref<!tpu.dma_semaphore, #tpu.memory_space<semaphore_mem>>)
      %dma_wait3A_87 = arith.constant 0 : i32
      %dma_wait3A_88 = arith.constant 0 : i32
      %dma_wait3A_89 = tpu.memref_slice %arg8[%dma_wait3A_87, %dma_wait3A_88] : memref<128x128xf32, #tpu.memory_space<vmem>> -> memref<128x128xf32, #tpu.memory_space<vmem>>
      %dma_wait3A_90 = arith.constant 0 : i32
      %dma_wait3A_91 = tpu.memref_slice %arg11[%add3A_40, %dma_wait3A_90] : memref<10000x128xf32, #tpu.memory_space<vmem_shared>> -> memref<128x128xf32, #tpu.memory_space<vmem_shared>>
      %dma_wait3A_92 = arith.constant 0 : i32
      %dma_wait3A_93 = tpu.memref_slice %arg11[%add3A_40, %dma_wait3A_92] : memref<10000x128xf32, #tpu.memory_space<vmem_shared>> -> memref<128x128xf32, #tpu.memory_space<vmem_shared>>
      %dma_wait3A_94 = arith.constant 0 : i32
      %dma_wait3A_95 = arith.constant 0 : i32
      %dma_wait3A_96 = tpu.memref_slice %arg8[%dma_wait3A_94, %dma_wait3A_95] : memref<128x128xf32, #tpu.memory_space<vmem>> -> memref<128x128xf32, #tpu.memory_space<vmem>>
      tpu.wait_dma2 semaphore(%run_scoped3A : memref<!tpu.dma_semaphore, #tpu.memory_space<semaphore_mem>>) src(%dma_wait3A_96 : memref<128x128xf32, #tpu.memory_space<vmem>>) dst(%dma_wait3A_93 : memref<128x128xf32, #tpu.memory_space<vmem_shared>>)
      tpu.yield
    }) : () -> ()
    %mul3A_41 = arith.constant 624 : i32
    %mul3A_42 = arith.muli %arg1, %mul3A_41 : i32
    %add3A_43 = arith.constant 512 : i32
    %add3A_44 = arith.addi %mul3A_42, %add3A_43 : i32
    "tpu.region"() ({
      %run_scoped3A = tpu.sem_alloc : memref<!tpu.dma_semaphore, #tpu.memory_space<semaphore_mem>>
      %dma_start3A_77 = arith.constant 0 : i32
      %dma_start3A_78 = arith.constant 0 : i32
      %dma_start3A_79 = tpu.memref_slice %arg8[%dma_start3A_77, %dma_start3A_78] : memref<128x128xf32, #tpu.memory_space<vmem>> -> memref<112x128xf32, #tpu.memory_space<vmem>>
      %dma_start3A_80 = arith.constant 0 : i32
      %dma_start3A_81 = tpu.memref_slice %arg11[%add3A_44, %dma_start3A_80] : memref<10000x128xf32, #tpu.memory_space<vmem_shared>> -> memref<112x128xf32, #tpu.memory_space<vmem_shared>>
      %dma_start3A_82 = arith.constant 0 : i32
      %dma_start3A_83 = tpu.memref_slice %arg11[%add3A_44, %dma_start3A_82] : memref<10000x128xf32, #tpu.memory_space<vmem_shared>> -> memref<112x128xf32, #tpu.memory_space<vmem_shared>>
      %dma_start3A_84 = arith.constant 0 : i32
      %dma_start3A_85 = arith.constant 0 : i32
      %dma_start3A_86 = tpu.memref_slice %arg8[%dma_start3A_84, %dma_start3A_85] : memref<128x128xf32, #tpu.memory_space<vmem>> -> memref<112x128xf32, #tpu.memory_space<vmem>>
      tpu.enqueue_dma source(%dma_start3A_86 : memref<112x128xf32, #tpu.memory_space<vmem>>) target(%dma_start3A_83 : memref<112x128xf32, #tpu.memory_space<vmem_shared>>) target_semaphore(%run_scoped3A : memref<!tpu.dma_semaphore, #tpu.memory_space<semaphore_mem>>)
      %dma_wait3A_87 = arith.constant 0 : i32
      %dma_wait3A_88 = arith.constant 0 : i32
      %dma_wait3A_89 = tpu.memref_slice %arg8[%dma_wait3A_87, %dma_wait3A_88] : memref<128x128xf32, #tpu.memory_space<vmem>> -> memref<112x128xf32, #tpu.memory_space<vmem>>
      %dma_wait3A_90 = arith.constant 0 : i32
      %dma_wait3A_91 = tpu.memref_slice %arg11[%add3A_44, %dma_wait3A_90] : memref<10000x128xf32, #tpu.memory_space<vmem_shared>> -> memref<112x128xf32, #tpu.memory_space<vmem_shared>>
      %dma_wait3A_92 = arith.constant 0 : i32
      %dma_wait3A_93 = tpu.memref_slice %arg11[%add3A_44, %dma_wait3A_92] : memref<10000x128xf32, #tpu.memory_space<vmem_shared>> -> memref<112x128xf32, #tpu.memory_space<vmem_shared>>
      %dma_wait3A_94 = arith.constant 0 : i32
      %dma_wait3A_95 = arith.constant 0 : i32
      %dma_wait3A_96 = tpu.memref_slice %arg8[%dma_wait3A_94, %dma_wait3A_95] : memref<128x128xf32, #tpu.memory_space<vmem>> -> memref<112x128xf32, #tpu.memory_space<vmem>>
      tpu.wait_dma2 semaphore(%run_scoped3A : memref<!tpu.dma_semaphore, #tpu.memory_space<semaphore_mem>>) src(%dma_wait3A_96 : memref<112x128xf32, #tpu.memory_space<vmem>>) dst(%dma_wait3A_93 : memref<112x128xf32, #tpu.memory_space<vmem_shared>>)
      tpu.yield
    }) : () -> ()
    %eq3A = arith.constant 15 : i32
    %eq3A_45 = arith.cmpi eq, %arg1, %eq3A : i32
    %convert_element_type3A = arith.extui %eq3A_45 : i1 to i32
    %cond3A = arith.constant 0 : i32
    %cond3A_46 = arith.cmpi ne, %convert_element_type3A, %cond3A : i32
    scf.if %cond3A_46 {
      "tpu.region"() ({
        %run_scoped3A = tpu.sem_alloc : memref<!tpu.dma_semaphore, #tpu.memory_space<semaphore_mem>>
        %dma_start3A_77 = arith.constant 0 : i32
        %dma_start3A_78 = arith.constant 0 : i32
        %dma_start3A_79 = tpu.memref_slice %arg8[%dma_start3A_77, %dma_start3A_78] : memref<128x128xf32, #tpu.memory_space<vmem>> -> memref<16x128xf32, #tpu.memory_space<vmem>>
        %dma_start3A_80 = arith.constant 9984 : i32
        %dma_start3A_81 = arith.constant 0 : i32
        %dma_start3A_82 = tpu.memref_slice %arg11[%dma_start3A_80, %dma_start3A_81] : memref<10000x128xf32, #tpu.memory_space<vmem_shared>> -> memref<16x128xf32, #tpu.memory_space<vmem_shared>>
        %dma_start3A_83 = arith.constant 9984 : i32
        %dma_start3A_84 = arith.constant 0 : i32
        %dma_start3A_85 = tpu.memref_slice %arg11[%dma_start3A_83, %dma_start3A_84] : memref<10000x128xf32, #tpu.memory_space<vmem_shared>> -> memref<16x128xf32, #tpu.memory_space<vmem_shared>>
        %dma_start3A_86 = arith.constant 0 : i32
        %dma_start3A_87 = arith.constant 0 : i32
        %dma_start3A_88 = tpu.memref_slice %arg8[%dma_start3A_86, %dma_start3A_87] : memref<128x128xf32, #tpu.memory_space<vmem>> -> memref<16x128xf32, #tpu.memory_space<vmem>>
        tpu.enqueue_dma source(%dma_start3A_88 : memref<16x128xf32, #tpu.memory_space<vmem>>) target(%dma_start3A_85 : memref<16x128xf32, #tpu.memory_space<vmem_shared>>) target_semaphore(%run_scoped3A : memref<!tpu.dma_semaphore, #tpu.memory_space<semaphore_mem>>)
        %dma_wait3A_89 = arith.constant 0 : i32
        %dma_wait3A_90 = arith.constant 0 : i32
        %dma_wait3A_91 = tpu.memref_slice %arg8[%dma_wait3A_89, %dma_wait3A_90] : memref<128x128xf32, #tpu.memory_space<vmem>> -> memref<16x128xf32, #tpu.memory_space<vmem>>
        %dma_wait3A_92 = arith.constant 9984 : i32
        %dma_wait3A_93 = arith.constant 0 : i32
        %dma_wait3A_94 = tpu.memref_slice %arg11[%dma_wait3A_92, %dma_wait3A_93] : memref<10000x128xf32, #tpu.memory_space<vmem_shared>> -> memref<16x128xf32, #tpu.memory_space<vmem_shared>>
        %dma_wait3A_95 = arith.constant 9984 : i32
        %dma_wait3A_96 = arith.constant 0 : i32
        %dma_wait3A_97 = tpu.memref_slice %arg11[%dma_wait3A_95, %dma_wait3A_96] : memref<10000x128xf32, #tpu.memory_space<vmem_shared>> -> memref<16x128xf32, #tpu.memory_space<vmem_shared>>
        %dma_wait3A_98 = arith.constant 0 : i32
        %dma_wait3A_99 = arith.constant 0 : i32
        %dma_wait3A_100 = tpu.memref_slice %arg8[%dma_wait3A_98, %dma_wait3A_99] : memref<128x128xf32, #tpu.memory_space<vmem>> -> memref<16x128xf32, #tpu.memory_space<vmem>>
        tpu.wait_dma2 semaphore(%run_scoped3A : memref<!tpu.dma_semaphore, #tpu.memory_space<semaphore_mem>>) src(%dma_wait3A_100 : memref<16x128xf32, #tpu.memory_space<vmem>>) dst(%dma_wait3A_97 : memref<16x128xf32, #tpu.memory_space<vmem_shared>>)
        tpu.yield
      }) : () -> ()
    } else {
    }
    %mul3A_47 = arith.constant 1250 : i32
    %mul3A_48 = arith.muli %arg0, %mul3A_47 : i32
    %add3A_49 = arith.addi %mul3A_48, %arg1 : i32
    %dma_wait3A = arith.constant 0 : i32
    %dma_wait3A_50 = arith.constant 0 : i32
    %dma_wait3A_51 = tpu.memref_slice %arg3[%add3A_49, %dma_wait3A, %dma_wait3A_50] : memref<2500x3x128xi32, #tpu.memory_space<hbm>> -> memref<1x3x128xi32, #tpu.memory_space<hbm>>
    %dma_wait3A_52 = tpu.memref_squeeze %dma_wait3A_51 : memref<1x3x128xi32, #tpu.memory_space<hbm>> -> memref<3x128xi32, #tpu.memory_space<hbm>>
    %dma_wait3A_53 = arith.constant 0 : i32
    %dma_wait3A_54 = arith.constant 0 : i32
    %dma_wait3A_55 = tpu.memref_slice %arg3[%add3A_49, %dma_wait3A_53, %dma_wait3A_54] : memref<2500x3x128xi32, #tpu.memory_space<hbm>> -> memref<1x3x128xi32, #tpu.memory_space<hbm>>
    %dma_wait3A_56 = tpu.memref_squeeze %dma_wait3A_55 : memref<1x3x128xi32, #tpu.memory_space<hbm>> -> memref<3x128xi32, #tpu.memory_space<hbm>>
    tpu.wait_dma2 semaphore(%arg12 : memref<!tpu.dma_semaphore, #tpu.memory_space<semaphore_mem>>) src(%dma_wait3A_56 : memref<3x128xi32, #tpu.memory_space<hbm>>) dst(%arg5 : memref<3x128xi32, #tpu.memory_space<vmem>>)
    %dma_start3A_57 = arith.constant 0 : i32
    %dma_start3A_58 = arith.constant 0 : i32
    %dma_start3A_59 = tpu.memref_slice %arg5[%dma_start3A_57, %dma_start3A_58] : memref<3x128xi32, #tpu.memory_space<vmem>> -> memref<1x128xi32, #tpu.memory_space<vmem>>
    %dma_start3A_60 = tpu.memref_squeeze %dma_start3A_59 : memref<1x128xi32, #tpu.memory_space<vmem>> -> memref<128xi32, #tpu.memory_space<vmem>>
    %dma_start3A_61 = arith.constant 0 : i32
    %dma_start3A_62 = arith.constant 0 : i32
    %dma_start3A_63 = tpu.memref_slice %arg2[%dma_start3A_61, %dma_start3A_62] : memref<10000x128xf32, #tpu.memory_space<hbm>> -> memref<10000x128xf32, #tpu.memory_space<hbm>>
    tpu.enqueue_indirect_dma source(%dma_start3A_63 : memref<10000x128xf32, #tpu.memory_space<hbm>>) target(%arg8 : memref<128x128xf32, #tpu.memory_space<vmem>>) offsets(%dma_start3A_60 : memref<128xi32, #tpu.memory_space<vmem>>) semaphore(%arg15 : memref<!tpu.dma_semaphore, #tpu.memory_space<semaphore_mem>>)
    %barrier3A = arith.constant 0 : index
    tpu.barrier barrier_id(%barrier3A)
    %scan3A_64 = arith.constant 0 : i32
    %scan3A_65 = arith.constant 27 : i32
    %scan3A_66 = arith.addi %scan3A_64, %scan3A_65 : i32
    %scan3A_67 = arith.constant 1 : i32
    scf.for %scan3A_77 = %scan3A_64 to %scan3A_66 step %scan3A_67  : i32 {
      %mul3A_78 = arith.constant 3 : i32
      %mul3A_79 = arith.muli %scan3A_77, %mul3A_78 : i32
      %add3A_80 = arith.constant 0 : i32
      %add3A_81 = arith.addi %add3A_80, %mul3A_79 : i32
      %add3A_82 = arith.constant 0 : i32
      %add3A_83 = arith.addi %add3A_81, %add3A_82 : i32
      %mul3A_84 = arith.constant 16 : i32
      %mul3A_85 = arith.muli %add3A_83, %mul3A_84 : i32
      %add3A_86 = arith.addi %mul3A_85, %arg1 : i32
      %add3A_87 = arith.constant 16 : i32
      %add3A_88 = arith.addi %add3A_86, %add3A_87 : i32
      %lt3A = arith.constant 1250 : i32
      %lt3A_89 = arith.cmpi slt, %add3A_88, %lt3A : i32
      %convert_element_type3A_90 = arith.extui %lt3A_89 : i1 to i32
      %cond3A_91 = arith.constant 0 : i32
      %cond3A_92 = arith.cmpi ne, %convert_element_type3A_90, %cond3A_91 : i32
      scf.if %cond3A_92 {
        %add3A_180 = arith.constant 16 : i32
        %add3A_181 = arith.addi %add3A_86, %add3A_180 : i32
        %mul3A_182 = arith.constant 1250 : i32
        %mul3A_183 = arith.muli %arg0, %mul3A_182 : i32
        %add3A_184 = arith.addi %mul3A_183, %add3A_181 : i32
        %dma_wait3A_185 = arith.constant 0 : i32
        %dma_wait3A_186 = arith.constant 0 : i32
        %dma_wait3A_187 = tpu.memref_slice %arg3[%add3A_184, %dma_wait3A_185, %dma_wait3A_186] : memref<2500x3x128xi32, #tpu.memory_space<hbm>> -> memref<1x3x128xi32, #tpu.memory_space<hbm>>
        %dma_wait3A_188 = tpu.memref_squeeze %dma_wait3A_187 : memref<1x3x128xi32, #tpu.memory_space<hbm>> -> memref<3x128xi32, #tpu.memory_space<hbm>>
        %dma_wait3A_189 = arith.constant 0 : i32
        %dma_wait3A_190 = arith.constant 0 : i32
        %dma_wait3A_191 = tpu.memref_slice %arg3[%add3A_184, %dma_wait3A_189, %dma_wait3A_190] : memref<2500x3x128xi32, #tpu.memory_space<hbm>> -> memref<1x3x128xi32, #tpu.memory_space<hbm>>
        %dma_wait3A_192 = tpu.memref_squeeze %dma_wait3A_191 : memref<1x3x128xi32, #tpu.memory_space<hbm>> -> memref<3x128xi32, #tpu.memory_space<hbm>>
        tpu.wait_dma2 semaphore(%arg13 : memref<!tpu.dma_semaphore, #tpu.memory_space<semaphore_mem>>) src(%dma_wait3A_192 : memref<3x128xi32, #tpu.memory_space<hbm>>) dst(%arg6 : memref<3x128xi32, #tpu.memory_space<vmem>>)
        %dma_start3A_193 = arith.constant 0 : i32
        %dma_start3A_194 = arith.constant 0 : i32
        %dma_start3A_195 = tpu.memref_slice %arg6[%dma_start3A_193, %dma_start3A_194] : memref<3x128xi32, #tpu.memory_space<vmem>> -> memref<1x128xi32, #tpu.memory_space<vmem>>
        %dma_start3A_196 = tpu.memref_squeeze %dma_start3A_195 : memref<1x128xi32, #tpu.memory_space<vmem>> -> memref<128xi32, #tpu.memory_space<vmem>>
        %dma_start3A_197 = arith.constant 0 : i32
        %dma_start3A_198 = arith.constant 0 : i32
        %dma_start3A_199 = tpu.memref_slice %arg2[%dma_start3A_197, %dma_start3A_198] : memref<10000x128xf32, #tpu.memory_space<hbm>> -> memref<10000x128xf32, #tpu.memory_space<hbm>>
        tpu.enqueue_indirect_dma source(%dma_start3A_199 : memref<10000x128xf32, #tpu.memory_space<hbm>>) target(%arg9 : memref<128x128xf32, #tpu.memory_space<vmem>>) offsets(%dma_start3A_196 : memref<128xi32, #tpu.memory_space<vmem>>) semaphore(%arg16 : memref<!tpu.dma_semaphore, #tpu.memory_space<semaphore_mem>>)
      } else {
      }
      %lt3A_93 = arith.constant 1250 : i32
      %lt3A_94 = arith.cmpi slt, %add3A_86, %lt3A_93 : i32
      %convert_element_type3A_95 = arith.extui %lt3A_94 : i1 to i32
      %cond3A_96 = arith.constant 0 : i32
      %cond3A_97 = arith.cmpi ne, %convert_element_type3A_95, %cond3A_96 : i32
      scf.if %cond3A_97 {
        %dma_wait3A_180 = arith.constant 0 : i32
        %dma_wait3A_181 = arith.constant 0 : i32
        %dma_wait3A_182 = tpu.memref_slice %arg5[%dma_wait3A_180, %dma_wait3A_181] : memref<3x128xi32, #tpu.memory_space<vmem>> -> memref<1x128xi32, #tpu.memory_space<vmem>>
        %dma_wait3A_183 = tpu.memref_squeeze %dma_wait3A_182 : memref<1x128xi32, #tpu.memory_space<vmem>> -> memref<128xi32, #tpu.memory_space<vmem>>
        %dma_wait3A_184 = arith.constant 0 : i32
        %dma_wait3A_185 = arith.constant 0 : i32
        %dma_wait3A_186 = tpu.memref_slice %arg2[%dma_wait3A_184, %dma_wait3A_185] : memref<10000x128xf32, #tpu.memory_space<hbm>> -> memref<10000x128xf32, #tpu.memory_space<hbm>>
        tpu.wait_indirect_dma semaphore(%arg15 : memref<!tpu.dma_semaphore, #tpu.memory_space<semaphore_mem>>) src(%dma_wait3A_186 : memref<10000x128xf32, #tpu.memory_space<hbm>>) dst(%arg8 : memref<128x128xf32, #tpu.memory_space<vmem>>)
        %scan3A_187 = arith.constant 0 : i32
        %scan3A_188 = arith.constant 16 : i32
        %scan3A_189 = arith.addi %scan3A_187, %scan3A_188 : i32
        %scan3A_190 = arith.constant 1 : i32
        scf.for %scan3A_199 = %scan3A_187 to %scan3A_189 step %scan3A_190  : i32 {
          %mul3A_200 = arith.constant 8 : i32
          %mul3A_201 = arith.muli %scan3A_199, %mul3A_200 : i32
          %add3A_202 = arith.constant 0 : i32
          %add3A_203 = arith.addi %add3A_202, %mul3A_201 : i32
          %broadcast_in_dim3A = arith.constant 2 : i32
          %broadcast_in_dim3A_204 = vector.broadcast %broadcast_in_dim3A : i32 to vector<16xi32>
          %add3A_205 = arith.constant 0 : i32
          %add3A_206 = arith.addi %add3A_203, %add3A_205 : i32
          %broadcast_in_dim3A_207 = vector.broadcast %add3A_206 : i32 to vector<16xi32>
          %gather3A = tpu.vector_load_idx %arg5[%broadcast_in_dim3A_204, %broadcast_in_dim3A_207] : memref<3x128xi32, #tpu.memory_space<vmem>>[vector<16xi32>, vector<16xi32>], vector<16xi32>,
          %bitcast3A = vector.bitcast %gather3A : vector<16xi32> to vector<16xf32>
          %add3A_208 = arith.constant 0 : i32
          %add3A_209 = arith.addi %add3A_203, %add3A_208 : i32
          %get3A = arith.index_cast %add3A_209 : i32 to index
          %get3A_210 = arith.constant 0 : index
          %get3A_211 = tpu.vector_load %arg8[%get3A, %get3A_210] {strides = array<i32>} : memref<128x128xf32, #tpu.memory_space<vmem>>, vector<16xf32>,
          %mul3A_212 = arith.mulf %get3A_211, %bitcast3A : vector<16xf32>
          %add3A_213 = arith.constant 0 : i32
          %add3A_214 = arith.addi %add3A_203, %add3A_213 : i32
          %swap3A = arith.index_cast %add3A_214 : i32 to index
          %swap3A_215 = arith.constant 0 : index
          %swap3A_216 = tpu.vector_load %arg8[%swap3A, %swap3A_215] {strides = array<i32>} : memref<128x128xf32, #tpu.memory_space<vmem>>, vector<16xf32>,
          tpu.vector_store %arg8[%swap3A, %swap3A_215], %mul3A_212 {strides = array<i32>} : memref<128x128xf32, #tpu.memory_space<vmem>>, vector<16xf32>,
          %add3A_217 = arith.constant 0 : i32
          %add3A_218 = arith.addi %add3A_203, %add3A_217 : i32
          %get3A_219 = arith.index_cast %add3A_218 : i32 to index
          %get3A_220 = arith.constant 16 : index
          %get3A_221 = tpu.vector_load %arg8[%get3A_219, %get3A_220] {strides = array<i32>} : memref<128x128xf32, #tpu.memory_space<vmem>>, vector<16xf32>,
          %mul3A_222 = arith.mulf %get3A_221, %bitcast3A : vector<16xf32>
          %add3A_223 = arith.constant 0 : i32
          %add3A_224 = arith.addi %add3A_203, %add3A_223 : i32
          %swap3A_225 = arith.index_cast %add3A_224 : i32 to index
          %swap3A_226 = arith.constant 16 : index
          %swap3A_227 = tpu.vector_load %arg8[%swap3A_225, %swap3A_226] {strides = array<i32>} : memref<128x128xf32, #tpu.memory_space<vmem>>, vector<16xf32>,
          tpu.vector_store %arg8[%swap3A_225, %swap3A_226], %mul3A_222 {strides = array<i32>} : memref<128x128xf32, #tpu.memory_space<vmem>>, vector<16xf32>,
          %add3A_228 = arith.constant 0 : i32
          %add3A_229 = arith.addi %add3A_203, %add3A_228 : i32
          %get3A_230 = arith.index_cast %add3A_229 : i32 to index
          %get3A_231 = arith.constant 32 : index
          %get3A_232 = tpu.vector_load %arg8[%get3A_230, %get3A_231] {strides = array<i32>} : memref<128x128xf32, #tpu.memory_space<vmem>>, vector<16xf32>,
          %mul3A_233 = arith.mulf %get3A_232, %bitcast3A : vector<16xf32>
          %add3A_234 = arith.constant 0 : i32
          %add3A_235 = arith.addi %add3A_203, %add3A_234 : i32
          %swap3A_236 = arith.index_cast %add3A_235 : i32 to index
          %swap3A_237 = arith.constant 32 : index
          %swap3A_238 = tpu.vector_load %arg8[%swap3A_236, %swap3A_237] {strides = array<i32>} : memref<128x128xf32, #tpu.memory_space<vmem>>, vector<16xf32>,
          tpu.vector_store %arg8[%swap3A_236, %swap3A_237], %mul3A_233 {strides = array<i32>} : memref<128x128xf32, #tpu.memory_space<vmem>>, vector<16xf32>,
          %add3A_239 = arith.constant 0 : i32
          %add3A_240 = arith.addi %add3A_203, %add3A_239 : i32
          %get3A_241 = arith.index_cast %add3A_240 : i32 to index
          %get3A_242 = arith.constant 48 : index
          %get3A_243 = tpu.vector_load %arg8[%get3A_241, %get3A_242] {strides = array<i32>} : memref<128x128xf32, #tpu.memory_space<vmem>>, vector<16xf32>,
          %mul3A_244 = arith.mulf %get3A_243, %bitcast3A : vector<16xf32>
          %add3A_245 = arith.constant 0 : i32
          %add3A_246 = arith.addi %add3A_203, %add3A_245 : i32
          %swap3A_247 = arith.index_cast %add3A_246 : i32 to index
          %swap3A_248 = arith.constant 48 : index
          %swap3A_249 = tpu.vector_load %arg8[%swap3A_247, %swap3A_248] {strides = array<i32>} : memref<128x128xf32, #tpu.memory_space<vmem>>, vector<16xf32>,
          tpu.vector_store %arg8[%swap3A_247, %swap3A_248], %mul3A_244 {strides = array<i32>} : memref<128x128xf32, #tpu.memory_space<vmem>>, vector<16xf32>,
          %add3A_250 = arith.constant 0 : i32
          %add3A_251 = arith.addi %add3A_203, %add3A_250 : i32
          %get3A_252 = arith.index_cast %add3A_251 : i32 to index
          %get3A_253 = arith.constant 64 : index
          %get3A_254 = tpu.vector_load %arg8[%get3A_252, %get3A_253] {strides = array<i32>} : memref<128x128xf32, #tpu.memory_space<vmem>>, vector<16xf32>,
          %mul3A_255 = arith.mulf %get3A_254, %bitcast3A : vector<16xf32>
          %add3A_256 = arith.constant 0 : i32
          %add3A_257 = arith.addi %add3A_203, %add3A_256 : i32
          %swap3A_258 = arith.index_cast %add3A_257 : i32 to index
          %swap3A_259 = arith.constant 64 : index
          %swap3A_260 = tpu.vector_load %arg8[%swap3A_258, %swap3A_259] {strides = array<i32>} : memref<128x128xf32, #tpu.memory_space<vmem>>, vector<16xf32>,
          tpu.vector_store %arg8[%swap3A_258, %swap3A_259], %mul3A_255 {strides = array<i32>} : memref<128x128xf32, #tpu.memory_space<vmem>>, vector<16xf32>,
          %add3A_261 = arith.constant 0 : i32
          %add3A_262 = arith.addi %add3A_203, %add3A_261 : i32
          %get3A_263 = arith.index_cast %add3A_262 : i32 to index
          %get3A_264 = arith.constant 80 : index
          %get3A_265 = tpu.vector_load %arg8[%get3A_263, %get3A_264] {strides = array<i32>} : memref<128x128xf32, #tpu.memory_space<vmem>>, vector<16xf32>,
          %mul3A_266 = arith.mulf %get3A_265, %bitcast3A : vector<16xf32>
          %add3A_267 = arith.constant 0 : i32
          %add3A_268 = arith.addi %add3A_203, %add3A_267 : i32
          %swap3A_269 = arith.index_cast %add3A_268 : i32 to index
          %swap3A_270 = arith.constant 80 : index
          %swap3A_271 = tpu.vector_load %arg8[%swap3A_269, %swap3A_270] {strides = array<i32>} : memref<128x128xf32, #tpu.memory_space<vmem>>, vector<16xf32>,
          tpu.vector_store %arg8[%swap3A_269, %swap3A_270], %mul3A_266 {strides = array<i32>} : memref<128x128xf32, #tpu.memory_space<vmem>>, vector<16xf32>,
          %add3A_272 = arith.constant 0 : i32
          %add3A_273 = arith.addi %add3A_203, %add3A_272 : i32
          %get3A_274 = arith.index_cast %add3A_273 : i32 to index
          %get3A_275 = arith.constant 96 : index
          %get3A_276 = tpu.vector_load %arg8[%get3A_274, %get3A_275] {strides = array<i32>} : memref<128x128xf32, #tpu.memory_space<vmem>>, vector<16xf32>,
          %mul3A_277 = arith.mulf %get3A_276, %bitcast3A : vector<16xf32>
          %add3A_278 = arith.constant 0 : i32
          %add3A_279 = arith.addi %add3A_203, %add3A_278 : i32
          %swap3A_280 = arith.index_cast %add3A_279 : i32 to index
          %swap3A_281 = arith.constant 96 : index
          %swap3A_282 = tpu.vector_load %arg8[%swap3A_280, %swap3A_281] {strides = array<i32>} : memref<128x128xf32, #tpu.memory_space<vmem>>, vector<16xf32>,
          tpu.vector_store %arg8[%swap3A_280, %swap3A_281], %mul3A_277 {strides = array<i32>} : memref<128x128xf32, #tpu.memory_space<vmem>>, vector<16xf32>,
          %add3A_283 = arith.constant 0 : i32
          %add3A_284 = arith.addi %add3A_203, %add3A_283 : i32
          %get3A_285 = arith.index_cast %add3A_284 : i32 to index
          %get3A_286 = arith.constant 112 : index
          %get3A_287 = tpu.vector_load %arg8[%get3A_285, %get3A_286] {strides = array<i32>} : memref<128x128xf32, #tpu.memory_space<vmem>>, vector<16xf32>,
          %mul3A_288 = arith.mulf %get3A_287, %bitcast3A : vector<16xf32>
          %add3A_289 = arith.constant 0 : i32
          %add3A_290 = arith.addi %add3A_203, %add3A_289 : i32
          %swap3A_291 = arith.index_cast %add3A_290 : i32 to index
          %swap3A_292 = arith.constant 112 : index
          %swap3A_293 = tpu.vector_load %arg8[%swap3A_291, %swap3A_292] {strides = array<i32>} : memref<128x128xf32, #tpu.memory_space<vmem>>, vector<16xf32>,
          tpu.vector_store %arg8[%swap3A_291, %swap3A_292], %mul3A_288 {strides = array<i32>} : memref<128x128xf32, #tpu.memory_space<vmem>>, vector<16xf32>,
          %broadcast_in_dim3A_294 = arith.constant 2 : i32
          %broadcast_in_dim3A_295 = vector.broadcast %broadcast_in_dim3A_294 : i32 to vector<16xi32>
          %add3A_296 = arith.constant 1 : i32
          %add3A_297 = arith.addi %add3A_203, %add3A_296 : i32
          %broadcast_in_dim3A_298 = vector.broadcast %add3A_297 : i32 to vector<16xi32>
          %gather3A_299 = tpu.vector_load_idx %arg5[%broadcast_in_dim3A_295, %broadcast_in_dim3A_298] : memref<3x128xi32, #tpu.memory_space<vmem>>[vector<16xi32>, vector<16xi32>], vector<16xi32>,
          %bitcast3A_300 = vector.bitcast %gather3A_299 : vector<16xi32> to vector<16xf32>
          %add3A_301 = arith.constant 1 : i32
          %add3A_302 = arith.addi %add3A_203, %add3A_301 : i32
          %get3A_303 = arith.index_cast %add3A_302 : i32 to index
          %get3A_304 = arith.constant 0 : index
          %get3A_305 = tpu.vector_load %arg8[%get3A_303, %get3A_304] {strides = array<i32>} : memref<128x128xf32, #tpu.memory_space<vmem>>, vector<16xf32>,
          %mul3A_306 = arith.mulf %get3A_305, %bitcast3A_300 : vector<16xf32>
          %add3A_307 = arith.constant 1 : i32
          %add3A_308 = arith.addi %add3A_203, %add3A_307 : i32
          %swap3A_309 = arith.index_cast %add3A_308 : i32 to index
          %swap3A_310 = arith.constant 0 : index
          %swap3A_311 = tpu.vector_load %arg8[%swap3A_309, %swap3A_310] {strides = array<i32>} : memref<128x128xf32, #tpu.memory_space<vmem>>, vector<16xf32>,
          tpu.vector_store %arg8[%swap3A_309, %swap3A_310], %mul3A_306 {strides = array<i32>} : memref<128x128xf32, #tpu.memory_space<vmem>>, vector<16xf32>,
          %add3A_312 = arith.constant 1 : i32
          %add3A_313 = arith.addi %add3A_203, %add3A_312 : i32
          %get3A_314 = arith.index_cast %add3A_313 : i32 to index
          %get3A_315 = arith.constant 16 : index
          %get3A_316 = tpu.vector_load %arg8[%get3A_314, %get3A_315] {strides = array<i32>} : memref<128x128xf32, #tpu.memory_space<vmem>>, vector<16xf32>,
          %mul3A_317 = arith.mulf %get3A_316, %bitcast3A_300 : vector<16xf32>
          %add3A_318 = arith.constant 1 : i32
          %add3A_319 = arith.addi %add3A_203, %add3A_318 : i32
          %swap3A_320 = arith.index_cast %add3A_319 : i32 to index
          %swap3A_321 = arith.constant 16 : index
          %swap3A_322 = tpu.vector_load %arg8[%swap3A_320, %swap3A_321] {strides = array<i32>} : memref<128x128xf32, #tpu.memory_space<vmem>>, vector<16xf32>,
          tpu.vector_store %arg8[%swap3A_320, %swap3A_321], %mul3A_317 {strides = array<i32>} : memref<128x128xf32, #tpu.memory_space<vmem>>, vector<16xf32>,
          %add3A_323 = arith.constant 1 : i32
          %add3A_324 = arith.addi %add3A_203, %add3A_323 : i32
          %get3A_325 = arith.index_cast %add3A_324 : i32 to index
          %get3A_326 = arith.constant 32 : index
          %get3A_327 = tpu.vector_load %arg8[%get3A_325, %get3A_326] {strides = array<i32>} : memref<128x128xf32, #tpu.memory_space<vmem>>, vector<16xf32>,
          %mul3A_328 = arith.mulf %get3A_327, %bitcast3A_300 : vector<16xf32>
          %add3A_329 = arith.constant 1 : i32
          %add3A_330 = arith.addi %add3A_203, %add3A_329 : i32
          %swap3A_331 = arith.index_cast %add3A_330 : i32 to index
          %swap3A_332 = arith.constant 32 : index
          %swap3A_333 = tpu.vector_load %arg8[%swap3A_331, %swap3A_332] {strides = array<i32>} : memref<128x128xf32, #tpu.memory_space<vmem>>, vector<16xf32>,
          tpu.vector_store %arg8[%swap3A_331, %swap3A_332], %mul3A_328 {strides = array<i32>} : memref<128x128xf32, #tpu.memory_space<vmem>>, vector<16xf32>,
          %add3A_334 = arith.constant 1 : i32
          %add3A_335 = arith.addi %add3A_203, %add3A_334 : i32
          %get3A_336 = arith.index_cast %add3A_335 : i32 to index
          %get3A_337 = arith.constant 48 : index
          %get3A_338 = tpu.vector_load %arg8[%get3A_336, %get3A_337] {strides = array<i32>} : memref<128x128xf32, #tpu.memory_space<vmem>>, vector<16xf32>,
          %mul3A_339 = arith.mulf %get3A_338, %bitcast3A_300 : vector<16xf32>
          %add3A_340 = arith.constant 1 : i32
          %add3A_341 = arith.addi %add3A_203, %add3A_340 : i32
          %swap3A_342 = arith.index_cast %add3A_341 : i32 to index
          %swap3A_343 = arith.constant 48 : index
          %swap3A_344 = tpu.vector_load %arg8[%swap3A_342, %swap3A_343] {strides = array<i32>} : memref<128x128xf32, #tpu.memory_space<vmem>>, vector<16xf32>,
          tpu.vector_store %arg8[%swap3A_342, %swap3A_343], %mul3A_339 {strides = array<i32>} : memref<128x128xf32, #tpu.memory_space<vmem>>, vector<16xf32>,
          %add3A_345 = arith.constant 1 : i32
          %add3A_346 = arith.addi %add3A_203, %add3A_345 : i32
          %get3A_347 = arith.index_cast %add3A_346 : i32 to index
          %get3A_348 = arith.constant 64 : index
          %get3A_349 = tpu.vector_load %arg8[%get3A_347, %get3A_348] {strides = array<i32>} : memref<128x128xf32, #tpu.memory_space<vmem>>, vector<16xf32>,
          %mul3A_350 = arith.mulf %get3A_349, %bitcast3A_300 : vector<16xf32>
          %add3A_351 = arith.constant 1 : i32
          %add3A_352 = arith.addi %add3A_203, %add3A_351 : i32
          %swap3A_353 = arith.index_cast %add3A_352 : i32 to index
          %swap3A_354 = arith.constant 64 : index
          %swap3A_355 = tpu.vector_load %arg8[%swap3A_353, %swap3A_354] {strides = array<i32>} : memref<128x128xf32, #tpu.memory_space<vmem>>, vector<16xf32>,
          tpu.vector_store %arg8[%swap3A_353, %swap3A_354], %mul3A_350 {strides = array<i32>} : memref<128x128xf32, #tpu.memory_space<vmem>>, vector<16xf32>,
          %add3A_356 = arith.constant 1 : i32
          %add3A_357 = arith.addi %add3A_203, %add3A_356 : i32
          %get3A_358 = arith.index_cast %add3A_357 : i32 to index
          %get3A_359 = arith.constant 80 : index
          %get3A_360 = tpu.vector_load %arg8[%get3A_358, %get3A_359] {strides = array<i32>} : memref<128x128xf32, #tpu.memory_space<vmem>>, vector<16xf32>,
          %mul3A_361 = arith.mulf %get3A_360, %bitcast3A_300 : vector<16xf32>
          %add3A_362 = arith.constant 1 : i32
          %add3A_363 = arith.addi %add3A_203, %add3A_362 : i32
          %swap3A_364 = arith.index_cast %add3A_363 : i32 to index
          %swap3A_365 = arith.constant 80 : index
          %swap3A_366 = tpu.vector_load %arg8[%swap3A_364, %swap3A_365] {strides = array<i32>} : memref<128x128xf32, #tpu.memory_space<vmem>>, vector<16xf32>,
          tpu.vector_store %arg8[%swap3A_364, %swap3A_365], %mul3A_361 {strides = array<i32>} : memref<128x128xf32, #tpu.memory_space<vmem>>, vector<16xf32>,
          %add3A_367 = arith.constant 1 : i32
          %add3A_368 = arith.addi %add3A_203, %add3A_367 : i32
          %get3A_369 = arith.index_cast %add3A_368 : i32 to index
          %get3A_370 = arith.constant 96 : index
          %get3A_371 = tpu.vector_load %arg8[%get3A_369, %get3A_370] {strides = array<i32>} : memref<128x128xf32, #tpu.memory_space<vmem>>, vector<16xf32>,
          %mul3A_372 = arith.mulf %get3A_371, %bitcast3A_300 : vector<16xf32>
          %add3A_373 = arith.constant 1 : i32
          %add3A_374 = arith.addi %add3A_203, %add3A_373 : i32
          %swap3A_375 = arith.index_cast %add3A_374 : i32 to index
          %swap3A_376 = arith.constant 96 : index
          %swap3A_377 = tpu.vector_load %arg8[%swap3A_375, %swap3A_376] {strides = array<i32>} : memref<128x128xf32, #tpu.memory_space<vmem>>, vector<16xf32>,
          tpu.vector_store %arg8[%swap3A_375, %swap3A_376], %mul3A_372 {strides = array<i32>} : memref<128x128xf32, #tpu.memory_space<vmem>>, vector<16xf32>,
          %add3A_378 = arith.constant 1 : i32
          %add3A_379 = arith.addi %add3A_203, %add3A_378 : i32
          %get3A_380 = arith.index_cast %add3A_379 : i32 to index
          %get3A_381 = arith.constant 112 : index
          %get3A_382 = tpu.vector_load %arg8[%get3A_380, %get3A_381] {strides = array<i32>} : memref<128x128xf32, #tpu.memory_space<vmem>>, vector<16xf32>,
          %mul3A_383 = arith.mulf %get3A_382, %bitcast3A_300 : vector<16xf32>
          %add3A_384 = arith.constant 1 : i32
          %add3A_385 = arith.addi %add3A_203, %add3A_384 : i32
          %swap3A_386 = arith.index_cast %add3A_385 : i32 to index
          %swap3A_387 = arith.constant 112 : index
          %swap3A_388 = tpu.vector_load %arg8[%swap3A_386, %swap3A_387] {strides = array<i32>} : memref<128x128xf32, #tpu.memory_space<vmem>>, vector<16xf32>,
          tpu.vector_store %arg8[%swap3A_386, %swap3A_387], %mul3A_383 {strides = array<i32>} : memref<128x128xf32, #tpu.memory_space<vmem>>, vector<16xf32>,
          %broadcast_in_dim3A_389 = arith.constant 2 : i32
          %broadcast_in_dim3A_390 = vector.broadcast %broadcast_in_dim3A_389 : i32 to vector<16xi32>
          %add3A_391 = arith.constant 2 : i32
          %add3A_392 = arith.addi %add3A_203, %add3A_391 : i32
          %broadcast_in_dim3A_393 = vector.broadcast %add3A_392 : i32 to vector<16xi32>
          %gather3A_394 = tpu.vector_load_idx %arg5[%broadcast_in_dim3A_390, %broadcast_in_dim3A_393] : memref<3x128xi32, #tpu.memory_space<vmem>>[vector<16xi32>, vector<16xi32>], vector<16xi32>,
          %bitcast3A_395 = vector.bitcast %gather3A_394 : vector<16xi32> to vector<16xf32>
          %add3A_396 = arith.constant 2 : i32
          %add3A_397 = arith.addi %add3A_203, %add3A_396 : i32
          %get3A_398 = arith.index_cast %add3A_397 : i32 to index
          %get3A_399 = arith.constant 0 : index
          %get3A_400 = tpu.vector_load %arg8[%get3A_398, %get3A_399] {strides = array<i32>} : memref<128x128xf32, #tpu.memory_space<vmem>>, vector<16xf32>,
          %mul3A_401 = arith.mulf %get3A_400, %bitcast3A_395 : vector<16xf32>
          %add3A_402 = arith.constant 2 : i32
          %add3A_403 = arith.addi %add3A_203, %add3A_402 : i32
          %swap3A_404 = arith.index_cast %add3A_403 : i32 to index
          %swap3A_405 = arith.constant 0 : index
          %swap3A_406 = tpu.vector_load %arg8[%swap3A_404, %swap3A_405] {strides = array<i32>} : memref<128x128xf32, #tpu.memory_space<vmem>>, vector<16xf32>,
          tpu.vector_store %arg8[%swap3A_404, %swap3A_405], %mul3A_401 {strides = array<i32>} : memref<128x128xf32, #tpu.memory_space<vmem>>, vector<16xf32>,
          %add3A_407 = arith.constant 2 : i32
          %add3A_408 = arith.addi %add3A_203, %add3A_407 : i32
          %get3A_409 = arith.index_cast %add3A_408 : i32 to index
          %get3A_410 = arith.constant 16 : index
          %get3A_411 = tpu.vector_load %arg8[%get3A_409, %get3A_410] {strides = array<i32>} : memref<128x128xf32, #tpu.memory_space<vmem>>, vector<16xf32>,
          %mul3A_412 = arith.mulf %get3A_411, %bitcast3A_395 : vector<16xf32>
          %add3A_413 = arith.constant 2 : i32
          %add3A_414 = arith.addi %add3A_203, %add3A_413 : i32
          %swap3A_415 = arith.index_cast %add3A_414 : i32 to index
          %swap3A_416 = arith.constant 16 : index
          %swap3A_417 = tpu.vector_load %arg8[%swap3A_415, %swap3A_416] {strides = array<i32>} : memref<128x128xf32, #tpu.memory_space<vmem>>, vector<16xf32>,
          tpu.vector_store %arg8[%swap3A_415, %swap3A_416], %mul3A_412 {strides = array<i32>} : memref<128x128xf32, #tpu.memory_space<vmem>>, vector<16xf32>,
          %add3A_418 = arith.constant 2 : i32
          %add3A_419 = arith.addi %add3A_203, %add3A_418 : i32
          %get3A_420 = arith.index_cast %add3A_419 : i32 to index
          %get3A_421 = arith.constant 32 : index
          %get3A_422 = tpu.vector_load %arg8[%get3A_420, %get3A_421] {strides = array<i32>} : memref<128x128xf32, #tpu.memory_space<vmem>>, vector<16xf32>,
          %mul3A_423 = arith.mulf %get3A_422, %bitcast3A_395 : vector<16xf32>
          %add3A_424 = arith.constant 2 : i32
          %add3A_425 = arith.addi %add3A_203, %add3A_424 : i32
          %swap3A_426 = arith.index_cast %add3A_425 : i32 to index
          %swap3A_427 = arith.constant 32 : index
          %swap3A_428 = tpu.vector_load %arg8[%swap3A_426, %swap3A_427] {strides = array<i32>} : memref<128x128xf32, #tpu.memory_space<vmem>>, vector<16xf32>,
          tpu.vector_store %arg8[%swap3A_426, %swap3A_427], %mul3A_423 {strides = array<i32>} : memref<128x128xf32, #tpu.memory_space<vmem>>, vector<16xf32>,
          %add3A_429 = arith.constant 2 : i32
          %add3A_430 = arith.addi %add3A_203, %add3A_429 : i32
          %get3A_431 = arith.index_cast %add3A_430 : i32 to index
          %get3A_432 = arith.constant 48 : index
          %get3A_433 = tpu.vector_load %arg8[%get3A_431, %get3A_432] {strides = array<i32>} : memref<128x128xf32, #tpu.memory_space<vmem>>, vector<16xf32>,
          %mul3A_434 = arith.mulf %get3A_433, %bitcast3A_395 : vector<16xf32>
          %add3A_435 = arith.constant 2 : i32
          %add3A_436 = arith.addi %add3A_203, %add3A_435 : i32
          %swap3A_437 = arith.index_cast %add3A_436 : i32 to index
          %swap3A_438 = arith.constant 48 : index
          %swap3A_439 = tpu.vector_load %arg8[%swap3A_437, %swap3A_438] {strides = array<i32>} : memref<128x128xf32, #tpu.memory_space<vmem>>, vector<16xf32>,
          tpu.vector_store %arg8[%swap3A_437, %swap3A_438], %mul3A_434 {strides = array<i32>} : memref<128x128xf32, #tpu.memory_space<vmem>>, vector<16xf32>,
          %add3A_440 = arith.constant 2 : i32
          %add3A_441 = arith.addi %add3A_203, %add3A_440 : i32
          %get3A_442 = arith.index_cast %add3A_441 : i32 to index
          %get3A_443 = arith.constant 64 : index
          %get3A_444 = tpu.vector_load %arg8[%get3A_442, %get3A_443] {strides = array<i32>} : memref<128x128xf32, #tpu.memory_space<vmem>>, vector<16xf32>,
          %mul3A_445 = arith.mulf %get3A_444, %bitcast3A_395 : vector<16xf32>
          %add3A_446 = arith.constant 2 : i32
          %add3A_447 = arith.addi %add3A_203, %add3A_446 : i32
          %swap3A_448 = arith.index_cast %add3A_447 : i32 to index
          %swap3A_449 = arith.constant 64 : index
          %swap3A_450 = tpu.vector_load %arg8[%swap3A_448, %swap3A_449] {strides = array<i32>} : memref<128x128xf32, #tpu.memory_space<vmem>>, vector<16xf32>,
          tpu.vector_store %arg8[%swap3A_448, %swap3A_449], %mul3A_445 {strides = array<i32>} : memref<128x128xf32, #tpu.memory_space<vmem>>, vector<16xf32>,
          %add3A_451 = arith.constant 2 : i32
          %add3A_452 = arith.addi %add3A_203, %add3A_451 : i32
          %get3A_453 = arith.index_cast %add3A_452 : i32 to index
          %get3A_454 = arith.constant 80 : index
          %get3A_455 = tpu.vector_load %arg8[%get3A_453, %get3A_454] {strides = array<i32>} : memref<128x128xf32, #tpu.memory_space<vmem>>, vector<16xf32>,
          %mul3A_456 = arith.mulf %get3A_455, %bitcast3A_395 : vector<16xf32>
          %add3A_457 = arith.constant 2 : i32
          %add3A_458 = arith.addi %add3A_203, %add3A_457 : i32
          %swap3A_459 = arith.index_cast %add3A_458 : i32 to index
          %swap3A_460 = arith.constant 80 : index
          %swap3A_461 = tpu.vector_load %arg8[%swap3A_459, %swap3A_460] {strides = array<i32>} : memref<128x128xf32, #tpu.memory_space<vmem>>, vector<16xf32>,
          tpu.vector_store %arg8[%swap3A_459, %swap3A_460], %mul3A_456 {strides = array<i32>} : memref<128x128xf32, #tpu.memory_space<vmem>>, vector<16xf32>,
          %add3A_462 = arith.constant 2 : i32
          %add3A_463 = arith.addi %add3A_203, %add3A_462 : i32
          %get3A_464 = arith.index_cast %add3A_463 : i32 to index
          %get3A_465 = arith.constant 96 : index
          %get3A_466 = tpu.vector_load %arg8[%get3A_464, %get3A_465] {strides = array<i32>} : memref<128x128xf32, #tpu.memory_space<vmem>>, vector<16xf32>,
          %mul3A_467 = arith.mulf %get3A_466, %bitcast3A_395 : vector<16xf32>
          %add3A_468 = arith.constant 2 : i32
          %add3A_469 = arith.addi %add3A_203, %add3A_468 : i32
          %swap3A_470 = arith.index_cast %add3A_469 : i32 to index
          %swap3A_471 = arith.constant 96 : index
          %swap3A_472 = tpu.vector_load %arg8[%swap3A_470, %swap3A_471] {strides = array<i32>} : memref<128x128xf32, #tpu.memory_space<vmem>>, vector<16xf32>,
          tpu.vector_store %arg8[%swap3A_470, %swap3A_471], %mul3A_467 {strides = array<i32>} : memref<128x128xf32, #tpu.memory_space<vmem>>, vector<16xf32>,
          %add3A_473 = arith.constant 2 : i32
          %add3A_474 = arith.addi %add3A_203, %add3A_473 : i32
          %get3A_475 = arith.index_cast %add3A_474 : i32 to index
          %get3A_476 = arith.constant 112 : index
          %get3A_477 = tpu.vector_load %arg8[%get3A_475, %get3A_476] {strides = array<i32>} : memref<128x128xf32, #tpu.memory_space<vmem>>, vector<16xf32>,
          %mul3A_478 = arith.mulf %get3A_477, %bitcast3A_395 : vector<16xf32>
          %add3A_479 = arith.constant 2 : i32
          %add3A_480 = arith.addi %add3A_203, %add3A_479 : i32
          %swap3A_481 = arith.index_cast %add3A_480 : i32 to index
          %swap3A_482 = arith.constant 112 : index
          %swap3A_483 = tpu.vector_load %arg8[%swap3A_481, %swap3A_482] {strides = array<i32>} : memref<128x128xf32, #tpu.memory_space<vmem>>, vector<16xf32>,
          tpu.vector_store %arg8[%swap3A_481, %swap3A_482], %mul3A_478 {strides = array<i32>} : memref<128x128xf32, #tpu.memory_space<vmem>>, vector<16xf32>,
          %broadcast_in_dim3A_484 = arith.constant 2 : i32
          %broadcast_in_dim3A_485 = vector.broadcast %broadcast_in_dim3A_484 : i32 to vector<16xi32>
          %add3A_486 = arith.constant 3 : i32
          %add3A_487 = arith.addi %add3A_203, %add3A_486 : i32
          %broadcast_in_dim3A_488 = vector.broadcast %add3A_487 : i32 to vector<16xi32>
          %gather3A_489 = tpu.vector_load_idx %arg5[%broadcast_in_dim3A_485, %broadcast_in_dim3A_488] : memref<3x128xi32, #tpu.memory_space<vmem>>[vector<16xi32>, vector<16xi32>], vector<16xi32>,
          %bitcast3A_490 = vector.bitcast %gather3A_489 : vector<16xi32> to vector<16xf32>
          %add3A_491 = arith.constant 3 : i32
          %add3A_492 = arith.addi %add3A_203, %add3A_491 : i32
          %get3A_493 = arith.index_cast %add3A_492 : i32 to index
          %get3A_494 = arith.constant 0 : index
          %get3A_495 = tpu.vector_load %arg8[%get3A_493, %get3A_494] {strides = array<i32>} : memref<128x128xf32, #tpu.memory_space<vmem>>, vector<16xf32>,
          %mul3A_496 = arith.mulf %get3A_495, %bitcast3A_490 : vector<16xf32>
          %add3A_497 = arith.constant 3 : i32
          %add3A_498 = arith.addi %add3A_203, %add3A_497 : i32
          %swap3A_499 = arith.index_cast %add3A_498 : i32 to index
          %swap3A_500 = arith.constant 0 : index
          %swap3A_501 = tpu.vector_load %arg8[%swap3A_499, %swap3A_500] {strides = array<i32>} : memref<128x128xf32, #tpu.memory_space<vmem>>, vector<16xf32>,
          tpu.vector_store %arg8[%swap3A_499, %swap3A_500], %mul3A_496 {strides = array<i32>} : memref<128x128xf32, #tpu.memory_space<vmem>>, vector<16xf32>,
          %add3A_502 = arith.constant 3 : i32
          %add3A_503 = arith.addi %add3A_203, %add3A_502 : i32
          %get3A_504 = arith.index_cast %add3A_503 : i32 to index
          %get3A_505 = arith.constant 16 : index
          %get3A_506 = tpu.vector_load %arg8[%get3A_504, %get3A_505] {strides = array<i32>} : memref<128x128xf32, #tpu.memory_space<vmem>>, vector<16xf32>,
          %mul3A_507 = arith.mulf %get3A_506, %bitcast3A_490 : vector<16xf32>
          %add3A_508 = arith.constant 3 : i32
          %add3A_509 = arith.addi %add3A_203, %add3A_508 : i32
          %swap3A_510 = arith.index_cast %add3A_509 : i32 to index
          %swap3A_511 = arith.constant 16 : index
          %swap3A_512 = tpu.vector_load %arg8[%swap3A_510, %swap3A_511] {strides = array<i32>} : memref<128x128xf32, #tpu.memory_space<vmem>>, vector<16xf32>,
          tpu.vector_store %arg8[%swap3A_510, %swap3A_511], %mul3A_507 {strides = array<i32>} : memref<128x128xf32, #tpu.memory_space<vmem>>, vector<16xf32>,
          %add3A_513 = arith.constant 3 : i32
          %add3A_514 = arith.addi %add3A_203, %add3A_513 : i32
          %get3A_515 = arith.index_cast %add3A_514 : i32 to index
          %get3A_516 = arith.constant 32 : index
          %get3A_517 = tpu.vector_load %arg8[%get3A_515, %get3A_516] {strides = array<i32>} : memref<128x128xf32, #tpu.memory_space<vmem>>, vector<16xf32>,
          %mul3A_518 = arith.mulf %get3A_517, %bitcast3A_490 : vector<16xf32>
          %add3A_519 = arith.constant 3 : i32
          %add3A_520 = arith.addi %add3A_203, %add3A_519 : i32
          %swap3A_521 = arith.index_cast %add3A_520 : i32 to index
          %swap3A_522 = arith.constant 32 : index
          %swap3A_523 = tpu.vector_load %arg8[%swap3A_521, %swap3A_522] {strides = array<i32>} : memref<128x128xf32, #tpu.memory_space<vmem>>, vector<16xf32>,
          tpu.vector_store %arg8[%swap3A_521, %swap3A_522], %mul3A_518 {strides = array<i32>} : memref<128x128xf32, #tpu.memory_space<vmem>>, vector<16xf32>,
          %add3A_524 = arith.constant 3 : i32
          %add3A_525 = arith.addi %add3A_203, %add3A_524 : i32
          %get3A_526 = arith.index_cast %add3A_525 : i32 to index
          %get3A_527 = arith.constant 48 : index
          %get3A_528 = tpu.vector_load %arg8[%get3A_526, %get3A_527] {strides = array<i32>} : memref<128x128xf32, #tpu.memory_space<vmem>>, vector<16xf32>,
          %mul3A_529 = arith.mulf %get3A_528, %bitcast3A_490 : vector<16xf32>
          %add3A_530 = arith.constant 3 : i32
          %add3A_531 = arith.addi %add3A_203, %add3A_530 : i32
          %swap3A_532 = arith.index_cast %add3A_531 : i32 to index
          %swap3A_533 = arith.constant 48 : index
          %swap3A_534 = tpu.vector_load %arg8[%swap3A_532, %swap3A_533] {strides = array<i32>} : memref<128x128xf32, #tpu.memory_space<vmem>>, vector<16xf32>,
          tpu.vector_store %arg8[%swap3A_532, %swap3A_533], %mul3A_529 {strides = array<i32>} : memref<128x128xf32, #tpu.memory_space<vmem>>, vector<16xf32>,
          %add3A_535 = arith.constant 3 : i32
          %add3A_536 = arith.addi %add3A_203, %add3A_535 : i32
          %get3A_537 = arith.index_cast %add3A_536 : i32 to index
          %get3A_538 = arith.constant 64 : index
          %get3A_539 = tpu.vector_load %arg8[%get3A_537, %get3A_538] {strides = array<i32>} : memref<128x128xf32, #tpu.memory_space<vmem>>, vector<16xf32>,
          %mul3A_540 = arith.mulf %get3A_539, %bitcast3A_490 : vector<16xf32>
          %add3A_541 = arith.constant 3 : i32
          %add3A_542 = arith.addi %add3A_203, %add3A_541 : i32
          %swap3A_543 = arith.index_cast %add3A_542 : i32 to index
          %swap3A_544 = arith.constant 64 : index
          %swap3A_545 = tpu.vector_load %arg8[%swap3A_543, %swap3A_544] {strides = array<i32>} : memref<128x128xf32, #tpu.memory_space<vmem>>, vector<16xf32>,
          tpu.vector_store %arg8[%swap3A_543, %swap3A_544], %mul3A_540 {strides = array<i32>} : memref<128x128xf32, #tpu.memory_space<vmem>>, vector<16xf32>,
          %add3A_546 = arith.constant 3 : i32
          %add3A_547 = arith.addi %add3A_203, %add3A_546 : i32
          %get3A_548 = arith.index_cast %add3A_547 : i32 to index
          %get3A_549 = arith.constant 80 : index
          %get3A_550 = tpu.vector_load %arg8[%get3A_548, %get3A_549] {strides = array<i32>} : memref<128x128xf32, #tpu.memory_space<vmem>>, vector<16xf32>,
          %mul3A_551 = arith.mulf %get3A_550, %bitcast3A_490 : vector<16xf32>
          %add3A_552 = arith.constant 3 : i32
          %add3A_553 = arith.addi %add3A_203, %add3A_552 : i32
          %swap3A_554 = arith.index_cast %add3A_553 : i32 to index
          %swap3A_555 = arith.constant 80 : index
          %swap3A_556 = tpu.vector_load %arg8[%swap3A_554, %swap3A_555] {strides = array<i32>} : memref<128x128xf32, #tpu.memory_space<vmem>>, vector<16xf32>,
          tpu.vector_store %arg8[%swap3A_554, %swap3A_555], %mul3A_551 {strides = array<i32>} : memref<128x128xf32, #tpu.memory_space<vmem>>, vector<16xf32>,
          %add3A_557 = arith.constant 3 : i32
          %add3A_558 = arith.addi %add3A_203, %add3A_557 : i32
          %get3A_559 = arith.index_cast %add3A_558 : i32 to index
          %get3A_560 = arith.constant 96 : index
          %get3A_561 = tpu.vector_load %arg8[%get3A_559, %get3A_560] {strides = array<i32>} : memref<128x128xf32, #tpu.memory_space<vmem>>, vector<16xf32>,
          %mul3A_562 = arith.mulf %get3A_561, %bitcast3A_490 : vector<16xf32>
          %add3A_563 = arith.constant 3 : i32
          %add3A_564 = arith.addi %add3A_203, %add3A_563 : i32
          %swap3A_565 = arith.index_cast %add3A_564 : i32 to index
          %swap3A_566 = arith.constant 96 : index
          %swap3A_567 = tpu.vector_load %arg8[%swap3A_565, %swap3A_566] {strides = array<i32>} : memref<128x128xf32, #tpu.memory_space<vmem>>, vector<16xf32>,
          tpu.vector_store %arg8[%swap3A_565, %swap3A_566], %mul3A_562 {strides = array<i32>} : memref<128x128xf32, #tpu.memory_space<vmem>>, vector<16xf32>,
          %add3A_568 = arith.constant 3 : i32
          %add3A_569 = arith.addi %add3A_203, %add3A_568 : i32
          %get3A_570 = arith.index_cast %add3A_569 : i32 to index
          %get3A_571 = arith.constant 112 : index
          %get3A_572 = tpu.vector_load %arg8[%get3A_570, %get3A_571] {strides = array<i32>} : memref<128x128xf32, #tpu.memory_space<vmem>>, vector<16xf32>,
          %mul3A_573 = arith.mulf %get3A_572, %bitcast3A_490 : vector<16xf32>
          %add3A_574 = arith.constant 3 : i32
          %add3A_575 = arith.addi %add3A_203, %add3A_574 : i32
          %swap3A_576 = arith.index_cast %add3A_575 : i32 to index
          %swap3A_577 = arith.constant 112 : index
          %swap3A_578 = tpu.vector_load %arg8[%swap3A_576, %swap3A_577] {strides = array<i32>} : memref<128x128xf32, #tpu.memory_space<vmem>>, vector<16xf32>,
          tpu.vector_store %arg8[%swap3A_576, %swap3A_577], %mul3A_573 {strides = array<i32>} : memref<128x128xf32, #tpu.memory_space<vmem>>, vector<16xf32>,
          %broadcast_in_dim3A_579 = arith.constant 2 : i32
          %broadcast_in_dim3A_580 = vector.broadcast %broadcast_in_dim3A_579 : i32 to vector<16xi32>
          %add3A_581 = arith.constant 4 : i32
          %add3A_582 = arith.addi %add3A_203, %add3A_581 : i32
          %broadcast_in_dim3A_583 = vector.broadcast %add3A_582 : i32 to vector<16xi32>
          %gather3A_584 = tpu.vector_load_idx %arg5[%broadcast_in_dim3A_580, %broadcast_in_dim3A_583] : memref<3x128xi32, #tpu.memory_space<vmem>>[vector<16xi32>, vector<16xi32>], vector<16xi32>,
          %bitcast3A_585 = vector.bitcast %gather3A_584 : vector<16xi32> to vector<16xf32>
          %add3A_586 = arith.constant 4 : i32
          %add3A_587 = arith.addi %add3A_203, %add3A_586 : i32
          %get3A_588 = arith.index_cast %add3A_587 : i32 to index
          %get3A_589 = arith.constant 0 : index
          %get3A_590 = tpu.vector_load %arg8[%get3A_588, %get3A_589] {strides = array<i32>} : memref<128x128xf32, #tpu.memory_space<vmem>>, vector<16xf32>,
          %mul3A_591 = arith.mulf %get3A_590, %bitcast3A_585 : vector<16xf32>
          %add3A_592 = arith.constant 4 : i32
          %add3A_593 = arith.addi %add3A_203, %add3A_592 : i32
          %swap3A_594 = arith.index_cast %add3A_593 : i32 to index
          %swap3A_595 = arith.constant 0 : index
          %swap3A_596 = tpu.vector_load %arg8[%swap3A_594, %swap3A_595] {strides = array<i32>} : memref<128x128xf32, #tpu.memory_space<vmem>>, vector<16xf32>,
          tpu.vector_store %arg8[%swap3A_594, %swap3A_595], %mul3A_591 {strides = array<i32>} : memref<128x128xf32, #tpu.memory_space<vmem>>, vector<16xf32>,
          %add3A_597 = arith.constant 4 : i32
          %add3A_598 = arith.addi %add3A_203, %add3A_597 : i32
          %get3A_599 = arith.index_cast %add3A_598 : i32 to index
          %get3A_600 = arith.constant 16 : index
          %get3A_601 = tpu.vector_load %arg8[%get3A_599, %get3A_600] {strides = array<i32>} : memref<128x128xf32, #tpu.memory_space<vmem>>, vector<16xf32>,
          %mul3A_602 = arith.mulf %get3A_601, %bitcast3A_585 : vector<16xf32>
          %add3A_603 = arith.constant 4 : i32
          %add3A_604 = arith.addi %add3A_203, %add3A_603 : i32
          %swap3A_605 = arith.index_cast %add3A_604 : i32 to index
          %swap3A_606 = arith.constant 16 : index
          %swap3A_607 = tpu.vector_load %arg8[%swap3A_605, %swap3A_606] {strides = array<i32>} : memref<128x128xf32, #tpu.memory_space<vmem>>, vector<16xf32>,
          tpu.vector_store %arg8[%swap3A_605, %swap3A_606], %mul3A_602 {strides = array<i32>} : memref<128x128xf32, #tpu.memory_space<vmem>>, vector<16xf32>,
          %add3A_608 = arith.constant 4 : i32
          %add3A_609 = arith.addi %add3A_203, %add3A_608 : i32
          %get3A_610 = arith.index_cast %add3A_609 : i32 to index
          %get3A_611 = arith.constant 32 : index
          %get3A_612 = tpu.vector_load %arg8[%get3A_610, %get3A_611] {strides = array<i32>} : memref<128x128xf32, #tpu.memory_space<vmem>>, vector<16xf32>,
          %mul3A_613 = arith.mulf %get3A_612, %bitcast3A_585 : vector<16xf32>
          %add3A_614 = arith.constant 4 : i32
          %add3A_615 = arith.addi %add3A_203, %add3A_614 : i32
          %swap3A_616 = arith.index_cast %add3A_615 : i32 to index
          %swap3A_617 = arith.constant 32 : index
          %swap3A_618 = tpu.vector_load %arg8[%swap3A_616, %swap3A_617] {strides = array<i32>} : memref<128x128xf32, #tpu.memory_space<vmem>>, vector<16xf32>,
          tpu.vector_store %arg8[%swap3A_616, %swap3A_617], %mul3A_613 {strides = array<i32>} : memref<128x128xf32, #tpu.memory_space<vmem>>, vector<16xf32>,
          %add3A_619 = arith.constant 4 : i32
          %add3A_620 = arith.addi %add3A_203, %add3A_619 : i32
          %get3A_621 = arith.index_cast %add3A_620 : i32 to index
          %get3A_622 = arith.constant 48 : index
          %get3A_623 = tpu.vector_load %arg8[%get3A_621, %get3A_622] {strides = array<i32>} : memref<128x128xf32, #tpu.memory_space<vmem>>, vector<16xf32>,
          %mul3A_624 = arith.mulf %get3A_623, %bitcast3A_585 : vector<16xf32>
          %add3A_625 = arith.constant 4 : i32
          %add3A_626 = arith.addi %add3A_203, %add3A_625 : i32
          %swap3A_627 = arith.index_cast %add3A_626 : i32 to index
          %swap3A_628 = arith.constant 48 : index
          %swap3A_629 = tpu.vector_load %arg8[%swap3A_627, %swap3A_628] {strides = array<i32>} : memref<128x128xf32, #tpu.memory_space<vmem>>, vector<16xf32>,
          tpu.vector_store %arg8[%swap3A_627, %swap3A_628], %mul3A_624 {strides = array<i32>} : memref<128x128xf32, #tpu.memory_space<vmem>>, vector<16xf32>,
          %add3A_630 = arith.constant 4 : i32
          %add3A_631 = arith.addi %add3A_203, %add3A_630 : i32
          %get3A_632 = arith.index_cast %add3A_631 : i32 to index
          %get3A_633 = arith.constant 64 : index
          %get3A_634 = tpu.vector_load %arg8[%get3A_632, %get3A_633] {strides = array<i32>} : memref<128x128xf32, #tpu.memory_space<vmem>>, vector<16xf32>,
          %mul3A_635 = arith.mulf %get3A_634, %bitcast3A_585 : vector<16xf32>
          %add3A_636 = arith.constant 4 : i32
          %add3A_637 = arith.addi %add3A_203, %add3A_636 : i32
          %swap3A_638 = arith.index_cast %add3A_637 : i32 to index
          %swap3A_639 = arith.constant 64 : index
          %swap3A_640 = tpu.vector_load %arg8[%swap3A_638, %swap3A_639] {strides = array<i32>} : memref<128x128xf32, #tpu.memory_space<vmem>>, vector<16xf32>,
          tpu.vector_store %arg8[%swap3A_638, %swap3A_639], %mul3A_635 {strides = array<i32>} : memref<128x128xf32, #tpu.memory_space<vmem>>, vector<16xf32>,
          %add3A_641 = arith.constant 4 : i32
          %add3A_642 = arith.addi %add3A_203, %add3A_641 : i32
          %get3A_643 = arith.index_cast %add3A_642 : i32 to index
          %get3A_644 = arith.constant 80 : index
          %get3A_645 = tpu.vector_load %arg8[%get3A_643, %get3A_644] {strides = array<i32>} : memref<128x128xf32, #tpu.memory_space<vmem>>, vector<16xf32>,
          %mul3A_646 = arith.mulf %get3A_645, %bitcast3A_585 : vector<16xf32>
          %add3A_647 = arith.constant 4 : i32
          %add3A_648 = arith.addi %add3A_203, %add3A_647 : i32
          %swap3A_649 = arith.index_cast %add3A_648 : i32 to index
          %swap3A_650 = arith.constant 80 : index
          %swap3A_651 = tpu.vector_load %arg8[%swap3A_649, %swap3A_650] {strides = array<i32>} : memref<128x128xf32, #tpu.memory_space<vmem>>, vector<16xf32>,
          tpu.vector_store %arg8[%swap3A_649, %swap3A_650], %mul3A_646 {strides = array<i32>} : memref<128x128xf32, #tpu.memory_space<vmem>>, vector<16xf32>,
          %add3A_652 = arith.constant 4 : i32
          %add3A_653 = arith.addi %add3A_203, %add3A_652 : i32
          %get3A_654 = arith.index_cast %add3A_653 : i32 to index
          %get3A_655 = arith.constant 96 : index
          %get3A_656 = tpu.vector_load %arg8[%get3A_654, %get3A_655] {strides = array<i32>} : memref<128x128xf32, #tpu.memory_space<vmem>>, vector<16xf32>,
          %mul3A_657 = arith.mulf %get3A_656, %bitcast3A_585 : vector<16xf32>
          %add3A_658 = arith.constant 4 : i32
          %add3A_659 = arith.addi %add3A_203, %add3A_658 : i32
          %swap3A_660 = arith.index_cast %add3A_659 : i32 to index
          %swap3A_661 = arith.constant 96 : index
          %swap3A_662 = tpu.vector_load %arg8[%swap3A_660, %swap3A_661] {strides = array<i32>} : memref<128x128xf32, #tpu.memory_space<vmem>>, vector<16xf32>,
          tpu.vector_store %arg8[%swap3A_660, %swap3A_661], %mul3A_657 {strides = array<i32>} : memref<128x128xf32, #tpu.memory_space<vmem>>, vector<16xf32>,
          %add3A_663 = arith.constant 4 : i32
          %add3A_664 = arith.addi %add3A_203, %add3A_663 : i32
          %get3A_665 = arith.index_cast %add3A_664 : i32 to index
          %get3A_666 = arith.constant 112 : index
          %get3A_667 = tpu.vector_load %arg8[%get3A_665, %get3A_666] {strides = array<i32>} : memref<128x128xf32, #tpu.memory_space<vmem>>, vector<16xf32>,
          %mul3A_668 = arith.mulf %get3A_667, %bitcast3A_585 : vector<16xf32>
          %add3A_669 = arith.constant 4 : i32
          %add3A_670 = arith.addi %add3A_203, %add3A_669 : i32
          %swap3A_671 = arith.index_cast %add3A_670 : i32 to index
          %swap3A_672 = arith.constant 112 : index
          %swap3A_673 = tpu.vector_load %arg8[%swap3A_671, %swap3A_672] {strides = array<i32>} : memref<128x128xf32, #tpu.memory_space<vmem>>, vector<16xf32>,
          tpu.vector_store %arg8[%swap3A_671, %swap3A_672], %mul3A_668 {strides = array<i32>} : memref<128x128xf32, #tpu.memory_space<vmem>>, vector<16xf32>,
          %broadcast_in_dim3A_674 = arith.constant 2 : i32
          %broadcast_in_dim3A_675 = vector.broadcast %broadcast_in_dim3A_674 : i32 to vector<16xi32>
          %add3A_676 = arith.constant 5 : i32
          %add3A_677 = arith.addi %add3A_203, %add3A_676 : i32
          %broadcast_in_dim3A_678 = vector.broadcast %add3A_677 : i32 to vector<16xi32>
          %gather3A_679 = tpu.vector_load_idx %arg5[%broadcast_in_dim3A_675, %broadcast_in_dim3A_678] : memref<3x128xi32, #tpu.memory_space<vmem>>[vector<16xi32>, vector<16xi32>], vector<16xi32>,
          %bitcast3A_680 = vector.bitcast %gather3A_679 : vector<16xi32> to vector<16xf32>
          %add3A_681 = arith.constant 5 : i32
          %add3A_682 = arith.addi %add3A_203, %add3A_681 : i32
          %get3A_683 = arith.index_cast %add3A_682 : i32 to index
          %get3A_684 = arith.constant 0 : index
          %get3A_685 = tpu.vector_load %arg8[%get3A_683, %get3A_684] {strides = array<i32>} : memref<128x128xf32, #tpu.memory_space<vmem>>, vector<16xf32>,
          %mul3A_686 = arith.mulf %get3A_685, %bitcast3A_680 : vector<16xf32>
          %add3A_687 = arith.constant 5 : i32
          %add3A_688 = arith.addi %add3A_203, %add3A_687 : i32
          %swap3A_689 = arith.index_cast %add3A_688 : i32 to index
          %swap3A_690 = arith.constant 0 : index
          %swap3A_691 = tpu.vector_load %arg8[%swap3A_689, %swap3A_690] {strides = array<i32>} : memref<128x128xf32, #tpu.memory_space<vmem>>, vector<16xf32>,
          tpu.vector_store %arg8[%swap3A_689, %swap3A_690], %mul3A_686 {strides = array<i32>} : memref<128x128xf32, #tpu.memory_space<vmem>>, vector<16xf32>,
          %add3A_692 = arith.constant 5 : i32
          %add3A_693 = arith.addi %add3A_203, %add3A_692 : i32
          %get3A_694 = arith.index_cast %add3A_693 : i32 to index
          %get3A_695 = arith.constant 16 : index
          %get3A_696 = tpu.vector_load %arg8[%get3A_694, %get3A_695] {strides = array<i32>} : memref<128x128xf32, #tpu.memory_space<vmem>>, vector<16xf32>,
          %mul3A_697 = arith.mulf %get3A_696, %bitcast3A_680 : vector<16xf32>
          %add3A_698 = arith.constant 5 : i32
          %add3A_699 = arith.addi %add3A_203, %add3A_698 : i32
          %swap3A_700 = arith.index_cast %add3A_699 : i32 to index
          %swap3A_701 = arith.constant 16 : index
          %swap3A_702 = tpu.vector_load %arg8[%swap3A_700, %swap3A_701] {strides = array<i32>} : memref<128x128xf32, #tpu.memory_space<vmem>>, vector<16xf32>,
          tpu.vector_store %arg8[%swap3A_700, %swap3A_701], %mul3A_697 {strides = array<i32>} : memref<128x128xf32, #tpu.memory_space<vmem>>, vector<16xf32>,
          %add3A_703 = arith.constant 5 : i32
          %add3A_704 = arith.addi %add3A_203, %add3A_703 : i32
          %get3A_705 = arith.index_cast %add3A_704 : i32 to index
          %get3A_706 = arith.constant 32 : index
          %get3A_707 = tpu.vector_load %arg8[%get3A_705, %get3A_706] {strides = array<i32>} : memref<128x128xf32, #tpu.memory_space<vmem>>, vector<16xf32>,
          %mul3A_708 = arith.mulf %get3A_707, %bitcast3A_680 : vector<16xf32>
          %add3A_709 = arith.constant 5 : i32
          %add3A_710 = arith.addi %add3A_203, %add3A_709 : i32
          %swap3A_711 = arith.index_cast %add3A_710 : i32 to index
          %swap3A_712 = arith.constant 32 : index
          %swap3A_713 = tpu.vector_load %arg8[%swap3A_711, %swap3A_712] {strides = array<i32>} : memref<128x128xf32, #tpu.memory_space<vmem>>, vector<16xf32>,
          tpu.vector_store %arg8[%swap3A_711, %swap3A_712], %mul3A_708 {strides = array<i32>} : memref<128x128xf32, #tpu.memory_space<vmem>>, vector<16xf32>,
          %add3A_714 = arith.constant 5 : i32
          %add3A_715 = arith.addi %add3A_203, %add3A_714 : i32
          %get3A_716 = arith.index_cast %add3A_715 : i32 to index
          %get3A_717 = arith.constant 48 : index
          %get3A_718 = tpu.vector_load %arg8[%get3A_716, %get3A_717] {strides = array<i32>} : memref<128x128xf32, #tpu.memory_space<vmem>>, vector<16xf32>,
          %mul3A_719 = arith.mulf %get3A_718, %bitcast3A_680 : vector<16xf32>
          %add3A_720 = arith.constant 5 : i32
          %add3A_721 = arith.addi %add3A_203, %add3A_720 : i32
          %swap3A_722 = arith.index_cast %add3A_721 : i32 to index
          %swap3A_723 = arith.constant 48 : index
          %swap3A_724 = tpu.vector_load %arg8[%swap3A_722, %swap3A_723] {strides = array<i32>} : memref<128x128xf32, #tpu.memory_space<vmem>>, vector<16xf32>,
          tpu.vector_store %arg8[%swap3A_722, %swap3A_723], %mul3A_719 {strides = array<i32>} : memref<128x128xf32, #tpu.memory_space<vmem>>, vector<16xf32>,
          %add3A_725 = arith.constant 5 : i32
          %add3A_726 = arith.addi %add3A_203, %add3A_725 : i32
          %get3A_727 = arith.index_cast %add3A_726 : i32 to index
          %get3A_728 = arith.constant 64 : index
          %get3A_729 = tpu.vector_load %arg8[%get3A_727, %get3A_728] {strides = array<i32>} : memref<128x128xf32, #tpu.memory_space<vmem>>, vector<16xf32>,
          %mul3A_730 = arith.mulf %get3A_729, %bitcast3A_680 : vector<16xf32>
          %add3A_731 = arith.constant 5 : i32
          %add3A_732 = arith.addi %add3A_203, %add3A_731 : i32
          %swap3A_733 = arith.index_cast %add3A_732 : i32 to index
          %swap3A_734 = arith.constant 64 : index
          %swap3A_735 = tpu.vector_load %arg8[%swap3A_733, %swap3A_734] {strides = array<i32>} : memref<128x128xf32, #tpu.memory_space<vmem>>, vector<16xf32>,
          tpu.vector_store %arg8[%swap3A_733, %swap3A_734], %mul3A_730 {strides = array<i32>} : memref<128x128xf32, #tpu.memory_space<vmem>>, vector<16xf32>,
          %add3A_736 = arith.constant 5 : i32
          %add3A_737 = arith.addi %add3A_203, %add3A_736 : i32
          %get3A_738 = arith.index_cast %add3A_737 : i32 to index
          %get3A_739 = arith.constant 80 : index
          %get3A_740 = tpu.vector_load %arg8[%get3A_738, %get3A_739] {strides = array<i32>} : memref<128x128xf32, #tpu.memory_space<vmem>>, vector<16xf32>,
          %mul3A_741 = arith.mulf %get3A_740, %bitcast3A_680 : vector<16xf32>
          %add3A_742 = arith.constant 5 : i32
          %add3A_743 = arith.addi %add3A_203, %add3A_742 : i32
          %swap3A_744 = arith.index_cast %add3A_743 : i32 to index
          %swap3A_745 = arith.constant 80 : index
          %swap3A_746 = tpu.vector_load %arg8[%swap3A_744, %swap3A_745] {strides = array<i32>} : memref<128x128xf32, #tpu.memory_space<vmem>>, vector<16xf32>,
          tpu.vector_store %arg8[%swap3A_744, %swap3A_745], %mul3A_741 {strides = array<i32>} : memref<128x128xf32, #tpu.memory_space<vmem>>, vector<16xf32>,
          %add3A_747 = arith.constant 5 : i32
          %add3A_748 = arith.addi %add3A_203, %add3A_747 : i32
          %get3A_749 = arith.index_cast %add3A_748 : i32 to index
          %get3A_750 = arith.constant 96 : index
          %get3A_751 = tpu.vector_load %arg8[%get3A_749, %get3A_750] {strides = array<i32>} : memref<128x128xf32, #tpu.memory_space<vmem>>, vector<16xf32>,
          %mul3A_752 = arith.mulf %get3A_751, %bitcast3A_680 : vector<16xf32>
          %add3A_753 = arith.constant 5 : i32
          %add3A_754 = arith.addi %add3A_203, %add3A_753 : i32
          %swap3A_755 = arith.index_cast %add3A_754 : i32 to index
          %swap3A_756 = arith.constant 96 : index
          %swap3A_757 = tpu.vector_load %arg8[%swap3A_755, %swap3A_756] {strides = array<i32>} : memref<128x128xf32, #tpu.memory_space<vmem>>, vector<16xf32>,
          tpu.vector_store %arg8[%swap3A_755, %swap3A_756], %mul3A_752 {strides = array<i32>} : memref<128x128xf32, #tpu.memory_space<vmem>>, vector<16xf32>,
          %add3A_758 = arith.constant 5 : i32
          %add3A_759 = arith.addi %add3A_203, %add3A_758 : i32
          %get3A_760 = arith.index_cast %add3A_759 : i32 to index
          %get3A_761 = arith.constant 112 : index
          %get3A_762 = tpu.vector_load %arg8[%get3A_760, %get3A_761] {strides = array<i32>} : memref<128x128xf32, #tpu.memory_space<vmem>>, vector<16xf32>,
          %mul3A_763 = arith.mulf %get3A_762, %bitcast3A_680 : vector<16xf32>
          %add3A_764 = arith.constant 5 : i32
          %add3A_765 = arith.addi %add3A_203, %add3A_764 : i32
          %swap3A_766 = arith.index_cast %add3A_765 : i32 to index
          %swap3A_767 = arith.constant 112 : index
          %swap3A_768 = tpu.vector_load %arg8[%swap3A_766, %swap3A_767] {strides = array<i32>} : memref<128x128xf32, #tpu.memory_space<vmem>>, vector<16xf32>,
          tpu.vector_store %arg8[%swap3A_766, %swap3A_767], %mul3A_763 {strides = array<i32>} : memref<128x128xf32, #tpu.memory_space<vmem>>, vector<16xf32>,
          %broadcast_in_dim3A_769 = arith.constant 2 : i32
          %broadcast_in_dim3A_770 = vector.broadcast %broadcast_in_dim3A_769 : i32 to vector<16xi32>
          %add3A_771 = arith.constant 6 : i32
          %add3A_772 = arith.addi %add3A_203, %add3A_771 : i32
          %broadcast_in_dim3A_773 = vector.broadcast %add3A_772 : i32 to vector<16xi32>
          %gather3A_774 = tpu.vector_load_idx %arg5[%broadcast_in_dim3A_770, %broadcast_in_dim3A_773] : memref<3x128xi32, #tpu.memory_space<vmem>>[vector<16xi32>, vector<16xi32>], vector<16xi32>,
          %bitcast3A_775 = vector.bitcast %gather3A_774 : vector<16xi32> to vector<16xf32>
          %add3A_776 = arith.constant 6 : i32
          %add3A_777 = arith.addi %add3A_203, %add3A_776 : i32
          %get3A_778 = arith.index_cast %add3A_777 : i32 to index
          %get3A_779 = arith.constant 0 : index
          %get3A_780 = tpu.vector_load %arg8[%get3A_778, %get3A_779] {strides = array<i32>} : memref<128x128xf32, #tpu.memory_space<vmem>>, vector<16xf32>,
          %mul3A_781 = arith.mulf %get3A_780, %bitcast3A_775 : vector<16xf32>
          %add3A_782 = arith.constant 6 : i32
          %add3A_783 = arith.addi %add3A_203, %add3A_782 : i32
          %swap3A_784 = arith.index_cast %add3A_783 : i32 to index
          %swap3A_785 = arith.constant 0 : index
          %swap3A_786 = tpu.vector_load %arg8[%swap3A_784, %swap3A_785] {strides = array<i32>} : memref<128x128xf32, #tpu.memory_space<vmem>>, vector<16xf32>,
          tpu.vector_store %arg8[%swap3A_784, %swap3A_785], %mul3A_781 {strides = array<i32>} : memref<128x128xf32, #tpu.memory_space<vmem>>, vector<16xf32>,
          %add3A_787 = arith.constant 6 : i32
          %add3A_788 = arith.addi %add3A_203, %add3A_787 : i32
          %get3A_789 = arith.index_cast %add3A_788 : i32 to index
          %get3A_790 = arith.constant 16 : index
          %get3A_791 = tpu.vector_load %arg8[%get3A_789, %get3A_790] {strides = array<i32>} : memref<128x128xf32, #tpu.memory_space<vmem>>, vector<16xf32>,
          %mul3A_792 = arith.mulf %get3A_791, %bitcast3A_775 : vector<16xf32>
          %add3A_793 = arith.constant 6 : i32
          %add3A_794 = arith.addi %add3A_203, %add3A_793 : i32
          %swap3A_795 = arith.index_cast %add3A_794 : i32 to index
          %swap3A_796 = arith.constant 16 : index
          %swap3A_797 = tpu.vector_load %arg8[%swap3A_795, %swap3A_796] {strides = array<i32>} : memref<128x128xf32, #tpu.memory_space<vmem>>, vector<16xf32>,
          tpu.vector_store %arg8[%swap3A_795, %swap3A_796], %mul3A_792 {strides = array<i32>} : memref<128x128xf32, #tpu.memory_space<vmem>>, vector<16xf32>,
          %add3A_798 = arith.constant 6 : i32
          %add3A_799 = arith.addi %add3A_203, %add3A_798 : i32
          %get3A_800 = arith.index_cast %add3A_799 : i32 to index
          %get3A_801 = arith.constant 32 : index
          %get3A_802 = tpu.vector_load %arg8[%get3A_800, %get3A_801] {strides = array<i32>} : memref<128x128xf32, #tpu.memory_space<vmem>>, vector<16xf32>,
          %mul3A_803 = arith.mulf %get3A_802, %bitcast3A_775 : vector<16xf32>
          %add3A_804 = arith.constant 6 : i32
          %add3A_805 = arith.addi %add3A_203, %add3A_804 : i32
          %swap3A_806 = arith.index_cast %add3A_805 : i32 to index
          %swap3A_807 = arith.constant 32 : index
          %swap3A_808 = tpu.vector_load %arg8[%swap3A_806, %swap3A_807] {strides = array<i32>} : memref<128x128xf32, #tpu.memory_space<vmem>>, vector<16xf32>,
          tpu.vector_store %arg8[%swap3A_806, %swap3A_807], %mul3A_803 {strides = array<i32>} : memref<128x128xf32, #tpu.memory_space<vmem>>, vector<16xf32>,
          %add3A_809 = arith.constant 6 : i32
          %add3A_810 = arith.addi %add3A_203, %add3A_809 : i32
          %get3A_811 = arith.index_cast %add3A_810 : i32 to index
          %get3A_812 = arith.constant 48 : index
          %get3A_813 = tpu.vector_load %arg8[%get3A_811, %get3A_812] {strides = array<i32>} : memref<128x128xf32, #tpu.memory_space<vmem>>, vector<16xf32>,
          %mul3A_814 = arith.mulf %get3A_813, %bitcast3A_775 : vector<16xf32>
          %add3A_815 = arith.constant 6 : i32
          %add3A_816 = arith.addi %add3A_203, %add3A_815 : i32
          %swap3A_817 = arith.index_cast %add3A_816 : i32 to index
          %swap3A_818 = arith.constant 48 : index
          %swap3A_819 = tpu.vector_load %arg8[%swap3A_817, %swap3A_818] {strides = array<i32>} : memref<128x128xf32, #tpu.memory_space<vmem>>, vector<16xf32>,
          tpu.vector_store %arg8[%swap3A_817, %swap3A_818], %mul3A_814 {strides = array<i32>} : memref<128x128xf32, #tpu.memory_space<vmem>>, vector<16xf32>,
          %add3A_820 = arith.constant 6 : i32
          %add3A_821 = arith.addi %add3A_203, %add3A_820 : i32
          %get3A_822 = arith.index_cast %add3A_821 : i32 to index
          %get3A_823 = arith.constant 64 : index
          %get3A_824 = tpu.vector_load %arg8[%get3A_822, %get3A_823] {strides = array<i32>} : memref<128x128xf32, #tpu.memory_space<vmem>>, vector<16xf32>,
          %mul3A_825 = arith.mulf %get3A_824, %bitcast3A_775 : vector<16xf32>
          %add3A_826 = arith.constant 6 : i32
          %add3A_827 = arith.addi %add3A_203, %add3A_826 : i32
          %swap3A_828 = arith.index_cast %add3A_827 : i32 to index
          %swap3A_829 = arith.constant 64 : index
          %swap3A_830 = tpu.vector_load %arg8[%swap3A_828, %swap3A_829] {strides = array<i32>} : memref<128x128xf32, #tpu.memory_space<vmem>>, vector<16xf32>,
          tpu.vector_store %arg8[%swap3A_828, %swap3A_829], %mul3A_825 {strides = array<i32>} : memref<128x128xf32, #tpu.memory_space<vmem>>, vector<16xf32>,
          %add3A_831 = arith.constant 6 : i32
          %add3A_832 = arith.addi %add3A_203, %add3A_831 : i32
          %get3A_833 = arith.index_cast %add3A_832 : i32 to index
          %get3A_834 = arith.constant 80 : index
          %get3A_835 = tpu.vector_load %arg8[%get3A_833, %get3A_834] {strides = array<i32>} : memref<128x128xf32, #tpu.memory_space<vmem>>, vector<16xf32>,
          %mul3A_836 = arith.mulf %get3A_835, %bitcast3A_775 : vector<16xf32>
          %add3A_837 = arith.constant 6 : i32
          %add3A_838 = arith.addi %add3A_203, %add3A_837 : i32
          %swap3A_839 = arith.index_cast %add3A_838 : i32 to index
          %swap3A_840 = arith.constant 80 : index
          %swap3A_841 = tpu.vector_load %arg8[%swap3A_839, %swap3A_840] {strides = array<i32>} : memref<128x128xf32, #tpu.memory_space<vmem>>, vector<16xf32>,
          tpu.vector_store %arg8[%swap3A_839, %swap3A_840], %mul3A_836 {strides = array<i32>} : memref<128x128xf32, #tpu.memory_space<vmem>>, vector<16xf32>,
          %add3A_842 = arith.constant 6 : i32
          %add3A_843 = arith.addi %add3A_203, %add3A_842 : i32
          %get3A_844 = arith.index_cast %add3A_843 : i32 to index
          %get3A_845 = arith.constant 96 : index
          %get3A_846 = tpu.vector_load %arg8[%get3A_844, %get3A_845] {strides = array<i32>} : memref<128x128xf32, #tpu.memory_space<vmem>>, vector<16xf32>,
          %mul3A_847 = arith.mulf %get3A_846, %bitcast3A_775 : vector<16xf32>
          %add3A_848 = arith.constant 6 : i32
          %add3A_849 = arith.addi %add3A_203, %add3A_848 : i32
          %swap3A_850 = arith.index_cast %add3A_849 : i32 to index
          %swap3A_851 = arith.constant 96 : index
          %swap3A_852 = tpu.vector_load %arg8[%swap3A_850, %swap3A_851] {strides = array<i32>} : memref<128x128xf32, #tpu.memory_space<vmem>>, vector<16xf32>,
          tpu.vector_store %arg8[%swap3A_850, %swap3A_851], %mul3A_847 {strides = array<i32>} : memref<128x128xf32, #tpu.memory_space<vmem>>, vector<16xf32>,
          %add3A_853 = arith.constant 6 : i32
          %add3A_854 = arith.addi %add3A_203, %add3A_853 : i32
          %get3A_855 = arith.index_cast %add3A_854 : i32 to index
          %get3A_856 = arith.constant 112 : index
          %get3A_857 = tpu.vector_load %arg8[%get3A_855, %get3A_856] {strides = array<i32>} : memref<128x128xf32, #tpu.memory_space<vmem>>, vector<16xf32>,
          %mul3A_858 = arith.mulf %get3A_857, %bitcast3A_775 : vector<16xf32>
          %add3A_859 = arith.constant 6 : i32
          %add3A_860 = arith.addi %add3A_203, %add3A_859 : i32
          %swap3A_861 = arith.index_cast %add3A_860 : i32 to index
          %swap3A_862 = arith.constant 112 : index
          %swap3A_863 = tpu.vector_load %arg8[%swap3A_861, %swap3A_862] {strides = array<i32>} : memref<128x128xf32, #tpu.memory_space<vmem>>, vector<16xf32>,
          tpu.vector_store %arg8[%swap3A_861, %swap3A_862], %mul3A_858 {strides = array<i32>} : memref<128x128xf32, #tpu.memory_space<vmem>>, vector<16xf32>,
          %broadcast_in_dim3A_864 = arith.constant 2 : i32
          %broadcast_in_dim3A_865 = vector.broadcast %broadcast_in_dim3A_864 : i32 to vector<16xi32>
          %add3A_866 = arith.constant 7 : i32
          %add3A_867 = arith.addi %add3A_203, %add3A_866 : i32
          %broadcast_in_dim3A_868 = vector.broadcast %add3A_867 : i32 to vector<16xi32>
          %gather3A_869 = tpu.vector_load_idx %arg5[%broadcast_in_dim3A_865, %broadcast_in_dim3A_868] : memref<3x128xi32, #tpu.memory_space<vmem>>[vector<16xi32>, vector<16xi32>], vector<16xi32>,
          %bitcast3A_870 = vector.bitcast %gather3A_869 : vector<16xi32> to vector<16xf32>
          %add3A_871 = arith.constant 7 : i32
          %add3A_872 = arith.addi %add3A_203, %add3A_871 : i32
          %get3A_873 = arith.index_cast %add3A_872 : i32 to index
          %get3A_874 = arith.constant 0 : index
          %get3A_875 = tpu.vector_load %arg8[%get3A_873, %get3A_874] {strides = array<i32>} : memref<128x128xf32, #tpu.memory_space<vmem>>, vector<16xf32>,
          %mul3A_876 = arith.mulf %get3A_875, %bitcast3A_870 : vector<16xf32>
          %add3A_877 = arith.constant 7 : i32
          %add3A_878 = arith.addi %add3A_203, %add3A_877 : i32
          %swap3A_879 = arith.index_cast %add3A_878 : i32 to index
          %swap3A_880 = arith.constant 0 : index
          %swap3A_881 = tpu.vector_load %arg8[%swap3A_879, %swap3A_880] {strides = array<i32>} : memref<128x128xf32, #tpu.memory_space<vmem>>, vector<16xf32>,
          tpu.vector_store %arg8[%swap3A_879, %swap3A_880], %mul3A_876 {strides = array<i32>} : memref<128x128xf32, #tpu.memory_space<vmem>>, vector<16xf32>,
          %add3A_882 = arith.constant 7 : i32
          %add3A_883 = arith.addi %add3A_203, %add3A_882 : i32
          %get3A_884 = arith.index_cast %add3A_883 : i32 to index
          %get3A_885 = arith.constant 16 : index
          %get3A_886 = tpu.vector_load %arg8[%get3A_884, %get3A_885] {strides = array<i32>} : memref<128x128xf32, #tpu.memory_space<vmem>>, vector<16xf32>,
          %mul3A_887 = arith.mulf %get3A_886, %bitcast3A_870 : vector<16xf32>
          %add3A_888 = arith.constant 7 : i32
          %add3A_889 = arith.addi %add3A_203, %add3A_888 : i32
          %swap3A_890 = arith.index_cast %add3A_889 : i32 to index
          %swap3A_891 = arith.constant 16 : index
          %swap3A_892 = tpu.vector_load %arg8[%swap3A_890, %swap3A_891] {strides = array<i32>} : memref<128x128xf32, #tpu.memory_space<vmem>>, vector<16xf32>,
          tpu.vector_store %arg8[%swap3A_890, %swap3A_891], %mul3A_887 {strides = array<i32>} : memref<128x128xf32, #tpu.memory_space<vmem>>, vector<16xf32>,
          %add3A_893 = arith.constant 7 : i32
          %add3A_894 = arith.addi %add3A_203, %add3A_893 : i32
          %get3A_895 = arith.index_cast %add3A_894 : i32 to index
          %get3A_896 = arith.constant 32 : index
          %get3A_897 = tpu.vector_load %arg8[%get3A_895, %get3A_896] {strides = array<i32>} : memref<128x128xf32, #tpu.memory_space<vmem>>, vector<16xf32>,
          %mul3A_898 = arith.mulf %get3A_897, %bitcast3A_870 : vector<16xf32>
          %add3A_899 = arith.constant 7 : i32
          %add3A_900 = arith.addi %add3A_203, %add3A_899 : i32
          %swap3A_901 = arith.index_cast %add3A_900 : i32 to index
          %swap3A_902 = arith.constant 32 : index
          %swap3A_903 = tpu.vector_load %arg8[%swap3A_901, %swap3A_902] {strides = array<i32>} : memref<128x128xf32, #tpu.memory_space<vmem>>, vector<16xf32>,
          tpu.vector_store %arg8[%swap3A_901, %swap3A_902], %mul3A_898 {strides = array<i32>} : memref<128x128xf32, #tpu.memory_space<vmem>>, vector<16xf32>,
          %add3A_904 = arith.constant 7 : i32
          %add3A_905 = arith.addi %add3A_203, %add3A_904 : i32
          %get3A_906 = arith.index_cast %add3A_905 : i32 to index
          %get3A_907 = arith.constant 48 : index
          %get3A_908 = tpu.vector_load %arg8[%get3A_906, %get3A_907] {strides = array<i32>} : memref<128x128xf32, #tpu.memory_space<vmem>>, vector<16xf32>,
          %mul3A_909 = arith.mulf %get3A_908, %bitcast3A_870 : vector<16xf32>
          %add3A_910 = arith.constant 7 : i32
          %add3A_911 = arith.addi %add3A_203, %add3A_910 : i32
          %swap3A_912 = arith.index_cast %add3A_911 : i32 to index
          %swap3A_913 = arith.constant 48 : index
          %swap3A_914 = tpu.vector_load %arg8[%swap3A_912, %swap3A_913] {strides = array<i32>} : memref<128x128xf32, #tpu.memory_space<vmem>>, vector<16xf32>,
          tpu.vector_store %arg8[%swap3A_912, %swap3A_913], %mul3A_909 {strides = array<i32>} : memref<128x128xf32, #tpu.memory_space<vmem>>, vector<16xf32>,
          %add3A_915 = arith.constant 7 : i32
          %add3A_916 = arith.addi %add3A_203, %add3A_915 : i32
          %get3A_917 = arith.index_cast %add3A_916 : i32 to index
          %get3A_918 = arith.constant 64 : index
          %get3A_919 = tpu.vector_load %arg8[%get3A_917, %get3A_918] {strides = array<i32>} : memref<128x128xf32, #tpu.memory_space<vmem>>, vector<16xf32>,
          %mul3A_920 = arith.mulf %get3A_919, %bitcast3A_870 : vector<16xf32>
          %add3A_921 = arith.constant 7 : i32
          %add3A_922 = arith.addi %add3A_203, %add3A_921 : i32
          %swap3A_923 = arith.index_cast %add3A_922 : i32 to index
          %swap3A_924 = arith.constant 64 : index
          %swap3A_925 = tpu.vector_load %arg8[%swap3A_923, %swap3A_924] {strides = array<i32>} : memref<128x128xf32, #tpu.memory_space<vmem>>, vector<16xf32>,
          tpu.vector_store %arg8[%swap3A_923, %swap3A_924], %mul3A_920 {strides = array<i32>} : memref<128x128xf32, #tpu.memory_space<vmem>>, vector<16xf32>,
          %add3A_926 = arith.constant 7 : i32
          %add3A_927 = arith.addi %add3A_203, %add3A_926 : i32
          %get3A_928 = arith.index_cast %add3A_927 : i32 to index
          %get3A_929 = arith.constant 80 : index
          %get3A_930 = tpu.vector_load %arg8[%get3A_928, %get3A_929] {strides = array<i32>} : memref<128x128xf32, #tpu.memory_space<vmem>>, vector<16xf32>,
          %mul3A_931 = arith.mulf %get3A_930, %bitcast3A_870 : vector<16xf32>
          %add3A_932 = arith.constant 7 : i32
          %add3A_933 = arith.addi %add3A_203, %add3A_932 : i32
          %swap3A_934 = arith.index_cast %add3A_933 : i32 to index
          %swap3A_935 = arith.constant 80 : index
          %swap3A_936 = tpu.vector_load %arg8[%swap3A_934, %swap3A_935] {strides = array<i32>} : memref<128x128xf32, #tpu.memory_space<vmem>>, vector<16xf32>,
          tpu.vector_store %arg8[%swap3A_934, %swap3A_935], %mul3A_931 {strides = array<i32>} : memref<128x128xf32, #tpu.memory_space<vmem>>, vector<16xf32>,
          %add3A_937 = arith.constant 7 : i32
          %add3A_938 = arith.addi %add3A_203, %add3A_937 : i32
          %get3A_939 = arith.index_cast %add3A_938 : i32 to index
          %get3A_940 = arith.constant 96 : index
          %get3A_941 = tpu.vector_load %arg8[%get3A_939, %get3A_940] {strides = array<i32>} : memref<128x128xf32, #tpu.memory_space<vmem>>, vector<16xf32>,
          %mul3A_942 = arith.mulf %get3A_941, %bitcast3A_870 : vector<16xf32>
          %add3A_943 = arith.constant 7 : i32
          %add3A_944 = arith.addi %add3A_203, %add3A_943 : i32
          %swap3A_945 = arith.index_cast %add3A_944 : i32 to index
          %swap3A_946 = arith.constant 96 : index
          %swap3A_947 = tpu.vector_load %arg8[%swap3A_945, %swap3A_946] {strides = array<i32>} : memref<128x128xf32, #tpu.memory_space<vmem>>, vector<16xf32>,
          tpu.vector_store %arg8[%swap3A_945, %swap3A_946], %mul3A_942 {strides = array<i32>} : memref<128x128xf32, #tpu.memory_space<vmem>>, vector<16xf32>,
          %add3A_948 = arith.constant 7 : i32
          %add3A_949 = arith.addi %add3A_203, %add3A_948 : i32
          %get3A_950 = arith.index_cast %add3A_949 : i32 to index
          %get3A_951 = arith.constant 112 : index
          %get3A_952 = tpu.vector_load %arg8[%get3A_950, %get3A_951] {strides = array<i32>} : memref<128x128xf32, #tpu.memory_space<vmem>>, vector<16xf32>,
          %mul3A_953 = arith.mulf %get3A_952, %bitcast3A_870 : vector<16xf32>
          %add3A_954 = arith.constant 7 : i32
          %add3A_955 = arith.addi %add3A_203, %add3A_954 : i32
          %swap3A_956 = arith.index_cast %add3A_955 : i32 to index
          %swap3A_957 = arith.constant 112 : index
          %swap3A_958 = tpu.vector_load %arg8[%swap3A_956, %swap3A_957] {strides = array<i32>} : memref<128x128xf32, #tpu.memory_space<vmem>>, vector<16xf32>,
          tpu.vector_store %arg8[%swap3A_956, %swap3A_957], %mul3A_953 {strides = array<i32>} : memref<128x128xf32, #tpu.memory_space<vmem>>, vector<16xf32>,
        }
        %scan3A_191 = arith.constant 16 : i32
        %dma_start3A_192 = arith.constant 1 : i32
        %dma_start3A_193 = arith.constant 0 : i32
        %dma_start3A_194 = tpu.memref_slice %arg5[%dma_start3A_192, %dma_start3A_193] : memref<3x128xi32, #tpu.memory_space<vmem>> -> memref<1x128xi32, #tpu.memory_space<vmem>>
        %dma_start3A_195 = tpu.memref_squeeze %dma_start3A_194 : memref<1x128xi32, #tpu.memory_space<vmem>> -> memref<128xi32, #tpu.memory_space<vmem>>
        %dma_start3A_196 = arith.constant 0 : i32
        %dma_start3A_197 = arith.constant 0 : i32
        %dma_start3A_198 = tpu.memref_slice %arg11[%dma_start3A_196, %dma_start3A_197] : memref<10000x128xf32, #tpu.memory_space<vmem_shared>> -> memref<10000x128xf32, #tpu.memory_space<vmem_shared>>
        tpu.enqueue_indirect_dma source(%arg8 : memref<128x128xf32, #tpu.memory_space<vmem>>) target(%dma_start3A_198 : memref<10000x128xf32, #tpu.memory_space<vmem_shared>>) offsets(%dma_start3A_195 : memref<128xi32, #tpu.memory_space<vmem>>) semaphore(%arg18 : memref<!tpu.dma_semaphore, #tpu.memory_space<semaphore_mem>>) {add = true}
      } else {
      }
      %ge3A = arith.constant 1 : i32
      %ge3A_98 = arith.cmpi sge, %add3A_83, %ge3A : i32
      %sub3A = arith.constant 16 : i32
      %sub3A_99 = arith.subi %add3A_86, %sub3A : i32
      %lt3A_100 = arith.constant 1250 : i32
      %lt3A_101 = arith.cmpi slt, %sub3A_99, %lt3A_100 : i32
      %and3A = arith.andi %ge3A_98, %lt3A_101 : i1
      %convert_element_type3A_102 = arith.extui %and3A : i1 to i32
      %cond3A_103 = arith.constant 0 : i32
      %cond3A_104 = arith.cmpi ne, %convert_element_type3A_102, %cond3A_103 : i32
      scf.if %cond3A_104 {
        %dma_wait3A_180 = arith.constant 1 : i32
        %dma_wait3A_181 = arith.constant 0 : i32
        %dma_wait3A_182 = tpu.memref_slice %arg7[%dma_wait3A_180, %dma_wait3A_181] : memref<3x128xi32, #tpu.memory_space<vmem>> -> memref<1x128xi32, #tpu.memory_space<vmem>>
        %dma_wait3A_183 = tpu.memref_squeeze %dma_wait3A_182 : memref<1x128xi32, #tpu.memory_space<vmem>> -> memref<128xi32, #tpu.memory_space<vmem>>
        %dma_wait3A_184 = arith.constant 0 : i32
        %dma_wait3A_185 = arith.constant 0 : i32
        %dma_wait3A_186 = tpu.memref_slice %arg11[%dma_wait3A_184, %dma_wait3A_185] : memref<10000x128xf32, #tpu.memory_space<vmem_shared>> -> memref<10000x128xf32, #tpu.memory_space<vmem_shared>>
        tpu.wait_indirect_dma semaphore(%arg20 : memref<!tpu.dma_semaphore, #tpu.memory_space<semaphore_mem>>) src(%arg10 : memref<128x128xf32, #tpu.memory_space<vmem>>) dst(%dma_wait3A_186 : memref<10000x128xf32, #tpu.memory_space<vmem_shared>>)
      } else {
      }
      %add3A_105 = arith.constant 32 : i32
      %add3A_106 = arith.addi %add3A_86, %add3A_105 : i32
      %lt3A_107 = arith.constant 1250 : i32
      %lt3A_108 = arith.cmpi slt, %add3A_106, %lt3A_107 : i32
      %convert_element_type3A_109 = arith.extui %lt3A_108 : i1 to i32
      %cond3A_110 = arith.constant 0 : i32
      %cond3A_111 = arith.cmpi ne, %convert_element_type3A_109, %cond3A_110 : i32
      scf.if %cond3A_111 {
        %add3A_180 = arith.constant 32 : i32
        %add3A_181 = arith.addi %add3A_86, %add3A_180 : i32
        %mul3A_182 = arith.constant 1250 : i32
        %mul3A_183 = arith.muli %arg0, %mul3A_182 : i32
        %add3A_184 = arith.addi %mul3A_183, %add3A_181 : i32
        %dma_start3A_185 = arith.constant 0 : i32
        %dma_start3A_186 = arith.constant 0 : i32
        %dma_start3A_187 = tpu.memref_slice %arg3[%add3A_184, %dma_start3A_185, %dma_start3A_186] : memref<2500x3x128xi32, #tpu.memory_space<hbm>> -> memref<1x3x128xi32, #tpu.memory_space<hbm>>
        %dma_start3A_188 = tpu.memref_squeeze %dma_start3A_187 : memref<1x3x128xi32, #tpu.memory_space<hbm>> -> memref<3x128xi32, #tpu.memory_space<hbm>>
        %dma_start3A_189 = arith.constant 0 : i32
        %dma_start3A_190 = arith.constant 0 : i32
        %dma_start3A_191 = tpu.memref_slice %arg3[%add3A_184, %dma_start3A_189, %dma_start3A_190] : memref<2500x3x128xi32, #tpu.memory_space<hbm>> -> memref<1x3x128xi32, #tpu.memory_space<hbm>>
        %dma_start3A_192 = tpu.memref_squeeze %dma_start3A_191 : memref<1x3x128xi32, #tpu.memory_space<hbm>> -> memref<3x128xi32, #tpu.memory_space<hbm>>
        tpu.enqueue_dma source(%dma_start3A_192 : memref<3x128xi32, #tpu.memory_space<hbm>>) target(%arg7 : memref<3x128xi32, #tpu.memory_space<vmem>>) target_semaphore(%arg14 : memref<!tpu.dma_semaphore, #tpu.memory_space<semaphore_mem>>)
      } else {
      }
      %add3A_112 = arith.constant 1 : i32
      %add3A_113 = arith.addi %add3A_81, %add3A_112 : i32
      %mul3A_114 = arith.constant 16 : i32
      %mul3A_115 = arith.muli %add3A_113, %mul3A_114 : i32
      %add3A_116 = arith.addi %mul3A_115, %arg1 : i32
      %add3A_117 = arith.constant 16 : i32
      %add3A_118 = arith.addi %add3A_116, %add3A_117 : i32
      %lt3A_119 = arith.constant 1250 : i32
      %lt3A_120 = arith.cmpi slt, %add3A_118, %lt3A_119 : i32
      %convert_element_type3A_121 = arith.extui %lt3A_120 : i1 to i32
      %cond3A_122 = arith.constant 0 : i32
      %cond3A_123 = arith.cmpi ne, %convert_element_type3A_121, %cond3A_122 : i32
      scf.if %cond3A_123 {
        %add3A_180 = arith.constant 16 : i32
        %add3A_181 = arith.addi %add3A_116, %add3A_180 : i32
        %mul3A_182 = arith.constant 1250 : i32
        %mul3A_183 = arith.muli %arg0, %mul3A_182 : i32
        %add3A_184 = arith.addi %mul3A_183, %add3A_181 : i32
        %dma_wait3A_185 = arith.constant 0 : i32
        %dma_wait3A_186 = arith.constant 0 : i32
        %dma_wait3A_187 = tpu.memref_slice %arg3[%add3A_184, %dma_wait3A_185, %dma_wait3A_186] : memref<2500x3x128xi32, #tpu.memory_space<hbm>> -> memref<1x3x128xi32, #tpu.memory_space<hbm>>
        %dma_wait3A_188 = tpu.memref_squeeze %dma_wait3A_187 : memref<1x3x128xi32, #tpu.memory_space<hbm>> -> memref<3x128xi32, #tpu.memory_space<hbm>>
        %dma_wait3A_189 = arith.constant 0 : i32
        %dma_wait3A_190 = arith.constant 0 : i32
        %dma_wait3A_191 = tpu.memref_slice %arg3[%add3A_184, %dma_wait3A_189, %dma_wait3A_190] : memref<2500x3x128xi32, #tpu.memory_space<hbm>> -> memref<1x3x128xi32, #tpu.memory_space<hbm>>
        %dma_wait3A_192 = tpu.memref_squeeze %dma_wait3A_191 : memref<1x3x128xi32, #tpu.memory_space<hbm>> -> memref<3x128xi32, #tpu.memory_space<hbm>>
        tpu.wait_dma2 semaphore(%arg14 : memref<!tpu.dma_semaphore, #tpu.memory_space<semaphore_mem>>) src(%dma_wait3A_192 : memref<3x128xi32, #tpu.memory_space<hbm>>) dst(%arg7 : memref<3x128xi32, #tpu.memory_space<vmem>>)
        %dma_start3A_193 = arith.constant 0 : i32
        %dma_start3A_194 = arith.constant 0 : i32
        %dma_start3A_195 = tpu.memref_slice %arg7[%dma_start3A_193, %dma_start3A_194] : memref<3x128xi32, #tpu.memory_space<vmem>> -> memref<1x128xi32, #tpu.memory_space<vmem>>
        %dma_start3A_196 = tpu.memref_squeeze %dma_start3A_195 : memref<1x128xi32, #tpu.memory_space<vmem>> -> memref<128xi32, #tpu.memory_space<vmem>>
        %dma_start3A_197 = arith.constant 0 : i32
        %dma_start3A_198 = arith.constant 0 : i32
        %dma_start3A_199 = tpu.memref_slice %arg2[%dma_start3A_197, %dma_start3A_198] : memref<10000x128xf32, #tpu.memory_space<hbm>> -> memref<10000x128xf32, #tpu.memory_space<hbm>>
        tpu.enqueue_indirect_dma source(%dma_start3A_199 : memref<10000x128xf32, #tpu.memory_space<hbm>>) target(%arg10 : memref<128x128xf32, #tpu.memory_space<vmem>>) offsets(%dma_start3A_196 : memref<128xi32, #tpu.memory_space<vmem>>) semaphore(%arg17 : memref<!tpu.dma_semaphore, #tpu.memory_space<semaphore_mem>>)
      } else {
      }
      %lt3A_124 = arith.constant 1250 : i32
      %lt3A_125 = arith.cmpi slt, %add3A_116, %lt3A_124 : i32
      %convert_element_type3A_126 = arith.extui %lt3A_125 : i1 to i32
      %cond3A_127 = arith.constant 0 : i32
      %cond3A_128 = arith.cmpi ne, %convert_element_type3A_126, %cond3A_127 : i32
      scf.if %cond3A_128 {
        %dma_wait3A_180 = arith.constant 0 : i32
        %dma_wait3A_181 = arith.constant 0 : i32
        %dma_wait3A_182 = tpu.memref_slice %arg6[%dma_wait3A_180, %dma_wait3A_181] : memref<3x128xi32, #tpu.memory_space<vmem>> -> memref<1x128xi32, #tpu.memory_space<vmem>>
        %dma_wait3A_183 = tpu.memref_squeeze %dma_wait3A_182 : memref<1x128xi32, #tpu.memory_space<vmem>> -> memref<128xi32, #tpu.memory_space<vmem>>
        %dma_wait3A_184 = arith.constant 0 : i32
        %dma_wait3A_185 = arith.constant 0 : i32
        %dma_wait3A_186 = tpu.memref_slice %arg2[%dma_wait3A_184, %dma_wait3A_185] : memref<10000x128xf32, #tpu.memory_space<hbm>> -> memref<10000x128xf32, #tpu.memory_space<hbm>>
        tpu.wait_indirect_dma semaphore(%arg16 : memref<!tpu.dma_semaphore, #tpu.memory_space<semaphore_mem>>) src(%dma_wait3A_186 : memref<10000x128xf32, #tpu.memory_space<hbm>>) dst(%arg9 : memref<128x128xf32, #tpu.memory_space<vmem>>)
        %scan3A_187 = arith.constant 0 : i32
        %scan3A_188 = arith.constant 16 : i32
        %scan3A_189 = arith.addi %scan3A_187, %scan3A_188 : i32
        %scan3A_190 = arith.constant 1 : i32
        scf.for %scan3A_199 = %scan3A_187 to %scan3A_189 step %scan3A_190  : i32 {
          %mul3A_200 = arith.constant 8 : i32
          %mul3A_201 = arith.muli %scan3A_199, %mul3A_200 : i32
          %add3A_202 = arith.constant 0 : i32
          %add3A_203 = arith.addi %add3A_202, %mul3A_201 : i32
          %broadcast_in_dim3A = arith.constant 2 : i32
          %broadcast_in_dim3A_204 = vector.broadcast %broadcast_in_dim3A : i32 to vector<16xi32>
          %add3A_205 = arith.constant 0 : i32
          %add3A_206 = arith.addi %add3A_203, %add3A_205 : i32
          %broadcast_in_dim3A_207 = vector.broadcast %add3A_206 : i32 to vector<16xi32>
          %gather3A = tpu.vector_load_idx %arg6[%broadcast_in_dim3A_204, %broadcast_in_dim3A_207] : memref<3x128xi32, #tpu.memory_space<vmem>>[vector<16xi32>, vector<16xi32>], vector<16xi32>,
          %bitcast3A = vector.bitcast %gather3A : vector<16xi32> to vector<16xf32>
          %add3A_208 = arith.constant 0 : i32
          %add3A_209 = arith.addi %add3A_203, %add3A_208 : i32
          %get3A = arith.index_cast %add3A_209 : i32 to index
          %get3A_210 = arith.constant 0 : index
          %get3A_211 = tpu.vector_load %arg9[%get3A, %get3A_210] {strides = array<i32>} : memref<128x128xf32, #tpu.memory_space<vmem>>, vector<16xf32>,
          %mul3A_212 = arith.mulf %get3A_211, %bitcast3A : vector<16xf32>
          %add3A_213 = arith.constant 0 : i32
          %add3A_214 = arith.addi %add3A_203, %add3A_213 : i32
          %swap3A = arith.index_cast %add3A_214 : i32 to index
          %swap3A_215 = arith.constant 0 : index
          %swap3A_216 = tpu.vector_load %arg9[%swap3A, %swap3A_215] {strides = array<i32>} : memref<128x128xf32, #tpu.memory_space<vmem>>, vector<16xf32>,
          tpu.vector_store %arg9[%swap3A, %swap3A_215], %mul3A_212 {strides = array<i32>} : memref<128x128xf32, #tpu.memory_space<vmem>>, vector<16xf32>,
          %add3A_217 = arith.constant 0 : i32
          %add3A_218 = arith.addi %add3A_203, %add3A_217 : i32
          %get3A_219 = arith.index_cast %add3A_218 : i32 to index
          %get3A_220 = arith.constant 16 : index
          %get3A_221 = tpu.vector_load %arg9[%get3A_219, %get3A_220] {strides = array<i32>} : memref<128x128xf32, #tpu.memory_space<vmem>>, vector<16xf32>,
          %mul3A_222 = arith.mulf %get3A_221, %bitcast3A : vector<16xf32>
          %add3A_223 = arith.constant 0 : i32
          %add3A_224 = arith.addi %add3A_203, %add3A_223 : i32
          %swap3A_225 = arith.index_cast %add3A_224 : i32 to index
          %swap3A_226 = arith.constant 16 : index
          %swap3A_227 = tpu.vector_load %arg9[%swap3A_225, %swap3A_226] {strides = array<i32>} : memref<128x128xf32, #tpu.memory_space<vmem>>, vector<16xf32>,
          tpu.vector_store %arg9[%swap3A_225, %swap3A_226], %mul3A_222 {strides = array<i32>} : memref<128x128xf32, #tpu.memory_space<vmem>>, vector<16xf32>,
          %add3A_228 = arith.constant 0 : i32
          %add3A_229 = arith.addi %add3A_203, %add3A_228 : i32
          %get3A_230 = arith.index_cast %add3A_229 : i32 to index
          %get3A_231 = arith.constant 32 : index
          %get3A_232 = tpu.vector_load %arg9[%get3A_230, %get3A_231] {strides = array<i32>} : memref<128x128xf32, #tpu.memory_space<vmem>>, vector<16xf32>,
          %mul3A_233 = arith.mulf %get3A_232, %bitcast3A : vector<16xf32>
          %add3A_234 = arith.constant 0 : i32
          %add3A_235 = arith.addi %add3A_203, %add3A_234 : i32
          %swap3A_236 = arith.index_cast %add3A_235 : i32 to index
          %swap3A_237 = arith.constant 32 : index
          %swap3A_238 = tpu.vector_load %arg9[%swap3A_236, %swap3A_237] {strides = array<i32>} : memref<128x128xf32, #tpu.memory_space<vmem>>, vector<16xf32>,
          tpu.vector_store %arg9[%swap3A_236, %swap3A_237], %mul3A_233 {strides = array<i32>} : memref<128x128xf32, #tpu.memory_space<vmem>>, vector<16xf32>,
          %add3A_239 = arith.constant 0 : i32
          %add3A_240 = arith.addi %add3A_203, %add3A_239 : i32
          %get3A_241 = arith.index_cast %add3A_240 : i32 to index
          %get3A_242 = arith.constant 48 : index
          %get3A_243 = tpu.vector_load %arg9[%get3A_241, %get3A_242] {strides = array<i32>} : memref<128x128xf32, #tpu.memory_space<vmem>>, vector<16xf32>,
          %mul3A_244 = arith.mulf %get3A_243, %bitcast3A : vector<16xf32>
          %add3A_245 = arith.constant 0 : i32
          %add3A_246 = arith.addi %add3A_203, %add3A_245 : i32
          %swap3A_247 = arith.index_cast %add3A_246 : i32 to index
          %swap3A_248 = arith.constant 48 : index
          %swap3A_249 = tpu.vector_load %arg9[%swap3A_247, %swap3A_248] {strides = array<i32>} : memref<128x128xf32, #tpu.memory_space<vmem>>, vector<16xf32>,
          tpu.vector_store %arg9[%swap3A_247, %swap3A_248], %mul3A_244 {strides = array<i32>} : memref<128x128xf32, #tpu.memory_space<vmem>>, vector<16xf32>,
          %add3A_250 = arith.constant 0 : i32
          %add3A_251 = arith.addi %add3A_203, %add3A_250 : i32
          %get3A_252 = arith.index_cast %add3A_251 : i32 to index
          %get3A_253 = arith.constant 64 : index
          %get3A_254 = tpu.vector_load %arg9[%get3A_252, %get3A_253] {strides = array<i32>} : memref<128x128xf32, #tpu.memory_space<vmem>>, vector<16xf32>,
          %mul3A_255 = arith.mulf %get3A_254, %bitcast3A : vector<16xf32>
          %add3A_256 = arith.constant 0 : i32
          %add3A_257 = arith.addi %add3A_203, %add3A_256 : i32
          %swap3A_258 = arith.index_cast %add3A_257 : i32 to index
          %swap3A_259 = arith.constant 64 : index
          %swap3A_260 = tpu.vector_load %arg9[%swap3A_258, %swap3A_259] {strides = array<i32>} : memref<128x128xf32, #tpu.memory_space<vmem>>, vector<16xf32>,
          tpu.vector_store %arg9[%swap3A_258, %swap3A_259], %mul3A_255 {strides = array<i32>} : memref<128x128xf32, #tpu.memory_space<vmem>>, vector<16xf32>,
          %add3A_261 = arith.constant 0 : i32
          %add3A_262 = arith.addi %add3A_203, %add3A_261 : i32
          %get3A_263 = arith.index_cast %add3A_262 : i32 to index
          %get3A_264 = arith.constant 80 : index
          %get3A_265 = tpu.vector_load %arg9[%get3A_263, %get3A_264] {strides = array<i32>} : memref<128x128xf32, #tpu.memory_space<vmem>>, vector<16xf32>,
          %mul3A_266 = arith.mulf %get3A_265, %bitcast3A : vector<16xf32>
          %add3A_267 = arith.constant 0 : i32
          %add3A_268 = arith.addi %add3A_203, %add3A_267 : i32
          %swap3A_269 = arith.index_cast %add3A_268 : i32 to index
          %swap3A_270 = arith.constant 80 : index
          %swap3A_271 = tpu.vector_load %arg9[%swap3A_269, %swap3A_270] {strides = array<i32>} : memref<128x128xf32, #tpu.memory_space<vmem>>, vector<16xf32>,
          tpu.vector_store %arg9[%swap3A_269, %swap3A_270], %mul3A_266 {strides = array<i32>} : memref<128x128xf32, #tpu.memory_space<vmem>>, vector<16xf32>,
          %add3A_272 = arith.constant 0 : i32
          %add3A_273 = arith.addi %add3A_203, %add3A_272 : i32
          %get3A_274 = arith.index_cast %add3A_273 : i32 to index
          %get3A_275 = arith.constant 96 : index
          %get3A_276 = tpu.vector_load %arg9[%get3A_274, %get3A_275] {strides = array<i32>} : memref<128x128xf32, #tpu.memory_space<vmem>>, vector<16xf32>,
          %mul3A_277 = arith.mulf %get3A_276, %bitcast3A : vector<16xf32>
          %add3A_278 = arith.constant 0 : i32
          %add3A_279 = arith.addi %add3A_203, %add3A_278 : i32
          %swap3A_280 = arith.index_cast %add3A_279 : i32 to index
          %swap3A_281 = arith.constant 96 : index
          %swap3A_282 = tpu.vector_load %arg9[%swap3A_280, %swap3A_281] {strides = array<i32>} : memref<128x128xf32, #tpu.memory_space<vmem>>, vector<16xf32>,
          tpu.vector_store %arg9[%swap3A_280, %swap3A_281], %mul3A_277 {strides = array<i32>} : memref<128x128xf32, #tpu.memory_space<vmem>>, vector<16xf32>,
          %add3A_283 = arith.constant 0 : i32
          %add3A_284 = arith.addi %add3A_203, %add3A_283 : i32
          %get3A_285 = arith.index_cast %add3A_284 : i32 to index
          %get3A_286 = arith.constant 112 : index
          %get3A_287 = tpu.vector_load %arg9[%get3A_285, %get3A_286] {strides = array<i32>} : memref<128x128xf32, #tpu.memory_space<vmem>>, vector<16xf32>,
          %mul3A_288 = arith.mulf %get3A_287, %bitcast3A : vector<16xf32>
          %add3A_289 = arith.constant 0 : i32
          %add3A_290 = arith.addi %add3A_203, %add3A_289 : i32
          %swap3A_291 = arith.index_cast %add3A_290 : i32 to index
          %swap3A_292 = arith.constant 112 : index
          %swap3A_293 = tpu.vector_load %arg9[%swap3A_291, %swap3A_292] {strides = array<i32>} : memref<128x128xf32, #tpu.memory_space<vmem>>, vector<16xf32>,
          tpu.vector_store %arg9[%swap3A_291, %swap3A_292], %mul3A_288 {strides = array<i32>} : memref<128x128xf32, #tpu.memory_space<vmem>>, vector<16xf32>,
          %broadcast_in_dim3A_294 = arith.constant 2 : i32
          %broadcast_in_dim3A_295 = vector.broadcast %broadcast_in_dim3A_294 : i32 to vector<16xi32>
          %add3A_296 = arith.constant 1 : i32
          %add3A_297 = arith.addi %add3A_203, %add3A_296 : i32
          %broadcast_in_dim3A_298 = vector.broadcast %add3A_297 : i32 to vector<16xi32>
          %gather3A_299 = tpu.vector_load_idx %arg6[%broadcast_in_dim3A_295, %broadcast_in_dim3A_298] : memref<3x128xi32, #tpu.memory_space<vmem>>[vector<16xi32>, vector<16xi32>], vector<16xi32>,
          %bitcast3A_300 = vector.bitcast %gather3A_299 : vector<16xi32> to vector<16xf32>
          %add3A_301 = arith.constant 1 : i32
          %add3A_302 = arith.addi %add3A_203, %add3A_301 : i32
          %get3A_303 = arith.index_cast %add3A_302 : i32 to index
          %get3A_304 = arith.constant 0 : index
          %get3A_305 = tpu.vector_load %arg9[%get3A_303, %get3A_304] {strides = array<i32>} : memref<128x128xf32, #tpu.memory_space<vmem>>, vector<16xf32>,
          %mul3A_306 = arith.mulf %get3A_305, %bitcast3A_300 : vector<16xf32>
          %add3A_307 = arith.constant 1 : i32
          %add3A_308 = arith.addi %add3A_203, %add3A_307 : i32
          %swap3A_309 = arith.index_cast %add3A_308 : i32 to index
          %swap3A_310 = arith.constant 0 : index
          %swap3A_311 = tpu.vector_load %arg9[%swap3A_309, %swap3A_310] {strides = array<i32>} : memref<128x128xf32, #tpu.memory_space<vmem>>, vector<16xf32>,
          tpu.vector_store %arg9[%swap3A_309, %swap3A_310], %mul3A_306 {strides = array<i32>} : memref<128x128xf32, #tpu.memory_space<vmem>>, vector<16xf32>,
          %add3A_312 = arith.constant 1 : i32
          %add3A_313 = arith.addi %add3A_203, %add3A_312 : i32
          %get3A_314 = arith.index_cast %add3A_313 : i32 to index
          %get3A_315 = arith.constant 16 : index
          %get3A_316 = tpu.vector_load %arg9[%get3A_314, %get3A_315] {strides = array<i32>} : memref<128x128xf32, #tpu.memory_space<vmem>>, vector<16xf32>,
          %mul3A_317 = arith.mulf %get3A_316, %bitcast3A_300 : vector<16xf32>
          %add3A_318 = arith.constant 1 : i32
          %add3A_319 = arith.addi %add3A_203, %add3A_318 : i32
          %swap3A_320 = arith.index_cast %add3A_319 : i32 to index
          %swap3A_321 = arith.constant 16 : index
          %swap3A_322 = tpu.vector_load %arg9[%swap3A_320, %swap3A_321] {strides = array<i32>} : memref<128x128xf32, #tpu.memory_space<vmem>>, vector<16xf32>,
          tpu.vector_store %arg9[%swap3A_320, %swap3A_321], %mul3A_317 {strides = array<i32>} : memref<128x128xf32, #tpu.memory_space<vmem>>, vector<16xf32>,
          %add3A_323 = arith.constant 1 : i32
          %add3A_324 = arith.addi %add3A_203, %add3A_323 : i32
          %get3A_325 = arith.index_cast %add3A_324 : i32 to index
          %get3A_326 = arith.constant 32 : index
          %get3A_327 = tpu.vector_load %arg9[%get3A_325, %get3A_326] {strides = array<i32>} : memref<128x128xf32, #tpu.memory_space<vmem>>, vector<16xf32>,
          %mul3A_328 = arith.mulf %get3A_327, %bitcast3A_300 : vector<16xf32>
          %add3A_329 = arith.constant 1 : i32
          %add3A_330 = arith.addi %add3A_203, %add3A_329 : i32
          %swap3A_331 = arith.index_cast %add3A_330 : i32 to index
          %swap3A_332 = arith.constant 32 : index
          %swap3A_333 = tpu.vector_load %arg9[%swap3A_331, %swap3A_332] {strides = array<i32>} : memref<128x128xf32, #tpu.memory_space<vmem>>, vector<16xf32>,
          tpu.vector_store %arg9[%swap3A_331, %swap3A_332], %mul3A_328 {strides = array<i32>} : memref<128x128xf32, #tpu.memory_space<vmem>>, vector<16xf32>,
          %add3A_334 = arith.constant 1 : i32
          %add3A_335 = arith.addi %add3A_203, %add3A_334 : i32
          %get3A_336 = arith.index_cast %add3A_335 : i32 to index
          %get3A_337 = arith.constant 48 : index
          %get3A_338 = tpu.vector_load %arg9[%get3A_336, %get3A_337] {strides = array<i32>} : memref<128x128xf32, #tpu.memory_space<vmem>>, vector<16xf32>,
          %mul3A_339 = arith.mulf %get3A_338, %bitcast3A_300 : vector<16xf32>
          %add3A_340 = arith.constant 1 : i32
          %add3A_341 = arith.addi %add3A_203, %add3A_340 : i32
          %swap3A_342 = arith.index_cast %add3A_341 : i32 to index
          %swap3A_343 = arith.constant 48 : index
          %swap3A_344 = tpu.vector_load %arg9[%swap3A_342, %swap3A_343] {strides = array<i32>} : memref<128x128xf32, #tpu.memory_space<vmem>>, vector<16xf32>,
          tpu.vector_store %arg9[%swap3A_342, %swap3A_343], %mul3A_339 {strides = array<i32>} : memref<128x128xf32, #tpu.memory_space<vmem>>, vector<16xf32>,
          %add3A_345 = arith.constant 1 : i32
          %add3A_346 = arith.addi %add3A_203, %add3A_345 : i32
          %get3A_347 = arith.index_cast %add3A_346 : i32 to index
          %get3A_348 = arith.constant 64 : index
          %get3A_349 = tpu.vector_load %arg9[%get3A_347, %get3A_348] {strides = array<i32>} : memref<128x128xf32, #tpu.memory_space<vmem>>, vector<16xf32>,
          %mul3A_350 = arith.mulf %get3A_349, %bitcast3A_300 : vector<16xf32>
          %add3A_351 = arith.constant 1 : i32
          %add3A_352 = arith.addi %add3A_203, %add3A_351 : i32
          %swap3A_353 = arith.index_cast %add3A_352 : i32 to index
          %swap3A_354 = arith.constant 64 : index
          %swap3A_355 = tpu.vector_load %arg9[%swap3A_353, %swap3A_354] {strides = array<i32>} : memref<128x128xf32, #tpu.memory_space<vmem>>, vector<16xf32>,
          tpu.vector_store %arg9[%swap3A_353, %swap3A_354], %mul3A_350 {strides = array<i32>} : memref<128x128xf32, #tpu.memory_space<vmem>>, vector<16xf32>,
          %add3A_356 = arith.constant 1 : i32
          %add3A_357 = arith.addi %add3A_203, %add3A_356 : i32
          %get3A_358 = arith.index_cast %add3A_357 : i32 to index
          %get3A_359 = arith.constant 80 : index
          %get3A_360 = tpu.vector_load %arg9[%get3A_358, %get3A_359] {strides = array<i32>} : memref<128x128xf32, #tpu.memory_space<vmem>>, vector<16xf32>,
          %mul3A_361 = arith.mulf %get3A_360, %bitcast3A_300 : vector<16xf32>
          %add3A_362 = arith.constant 1 : i32
          %add3A_363 = arith.addi %add3A_203, %add3A_362 : i32
          %swap3A_364 = arith.index_cast %add3A_363 : i32 to index
          %swap3A_365 = arith.constant 80 : index
          %swap3A_366 = tpu.vector_load %arg9[%swap3A_364, %swap3A_365] {strides = array<i32>} : memref<128x128xf32, #tpu.memory_space<vmem>>, vector<16xf32>,
          tpu.vector_store %arg9[%swap3A_364, %swap3A_365], %mul3A_361 {strides = array<i32>} : memref<128x128xf32, #tpu.memory_space<vmem>>, vector<16xf32>,
          %add3A_367 = arith.constant 1 : i32
          %add3A_368 = arith.addi %add3A_203, %add3A_367 : i32
          %get3A_369 = arith.index_cast %add3A_368 : i32 to index
          %get3A_370 = arith.constant 96 : index
          %get3A_371 = tpu.vector_load %arg9[%get3A_369, %get3A_370] {strides = array<i32>} : memref<128x128xf32, #tpu.memory_space<vmem>>, vector<16xf32>,
          %mul3A_372 = arith.mulf %get3A_371, %bitcast3A_300 : vector<16xf32>
          %add3A_373 = arith.constant 1 : i32
          %add3A_374 = arith.addi %add3A_203, %add3A_373 : i32
          %swap3A_375 = arith.index_cast %add3A_374 : i32 to index
          %swap3A_376 = arith.constant 96 : index
          %swap3A_377 = tpu.vector_load %arg9[%swap3A_375, %swap3A_376] {strides = array<i32>} : memref<128x128xf32, #tpu.memory_space<vmem>>, vector<16xf32>,
          tpu.vector_store %arg9[%swap3A_375, %swap3A_376], %mul3A_372 {strides = array<i32>} : memref<128x128xf32, #tpu.memory_space<vmem>>, vector<16xf32>,
          %add3A_378 = arith.constant 1 : i32
          %add3A_379 = arith.addi %add3A_203, %add3A_378 : i32
          %get3A_380 = arith.index_cast %add3A_379 : i32 to index
          %get3A_381 = arith.constant 112 : index
          %get3A_382 = tpu.vector_load %arg9[%get3A_380, %get3A_381] {strides = array<i32>} : memref<128x128xf32, #tpu.memory_space<vmem>>, vector<16xf32>,
          %mul3A_383 = arith.mulf %get3A_382, %bitcast3A_300 : vector<16xf32>
          %add3A_384 = arith.constant 1 : i32
          %add3A_385 = arith.addi %add3A_203, %add3A_384 : i32
          %swap3A_386 = arith.index_cast %add3A_385 : i32 to index
          %swap3A_387 = arith.constant 112 : index
          %swap3A_388 = tpu.vector_load %arg9[%swap3A_386, %swap3A_387] {strides = array<i32>} : memref<128x128xf32, #tpu.memory_space<vmem>>, vector<16xf32>,
          tpu.vector_store %arg9[%swap3A_386, %swap3A_387], %mul3A_383 {strides = array<i32>} : memref<128x128xf32, #tpu.memory_space<vmem>>, vector<16xf32>,
          %broadcast_in_dim3A_389 = arith.constant 2 : i32
          %broadcast_in_dim3A_390 = vector.broadcast %broadcast_in_dim3A_389 : i32 to vector<16xi32>
          %add3A_391 = arith.constant 2 : i32
          %add3A_392 = arith.addi %add3A_203, %add3A_391 : i32
          %broadcast_in_dim3A_393 = vector.broadcast %add3A_392 : i32 to vector<16xi32>
          %gather3A_394 = tpu.vector_load_idx %arg6[%broadcast_in_dim3A_390, %broadcast_in_dim3A_393] : memref<3x128xi32, #tpu.memory_space<vmem>>[vector<16xi32>, vector<16xi32>], vector<16xi32>,
          %bitcast3A_395 = vector.bitcast %gather3A_394 : vector<16xi32> to vector<16xf32>
          %add3A_396 = arith.constant 2 : i32
          %add3A_397 = arith.addi %add3A_203, %add3A_396 : i32
          %get3A_398 = arith.index_cast %add3A_397 : i32 to index
          %get3A_399 = arith.constant 0 : index
          %get3A_400 = tpu.vector_load %arg9[%get3A_398, %get3A_399] {strides = array<i32>} : memref<128x128xf32, #tpu.memory_space<vmem>>, vector<16xf32>,
          %mul3A_401 = arith.mulf %get3A_400, %bitcast3A_395 : vector<16xf32>
          %add3A_402 = arith.constant 2 : i32
          %add3A_403 = arith.addi %add3A_203, %add3A_402 : i32
          %swap3A_404 = arith.index_cast %add3A_403 : i32 to index
          %swap3A_405 = arith.constant 0 : index
          %swap3A_406 = tpu.vector_load %arg9[%swap3A_404, %swap3A_405] {strides = array<i32>} : memref<128x128xf32, #tpu.memory_space<vmem>>, vector<16xf32>,
          tpu.vector_store %arg9[%swap3A_404, %swap3A_405], %mul3A_401 {strides = array<i32>} : memref<128x128xf32, #tpu.memory_space<vmem>>, vector<16xf32>,
          %add3A_407 = arith.constant 2 : i32
          %add3A_408 = arith.addi %add3A_203, %add3A_407 : i32
          %get3A_409 = arith.index_cast %add3A_408 : i32 to index
          %get3A_410 = arith.constant 16 : index
          %get3A_411 = tpu.vector_load %arg9[%get3A_409, %get3A_410] {strides = array<i32>} : memref<128x128xf32, #tpu.memory_space<vmem>>, vector<16xf32>,
          %mul3A_412 = arith.mulf %get3A_411, %bitcast3A_395 : vector<16xf32>
          %add3A_413 = arith.constant 2 : i32
          %add3A_414 = arith.addi %add3A_203, %add3A_413 : i32
          %swap3A_415 = arith.index_cast %add3A_414 : i32 to index
          %swap3A_416 = arith.constant 16 : index
          %swap3A_417 = tpu.vector_load %arg9[%swap3A_415, %swap3A_416] {strides = array<i32>} : memref<128x128xf32, #tpu.memory_space<vmem>>, vector<16xf32>,
          tpu.vector_store %arg9[%swap3A_415, %swap3A_416], %mul3A_412 {strides = array<i32>} : memref<128x128xf32, #tpu.memory_space<vmem>>, vector<16xf32>,
          %add3A_418 = arith.constant 2 : i32
          %add3A_419 = arith.addi %add3A_203, %add3A_418 : i32
          %get3A_420 = arith.index_cast %add3A_419 : i32 to index
          %get3A_421 = arith.constant 32 : index
          %get3A_422 = tpu.vector_load %arg9[%get3A_420, %get3A_421] {strides = array<i32>} : memref<128x128xf32, #tpu.memory_space<vmem>>, vector<16xf32>,
          %mul3A_423 = arith.mulf %get3A_422, %bitcast3A_395 : vector<16xf32>
          %add3A_424 = arith.constant 2 : i32
          %add3A_425 = arith.addi %add3A_203, %add3A_424 : i32
          %swap3A_426 = arith.index_cast %add3A_425 : i32 to index
          %swap3A_427 = arith.constant 32 : index
          %swap3A_428 = tpu.vector_load %arg9[%swap3A_426, %swap3A_427] {strides = array<i32>} : memref<128x128xf32, #tpu.memory_space<vmem>>, vector<16xf32>,
          tpu.vector_store %arg9[%swap3A_426, %swap3A_427], %mul3A_423 {strides = array<i32>} : memref<128x128xf32, #tpu.memory_space<vmem>>, vector<16xf32>,
          %add3A_429 = arith.constant 2 : i32
          %add3A_430 = arith.addi %add3A_203, %add3A_429 : i32
          %get3A_431 = arith.index_cast %add3A_430 : i32 to index
          %get3A_432 = arith.constant 48 : index
          %get3A_433 = tpu.vector_load %arg9[%get3A_431, %get3A_432] {strides = array<i32>} : memref<128x128xf32, #tpu.memory_space<vmem>>, vector<16xf32>,
          %mul3A_434 = arith.mulf %get3A_433, %bitcast3A_395 : vector<16xf32>
          %add3A_435 = arith.constant 2 : i32
          %add3A_436 = arith.addi %add3A_203, %add3A_435 : i32
          %swap3A_437 = arith.index_cast %add3A_436 : i32 to index
          %swap3A_438 = arith.constant 48 : index
          %swap3A_439 = tpu.vector_load %arg9[%swap3A_437, %swap3A_438] {strides = array<i32>} : memref<128x128xf32, #tpu.memory_space<vmem>>, vector<16xf32>,
          tpu.vector_store %arg9[%swap3A_437, %swap3A_438], %mul3A_434 {strides = array<i32>} : memref<128x128xf32, #tpu.memory_space<vmem>>, vector<16xf32>,
          %add3A_440 = arith.constant 2 : i32
          %add3A_441 = arith.addi %add3A_203, %add3A_440 : i32
          %get3A_442 = arith.index_cast %add3A_441 : i32 to index
          %get3A_443 = arith.constant 64 : index
          %get3A_444 = tpu.vector_load %arg9[%get3A_442, %get3A_443] {strides = array<i32>} : memref<128x128xf32, #tpu.memory_space<vmem>>, vector<16xf32>,
          %mul3A_445 = arith.mulf %get3A_444, %bitcast3A_395 : vector<16xf32>
          %add3A_446 = arith.constant 2 : i32
          %add3A_447 = arith.addi %add3A_203, %add3A_446 : i32
          %swap3A_448 = arith.index_cast %add3A_447 : i32 to index
          %swap3A_449 = arith.constant 64 : index
          %swap3A_450 = tpu.vector_load %arg9[%swap3A_448, %swap3A_449] {strides = array<i32>} : memref<128x128xf32, #tpu.memory_space<vmem>>, vector<16xf32>,
          tpu.vector_store %arg9[%swap3A_448, %swap3A_449], %mul3A_445 {strides = array<i32>} : memref<128x128xf32, #tpu.memory_space<vmem>>, vector<16xf32>,
          %add3A_451 = arith.constant 2 : i32
          %add3A_452 = arith.addi %add3A_203, %add3A_451 : i32
          %get3A_453 = arith.index_cast %add3A_452 : i32 to index
          %get3A_454 = arith.constant 80 : index
          %get3A_455 = tpu.vector_load %arg9[%get3A_453, %get3A_454] {strides = array<i32>} : memref<128x128xf32, #tpu.memory_space<vmem>>, vector<16xf32>,
          %mul3A_456 = arith.mulf %get3A_455, %bitcast3A_395 : vector<16xf32>
          %add3A_457 = arith.constant 2 : i32
          %add3A_458 = arith.addi %add3A_203, %add3A_457 : i32
          %swap3A_459 = arith.index_cast %add3A_458 : i32 to index
          %swap3A_460 = arith.constant 80 : index
          %swap3A_461 = tpu.vector_load %arg9[%swap3A_459, %swap3A_460] {strides = array<i32>} : memref<128x128xf32, #tpu.memory_space<vmem>>, vector<16xf32>,
          tpu.vector_store %arg9[%swap3A_459, %swap3A_460], %mul3A_456 {strides = array<i32>} : memref<128x128xf32, #tpu.memory_space<vmem>>, vector<16xf32>,
          %add3A_462 = arith.constant 2 : i32
          %add3A_463 = arith.addi %add3A_203, %add3A_462 : i32
          %get3A_464 = arith.index_cast %add3A_463 : i32 to index
          %get3A_465 = arith.constant 96 : index
          %get3A_466 = tpu.vector_load %arg9[%get3A_464, %get3A_465] {strides = array<i32>} : memref<128x128xf32, #tpu.memory_space<vmem>>, vector<16xf32>,
          %mul3A_467 = arith.mulf %get3A_466, %bitcast3A_395 : vector<16xf32>
          %add3A_468 = arith.constant 2 : i32
          %add3A_469 = arith.addi %add3A_203, %add3A_468 : i32
          %swap3A_470 = arith.index_cast %add3A_469 : i32 to index
          %swap3A_471 = arith.constant 96 : index
          %swap3A_472 = tpu.vector_load %arg9[%swap3A_470, %swap3A_471] {strides = array<i32>} : memref<128x128xf32, #tpu.memory_space<vmem>>, vector<16xf32>,
          tpu.vector_store %arg9[%swap3A_470, %swap3A_471], %mul3A_467 {strides = array<i32>} : memref<128x128xf32, #tpu.memory_space<vmem>>, vector<16xf32>,
          %add3A_473 = arith.constant 2 : i32
          %add3A_474 = arith.addi %add3A_203, %add3A_473 : i32
          %get3A_475 = arith.index_cast %add3A_474 : i32 to index
          %get3A_476 = arith.constant 112 : index
          %get3A_477 = tpu.vector_load %arg9[%get3A_475, %get3A_476] {strides = array<i32>} : memref<128x128xf32, #tpu.memory_space<vmem>>, vector<16xf32>,
          %mul3A_478 = arith.mulf %get3A_477, %bitcast3A_395 : vector<16xf32>
          %add3A_479 = arith.constant 2 : i32
          %add3A_480 = arith.addi %add3A_203, %add3A_479 : i32
          %swap3A_481 = arith.index_cast %add3A_480 : i32 to index
          %swap3A_482 = arith.constant 112 : index
          %swap3A_483 = tpu.vector_load %arg9[%swap3A_481, %swap3A_482] {strides = array<i32>} : memref<128x128xf32, #tpu.memory_space<vmem>>, vector<16xf32>,
          tpu.vector_store %arg9[%swap3A_481, %swap3A_482], %mul3A_478 {strides = array<i32>} : memref<128x128xf32, #tpu.memory_space<vmem>>, vector<16xf32>,
          %broadcast_in_dim3A_484 = arith.constant 2 : i32
          %broadcast_in_dim3A_485 = vector.broadcast %broadcast_in_dim3A_484 : i32 to vector<16xi32>
          %add3A_486 = arith.constant 3 : i32
          %add3A_487 = arith.addi %add3A_203, %add3A_486 : i32
          %broadcast_in_dim3A_488 = vector.broadcast %add3A_487 : i32 to vector<16xi32>
          %gather3A_489 = tpu.vector_load_idx %arg6[%broadcast_in_dim3A_485, %broadcast_in_dim3A_488] : memref<3x128xi32, #tpu.memory_space<vmem>>[vector<16xi32>, vector<16xi32>], vector<16xi32>,
          %bitcast3A_490 = vector.bitcast %gather3A_489 : vector<16xi32> to vector<16xf32>
          %add3A_491 = arith.constant 3 : i32
          %add3A_492 = arith.addi %add3A_203, %add3A_491 : i32
          %get3A_493 = arith.index_cast %add3A_492 : i32 to index
          %get3A_494 = arith.constant 0 : index
          %get3A_495 = tpu.vector_load %arg9[%get3A_493, %get3A_494] {strides = array<i32>} : memref<128x128xf32, #tpu.memory_space<vmem>>, vector<16xf32>,
          %mul3A_496 = arith.mulf %get3A_495, %bitcast3A_490 : vector<16xf32>
          %add3A_497 = arith.constant 3 : i32
          %add3A_498 = arith.addi %add3A_203, %add3A_497 : i32
          %swap3A_499 = arith.index_cast %add3A_498 : i32 to index
          %swap3A_500 = arith.constant 0 : index
          %swap3A_501 = tpu.vector_load %arg9[%swap3A_499, %swap3A_500] {strides = array<i32>} : memref<128x128xf32, #tpu.memory_space<vmem>>, vector<16xf32>,
          tpu.vector_store %arg9[%swap3A_499, %swap3A_500], %mul3A_496 {strides = array<i32>} : memref<128x128xf32, #tpu.memory_space<vmem>>, vector<16xf32>,
          %add3A_502 = arith.constant 3 : i32
          %add3A_503 = arith.addi %add3A_203, %add3A_502 : i32
          %get3A_504 = arith.index_cast %add3A_503 : i32 to index
          %get3A_505 = arith.constant 16 : index
          %get3A_506 = tpu.vector_load %arg9[%get3A_504, %get3A_505] {strides = array<i32>} : memref<128x128xf32, #tpu.memory_space<vmem>>, vector<16xf32>,
          %mul3A_507 = arith.mulf %get3A_506, %bitcast3A_490 : vector<16xf32>
          %add3A_508 = arith.constant 3 : i32
          %add3A_509 = arith.addi %add3A_203, %add3A_508 : i32
          %swap3A_510 = arith.index_cast %add3A_509 : i32 to index
          %swap3A_511 = arith.constant 16 : index
          %swap3A_512 = tpu.vector_load %arg9[%swap3A_510, %swap3A_511] {strides = array<i32>} : memref<128x128xf32, #tpu.memory_space<vmem>>, vector<16xf32>,
          tpu.vector_store %arg9[%swap3A_510, %swap3A_511], %mul3A_507 {strides = array<i32>} : memref<128x128xf32, #tpu.memory_space<vmem>>, vector<16xf32>,
          %add3A_513 = arith.constant 3 : i32
          %add3A_514 = arith.addi %add3A_203, %add3A_513 : i32
          %get3A_515 = arith.index_cast %add3A_514 : i32 to index
          %get3A_516 = arith.constant 32 : index
          %get3A_517 = tpu.vector_load %arg9[%get3A_515, %get3A_516] {strides = array<i32>} : memref<128x128xf32, #tpu.memory_space<vmem>>, vector<16xf32>,
          %mul3A_518 = arith.mulf %get3A_517, %bitcast3A_490 : vector<16xf32>
          %add3A_519 = arith.constant 3 : i32
          %add3A_520 = arith.addi %add3A_203, %add3A_519 : i32
          %swap3A_521 = arith.index_cast %add3A_520 : i32 to index
          %swap3A_522 = arith.constant 32 : index
          %swap3A_523 = tpu.vector_load %arg9[%swap3A_521, %swap3A_522] {strides = array<i32>} : memref<128x128xf32, #tpu.memory_space<vmem>>, vector<16xf32>,
          tpu.vector_store %arg9[%swap3A_521, %swap3A_522], %mul3A_518 {strides = array<i32>} : memref<128x128xf32, #tpu.memory_space<vmem>>, vector<16xf32>,
          %add3A_524 = arith.constant 3 : i32
          %add3A_525 = arith.addi %add3A_203, %add3A_524 : i32
          %get3A_526 = arith.index_cast %add3A_525 : i32 to index
          %get3A_527 = arith.constant 48 : index
          %get3A_528 = tpu.vector_load %arg9[%get3A_526, %get3A_527] {strides = array<i32>} : memref<128x128xf32, #tpu.memory_space<vmem>>, vector<16xf32>,
          %mul3A_529 = arith.mulf %get3A_528, %bitcast3A_490 : vector<16xf32>
          %add3A_530 = arith.constant 3 : i32
          %add3A_531 = arith.addi %add3A_203, %add3A_530 : i32
          %swap3A_532 = arith.index_cast %add3A_531 : i32 to index
          %swap3A_533 = arith.constant 48 : index
          %swap3A_534 = tpu.vector_load %arg9[%swap3A_532, %swap3A_533] {strides = array<i32>} : memref<128x128xf32, #tpu.memory_space<vmem>>, vector<16xf32>,
          tpu.vector_store %arg9[%swap3A_532, %swap3A_533], %mul3A_529 {strides = array<i32>} : memref<128x128xf32, #tpu.memory_space<vmem>>, vector<16xf32>,
          %add3A_535 = arith.constant 3 : i32
          %add3A_536 = arith.addi %add3A_203, %add3A_535 : i32
          %get3A_537 = arith.index_cast %add3A_536 : i32 to index
          %get3A_538 = arith.constant 64 : index
          %get3A_539 = tpu.vector_load %arg9[%get3A_537, %get3A_538] {strides = array<i32>} : memref<128x128xf32, #tpu.memory_space<vmem>>, vector<16xf32>,
          %mul3A_540 = arith.mulf %get3A_539, %bitcast3A_490 : vector<16xf32>
          %add3A_541 = arith.constant 3 : i32
          %add3A_542 = arith.addi %add3A_203, %add3A_541 : i32
          %swap3A_543 = arith.index_cast %add3A_542 : i32 to index
          %swap3A_544 = arith.constant 64 : index
          %swap3A_545 = tpu.vector_load %arg9[%swap3A_543, %swap3A_544] {strides = array<i32>} : memref<128x128xf32, #tpu.memory_space<vmem>>, vector<16xf32>,
          tpu.vector_store %arg9[%swap3A_543, %swap3A_544], %mul3A_540 {strides = array<i32>} : memref<128x128xf32, #tpu.memory_space<vmem>>, vector<16xf32>,
          %add3A_546 = arith.constant 3 : i32
          %add3A_547 = arith.addi %add3A_203, %add3A_546 : i32
          %get3A_548 = arith.index_cast %add3A_547 : i32 to index
          %get3A_549 = arith.constant 80 : index
          %get3A_550 = tpu.vector_load %arg9[%get3A_548, %get3A_549] {strides = array<i32>} : memref<128x128xf32, #tpu.memory_space<vmem>>, vector<16xf32>,
          %mul3A_551 = arith.mulf %get3A_550, %bitcast3A_490 : vector<16xf32>
          %add3A_552 = arith.constant 3 : i32
          %add3A_553 = arith.addi %add3A_203, %add3A_552 : i32
          %swap3A_554 = arith.index_cast %add3A_553 : i32 to index
          %swap3A_555 = arith.constant 80 : index
          %swap3A_556 = tpu.vector_load %arg9[%swap3A_554, %swap3A_555] {strides = array<i32>} : memref<128x128xf32, #tpu.memory_space<vmem>>, vector<16xf32>,
          tpu.vector_store %arg9[%swap3A_554, %swap3A_555], %mul3A_551 {strides = array<i32>} : memref<128x128xf32, #tpu.memory_space<vmem>>, vector<16xf32>,
          %add3A_557 = arith.constant 3 : i32
          %add3A_558 = arith.addi %add3A_203, %add3A_557 : i32
          %get3A_559 = arith.index_cast %add3A_558 : i32 to index
          %get3A_560 = arith.constant 96 : index
          %get3A_561 = tpu.vector_load %arg9[%get3A_559, %get3A_560] {strides = array<i32>} : memref<128x128xf32, #tpu.memory_space<vmem>>, vector<16xf32>,
          %mul3A_562 = arith.mulf %get3A_561, %bitcast3A_490 : vector<16xf32>
          %add3A_563 = arith.constant 3 : i32
          %add3A_564 = arith.addi %add3A_203, %add3A_563 : i32
          %swap3A_565 = arith.index_cast %add3A_564 : i32 to index
          %swap3A_566 = arith.constant 96 : index
          %swap3A_567 = tpu.vector_load %arg9[%swap3A_565, %swap3A_566] {strides = array<i32>} : memref<128x128xf32, #tpu.memory_space<vmem>>, vector<16xf32>,
          tpu.vector_store %arg9[%swap3A_565, %swap3A_566], %mul3A_562 {strides = array<i32>} : memref<128x128xf32, #tpu.memory_space<vmem>>, vector<16xf32>,
          %add3A_568 = arith.constant 3 : i32
          %add3A_569 = arith.addi %add3A_203, %add3A_568 : i32
          %get3A_570 = arith.index_cast %add3A_569 : i32 to index
          %get3A_571 = arith.constant 112 : index
          %get3A_572 = tpu.vector_load %arg9[%get3A_570, %get3A_571] {strides = array<i32>} : memref<128x128xf32, #tpu.memory_space<vmem>>, vector<16xf32>,
          %mul3A_573 = arith.mulf %get3A_572, %bitcast3A_490 : vector<16xf32>
          %add3A_574 = arith.constant 3 : i32
          %add3A_575 = arith.addi %add3A_203, %add3A_574 : i32
          %swap3A_576 = arith.index_cast %add3A_575 : i32 to index
          %swap3A_577 = arith.constant 112 : index
          %swap3A_578 = tpu.vector_load %arg9[%swap3A_576, %swap3A_577] {strides = array<i32>} : memref<128x128xf32, #tpu.memory_space<vmem>>, vector<16xf32>,
          tpu.vector_store %arg9[%swap3A_576, %swap3A_577], %mul3A_573 {strides = array<i32>} : memref<128x128xf32, #tpu.memory_space<vmem>>, vector<16xf32>,
          %broadcast_in_dim3A_579 = arith.constant 2 : i32
          %broadcast_in_dim3A_580 = vector.broadcast %broadcast_in_dim3A_579 : i32 to vector<16xi32>
          %add3A_581 = arith.constant 4 : i32
          %add3A_582 = arith.addi %add3A_203, %add3A_581 : i32
          %broadcast_in_dim3A_583 = vector.broadcast %add3A_582 : i32 to vector<16xi32>
          %gather3A_584 = tpu.vector_load_idx %arg6[%broadcast_in_dim3A_580, %broadcast_in_dim3A_583] : memref<3x128xi32, #tpu.memory_space<vmem>>[vector<16xi32>, vector<16xi32>], vector<16xi32>,
          %bitcast3A_585 = vector.bitcast %gather3A_584 : vector<16xi32> to vector<16xf32>
          %add3A_586 = arith.constant 4 : i32
          %add3A_587 = arith.addi %add3A_203, %add3A_586 : i32
          %get3A_588 = arith.index_cast %add3A_587 : i32 to index
          %get3A_589 = arith.constant 0 : index
          %get3A_590 = tpu.vector_load %arg9[%get3A_588, %get3A_589] {strides = array<i32>} : memref<128x128xf32, #tpu.memory_space<vmem>>, vector<16xf32>,
          %mul3A_591 = arith.mulf %get3A_590, %bitcast3A_585 : vector<16xf32>
          %add3A_592 = arith.constant 4 : i32
          %add3A_593 = arith.addi %add3A_203, %add3A_592 : i32
          %swap3A_594 = arith.index_cast %add3A_593 : i32 to index
          %swap3A_595 = arith.constant 0 : index
          %swap3A_596 = tpu.vector_load %arg9[%swap3A_594, %swap3A_595] {strides = array<i32>} : memref<128x128xf32, #tpu.memory_space<vmem>>, vector<16xf32>,
          tpu.vector_store %arg9[%swap3A_594, %swap3A_595], %mul3A_591 {strides = array<i32>} : memref<128x128xf32, #tpu.memory_space<vmem>>, vector<16xf32>,
          %add3A_597 = arith.constant 4 : i32
          %add3A_598 = arith.addi %add3A_203, %add3A_597 : i32
          %get3A_599 = arith.index_cast %add3A_598 : i32 to index
          %get3A_600 = arith.constant 16 : index
          %get3A_601 = tpu.vector_load %arg9[%get3A_599, %get3A_600] {strides = array<i32>} : memref<128x128xf32, #tpu.memory_space<vmem>>, vector<16xf32>,
          %mul3A_602 = arith.mulf %get3A_601, %bitcast3A_585 : vector<16xf32>
          %add3A_603 = arith.constant 4 : i32
          %add3A_604 = arith.addi %add3A_203, %add3A_603 : i32
          %swap3A_605 = arith.index_cast %add3A_604 : i32 to index
          %swap3A_606 = arith.constant 16 : index
          %swap3A_607 = tpu.vector_load %arg9[%swap3A_605, %swap3A_606] {strides = array<i32>} : memref<128x128xf32, #tpu.memory_space<vmem>>, vector<16xf32>,
          tpu.vector_store %arg9[%swap3A_605, %swap3A_606], %mul3A_602 {strides = array<i32>} : memref<128x128xf32, #tpu.memory_space<vmem>>, vector<16xf32>,
          %add3A_608 = arith.constant 4 : i32
          %add3A_609 = arith.addi %add3A_203, %add3A_608 : i32
          %get3A_610 = arith.index_cast %add3A_609 : i32 to index
          %get3A_611 = arith.constant 32 : index
          %get3A_612 = tpu.vector_load %arg9[%get3A_610, %get3A_611] {strides = array<i32>} : memref<128x128xf32, #tpu.memory_space<vmem>>, vector<16xf32>,
          %mul3A_613 = arith.mulf %get3A_612, %bitcast3A_585 : vector<16xf32>
          %add3A_614 = arith.constant 4 : i32
          %add3A_615 = arith.addi %add3A_203, %add3A_614 : i32
          %swap3A_616 = arith.index_cast %add3A_615 : i32 to index
          %swap3A_617 = arith.constant 32 : index
          %swap3A_618 = tpu.vector_load %arg9[%swap3A_616, %swap3A_617] {strides = array<i32>} : memref<128x128xf32, #tpu.memory_space<vmem>>, vector<16xf32>,
          tpu.vector_store %arg9[%swap3A_616, %swap3A_617], %mul3A_613 {strides = array<i32>} : memref<128x128xf32, #tpu.memory_space<vmem>>, vector<16xf32>,
          %add3A_619 = arith.constant 4 : i32
          %add3A_620 = arith.addi %add3A_203, %add3A_619 : i32
          %get3A_621 = arith.index_cast %add3A_620 : i32 to index
          %get3A_622 = arith.constant 48 : index
          %get3A_623 = tpu.vector_load %arg9[%get3A_621, %get3A_622] {strides = array<i32>} : memref<128x128xf32, #tpu.memory_space<vmem>>, vector<16xf32>,
          %mul3A_624 = arith.mulf %get3A_623, %bitcast3A_585 : vector<16xf32>
          %add3A_625 = arith.constant 4 : i32
          %add3A_626 = arith.addi %add3A_203, %add3A_625 : i32
          %swap3A_627 = arith.index_cast %add3A_626 : i32 to index
          %swap3A_628 = arith.constant 48 : index
          %swap3A_629 = tpu.vector_load %arg9[%swap3A_627, %swap3A_628] {strides = array<i32>} : memref<128x128xf32, #tpu.memory_space<vmem>>, vector<16xf32>,
          tpu.vector_store %arg9[%swap3A_627, %swap3A_628], %mul3A_624 {strides = array<i32>} : memref<128x128xf32, #tpu.memory_space<vmem>>, vector<16xf32>,
          %add3A_630 = arith.constant 4 : i32
          %add3A_631 = arith.addi %add3A_203, %add3A_630 : i32
          %get3A_632 = arith.index_cast %add3A_631 : i32 to index
          %get3A_633 = arith.constant 64 : index
          %get3A_634 = tpu.vector_load %arg9[%get3A_632, %get3A_633] {strides = array<i32>} : memref<128x128xf32, #tpu.memory_space<vmem>>, vector<16xf32>,
          %mul3A_635 = arith.mulf %get3A_634, %bitcast3A_585 : vector<16xf32>
          %add3A_636 = arith.constant 4 : i32
          %add3A_637 = arith.addi %add3A_203, %add3A_636 : i32
          %swap3A_638 = arith.index_cast %add3A_637 : i32 to index
          %swap3A_639 = arith.constant 64 : index
          %swap3A_640 = tpu.vector_load %arg9[%swap3A_638, %swap3A_639] {strides = array<i32>} : memref<128x128xf32, #tpu.memory_space<vmem>>, vector<16xf32>,
          tpu.vector_store %arg9[%swap3A_638, %swap3A_639], %mul3A_635 {strides = array<i32>} : memref<128x128xf32, #tpu.memory_space<vmem>>, vector<16xf32>,
          %add3A_641 = arith.constant 4 : i32
          %add3A_642 = arith.addi %add3A_203, %add3A_641 : i32
          %get3A_643 = arith.index_cast %add3A_642 : i32 to index
          %get3A_644 = arith.constant 80 : index
          %get3A_645 = tpu.vector_load %arg9[%get3A_643, %get3A_644] {strides = array<i32>} : memref<128x128xf32, #tpu.memory_space<vmem>>, vector<16xf32>,
          %mul3A_646 = arith.mulf %get3A_645, %bitcast3A_585 : vector<16xf32>
          %add3A_647 = arith.constant 4 : i32
          %add3A_648 = arith.addi %add3A_203, %add3A_647 : i32
          %swap3A_649 = arith.index_cast %add3A_648 : i32 to index
          %swap3A_650 = arith.constant 80 : index
          %swap3A_651 = tpu.vector_load %arg9[%swap3A_649, %swap3A_650] {strides = array<i32>} : memref<128x128xf32, #tpu.memory_space<vmem>>, vector<16xf32>,
          tpu.vector_store %arg9[%swap3A_649, %swap3A_650], %mul3A_646 {strides = array<i32>} : memref<128x128xf32, #tpu.memory_space<vmem>>, vector<16xf32>,
          %add3A_652 = arith.constant 4 : i32
          %add3A_653 = arith.addi %add3A_203, %add3A_652 : i32
          %get3A_654 = arith.index_cast %add3A_653 : i32 to index
          %get3A_655 = arith.constant 96 : index
          %get3A_656 = tpu.vector_load %arg9[%get3A_654, %get3A_655] {strides = array<i32>} : memref<128x128xf32, #tpu.memory_space<vmem>>, vector<16xf32>,
          %mul3A_657 = arith.mulf %get3A_656, %bitcast3A_585 : vector<16xf32>
          %add3A_658 = arith.constant 4 : i32
          %add3A_659 = arith.addi %add3A_203, %add3A_658 : i32
          %swap3A_660 = arith.index_cast %add3A_659 : i32 to index
          %swap3A_661 = arith.constant 96 : index
          %swap3A_662 = tpu.vector_load %arg9[%swap3A_660, %swap3A_661] {strides = array<i32>} : memref<128x128xf32, #tpu.memory_space<vmem>>, vector<16xf32>,
          tpu.vector_store %arg9[%swap3A_660, %swap3A_661], %mul3A_657 {strides = array<i32>} : memref<128x128xf32, #tpu.memory_space<vmem>>, vector<16xf32>,
          %add3A_663 = arith.constant 4 : i32
          %add3A_664 = arith.addi %add3A_203, %add3A_663 : i32
          %get3A_665 = arith.index_cast %add3A_664 : i32 to index
          %get3A_666 = arith.constant 112 : index
          %get3A_667 = tpu.vector_load %arg9[%get3A_665, %get3A_666] {strides = array<i32>} : memref<128x128xf32, #tpu.memory_space<vmem>>, vector<16xf32>,
          %mul3A_668 = arith.mulf %get3A_667, %bitcast3A_585 : vector<16xf32>
          %add3A_669 = arith.constant 4 : i32
          %add3A_670 = arith.addi %add3A_203, %add3A_669 : i32
          %swap3A_671 = arith.index_cast %add3A_670 : i32 to index
          %swap3A_672 = arith.constant 112 : index
          %swap3A_673 = tpu.vector_load %arg9[%swap3A_671, %swap3A_672] {strides = array<i32>} : memref<128x128xf32, #tpu.memory_space<vmem>>, vector<16xf32>,
          tpu.vector_store %arg9[%swap3A_671, %swap3A_672], %mul3A_668 {strides = array<i32>} : memref<128x128xf32, #tpu.memory_space<vmem>>, vector<16xf32>,
          %broadcast_in_dim3A_674 = arith.constant 2 : i32
          %broadcast_in_dim3A_675 = vector.broadcast %broadcast_in_dim3A_674 : i32 to vector<16xi32>
          %add3A_676 = arith.constant 5 : i32
          %add3A_677 = arith.addi %add3A_203, %add3A_676 : i32
          %broadcast_in_dim3A_678 = vector.broadcast %add3A_677 : i32 to vector<16xi32>
          %gather3A_679 = tpu.vector_load_idx %arg6[%broadcast_in_dim3A_675, %broadcast_in_dim3A_678] : memref<3x128xi32, #tpu.memory_space<vmem>>[vector<16xi32>, vector<16xi32>], vector<16xi32>,
          %bitcast3A_680 = vector.bitcast %gather3A_679 : vector<16xi32> to vector<16xf32>
          %add3A_681 = arith.constant 5 : i32
          %add3A_682 = arith.addi %add3A_203, %add3A_681 : i32
          %get3A_683 = arith.index_cast %add3A_682 : i32 to index
          %get3A_684 = arith.constant 0 : index
          %get3A_685 = tpu.vector_load %arg9[%get3A_683, %get3A_684] {strides = array<i32>} : memref<128x128xf32, #tpu.memory_space<vmem>>, vector<16xf32>,
          %mul3A_686 = arith.mulf %get3A_685, %bitcast3A_680 : vector<16xf32>
          %add3A_687 = arith.constant 5 : i32
          %add3A_688 = arith.addi %add3A_203, %add3A_687 : i32
          %swap3A_689 = arith.index_cast %add3A_688 : i32 to index
          %swap3A_690 = arith.constant 0 : index
          %swap3A_691 = tpu.vector_load %arg9[%swap3A_689, %swap3A_690] {strides = array<i32>} : memref<128x128xf32, #tpu.memory_space<vmem>>, vector<16xf32>,
          tpu.vector_store %arg9[%swap3A_689, %swap3A_690], %mul3A_686 {strides = array<i32>} : memref<128x128xf32, #tpu.memory_space<vmem>>, vector<16xf32>,
          %add3A_692 = arith.constant 5 : i32
          %add3A_693 = arith.addi %add3A_203, %add3A_692 : i32
          %get3A_694 = arith.index_cast %add3A_693 : i32 to index
          %get3A_695 = arith.constant 16 : index
          %get3A_696 = tpu.vector_load %arg9[%get3A_694, %get3A_695] {strides = array<i32>} : memref<128x128xf32, #tpu.memory_space<vmem>>, vector<16xf32>,
          %mul3A_697 = arith.mulf %get3A_696, %bitcast3A_680 : vector<16xf32>
          %add3A_698 = arith.constant 5 : i32
          %add3A_699 = arith.addi %add3A_203, %add3A_698 : i32
          %swap3A_700 = arith.index_cast %add3A_699 : i32 to index
          %swap3A_701 = arith.constant 16 : index
          %swap3A_702 = tpu.vector_load %arg9[%swap3A_700, %swap3A_701] {strides = array<i32>} : memref<128x128xf32, #tpu.memory_space<vmem>>, vector<16xf32>,
          tpu.vector_store %arg9[%swap3A_700, %swap3A_701], %mul3A_697 {strides = array<i32>} : memref<128x128xf32, #tpu.memory_space<vmem>>, vector<16xf32>,
          %add3A_703 = arith.constant 5 : i32
          %add3A_704 = arith.addi %add3A_203, %add3A_703 : i32
          %get3A_705 = arith.index_cast %add3A_704 : i32 to index
          %get3A_706 = arith.constant 32 : index
          %get3A_707 = tpu.vector_load %arg9[%get3A_705, %get3A_706] {strides = array<i32>} : memref<128x128xf32, #tpu.memory_space<vmem>>, vector<16xf32>,
          %mul3A_708 = arith.mulf %get3A_707, %bitcast3A_680 : vector<16xf32>
          %add3A_709 = arith.constant 5 : i32
          %add3A_710 = arith.addi %add3A_203, %add3A_709 : i32
          %swap3A_711 = arith.index_cast %add3A_710 : i32 to index
          %swap3A_712 = arith.constant 32 : index
          %swap3A_713 = tpu.vector_load %arg9[%swap3A_711, %swap3A_712] {strides = array<i32>} : memref<128x128xf32, #tpu.memory_space<vmem>>, vector<16xf32>,
          tpu.vector_store %arg9[%swap3A_711, %swap3A_712], %mul3A_708 {strides = array<i32>} : memref<128x128xf32, #tpu.memory_space<vmem>>, vector<16xf32>,
          %add3A_714 = arith.constant 5 : i32
          %add3A_715 = arith.addi %add3A_203, %add3A_714 : i32
          %get3A_716 = arith.index_cast %add3A_715 : i32 to index
          %get3A_717 = arith.constant 48 : index
          %get3A_718 = tpu.vector_load %arg9[%get3A_716, %get3A_717] {strides = array<i32>} : memref<128x128xf32, #tpu.memory_space<vmem>>, vector<16xf32>,
          %mul3A_719 = arith.mulf %get3A_718, %bitcast3A_680 : vector<16xf32>
          %add3A_720 = arith.constant 5 : i32
          %add3A_721 = arith.addi %add3A_203, %add3A_720 : i32
          %swap3A_722 = arith.index_cast %add3A_721 : i32 to index
          %swap3A_723 = arith.constant 48 : index
          %swap3A_724 = tpu.vector_load %arg9[%swap3A_722, %swap3A_723] {strides = array<i32>} : memref<128x128xf32, #tpu.memory_space<vmem>>, vector<16xf32>,
          tpu.vector_store %arg9[%swap3A_722, %swap3A_723], %mul3A_719 {strides = array<i32>} : memref<128x128xf32, #tpu.memory_space<vmem>>, vector<16xf32>,
          %add3A_725 = arith.constant 5 : i32
          %add3A_726 = arith.addi %add3A_203, %add3A_725 : i32
          %get3A_727 = arith.index_cast %add3A_726 : i32 to index
          %get3A_728 = arith.constant 64 : index
          %get3A_729 = tpu.vector_load %arg9[%get3A_727, %get3A_728] {strides = array<i32>} : memref<128x128xf32, #tpu.memory_space<vmem>>, vector<16xf32>,
          %mul3A_730 = arith.mulf %get3A_729, %bitcast3A_680 : vector<16xf32>
          %add3A_731 = arith.constant 5 : i32
          %add3A_732 = arith.addi %add3A_203, %add3A_731 : i32
          %swap3A_733 = arith.index_cast %add3A_732 : i32 to index
          %swap3A_734 = arith.constant 64 : index
          %swap3A_735 = tpu.vector_load %arg9[%swap3A_733, %swap3A_734] {strides = array<i32>} : memref<128x128xf32, #tpu.memory_space<vmem>>, vector<16xf32>,
          tpu.vector_store %arg9[%swap3A_733, %swap3A_734], %mul3A_730 {strides = array<i32>} : memref<128x128xf32, #tpu.memory_space<vmem>>, vector<16xf32>,
          %add3A_736 = arith.constant 5 : i32
          %add3A_737 = arith.addi %add3A_203, %add3A_736 : i32
          %get3A_738 = arith.index_cast %add3A_737 : i32 to index
          %get3A_739 = arith.constant 80 : index
          %get3A_740 = tpu.vector_load %arg9[%get3A_738, %get3A_739] {strides = array<i32>} : memref<128x128xf32, #tpu.memory_space<vmem>>, vector<16xf32>,
          %mul3A_741 = arith.mulf %get3A_740, %bitcast3A_680 : vector<16xf32>
          %add3A_742 = arith.constant 5 : i32
          %add3A_743 = arith.addi %add3A_203, %add3A_742 : i32
          %swap3A_744 = arith.index_cast %add3A_743 : i32 to index
          %swap3A_745 = arith.constant 80 : index
          %swap3A_746 = tpu.vector_load %arg9[%swap3A_744, %swap3A_745] {strides = array<i32>} : memref<128x128xf32, #tpu.memory_space<vmem>>, vector<16xf32>,
          tpu.vector_store %arg9[%swap3A_744, %swap3A_745], %mul3A_741 {strides = array<i32>} : memref<128x128xf32, #tpu.memory_space<vmem>>, vector<16xf32>,
          %add3A_747 = arith.constant 5 : i32
          %add3A_748 = arith.addi %add3A_203, %add3A_747 : i32
          %get3A_749 = arith.index_cast %add3A_748 : i32 to index
          %get3A_750 = arith.constant 96 : index
          %get3A_751 = tpu.vector_load %arg9[%get3A_749, %get3A_750] {strides = array<i32>} : memref<128x128xf32, #tpu.memory_space<vmem>>, vector<16xf32>,
          %mul3A_752 = arith.mulf %get3A_751, %bitcast3A_680 : vector<16xf32>
          %add3A_753 = arith.constant 5 : i32
          %add3A_754 = arith.addi %add3A_203, %add3A_753 : i32
          %swap3A_755 = arith.index_cast %add3A_754 : i32 to index
          %swap3A_756 = arith.constant 96 : index
          %swap3A_757 = tpu.vector_load %arg9[%swap3A_755, %swap3A_756] {strides = array<i32>} : memref<128x128xf32, #tpu.memory_space<vmem>>, vector<16xf32>,
          tpu.vector_store %arg9[%swap3A_755, %swap3A_756], %mul3A_752 {strides = array<i32>} : memref<128x128xf32, #tpu.memory_space<vmem>>, vector<16xf32>,
          %add3A_758 = arith.constant 5 : i32
          %add3A_759 = arith.addi %add3A_203, %add3A_758 : i32
          %get3A_760 = arith.index_cast %add3A_759 : i32 to index
          %get3A_761 = arith.constant 112 : index
          %get3A_762 = tpu.vector_load %arg9[%get3A_760, %get3A_761] {strides = array<i32>} : memref<128x128xf32, #tpu.memory_space<vmem>>, vector<16xf32>,
          %mul3A_763 = arith.mulf %get3A_762, %bitcast3A_680 : vector<16xf32>
          %add3A_764 = arith.constant 5 : i32
          %add3A_765 = arith.addi %add3A_203, %add3A_764 : i32
          %swap3A_766 = arith.index_cast %add3A_765 : i32 to index
          %swap3A_767 = arith.constant 112 : index
          %swap3A_768 = tpu.vector_load %arg9[%swap3A_766, %swap3A_767] {strides = array<i32>} : memref<128x128xf32, #tpu.memory_space<vmem>>, vector<16xf32>,
          tpu.vector_store %arg9[%swap3A_766, %swap3A_767], %mul3A_763 {strides = array<i32>} : memref<128x128xf32, #tpu.memory_space<vmem>>, vector<16xf32>,
          %broadcast_in_dim3A_769 = arith.constant 2 : i32
          %broadcast_in_dim3A_770 = vector.broadcast %broadcast_in_dim3A_769 : i32 to vector<16xi32>
          %add3A_771 = arith.constant 6 : i32
          %add3A_772 = arith.addi %add3A_203, %add3A_771 : i32
          %broadcast_in_dim3A_773 = vector.broadcast %add3A_772 : i32 to vector<16xi32>
          %gather3A_774 = tpu.vector_load_idx %arg6[%broadcast_in_dim3A_770, %broadcast_in_dim3A_773] : memref<3x128xi32, #tpu.memory_space<vmem>>[vector<16xi32>, vector<16xi32>], vector<16xi32>,
          %bitcast3A_775 = vector.bitcast %gather3A_774 : vector<16xi32> to vector<16xf32>
          %add3A_776 = arith.constant 6 : i32
          %add3A_777 = arith.addi %add3A_203, %add3A_776 : i32
          %get3A_778 = arith.index_cast %add3A_777 : i32 to index
          %get3A_779 = arith.constant 0 : index
          %get3A_780 = tpu.vector_load %arg9[%get3A_778, %get3A_779] {strides = array<i32>} : memref<128x128xf32, #tpu.memory_space<vmem>>, vector<16xf32>,
          %mul3A_781 = arith.mulf %get3A_780, %bitcast3A_775 : vector<16xf32>
          %add3A_782 = arith.constant 6 : i32
          %add3A_783 = arith.addi %add3A_203, %add3A_782 : i32
          %swap3A_784 = arith.index_cast %add3A_783 : i32 to index
          %swap3A_785 = arith.constant 0 : index
          %swap3A_786 = tpu.vector_load %arg9[%swap3A_784, %swap3A_785] {strides = array<i32>} : memref<128x128xf32, #tpu.memory_space<vmem>>, vector<16xf32>,
          tpu.vector_store %arg9[%swap3A_784, %swap3A_785], %mul3A_781 {strides = array<i32>} : memref<128x128xf32, #tpu.memory_space<vmem>>, vector<16xf32>,
          %add3A_787 = arith.constant 6 : i32
          %add3A_788 = arith.addi %add3A_203, %add3A_787 : i32
          %get3A_789 = arith.index_cast %add3A_788 : i32 to index
          %get3A_790 = arith.constant 16 : index
          %get3A_791 = tpu.vector_load %arg9[%get3A_789, %get3A_790] {strides = array<i32>} : memref<128x128xf32, #tpu.memory_space<vmem>>, vector<16xf32>,
          %mul3A_792 = arith.mulf %get3A_791, %bitcast3A_775 : vector<16xf32>
          %add3A_793 = arith.constant 6 : i32
          %add3A_794 = arith.addi %add3A_203, %add3A_793 : i32
          %swap3A_795 = arith.index_cast %add3A_794 : i32 to index
          %swap3A_796 = arith.constant 16 : index
          %swap3A_797 = tpu.vector_load %arg9[%swap3A_795, %swap3A_796] {strides = array<i32>} : memref<128x128xf32, #tpu.memory_space<vmem>>, vector<16xf32>,
          tpu.vector_store %arg9[%swap3A_795, %swap3A_796], %mul3A_792 {strides = array<i32>} : memref<128x128xf32, #tpu.memory_space<vmem>>, vector<16xf32>,
          %add3A_798 = arith.constant 6 : i32
          %add3A_799 = arith.addi %add3A_203, %add3A_798 : i32
          %get3A_800 = arith.index_cast %add3A_799 : i32 to index
          %get3A_801 = arith.constant 32 : index
          %get3A_802 = tpu.vector_load %arg9[%get3A_800, %get3A_801] {strides = array<i32>} : memref<128x128xf32, #tpu.memory_space<vmem>>, vector<16xf32>,
          %mul3A_803 = arith.mulf %get3A_802, %bitcast3A_775 : vector<16xf32>
          %add3A_804 = arith.constant 6 : i32
          %add3A_805 = arith.addi %add3A_203, %add3A_804 : i32
          %swap3A_806 = arith.index_cast %add3A_805 : i32 to index
          %swap3A_807 = arith.constant 32 : index
          %swap3A_808 = tpu.vector_load %arg9[%swap3A_806, %swap3A_807] {strides = array<i32>} : memref<128x128xf32, #tpu.memory_space<vmem>>, vector<16xf32>,
          tpu.vector_store %arg9[%swap3A_806, %swap3A_807], %mul3A_803 {strides = array<i32>} : memref<128x128xf32, #tpu.memory_space<vmem>>, vector<16xf32>,
          %add3A_809 = arith.constant 6 : i32
          %add3A_810 = arith.addi %add3A_203, %add3A_809 : i32
          %get3A_811 = arith.index_cast %add3A_810 : i32 to index
          %get3A_812 = arith.constant 48 : index
          %get3A_813 = tpu.vector_load %arg9[%get3A_811, %get3A_812] {strides = array<i32>} : memref<128x128xf32, #tpu.memory_space<vmem>>, vector<16xf32>,
          %mul3A_814 = arith.mulf %get3A_813, %bitcast3A_775 : vector<16xf32>
          %add3A_815 = arith.constant 6 : i32
          %add3A_816 = arith.addi %add3A_203, %add3A_815 : i32
          %swap3A_817 = arith.index_cast %add3A_816 : i32 to index
          %swap3A_818 = arith.constant 48 : index
          %swap3A_819 = tpu.vector_load %arg9[%swap3A_817, %swap3A_818] {strides = array<i32>} : memref<128x128xf32, #tpu.memory_space<vmem>>, vector<16xf32>,
          tpu.vector_store %arg9[%swap3A_817, %swap3A_818], %mul3A_814 {strides = array<i32>} : memref<128x128xf32, #tpu.memory_space<vmem>>, vector<16xf32>,
          %add3A_820 = arith.constant 6 : i32
          %add3A_821 = arith.addi %add3A_203, %add3A_820 : i32
          %get3A_822 = arith.index_cast %add3A_821 : i32 to index
          %get3A_823 = arith.constant 64 : index
          %get3A_824 = tpu.vector_load %arg9[%get3A_822, %get3A_823] {strides = array<i32>} : memref<128x128xf32, #tpu.memory_space<vmem>>, vector<16xf32>,
          %mul3A_825 = arith.mulf %get3A_824, %bitcast3A_775 : vector<16xf32>
          %add3A_826 = arith.constant 6 : i32
          %add3A_827 = arith.addi %add3A_203, %add3A_826 : i32
          %swap3A_828 = arith.index_cast %add3A_827 : i32 to index
          %swap3A_829 = arith.constant 64 : index
          %swap3A_830 = tpu.vector_load %arg9[%swap3A_828, %swap3A_829] {strides = array<i32>} : memref<128x128xf32, #tpu.memory_space<vmem>>, vector<16xf32>,
          tpu.vector_store %arg9[%swap3A_828, %swap3A_829], %mul3A_825 {strides = array<i32>} : memref<128x128xf32, #tpu.memory_space<vmem>>, vector<16xf32>,
          %add3A_831 = arith.constant 6 : i32
          %add3A_832 = arith.addi %add3A_203, %add3A_831 : i32
          %get3A_833 = arith.index_cast %add3A_832 : i32 to index
          %get3A_834 = arith.constant 80 : index
          %get3A_835 = tpu.vector_load %arg9[%get3A_833, %get3A_834] {strides = array<i32>} : memref<128x128xf32, #tpu.memory_space<vmem>>, vector<16xf32>,
          %mul3A_836 = arith.mulf %get3A_835, %bitcast3A_775 : vector<16xf32>
          %add3A_837 = arith.constant 6 : i32
          %add3A_838 = arith.addi %add3A_203, %add3A_837 : i32
          %swap3A_839 = arith.index_cast %add3A_838 : i32 to index
          %swap3A_840 = arith.constant 80 : index
          %swap3A_841 = tpu.vector_load %arg9[%swap3A_839, %swap3A_840] {strides = array<i32>} : memref<128x128xf32, #tpu.memory_space<vmem>>, vector<16xf32>,
          tpu.vector_store %arg9[%swap3A_839, %swap3A_840], %mul3A_836 {strides = array<i32>} : memref<128x128xf32, #tpu.memory_space<vmem>>, vector<16xf32>,
          %add3A_842 = arith.constant 6 : i32
          %add3A_843 = arith.addi %add3A_203, %add3A_842 : i32
          %get3A_844 = arith.index_cast %add3A_843 : i32 to index
          %get3A_845 = arith.constant 96 : index
          %get3A_846 = tpu.vector_load %arg9[%get3A_844, %get3A_845] {strides = array<i32>} : memref<128x128xf32, #tpu.memory_space<vmem>>, vector<16xf32>,
          %mul3A_847 = arith.mulf %get3A_846, %bitcast3A_775 : vector<16xf32>
          %add3A_848 = arith.constant 6 : i32
          %add3A_849 = arith.addi %add3A_203, %add3A_848 : i32
          %swap3A_850 = arith.index_cast %add3A_849 : i32 to index
          %swap3A_851 = arith.constant 96 : index
          %swap3A_852 = tpu.vector_load %arg9[%swap3A_850, %swap3A_851] {strides = array<i32>} : memref<128x128xf32, #tpu.memory_space<vmem>>, vector<16xf32>,
          tpu.vector_store %arg9[%swap3A_850, %swap3A_851], %mul3A_847 {strides = array<i32>} : memref<128x128xf32, #tpu.memory_space<vmem>>, vector<16xf32>,
          %add3A_853 = arith.constant 6 : i32
          %add3A_854 = arith.addi %add3A_203, %add3A_853 : i32
          %get3A_855 = arith.index_cast %add3A_854 : i32 to index
          %get3A_856 = arith.constant 112 : index
          %get3A_857 = tpu.vector_load %arg9[%get3A_855, %get3A_856] {strides = array<i32>} : memref<128x128xf32, #tpu.memory_space<vmem>>, vector<16xf32>,
          %mul3A_858 = arith.mulf %get3A_857, %bitcast3A_775 : vector<16xf32>
          %add3A_859 = arith.constant 6 : i32
          %add3A_860 = arith.addi %add3A_203, %add3A_859 : i32
          %swap3A_861 = arith.index_cast %add3A_860 : i32 to index
          %swap3A_862 = arith.constant 112 : index
          %swap3A_863 = tpu.vector_load %arg9[%swap3A_861, %swap3A_862] {strides = array<i32>} : memref<128x128xf32, #tpu.memory_space<vmem>>, vector<16xf32>,
          tpu.vector_store %arg9[%swap3A_861, %swap3A_862], %mul3A_858 {strides = array<i32>} : memref<128x128xf32, #tpu.memory_space<vmem>>, vector<16xf32>,
          %broadcast_in_dim3A_864 = arith.constant 2 : i32
          %broadcast_in_dim3A_865 = vector.broadcast %broadcast_in_dim3A_864 : i32 to vector<16xi32>
          %add3A_866 = arith.constant 7 : i32
          %add3A_867 = arith.addi %add3A_203, %add3A_866 : i32
          %broadcast_in_dim3A_868 = vector.broadcast %add3A_867 : i32 to vector<16xi32>
          %gather3A_869 = tpu.vector_load_idx %arg6[%broadcast_in_dim3A_865, %broadcast_in_dim3A_868] : memref<3x128xi32, #tpu.memory_space<vmem>>[vector<16xi32>, vector<16xi32>], vector<16xi32>,
          %bitcast3A_870 = vector.bitcast %gather3A_869 : vector<16xi32> to vector<16xf32>
          %add3A_871 = arith.constant 7 : i32
          %add3A_872 = arith.addi %add3A_203, %add3A_871 : i32
          %get3A_873 = arith.index_cast %add3A_872 : i32 to index
          %get3A_874 = arith.constant 0 : index
          %get3A_875 = tpu.vector_load %arg9[%get3A_873, %get3A_874] {strides = array<i32>} : memref<128x128xf32, #tpu.memory_space<vmem>>, vector<16xf32>,
          %mul3A_876 = arith.mulf %get3A_875, %bitcast3A_870 : vector<16xf32>
          %add3A_877 = arith.constant 7 : i32
          %add3A_878 = arith.addi %add3A_203, %add3A_877 : i32
          %swap3A_879 = arith.index_cast %add3A_878 : i32 to index
          %swap3A_880 = arith.constant 0 : index
          %swap3A_881 = tpu.vector_load %arg9[%swap3A_879, %swap3A_880] {strides = array<i32>} : memref<128x128xf32, #tpu.memory_space<vmem>>, vector<16xf32>,
          tpu.vector_store %arg9[%swap3A_879, %swap3A_880], %mul3A_876 {strides = array<i32>} : memref<128x128xf32, #tpu.memory_space<vmem>>, vector<16xf32>,
          %add3A_882 = arith.constant 7 : i32
          %add3A_883 = arith.addi %add3A_203, %add3A_882 : i32
          %get3A_884 = arith.index_cast %add3A_883 : i32 to index
          %get3A_885 = arith.constant 16 : index
          %get3A_886 = tpu.vector_load %arg9[%get3A_884, %get3A_885] {strides = array<i32>} : memref<128x128xf32, #tpu.memory_space<vmem>>, vector<16xf32>,
          %mul3A_887 = arith.mulf %get3A_886, %bitcast3A_870 : vector<16xf32>
          %add3A_888 = arith.constant 7 : i32
          %add3A_889 = arith.addi %add3A_203, %add3A_888 : i32
          %swap3A_890 = arith.index_cast %add3A_889 : i32 to index
          %swap3A_891 = arith.constant 16 : index
          %swap3A_892 = tpu.vector_load %arg9[%swap3A_890, %swap3A_891] {strides = array<i32>} : memref<128x128xf32, #tpu.memory_space<vmem>>, vector<16xf32>,
          tpu.vector_store %arg9[%swap3A_890, %swap3A_891], %mul3A_887 {strides = array<i32>} : memref<128x128xf32, #tpu.memory_space<vmem>>, vector<16xf32>,
          %add3A_893 = arith.constant 7 : i32
          %add3A_894 = arith.addi %add3A_203, %add3A_893 : i32
          %get3A_895 = arith.index_cast %add3A_894 : i32 to index
          %get3A_896 = arith.constant 32 : index
          %get3A_897 = tpu.vector_load %arg9[%get3A_895, %get3A_896] {strides = array<i32>} : memref<128x128xf32, #tpu.memory_space<vmem>>, vector<16xf32>,
          %mul3A_898 = arith.mulf %get3A_897, %bitcast3A_870 : vector<16xf32>
          %add3A_899 = arith.constant 7 : i32
          %add3A_900 = arith.addi %add3A_203, %add3A_899 : i32
          %swap3A_901 = arith.index_cast %add3A_900 : i32 to index
          %swap3A_902 = arith.constant 32 : index
          %swap3A_903 = tpu.vector_load %arg9[%swap3A_901, %swap3A_902] {strides = array<i32>} : memref<128x128xf32, #tpu.memory_space<vmem>>, vector<16xf32>,
          tpu.vector_store %arg9[%swap3A_901, %swap3A_902], %mul3A_898 {strides = array<i32>} : memref<128x128xf32, #tpu.memory_space<vmem>>, vector<16xf32>,
          %add3A_904 = arith.constant 7 : i32
          %add3A_905 = arith.addi %add3A_203, %add3A_904 : i32
          %get3A_906 = arith.index_cast %add3A_905 : i32 to index
          %get3A_907 = arith.constant 48 : index
          %get3A_908 = tpu.vector_load %arg9[%get3A_906, %get3A_907] {strides = array<i32>} : memref<128x128xf32, #tpu.memory_space<vmem>>, vector<16xf32>,
          %mul3A_909 = arith.mulf %get3A_908, %bitcast3A_870 : vector<16xf32>
          %add3A_910 = arith.constant 7 : i32
          %add3A_911 = arith.addi %add3A_203, %add3A_910 : i32
          %swap3A_912 = arith.index_cast %add3A_911 : i32 to index
          %swap3A_913 = arith.constant 48 : index
          %swap3A_914 = tpu.vector_load %arg9[%swap3A_912, %swap3A_913] {strides = array<i32>} : memref<128x128xf32, #tpu.memory_space<vmem>>, vector<16xf32>,
          tpu.vector_store %arg9[%swap3A_912, %swap3A_913], %mul3A_909 {strides = array<i32>} : memref<128x128xf32, #tpu.memory_space<vmem>>, vector<16xf32>,
          %add3A_915 = arith.constant 7 : i32
          %add3A_916 = arith.addi %add3A_203, %add3A_915 : i32
          %get3A_917 = arith.index_cast %add3A_916 : i32 to index
          %get3A_918 = arith.constant 64 : index
          %get3A_919 = tpu.vector_load %arg9[%get3A_917, %get3A_918] {strides = array<i32>} : memref<128x128xf32, #tpu.memory_space<vmem>>, vector<16xf32>,
          %mul3A_920 = arith.mulf %get3A_919, %bitcast3A_870 : vector<16xf32>
          %add3A_921 = arith.constant 7 : i32
          %add3A_922 = arith.addi %add3A_203, %add3A_921 : i32
          %swap3A_923 = arith.index_cast %add3A_922 : i32 to index
          %swap3A_924 = arith.constant 64 : index
          %swap3A_925 = tpu.vector_load %arg9[%swap3A_923, %swap3A_924] {strides = array<i32>} : memref<128x128xf32, #tpu.memory_space<vmem>>, vector<16xf32>,
          tpu.vector_store %arg9[%swap3A_923, %swap3A_924], %mul3A_920 {strides = array<i32>} : memref<128x128xf32, #tpu.memory_space<vmem>>, vector<16xf32>,
          %add3A_926 = arith.constant 7 : i32
          %add3A_927 = arith.addi %add3A_203, %add3A_926 : i32
          %get3A_928 = arith.index_cast %add3A_927 : i32 to index
          %get3A_929 = arith.constant 80 : index
          %get3A_930 = tpu.vector_load %arg9[%get3A_928, %get3A_929] {strides = array<i32>} : memref<128x128xf32, #tpu.memory_space<vmem>>, vector<16xf32>,
          %mul3A_931 = arith.mulf %get3A_930, %bitcast3A_870 : vector<16xf32>
          %add3A_932 = arith.constant 7 : i32
          %add3A_933 = arith.addi %add3A_203, %add3A_932 : i32
          %swap3A_934 = arith.index_cast %add3A_933 : i32 to index
          %swap3A_935 = arith.constant 80 : index
          %swap3A_936 = tpu.vector_load %arg9[%swap3A_934, %swap3A_935] {strides = array<i32>} : memref<128x128xf32, #tpu.memory_space<vmem>>, vector<16xf32>,
          tpu.vector_store %arg9[%swap3A_934, %swap3A_935], %mul3A_931 {strides = array<i32>} : memref<128x128xf32, #tpu.memory_space<vmem>>, vector<16xf32>,
          %add3A_937 = arith.constant 7 : i32
          %add3A_938 = arith.addi %add3A_203, %add3A_937 : i32
          %get3A_939 = arith.index_cast %add3A_938 : i32 to index
          %get3A_940 = arith.constant 96 : index
          %get3A_941 = tpu.vector_load %arg9[%get3A_939, %get3A_940] {strides = array<i32>} : memref<128x128xf32, #tpu.memory_space<vmem>>, vector<16xf32>,
          %mul3A_942 = arith.mulf %get3A_941, %bitcast3A_870 : vector<16xf32>
          %add3A_943 = arith.constant 7 : i32
          %add3A_944 = arith.addi %add3A_203, %add3A_943 : i32
          %swap3A_945 = arith.index_cast %add3A_944 : i32 to index
          %swap3A_946 = arith.constant 96 : index
          %swap3A_947 = tpu.vector_load %arg9[%swap3A_945, %swap3A_946] {strides = array<i32>} : memref<128x128xf32, #tpu.memory_space<vmem>>, vector<16xf32>,
          tpu.vector_store %arg9[%swap3A_945, %swap3A_946], %mul3A_942 {strides = array<i32>} : memref<128x128xf32, #tpu.memory_space<vmem>>, vector<16xf32>,
          %add3A_948 = arith.constant 7 : i32
          %add3A_949 = arith.addi %add3A_203, %add3A_948 : i32
          %get3A_950 = arith.index_cast %add3A_949 : i32 to index
          %get3A_951 = arith.constant 112 : index
          %get3A_952 = tpu.vector_load %arg9[%get3A_950, %get3A_951] {strides = array<i32>} : memref<128x128xf32, #tpu.memory_space<vmem>>, vector<16xf32>,
          %mul3A_953 = arith.mulf %get3A_952, %bitcast3A_870 : vector<16xf32>
          %add3A_954 = arith.constant 7 : i32
          %add3A_955 = arith.addi %add3A_203, %add3A_954 : i32
          %swap3A_956 = arith.index_cast %add3A_955 : i32 to index
          %swap3A_957 = arith.constant 112 : index
          %swap3A_958 = tpu.vector_load %arg9[%swap3A_956, %swap3A_957] {strides = array<i32>} : memref<128x128xf32, #tpu.memory_space<vmem>>, vector<16xf32>,
          tpu.vector_store %arg9[%swap3A_956, %swap3A_957], %mul3A_953 {strides = array<i32>} : memref<128x128xf32, #tpu.memory_space<vmem>>, vector<16xf32>,
        }
        %scan3A_191 = arith.constant 16 : i32
        %dma_start3A_192 = arith.constant 1 : i32
        %dma_start3A_193 = arith.constant 0 : i32
        %dma_start3A_194 = tpu.memref_slice %arg6[%dma_start3A_192, %dma_start3A_193] : memref<3x128xi32, #tpu.memory_space<vmem>> -> memref<1x128xi32, #tpu.memory_space<vmem>>
        %dma_start3A_195 = tpu.memref_squeeze %dma_start3A_194 : memref<1x128xi32, #tpu.memory_space<vmem>> -> memref<128xi32, #tpu.memory_space<vmem>>
        %dma_start3A_196 = arith.constant 0 : i32
        %dma_start3A_197 = arith.constant 0 : i32
        %dma_start3A_198 = tpu.memref_slice %arg11[%dma_start3A_196, %dma_start3A_197] : memref<10000x128xf32, #tpu.memory_space<vmem_shared>> -> memref<10000x128xf32, #tpu.memory_space<vmem_shared>>
        tpu.enqueue_indirect_dma source(%arg9 : memref<128x128xf32, #tpu.memory_space<vmem>>) target(%dma_start3A_198 : memref<10000x128xf32, #tpu.memory_space<vmem_shared>>) offsets(%dma_start3A_195 : memref<128xi32, #tpu.memory_space<vmem>>) semaphore(%arg19 : memref<!tpu.dma_semaphore, #tpu.memory_space<semaphore_mem>>) {add = true}
      } else {
      }
      %ge3A_129 = arith.constant 1 : i32
      %ge3A_130 = arith.cmpi sge, %add3A_113, %ge3A_129 : i32
      %sub3A_131 = arith.constant 16 : i32
      %sub3A_132 = arith.subi %add3A_116, %sub3A_131 : i32
      %lt3A_133 = arith.constant 1250 : i32
      %lt3A_134 = arith.cmpi slt, %sub3A_132, %lt3A_133 : i32
      %and3A_135 = arith.andi %ge3A_130, %lt3A_134 : i1
      %convert_element_type3A_136 = arith.extui %and3A_135 : i1 to i32
      %cond3A_137 = arith.constant 0 : i32
      %cond3A_138 = arith.cmpi ne, %convert_element_type3A_136, %cond3A_137 : i32
      scf.if %cond3A_138 {
        %dma_wait3A_180 = arith.constant 1 : i32
        %dma_wait3A_181 = arith.constant 0 : i32
        %dma_wait3A_182 = tpu.memref_slice %arg5[%dma_wait3A_180, %dma_wait3A_181] : memref<3x128xi32, #tpu.memory_space<vmem>> -> memref<1x128xi32, #tpu.memory_space<vmem>>
        %dma_wait3A_183 = tpu.memref_squeeze %dma_wait3A_182 : memref<1x128xi32, #tpu.memory_space<vmem>> -> memref<128xi32, #tpu.memory_space<vmem>>
        %dma_wait3A_184 = arith.constant 0 : i32
        %dma_wait3A_185 = arith.constant 0 : i32
        %dma_wait3A_186 = tpu.memref_slice %arg11[%dma_wait3A_184, %dma_wait3A_185] : memref<10000x128xf32, #tpu.memory_space<vmem_shared>> -> memref<10000x128xf32, #tpu.memory_space<vmem_shared>>
        tpu.wait_indirect_dma semaphore(%arg18 : memref<!tpu.dma_semaphore, #tpu.memory_space<semaphore_mem>>) src(%arg8 : memref<128x128xf32, #tpu.memory_space<vmem>>) dst(%dma_wait3A_186 : memref<10000x128xf32, #tpu.memory_space<vmem_shared>>)
      } else {
      }
      %add3A_139 = arith.constant 32 : i32
      %add3A_140 = arith.addi %add3A_116, %add3A_139 : i32
      %lt3A_141 = arith.constant 1250 : i32
      %lt3A_142 = arith.cmpi slt, %add3A_140, %lt3A_141 : i32
      %convert_element_type3A_143 = arith.extui %lt3A_142 : i1 to i32
      %cond3A_144 = arith.constant 0 : i32
      %cond3A_145 = arith.cmpi ne, %convert_element_type3A_143, %cond3A_144 : i32
      scf.if %cond3A_145 {
        %add3A_180 = arith.constant 32 : i32
        %add3A_181 = arith.addi %add3A_116, %add3A_180 : i32
        %mul3A_182 = arith.constant 1250 : i32
        %mul3A_183 = arith.muli %arg0, %mul3A_182 : i32
        %add3A_184 = arith.addi %mul3A_183, %add3A_181 : i32
        %dma_start3A_185 = arith.constant 0 : i32
        %dma_start3A_186 = arith.constant 0 : i32
        %dma_start3A_187 = tpu.memref_slice %arg3[%add3A_184, %dma_start3A_185, %dma_start3A_186] : memref<2500x3x128xi32, #tpu.memory_space<hbm>> -> memref<1x3x128xi32, #tpu.memory_space<hbm>>
        %dma_start3A_188 = tpu.memref_squeeze %dma_start3A_187 : memref<1x3x128xi32, #tpu.memory_space<hbm>> -> memref<3x128xi32, #tpu.memory_space<hbm>>
        %dma_start3A_189 = arith.constant 0 : i32
        %dma_start3A_190 = arith.constant 0 : i32
        %dma_start3A_191 = tpu.memref_slice %arg3[%add3A_184, %dma_start3A_189, %dma_start3A_190] : memref<2500x3x128xi32, #tpu.memory_space<hbm>> -> memref<1x3x128xi32, #tpu.memory_space<hbm>>
        %dma_start3A_192 = tpu.memref_squeeze %dma_start3A_191 : memref<1x3x128xi32, #tpu.memory_space<hbm>> -> memref<3x128xi32, #tpu.memory_space<hbm>>
        tpu.enqueue_dma source(%dma_start3A_192 : memref<3x128xi32, #tpu.memory_space<hbm>>) target(%arg5 : memref<3x128xi32, #tpu.memory_space<vmem>>) target_semaphore(%arg12 : memref<!tpu.dma_semaphore, #tpu.memory_space<semaphore_mem>>)
      } else {
      }
      %add3A_146 = arith.constant 2 : i32
      %add3A_147 = arith.addi %add3A_81, %add3A_146 : i32
      %mul3A_148 = arith.constant 16 : i32
      %mul3A_149 = arith.muli %add3A_147, %mul3A_148 : i32
      %add3A_150 = arith.addi %mul3A_149, %arg1 : i32
      %add3A_151 = arith.constant 16 : i32
      %add3A_152 = arith.addi %add3A_150, %add3A_151 : i32
      %lt3A_153 = arith.constant 1250 : i32
      %lt3A_154 = arith.cmpi slt, %add3A_152, %lt3A_153 : i32
      %convert_element_type3A_155 = arith.extui %lt3A_154 : i1 to i32
      %cond3A_156 = arith.constant 0 : i32
      %cond3A_157 = arith.cmpi ne, %convert_element_type3A_155, %cond3A_156 : i32
      scf.if %cond3A_157 {
        %add3A_180 = arith.constant 16 : i32
        %add3A_181 = arith.addi %add3A_150, %add3A_180 : i32
        %mul3A_182 = arith.constant 1250 : i32
        %mul3A_183 = arith.muli %arg0, %mul3A_182 : i32
        %add3A_184 = arith.addi %mul3A_183, %add3A_181 : i32
        %dma_wait3A_185 = arith.constant 0 : i32
        %dma_wait3A_186 = arith.constant 0 : i32
        %dma_wait3A_187 = tpu.memref_slice %arg3[%add3A_184, %dma_wait3A_185, %dma_wait3A_186] : memref<2500x3x128xi32, #tpu.memory_space<hbm>> -> memref<1x3x128xi32, #tpu.memory_space<hbm>>
        %dma_wait3A_188 = tpu.memref_squeeze %dma_wait3A_187 : memref<1x3x128xi32, #tpu.memory_space<hbm>> -> memref<3x128xi32, #tpu.memory_space<hbm>>
        %dma_wait3A_189 = arith.constant 0 : i32
        %dma_wait3A_190 = arith.constant 0 : i32
        %dma_wait3A_191 = tpu.memref_slice %arg3[%add3A_184, %dma_wait3A_189, %dma_wait3A_190] : memref<2500x3x128xi32, #tpu.memory_space<hbm>> -> memref<1x3x128xi32, #tpu.memory_space<hbm>>
        %dma_wait3A_192 = tpu.memref_squeeze %dma_wait3A_191 : memref<1x3x128xi32, #tpu.memory_space<hbm>> -> memref<3x128xi32, #tpu.memory_space<hbm>>
        tpu.wait_dma2 semaphore(%arg12 : memref<!tpu.dma_semaphore, #tpu.memory_space<semaphore_mem>>) src(%dma_wait3A_192 : memref<3x128xi32, #tpu.memory_space<hbm>>) dst(%arg5 : memref<3x128xi32, #tpu.memory_space<vmem>>)
        %dma_start3A_193 = arith.constant 0 : i32
        %dma_start3A_194 = arith.constant 0 : i32
        %dma_start3A_195 = tpu.memref_slice %arg5[%dma_start3A_193, %dma_start3A_194] : memref<3x128xi32, #tpu.memory_space<vmem>> -> memref<1x128xi32, #tpu.memory_space<vmem>>
        %dma_start3A_196 = tpu.memref_squeeze %dma_start3A_195 : memref<1x128xi32, #tpu.memory_space<vmem>> -> memref<128xi32, #tpu.memory_space<vmem>>
        %dma_start3A_197 = arith.constant 0 : i32
        %dma_start3A_198 = arith.constant 0 : i32
        %dma_start3A_199 = tpu.memref_slice %arg2[%dma_start3A_197, %dma_start3A_198] : memref<10000x128xf32, #tpu.memory_space<hbm>> -> memref<10000x128xf32, #tpu.memory_space<hbm>>
        tpu.enqueue_indirect_dma source(%dma_start3A_199 : memref<10000x128xf32, #tpu.memory_space<hbm>>) target(%arg8 : memref<128x128xf32, #tpu.memory_space<vmem>>) offsets(%dma_start3A_196 : memref<128xi32, #tpu.memory_space<vmem>>) semaphore(%arg15 : memref<!tpu.dma_semaphore, #tpu.memory_space<semaphore_mem>>)
      } else {
      }
      %lt3A_158 = arith.constant 1250 : i32
      %lt3A_159 = arith.cmpi slt, %add3A_150, %lt3A_158 : i32
      %convert_element_type3A_160 = arith.extui %lt3A_159 : i1 to i32
      %cond3A_161 = arith.constant 0 : i32
      %cond3A_162 = arith.cmpi ne, %convert_element_type3A_160, %cond3A_161 : i32
      scf.if %cond3A_162 {
        %dma_wait3A_180 = arith.constant 0 : i32
        %dma_wait3A_181 = arith.constant 0 : i32
        %dma_wait3A_182 = tpu.memref_slice %arg7[%dma_wait3A_180, %dma_wait3A_181] : memref<3x128xi32, #tpu.memory_space<vmem>> -> memref<1x128xi32, #tpu.memory_space<vmem>>
        %dma_wait3A_183 = tpu.memref_squeeze %dma_wait3A_182 : memref<1x128xi32, #tpu.memory_space<vmem>> -> memref<128xi32, #tpu.memory_space<vmem>>
        %dma_wait3A_184 = arith.constant 0 : i32
        %dma_wait3A_185 = arith.constant 0 : i32
        %dma_wait3A_186 = tpu.memref_slice %arg2[%dma_wait3A_184, %dma_wait3A_185] : memref<10000x128xf32, #tpu.memory_space<hbm>> -> memref<10000x128xf32, #tpu.memory_space<hbm>>
        tpu.wait_indirect_dma semaphore(%arg17 : memref<!tpu.dma_semaphore, #tpu.memory_space<semaphore_mem>>) src(%dma_wait3A_186 : memref<10000x128xf32, #tpu.memory_space<hbm>>) dst(%arg10 : memref<128x128xf32, #tpu.memory_space<vmem>>)
        %scan3A_187 = arith.constant 0 : i32
        %scan3A_188 = arith.constant 16 : i32
        %scan3A_189 = arith.addi %scan3A_187, %scan3A_188 : i32
        %scan3A_190 = arith.constant 1 : i32
        scf.for %scan3A_199 = %scan3A_187 to %scan3A_189 step %scan3A_190  : i32 {
          %mul3A_200 = arith.constant 8 : i32
          %mul3A_201 = arith.muli %scan3A_199, %mul3A_200 : i32
          %add3A_202 = arith.constant 0 : i32
          %add3A_203 = arith.addi %add3A_202, %mul3A_201 : i32
          %broadcast_in_dim3A = arith.constant 2 : i32
          %broadcast_in_dim3A_204 = vector.broadcast %broadcast_in_dim3A : i32 to vector<16xi32>
          %add3A_205 = arith.constant 0 : i32
          %add3A_206 = arith.addi %add3A_203, %add3A_205 : i32
          %broadcast_in_dim3A_207 = vector.broadcast %add3A_206 : i32 to vector<16xi32>
          %gather3A = tpu.vector_load_idx %arg7[%broadcast_in_dim3A_204, %broadcast_in_dim3A_207] : memref<3x128xi32, #tpu.memory_space<vmem>>[vector<16xi32>, vector<16xi32>], vector<16xi32>,
          %bitcast3A = vector.bitcast %gather3A : vector<16xi32> to vector<16xf32>
          %add3A_208 = arith.constant 0 : i32
          %add3A_209 = arith.addi %add3A_203, %add3A_208 : i32
          %get3A = arith.index_cast %add3A_209 : i32 to index
          %get3A_210 = arith.constant 0 : index
          %get3A_211 = tpu.vector_load %arg10[%get3A, %get3A_210] {strides = array<i32>} : memref<128x128xf32, #tpu.memory_space<vmem>>, vector<16xf32>,
          %mul3A_212 = arith.mulf %get3A_211, %bitcast3A : vector<16xf32>
          %add3A_213 = arith.constant 0 : i32
          %add3A_214 = arith.addi %add3A_203, %add3A_213 : i32
          %swap3A = arith.index_cast %add3A_214 : i32 to index
          %swap3A_215 = arith.constant 0 : index
          %swap3A_216 = tpu.vector_load %arg10[%swap3A, %swap3A_215] {strides = array<i32>} : memref<128x128xf32, #tpu.memory_space<vmem>>, vector<16xf32>,
          tpu.vector_store %arg10[%swap3A, %swap3A_215], %mul3A_212 {strides = array<i32>} : memref<128x128xf32, #tpu.memory_space<vmem>>, vector<16xf32>,
          %add3A_217 = arith.constant 0 : i32
          %add3A_218 = arith.addi %add3A_203, %add3A_217 : i32
          %get3A_219 = arith.index_cast %add3A_218 : i32 to index
          %get3A_220 = arith.constant 16 : index
          %get3A_221 = tpu.vector_load %arg10[%get3A_219, %get3A_220] {strides = array<i32>} : memref<128x128xf32, #tpu.memory_space<vmem>>, vector<16xf32>,
          %mul3A_222 = arith.mulf %get3A_221, %bitcast3A : vector<16xf32>
          %add3A_223 = arith.constant 0 : i32
          %add3A_224 = arith.addi %add3A_203, %add3A_223 : i32
          %swap3A_225 = arith.index_cast %add3A_224 : i32 to index
          %swap3A_226 = arith.constant 16 : index
          %swap3A_227 = tpu.vector_load %arg10[%swap3A_225, %swap3A_226] {strides = array<i32>} : memref<128x128xf32, #tpu.memory_space<vmem>>, vector<16xf32>,
          tpu.vector_store %arg10[%swap3A_225, %swap3A_226], %mul3A_222 {strides = array<i32>} : memref<128x128xf32, #tpu.memory_space<vmem>>, vector<16xf32>,
          %add3A_228 = arith.constant 0 : i32
          %add3A_229 = arith.addi %add3A_203, %add3A_228 : i32
          %get3A_230 = arith.index_cast %add3A_229 : i32 to index
          %get3A_231 = arith.constant 32 : index
          %get3A_232 = tpu.vector_load %arg10[%get3A_230, %get3A_231] {strides = array<i32>} : memref<128x128xf32, #tpu.memory_space<vmem>>, vector<16xf32>,
          %mul3A_233 = arith.mulf %get3A_232, %bitcast3A : vector<16xf32>
          %add3A_234 = arith.constant 0 : i32
          %add3A_235 = arith.addi %add3A_203, %add3A_234 : i32
          %swap3A_236 = arith.index_cast %add3A_235 : i32 to index
          %swap3A_237 = arith.constant 32 : index
          %swap3A_238 = tpu.vector_load %arg10[%swap3A_236, %swap3A_237] {strides = array<i32>} : memref<128x128xf32, #tpu.memory_space<vmem>>, vector<16xf32>,
          tpu.vector_store %arg10[%swap3A_236, %swap3A_237], %mul3A_233 {strides = array<i32>} : memref<128x128xf32, #tpu.memory_space<vmem>>, vector<16xf32>,
          %add3A_239 = arith.constant 0 : i32
          %add3A_240 = arith.addi %add3A_203, %add3A_239 : i32
          %get3A_241 = arith.index_cast %add3A_240 : i32 to index
          %get3A_242 = arith.constant 48 : index
          %get3A_243 = tpu.vector_load %arg10[%get3A_241, %get3A_242] {strides = array<i32>} : memref<128x128xf32, #tpu.memory_space<vmem>>, vector<16xf32>,
          %mul3A_244 = arith.mulf %get3A_243, %bitcast3A : vector<16xf32>
          %add3A_245 = arith.constant 0 : i32
          %add3A_246 = arith.addi %add3A_203, %add3A_245 : i32
          %swap3A_247 = arith.index_cast %add3A_246 : i32 to index
          %swap3A_248 = arith.constant 48 : index
          %swap3A_249 = tpu.vector_load %arg10[%swap3A_247, %swap3A_248] {strides = array<i32>} : memref<128x128xf32, #tpu.memory_space<vmem>>, vector<16xf32>,
          tpu.vector_store %arg10[%swap3A_247, %swap3A_248], %mul3A_244 {strides = array<i32>} : memref<128x128xf32, #tpu.memory_space<vmem>>, vector<16xf32>,
          %add3A_250 = arith.constant 0 : i32
          %add3A_251 = arith.addi %add3A_203, %add3A_250 : i32
          %get3A_252 = arith.index_cast %add3A_251 : i32 to index
          %get3A_253 = arith.constant 64 : index
          %get3A_254 = tpu.vector_load %arg10[%get3A_252, %get3A_253] {strides = array<i32>} : memref<128x128xf32, #tpu.memory_space<vmem>>, vector<16xf32>,
          %mul3A_255 = arith.mulf %get3A_254, %bitcast3A : vector<16xf32>
          %add3A_256 = arith.constant 0 : i32
          %add3A_257 = arith.addi %add3A_203, %add3A_256 : i32
          %swap3A_258 = arith.index_cast %add3A_257 : i32 to index
          %swap3A_259 = arith.constant 64 : index
          %swap3A_260 = tpu.vector_load %arg10[%swap3A_258, %swap3A_259] {strides = array<i32>} : memref<128x128xf32, #tpu.memory_space<vmem>>, vector<16xf32>,
          tpu.vector_store %arg10[%swap3A_258, %swap3A_259], %mul3A_255 {strides = array<i32>} : memref<128x128xf32, #tpu.memory_space<vmem>>, vector<16xf32>,
          %add3A_261 = arith.constant 0 : i32
          %add3A_262 = arith.addi %add3A_203, %add3A_261 : i32
          %get3A_263 = arith.index_cast %add3A_262 : i32 to index
          %get3A_264 = arith.constant 80 : index
          %get3A_265 = tpu.vector_load %arg10[%get3A_263, %get3A_264] {strides = array<i32>} : memref<128x128xf32, #tpu.memory_space<vmem>>, vector<16xf32>,
          %mul3A_266 = arith.mulf %get3A_265, %bitcast3A : vector<16xf32>
          %add3A_267 = arith.constant 0 : i32
          %add3A_268 = arith.addi %add3A_203, %add3A_267 : i32
          %swap3A_269 = arith.index_cast %add3A_268 : i32 to index
          %swap3A_270 = arith.constant 80 : index
          %swap3A_271 = tpu.vector_load %arg10[%swap3A_269, %swap3A_270] {strides = array<i32>} : memref<128x128xf32, #tpu.memory_space<vmem>>, vector<16xf32>,
          tpu.vector_store %arg10[%swap3A_269, %swap3A_270], %mul3A_266 {strides = array<i32>} : memref<128x128xf32, #tpu.memory_space<vmem>>, vector<16xf32>,
          %add3A_272 = arith.constant 0 : i32
          %add3A_273 = arith.addi %add3A_203, %add3A_272 : i32
          %get3A_274 = arith.index_cast %add3A_273 : i32 to index
          %get3A_275 = arith.constant 96 : index
          %get3A_276 = tpu.vector_load %arg10[%get3A_274, %get3A_275] {strides = array<i32>} : memref<128x128xf32, #tpu.memory_space<vmem>>, vector<16xf32>,
          %mul3A_277 = arith.mulf %get3A_276, %bitcast3A : vector<16xf32>
          %add3A_278 = arith.constant 0 : i32
          %add3A_279 = arith.addi %add3A_203, %add3A_278 : i32
          %swap3A_280 = arith.index_cast %add3A_279 : i32 to index
          %swap3A_281 = arith.constant 96 : index
          %swap3A_282 = tpu.vector_load %arg10[%swap3A_280, %swap3A_281] {strides = array<i32>} : memref<128x128xf32, #tpu.memory_space<vmem>>, vector<16xf32>,
          tpu.vector_store %arg10[%swap3A_280, %swap3A_281], %mul3A_277 {strides = array<i32>} : memref<128x128xf32, #tpu.memory_space<vmem>>, vector<16xf32>,
          %add3A_283 = arith.constant 0 : i32
          %add3A_284 = arith.addi %add3A_203, %add3A_283 : i32
          %get3A_285 = arith.index_cast %add3A_284 : i32 to index
          %get3A_286 = arith.constant 112 : index
          %get3A_287 = tpu.vector_load %arg10[%get3A_285, %get3A_286] {strides = array<i32>} : memref<128x128xf32, #tpu.memory_space<vmem>>, vector<16xf32>,
          %mul3A_288 = arith.mulf %get3A_287, %bitcast3A : vector<16xf32>
          %add3A_289 = arith.constant 0 : i32
          %add3A_290 = arith.addi %add3A_203, %add3A_289 : i32
          %swap3A_291 = arith.index_cast %add3A_290 : i32 to index
          %swap3A_292 = arith.constant 112 : index
          %swap3A_293 = tpu.vector_load %arg10[%swap3A_291, %swap3A_292] {strides = array<i32>} : memref<128x128xf32, #tpu.memory_space<vmem>>, vector<16xf32>,
          tpu.vector_store %arg10[%swap3A_291, %swap3A_292], %mul3A_288 {strides = array<i32>} : memref<128x128xf32, #tpu.memory_space<vmem>>, vector<16xf32>,
          %broadcast_in_dim3A_294 = arith.constant 2 : i32
          %broadcast_in_dim3A_295 = vector.broadcast %broadcast_in_dim3A_294 : i32 to vector<16xi32>
          %add3A_296 = arith.constant 1 : i32
          %add3A_297 = arith.addi %add3A_203, %add3A_296 : i32
          %broadcast_in_dim3A_298 = vector.broadcast %add3A_297 : i32 to vector<16xi32>
          %gather3A_299 = tpu.vector_load_idx %arg7[%broadcast_in_dim3A_295, %broadcast_in_dim3A_298] : memref<3x128xi32, #tpu.memory_space<vmem>>[vector<16xi32>, vector<16xi32>], vector<16xi32>,
          %bitcast3A_300 = vector.bitcast %gather3A_299 : vector<16xi32> to vector<16xf32>
          %add3A_301 = arith.constant 1 : i32
          %add3A_302 = arith.addi %add3A_203, %add3A_301 : i32
          %get3A_303 = arith.index_cast %add3A_302 : i32 to index
          %get3A_304 = arith.constant 0 : index
          %get3A_305 = tpu.vector_load %arg10[%get3A_303, %get3A_304] {strides = array<i32>} : memref<128x128xf32, #tpu.memory_space<vmem>>, vector<16xf32>,
          %mul3A_306 = arith.mulf %get3A_305, %bitcast3A_300 : vector<16xf32>
          %add3A_307 = arith.constant 1 : i32
          %add3A_308 = arith.addi %add3A_203, %add3A_307 : i32
          %swap3A_309 = arith.index_cast %add3A_308 : i32 to index
          %swap3A_310 = arith.constant 0 : index
          %swap3A_311 = tpu.vector_load %arg10[%swap3A_309, %swap3A_310] {strides = array<i32>} : memref<128x128xf32, #tpu.memory_space<vmem>>, vector<16xf32>,
          tpu.vector_store %arg10[%swap3A_309, %swap3A_310], %mul3A_306 {strides = array<i32>} : memref<128x128xf32, #tpu.memory_space<vmem>>, vector<16xf32>,
          %add3A_312 = arith.constant 1 : i32
          %add3A_313 = arith.addi %add3A_203, %add3A_312 : i32
          %get3A_314 = arith.index_cast %add3A_313 : i32 to index
          %get3A_315 = arith.constant 16 : index
          %get3A_316 = tpu.vector_load %arg10[%get3A_314, %get3A_315] {strides = array<i32>} : memref<128x128xf32, #tpu.memory_space<vmem>>, vector<16xf32>,
          %mul3A_317 = arith.mulf %get3A_316, %bitcast3A_300 : vector<16xf32>
          %add3A_318 = arith.constant 1 : i32
          %add3A_319 = arith.addi %add3A_203, %add3A_318 : i32
          %swap3A_320 = arith.index_cast %add3A_319 : i32 to index
          %swap3A_321 = arith.constant 16 : index
          %swap3A_322 = tpu.vector_load %arg10[%swap3A_320, %swap3A_321] {strides = array<i32>} : memref<128x128xf32, #tpu.memory_space<vmem>>, vector<16xf32>,
          tpu.vector_store %arg10[%swap3A_320, %swap3A_321], %mul3A_317 {strides = array<i32>} : memref<128x128xf32, #tpu.memory_space<vmem>>, vector<16xf32>,
          %add3A_323 = arith.constant 1 : i32
          %add3A_324 = arith.addi %add3A_203, %add3A_323 : i32
          %get3A_325 = arith.index_cast %add3A_324 : i32 to index
          %get3A_326 = arith.constant 32 : index
          %get3A_327 = tpu.vector_load %arg10[%get3A_325, %get3A_326] {strides = array<i32>} : memref<128x128xf32, #tpu.memory_space<vmem>>, vector<16xf32>,
          %mul3A_328 = arith.mulf %get3A_327, %bitcast3A_300 : vector<16xf32>
          %add3A_329 = arith.constant 1 : i32
          %add3A_330 = arith.addi %add3A_203, %add3A_329 : i32
          %swap3A_331 = arith.index_cast %add3A_330 : i32 to index
          %swap3A_332 = arith.constant 32 : index
          %swap3A_333 = tpu.vector_load %arg10[%swap3A_331, %swap3A_332] {strides = array<i32>} : memref<128x128xf32, #tpu.memory_space<vmem>>, vector<16xf32>,
          tpu.vector_store %arg10[%swap3A_331, %swap3A_332], %mul3A_328 {strides = array<i32>} : memref<128x128xf32, #tpu.memory_space<vmem>>, vector<16xf32>,
          %add3A_334 = arith.constant 1 : i32
          %add3A_335 = arith.addi %add3A_203, %add3A_334 : i32
          %get3A_336 = arith.index_cast %add3A_335 : i32 to index
          %get3A_337 = arith.constant 48 : index
          %get3A_338 = tpu.vector_load %arg10[%get3A_336, %get3A_337] {strides = array<i32>} : memref<128x128xf32, #tpu.memory_space<vmem>>, vector<16xf32>,
          %mul3A_339 = arith.mulf %get3A_338, %bitcast3A_300 : vector<16xf32>
          %add3A_340 = arith.constant 1 : i32
          %add3A_341 = arith.addi %add3A_203, %add3A_340 : i32
          %swap3A_342 = arith.index_cast %add3A_341 : i32 to index
          %swap3A_343 = arith.constant 48 : index
          %swap3A_344 = tpu.vector_load %arg10[%swap3A_342, %swap3A_343] {strides = array<i32>} : memref<128x128xf32, #tpu.memory_space<vmem>>, vector<16xf32>,
          tpu.vector_store %arg10[%swap3A_342, %swap3A_343], %mul3A_339 {strides = array<i32>} : memref<128x128xf32, #tpu.memory_space<vmem>>, vector<16xf32>,
          %add3A_345 = arith.constant 1 : i32
          %add3A_346 = arith.addi %add3A_203, %add3A_345 : i32
          %get3A_347 = arith.index_cast %add3A_346 : i32 to index
          %get3A_348 = arith.constant 64 : index
          %get3A_349 = tpu.vector_load %arg10[%get3A_347, %get3A_348] {strides = array<i32>} : memref<128x128xf32, #tpu.memory_space<vmem>>, vector<16xf32>,
          %mul3A_350 = arith.mulf %get3A_349, %bitcast3A_300 : vector<16xf32>
          %add3A_351 = arith.constant 1 : i32
          %add3A_352 = arith.addi %add3A_203, %add3A_351 : i32
          %swap3A_353 = arith.index_cast %add3A_352 : i32 to index
          %swap3A_354 = arith.constant 64 : index
          %swap3A_355 = tpu.vector_load %arg10[%swap3A_353, %swap3A_354] {strides = array<i32>} : memref<128x128xf32, #tpu.memory_space<vmem>>, vector<16xf32>,
          tpu.vector_store %arg10[%swap3A_353, %swap3A_354], %mul3A_350 {strides = array<i32>} : memref<128x128xf32, #tpu.memory_space<vmem>>, vector<16xf32>,
          %add3A_356 = arith.constant 1 : i32
          %add3A_357 = arith.addi %add3A_203, %add3A_356 : i32
          %get3A_358 = arith.index_cast %add3A_357 : i32 to index
          %get3A_359 = arith.constant 80 : index
          %get3A_360 = tpu.vector_load %arg10[%get3A_358, %get3A_359] {strides = array<i32>} : memref<128x128xf32, #tpu.memory_space<vmem>>, vector<16xf32>,
          %mul3A_361 = arith.mulf %get3A_360, %bitcast3A_300 : vector<16xf32>
          %add3A_362 = arith.constant 1 : i32
          %add3A_363 = arith.addi %add3A_203, %add3A_362 : i32
          %swap3A_364 = arith.index_cast %add3A_363 : i32 to index
          %swap3A_365 = arith.constant 80 : index
          %swap3A_366 = tpu.vector_load %arg10[%swap3A_364, %swap3A_365] {strides = array<i32>} : memref<128x128xf32, #tpu.memory_space<vmem>>, vector<16xf32>,
          tpu.vector_store %arg10[%swap3A_364, %swap3A_365], %mul3A_361 {strides = array<i32>} : memref<128x128xf32, #tpu.memory_space<vmem>>, vector<16xf32>,
          %add3A_367 = arith.constant 1 : i32
          %add3A_368 = arith.addi %add3A_203, %add3A_367 : i32
          %get3A_369 = arith.index_cast %add3A_368 : i32 to index
          %get3A_370 = arith.constant 96 : index
          %get3A_371 = tpu.vector_load %arg10[%get3A_369, %get3A_370] {strides = array<i32>} : memref<128x128xf32, #tpu.memory_space<vmem>>, vector<16xf32>,
          %mul3A_372 = arith.mulf %get3A_371, %bitcast3A_300 : vector<16xf32>
          %add3A_373 = arith.constant 1 : i32
          %add3A_374 = arith.addi %add3A_203, %add3A_373 : i32
          %swap3A_375 = arith.index_cast %add3A_374 : i32 to index
          %swap3A_376 = arith.constant 96 : index
          %swap3A_377 = tpu.vector_load %arg10[%swap3A_375, %swap3A_376] {strides = array<i32>} : memref<128x128xf32, #tpu.memory_space<vmem>>, vector<16xf32>,
          tpu.vector_store %arg10[%swap3A_375, %swap3A_376], %mul3A_372 {strides = array<i32>} : memref<128x128xf32, #tpu.memory_space<vmem>>, vector<16xf32>,
          %add3A_378 = arith.constant 1 : i32
          %add3A_379 = arith.addi %add3A_203, %add3A_378 : i32
          %get3A_380 = arith.index_cast %add3A_379 : i32 to index
          %get3A_381 = arith.constant 112 : index
          %get3A_382 = tpu.vector_load %arg10[%get3A_380, %get3A_381] {strides = array<i32>} : memref<128x128xf32, #tpu.memory_space<vmem>>, vector<16xf32>,
          %mul3A_383 = arith.mulf %get3A_382, %bitcast3A_300 : vector<16xf32>
          %add3A_384 = arith.constant 1 : i32
          %add3A_385 = arith.addi %add3A_203, %add3A_384 : i32
          %swap3A_386 = arith.index_cast %add3A_385 : i32 to index
          %swap3A_387 = arith.constant 112 : index
          %swap3A_388 = tpu.vector_load %arg10[%swap3A_386, %swap3A_387] {strides = array<i32>} : memref<128x128xf32, #tpu.memory_space<vmem>>, vector<16xf32>,
          tpu.vector_store %arg10[%swap3A_386, %swap3A_387], %mul3A_383 {strides = array<i32>} : memref<128x128xf32, #tpu.memory_space<vmem>>, vector<16xf32>,
          %broadcast_in_dim3A_389 = arith.constant 2 : i32
          %broadcast_in_dim3A_390 = vector.broadcast %broadcast_in_dim3A_389 : i32 to vector<16xi32>
          %add3A_391 = arith.constant 2 : i32
          %add3A_392 = arith.addi %add3A_203, %add3A_391 : i32
          %broadcast_in_dim3A_393 = vector.broadcast %add3A_392 : i32 to vector<16xi32>
          %gather3A_394 = tpu.vector_load_idx %arg7[%broadcast_in_dim3A_390, %broadcast_in_dim3A_393] : memref<3x128xi32, #tpu.memory_space<vmem>>[vector<16xi32>, vector<16xi32>], vector<16xi32>,
          %bitcast3A_395 = vector.bitcast %gather3A_394 : vector<16xi32> to vector<16xf32>
          %add3A_396 = arith.constant 2 : i32
          %add3A_397 = arith.addi %add3A_203, %add3A_396 : i32
          %get3A_398 = arith.index_cast %add3A_397 : i32 to index
          %get3A_399 = arith.constant 0 : index
          %get3A_400 = tpu.vector_load %arg10[%get3A_398, %get3A_399] {strides = array<i32>} : memref<128x128xf32, #tpu.memory_space<vmem>>, vector<16xf32>,
          %mul3A_401 = arith.mulf %get3A_400, %bitcast3A_395 : vector<16xf32>
          %add3A_402 = arith.constant 2 : i32
          %add3A_403 = arith.addi %add3A_203, %add3A_402 : i32
          %swap3A_404 = arith.index_cast %add3A_403 : i32 to index
          %swap3A_405 = arith.constant 0 : index
          %swap3A_406 = tpu.vector_load %arg10[%swap3A_404, %swap3A_405] {strides = array<i32>} : memref<128x128xf32, #tpu.memory_space<vmem>>, vector<16xf32>,
          tpu.vector_store %arg10[%swap3A_404, %swap3A_405], %mul3A_401 {strides = array<i32>} : memref<128x128xf32, #tpu.memory_space<vmem>>, vector<16xf32>,
          %add3A_407 = arith.constant 2 : i32
          %add3A_408 = arith.addi %add3A_203, %add3A_407 : i32
          %get3A_409 = arith.index_cast %add3A_408 : i32 to index
          %get3A_410 = arith.constant 16 : index
          %get3A_411 = tpu.vector_load %arg10[%get3A_409, %get3A_410] {strides = array<i32>} : memref<128x128xf32, #tpu.memory_space<vmem>>, vector<16xf32>,
          %mul3A_412 = arith.mulf %get3A_411, %bitcast3A_395 : vector<16xf32>
          %add3A_413 = arith.constant 2 : i32
          %add3A_414 = arith.addi %add3A_203, %add3A_413 : i32
          %swap3A_415 = arith.index_cast %add3A_414 : i32 to index
          %swap3A_416 = arith.constant 16 : index
          %swap3A_417 = tpu.vector_load %arg10[%swap3A_415, %swap3A_416] {strides = array<i32>} : memref<128x128xf32, #tpu.memory_space<vmem>>, vector<16xf32>,
          tpu.vector_store %arg10[%swap3A_415, %swap3A_416], %mul3A_412 {strides = array<i32>} : memref<128x128xf32, #tpu.memory_space<vmem>>, vector<16xf32>,
          %add3A_418 = arith.constant 2 : i32
          %add3A_419 = arith.addi %add3A_203, %add3A_418 : i32
          %get3A_420 = arith.index_cast %add3A_419 : i32 to index
          %get3A_421 = arith.constant 32 : index
          %get3A_422 = tpu.vector_load %arg10[%get3A_420, %get3A_421] {strides = array<i32>} : memref<128x128xf32, #tpu.memory_space<vmem>>, vector<16xf32>,
          %mul3A_423 = arith.mulf %get3A_422, %bitcast3A_395 : vector<16xf32>
          %add3A_424 = arith.constant 2 : i32
          %add3A_425 = arith.addi %add3A_203, %add3A_424 : i32
          %swap3A_426 = arith.index_cast %add3A_425 : i32 to index
          %swap3A_427 = arith.constant 32 : index
          %swap3A_428 = tpu.vector_load %arg10[%swap3A_426, %swap3A_427] {strides = array<i32>} : memref<128x128xf32, #tpu.memory_space<vmem>>, vector<16xf32>,
          tpu.vector_store %arg10[%swap3A_426, %swap3A_427], %mul3A_423 {strides = array<i32>} : memref<128x128xf32, #tpu.memory_space<vmem>>, vector<16xf32>,
          %add3A_429 = arith.constant 2 : i32
          %add3A_430 = arith.addi %add3A_203, %add3A_429 : i32
          %get3A_431 = arith.index_cast %add3A_430 : i32 to index
          %get3A_432 = arith.constant 48 : index
          %get3A_433 = tpu.vector_load %arg10[%get3A_431, %get3A_432] {strides = array<i32>} : memref<128x128xf32, #tpu.memory_space<vmem>>, vector<16xf32>,
          %mul3A_434 = arith.mulf %get3A_433, %bitcast3A_395 : vector<16xf32>
          %add3A_435 = arith.constant 2 : i32
          %add3A_436 = arith.addi %add3A_203, %add3A_435 : i32
          %swap3A_437 = arith.index_cast %add3A_436 : i32 to index
          %swap3A_438 = arith.constant 48 : index
          %swap3A_439 = tpu.vector_load %arg10[%swap3A_437, %swap3A_438] {strides = array<i32>} : memref<128x128xf32, #tpu.memory_space<vmem>>, vector<16xf32>,
          tpu.vector_store %arg10[%swap3A_437, %swap3A_438], %mul3A_434 {strides = array<i32>} : memref<128x128xf32, #tpu.memory_space<vmem>>, vector<16xf32>,
          %add3A_440 = arith.constant 2 : i32
          %add3A_441 = arith.addi %add3A_203, %add3A_440 : i32
          %get3A_442 = arith.index_cast %add3A_441 : i32 to index
          %get3A_443 = arith.constant 64 : index
          %get3A_444 = tpu.vector_load %arg10[%get3A_442, %get3A_443] {strides = array<i32>} : memref<128x128xf32, #tpu.memory_space<vmem>>, vector<16xf32>,
          %mul3A_445 = arith.mulf %get3A_444, %bitcast3A_395 : vector<16xf32>
          %add3A_446 = arith.constant 2 : i32
          %add3A_447 = arith.addi %add3A_203, %add3A_446 : i32
          %swap3A_448 = arith.index_cast %add3A_447 : i32 to index
          %swap3A_449 = arith.constant 64 : index
          %swap3A_450 = tpu.vector_load %arg10[%swap3A_448, %swap3A_449] {strides = array<i32>} : memref<128x128xf32, #tpu.memory_space<vmem>>, vector<16xf32>,
          tpu.vector_store %arg10[%swap3A_448, %swap3A_449], %mul3A_445 {strides = array<i32>} : memref<128x128xf32, #tpu.memory_space<vmem>>, vector<16xf32>,
          %add3A_451 = arith.constant 2 : i32
          %add3A_452 = arith.addi %add3A_203, %add3A_451 : i32
          %get3A_453 = arith.index_cast %add3A_452 : i32 to index
          %get3A_454 = arith.constant 80 : index
          %get3A_455 = tpu.vector_load %arg10[%get3A_453, %get3A_454] {strides = array<i32>} : memref<128x128xf32, #tpu.memory_space<vmem>>, vector<16xf32>,
          %mul3A_456 = arith.mulf %get3A_455, %bitcast3A_395 : vector<16xf32>
          %add3A_457 = arith.constant 2 : i32
          %add3A_458 = arith.addi %add3A_203, %add3A_457 : i32
          %swap3A_459 = arith.index_cast %add3A_458 : i32 to index
          %swap3A_460 = arith.constant 80 : index
          %swap3A_461 = tpu.vector_load %arg10[%swap3A_459, %swap3A_460] {strides = array<i32>} : memref<128x128xf32, #tpu.memory_space<vmem>>, vector<16xf32>,
          tpu.vector_store %arg10[%swap3A_459, %swap3A_460], %mul3A_456 {strides = array<i32>} : memref<128x128xf32, #tpu.memory_space<vmem>>, vector<16xf32>,
          %add3A_462 = arith.constant 2 : i32
          %add3A_463 = arith.addi %add3A_203, %add3A_462 : i32
          %get3A_464 = arith.index_cast %add3A_463 : i32 to index
          %get3A_465 = arith.constant 96 : index
          %get3A_466 = tpu.vector_load %arg10[%get3A_464, %get3A_465] {strides = array<i32>} : memref<128x128xf32, #tpu.memory_space<vmem>>, vector<16xf32>,
          %mul3A_467 = arith.mulf %get3A_466, %bitcast3A_395 : vector<16xf32>
          %add3A_468 = arith.constant 2 : i32
          %add3A_469 = arith.addi %add3A_203, %add3A_468 : i32
          %swap3A_470 = arith.index_cast %add3A_469 : i32 to index
          %swap3A_471 = arith.constant 96 : index
          %swap3A_472 = tpu.vector_load %arg10[%swap3A_470, %swap3A_471] {strides = array<i32>} : memref<128x128xf32, #tpu.memory_space<vmem>>, vector<16xf32>,
          tpu.vector_store %arg10[%swap3A_470, %swap3A_471], %mul3A_467 {strides = array<i32>} : memref<128x128xf32, #tpu.memory_space<vmem>>, vector<16xf32>,
          %add3A_473 = arith.constant 2 : i32
          %add3A_474 = arith.addi %add3A_203, %add3A_473 : i32
          %get3A_475 = arith.index_cast %add3A_474 : i32 to index
          %get3A_476 = arith.constant 112 : index
          %get3A_477 = tpu.vector_load %arg10[%get3A_475, %get3A_476] {strides = array<i32>} : memref<128x128xf32, #tpu.memory_space<vmem>>, vector<16xf32>,
          %mul3A_478 = arith.mulf %get3A_477, %bitcast3A_395 : vector<16xf32>
          %add3A_479 = arith.constant 2 : i32
          %add3A_480 = arith.addi %add3A_203, %add3A_479 : i32
          %swap3A_481 = arith.index_cast %add3A_480 : i32 to index
          %swap3A_482 = arith.constant 112 : index
          %swap3A_483 = tpu.vector_load %arg10[%swap3A_481, %swap3A_482] {strides = array<i32>} : memref<128x128xf32, #tpu.memory_space<vmem>>, vector<16xf32>,
          tpu.vector_store %arg10[%swap3A_481, %swap3A_482], %mul3A_478 {strides = array<i32>} : memref<128x128xf32, #tpu.memory_space<vmem>>, vector<16xf32>,
          %broadcast_in_dim3A_484 = arith.constant 2 : i32
          %broadcast_in_dim3A_485 = vector.broadcast %broadcast_in_dim3A_484 : i32 to vector<16xi32>
          %add3A_486 = arith.constant 3 : i32
          %add3A_487 = arith.addi %add3A_203, %add3A_486 : i32
          %broadcast_in_dim3A_488 = vector.broadcast %add3A_487 : i32 to vector<16xi32>
          %gather3A_489 = tpu.vector_load_idx %arg7[%broadcast_in_dim3A_485, %broadcast_in_dim3A_488] : memref<3x128xi32, #tpu.memory_space<vmem>>[vector<16xi32>, vector<16xi32>], vector<16xi32>,
          %bitcast3A_490 = vector.bitcast %gather3A_489 : vector<16xi32> to vector<16xf32>
          %add3A_491 = arith.constant 3 : i32
          %add3A_492 = arith.addi %add3A_203, %add3A_491 : i32
          %get3A_493 = arith.index_cast %add3A_492 : i32 to index
          %get3A_494 = arith.constant 0 : index
          %get3A_495 = tpu.vector_load %arg10[%get3A_493, %get3A_494] {strides = array<i32>} : memref<128x128xf32, #tpu.memory_space<vmem>>, vector<16xf32>,
          %mul3A_496 = arith.mulf %get3A_495, %bitcast3A_490 : vector<16xf32>
          %add3A_497 = arith.constant 3 : i32
          %add3A_498 = arith.addi %add3A_203, %add3A_497 : i32
          %swap3A_499 = arith.index_cast %add3A_498 : i32 to index
          %swap3A_500 = arith.constant 0 : index
          %swap3A_501 = tpu.vector_load %arg10[%swap3A_499, %swap3A_500] {strides = array<i32>} : memref<128x128xf32, #tpu.memory_space<vmem>>, vector<16xf32>,
          tpu.vector_store %arg10[%swap3A_499, %swap3A_500], %mul3A_496 {strides = array<i32>} : memref<128x128xf32, #tpu.memory_space<vmem>>, vector<16xf32>,
          %add3A_502 = arith.constant 3 : i32
          %add3A_503 = arith.addi %add3A_203, %add3A_502 : i32
          %get3A_504 = arith.index_cast %add3A_503 : i32 to index
          %get3A_505 = arith.constant 16 : index
          %get3A_506 = tpu.vector_load %arg10[%get3A_504, %get3A_505] {strides = array<i32>} : memref<128x128xf32, #tpu.memory_space<vmem>>, vector<16xf32>,
          %mul3A_507 = arith.mulf %get3A_506, %bitcast3A_490 : vector<16xf32>
          %add3A_508 = arith.constant 3 : i32
          %add3A_509 = arith.addi %add3A_203, %add3A_508 : i32
          %swap3A_510 = arith.index_cast %add3A_509 : i32 to index
          %swap3A_511 = arith.constant 16 : index
          %swap3A_512 = tpu.vector_load %arg10[%swap3A_510, %swap3A_511] {strides = array<i32>} : memref<128x128xf32, #tpu.memory_space<vmem>>, vector<16xf32>,
          tpu.vector_store %arg10[%swap3A_510, %swap3A_511], %mul3A_507 {strides = array<i32>} : memref<128x128xf32, #tpu.memory_space<vmem>>, vector<16xf32>,
          %add3A_513 = arith.constant 3 : i32
          %add3A_514 = arith.addi %add3A_203, %add3A_513 : i32
          %get3A_515 = arith.index_cast %add3A_514 : i32 to index
          %get3A_516 = arith.constant 32 : index
          %get3A_517 = tpu.vector_load %arg10[%get3A_515, %get3A_516] {strides = array<i32>} : memref<128x128xf32, #tpu.memory_space<vmem>>, vector<16xf32>,
          %mul3A_518 = arith.mulf %get3A_517, %bitcast3A_490 : vector<16xf32>
          %add3A_519 = arith.constant 3 : i32
          %add3A_520 = arith.addi %add3A_203, %add3A_519 : i32
          %swap3A_521 = arith.index_cast %add3A_520 : i32 to index
          %swap3A_522 = arith.constant 32 : index
          %swap3A_523 = tpu.vector_load %arg10[%swap3A_521, %swap3A_522] {strides = array<i32>} : memref<128x128xf32, #tpu.memory_space<vmem>>, vector<16xf32>,
          tpu.vector_store %arg10[%swap3A_521, %swap3A_522], %mul3A_518 {strides = array<i32>} : memref<128x128xf32, #tpu.memory_space<vmem>>, vector<16xf32>,
          %add3A_524 = arith.constant 3 : i32
          %add3A_525 = arith.addi %add3A_203, %add3A_524 : i32
          %get3A_526 = arith.index_cast %add3A_525 : i32 to index
          %get3A_527 = arith.constant 48 : index
          %get3A_528 = tpu.vector_load %arg10[%get3A_526, %get3A_527] {strides = array<i32>} : memref<128x128xf32, #tpu.memory_space<vmem>>, vector<16xf32>,
          %mul3A_529 = arith.mulf %get3A_528, %bitcast3A_490 : vector<16xf32>
          %add3A_530 = arith.constant 3 : i32
          %add3A_531 = arith.addi %add3A_203, %add3A_530 : i32
          %swap3A_532 = arith.index_cast %add3A_531 : i32 to index
          %swap3A_533 = arith.constant 48 : index
          %swap3A_534 = tpu.vector_load %arg10[%swap3A_532, %swap3A_533] {strides = array<i32>} : memref<128x128xf32, #tpu.memory_space<vmem>>, vector<16xf32>,
          tpu.vector_store %arg10[%swap3A_532, %swap3A_533], %mul3A_529 {strides = array<i32>} : memref<128x128xf32, #tpu.memory_space<vmem>>, vector<16xf32>,
          %add3A_535 = arith.constant 3 : i32
          %add3A_536 = arith.addi %add3A_203, %add3A_535 : i32
          %get3A_537 = arith.index_cast %add3A_536 : i32 to index
          %get3A_538 = arith.constant 64 : index
          %get3A_539 = tpu.vector_load %arg10[%get3A_537, %get3A_538] {strides = array<i32>} : memref<128x128xf32, #tpu.memory_space<vmem>>, vector<16xf32>,
          %mul3A_540 = arith.mulf %get3A_539, %bitcast3A_490 : vector<16xf32>
          %add3A_541 = arith.constant 3 : i32
          %add3A_542 = arith.addi %add3A_203, %add3A_541 : i32
          %swap3A_543 = arith.index_cast %add3A_542 : i32 to index
          %swap3A_544 = arith.constant 64 : index
          %swap3A_545 = tpu.vector_load %arg10[%swap3A_543, %swap3A_544] {strides = array<i32>} : memref<128x128xf32, #tpu.memory_space<vmem>>, vector<16xf32>,
          tpu.vector_store %arg10[%swap3A_543, %swap3A_544], %mul3A_540 {strides = array<i32>} : memref<128x128xf32, #tpu.memory_space<vmem>>, vector<16xf32>,
          %add3A_546 = arith.constant 3 : i32
          %add3A_547 = arith.addi %add3A_203, %add3A_546 : i32
          %get3A_548 = arith.index_cast %add3A_547 : i32 to index
          %get3A_549 = arith.constant 80 : index
          %get3A_550 = tpu.vector_load %arg10[%get3A_548, %get3A_549] {strides = array<i32>} : memref<128x128xf32, #tpu.memory_space<vmem>>, vector<16xf32>,
          %mul3A_551 = arith.mulf %get3A_550, %bitcast3A_490 : vector<16xf32>
          %add3A_552 = arith.constant 3 : i32
          %add3A_553 = arith.addi %add3A_203, %add3A_552 : i32
          %swap3A_554 = arith.index_cast %add3A_553 : i32 to index
          %swap3A_555 = arith.constant 80 : index
          %swap3A_556 = tpu.vector_load %arg10[%swap3A_554, %swap3A_555] {strides = array<i32>} : memref<128x128xf32, #tpu.memory_space<vmem>>, vector<16xf32>,
          tpu.vector_store %arg10[%swap3A_554, %swap3A_555], %mul3A_551 {strides = array<i32>} : memref<128x128xf32, #tpu.memory_space<vmem>>, vector<16xf32>,
          %add3A_557 = arith.constant 3 : i32
          %add3A_558 = arith.addi %add3A_203, %add3A_557 : i32
          %get3A_559 = arith.index_cast %add3A_558 : i32 to index
          %get3A_560 = arith.constant 96 : index
          %get3A_561 = tpu.vector_load %arg10[%get3A_559, %get3A_560] {strides = array<i32>} : memref<128x128xf32, #tpu.memory_space<vmem>>, vector<16xf32>,
          %mul3A_562 = arith.mulf %get3A_561, %bitcast3A_490 : vector<16xf32>
          %add3A_563 = arith.constant 3 : i32
          %add3A_564 = arith.addi %add3A_203, %add3A_563 : i32
          %swap3A_565 = arith.index_cast %add3A_564 : i32 to index
          %swap3A_566 = arith.constant 96 : index
          %swap3A_567 = tpu.vector_load %arg10[%swap3A_565, %swap3A_566] {strides = array<i32>} : memref<128x128xf32, #tpu.memory_space<vmem>>, vector<16xf32>,
          tpu.vector_store %arg10[%swap3A_565, %swap3A_566], %mul3A_562 {strides = array<i32>} : memref<128x128xf32, #tpu.memory_space<vmem>>, vector<16xf32>,
          %add3A_568 = arith.constant 3 : i32
          %add3A_569 = arith.addi %add3A_203, %add3A_568 : i32
          %get3A_570 = arith.index_cast %add3A_569 : i32 to index
          %get3A_571 = arith.constant 112 : index
          %get3A_572 = tpu.vector_load %arg10[%get3A_570, %get3A_571] {strides = array<i32>} : memref<128x128xf32, #tpu.memory_space<vmem>>, vector<16xf32>,
          %mul3A_573 = arith.mulf %get3A_572, %bitcast3A_490 : vector<16xf32>
          %add3A_574 = arith.constant 3 : i32
          %add3A_575 = arith.addi %add3A_203, %add3A_574 : i32
          %swap3A_576 = arith.index_cast %add3A_575 : i32 to index
          %swap3A_577 = arith.constant 112 : index
          %swap3A_578 = tpu.vector_load %arg10[%swap3A_576, %swap3A_577] {strides = array<i32>} : memref<128x128xf32, #tpu.memory_space<vmem>>, vector<16xf32>,
          tpu.vector_store %arg10[%swap3A_576, %swap3A_577], %mul3A_573 {strides = array<i32>} : memref<128x128xf32, #tpu.memory_space<vmem>>, vector<16xf32>,
          %broadcast_in_dim3A_579 = arith.constant 2 : i32
          %broadcast_in_dim3A_580 = vector.broadcast %broadcast_in_dim3A_579 : i32 to vector<16xi32>
          %add3A_581 = arith.constant 4 : i32
          %add3A_582 = arith.addi %add3A_203, %add3A_581 : i32
          %broadcast_in_dim3A_583 = vector.broadcast %add3A_582 : i32 to vector<16xi32>
          %gather3A_584 = tpu.vector_load_idx %arg7[%broadcast_in_dim3A_580, %broadcast_in_dim3A_583] : memref<3x128xi32, #tpu.memory_space<vmem>>[vector<16xi32>, vector<16xi32>], vector<16xi32>,
          %bitcast3A_585 = vector.bitcast %gather3A_584 : vector<16xi32> to vector<16xf32>
          %add3A_586 = arith.constant 4 : i32
          %add3A_587 = arith.addi %add3A_203, %add3A_586 : i32
          %get3A_588 = arith.index_cast %add3A_587 : i32 to index
          %get3A_589 = arith.constant 0 : index
          %get3A_590 = tpu.vector_load %arg10[%get3A_588, %get3A_589] {strides = array<i32>} : memref<128x128xf32, #tpu.memory_space<vmem>>, vector<16xf32>,
          %mul3A_591 = arith.mulf %get3A_590, %bitcast3A_585 : vector<16xf32>
          %add3A_592 = arith.constant 4 : i32
          %add3A_593 = arith.addi %add3A_203, %add3A_592 : i32
          %swap3A_594 = arith.index_cast %add3A_593 : i32 to index
          %swap3A_595 = arith.constant 0 : index
          %swap3A_596 = tpu.vector_load %arg10[%swap3A_594, %swap3A_595] {strides = array<i32>} : memref<128x128xf32, #tpu.memory_space<vmem>>, vector<16xf32>,
          tpu.vector_store %arg10[%swap3A_594, %swap3A_595], %mul3A_591 {strides = array<i32>} : memref<128x128xf32, #tpu.memory_space<vmem>>, vector<16xf32>,
          %add3A_597 = arith.constant 4 : i32
          %add3A_598 = arith.addi %add3A_203, %add3A_597 : i32
          %get3A_599 = arith.index_cast %add3A_598 : i32 to index
          %get3A_600 = arith.constant 16 : index
          %get3A_601 = tpu.vector_load %arg10[%get3A_599, %get3A_600] {strides = array<i32>} : memref<128x128xf32, #tpu.memory_space<vmem>>, vector<16xf32>,
          %mul3A_602 = arith.mulf %get3A_601, %bitcast3A_585 : vector<16xf32>
          %add3A_603 = arith.constant 4 : i32
          %add3A_604 = arith.addi %add3A_203, %add3A_603 : i32
          %swap3A_605 = arith.index_cast %add3A_604 : i32 to index
          %swap3A_606 = arith.constant 16 : index
          %swap3A_607 = tpu.vector_load %arg10[%swap3A_605, %swap3A_606] {strides = array<i32>} : memref<128x128xf32, #tpu.memory_space<vmem>>, vector<16xf32>,
          tpu.vector_store %arg10[%swap3A_605, %swap3A_606], %mul3A_602 {strides = array<i32>} : memref<128x128xf32, #tpu.memory_space<vmem>>, vector<16xf32>,
          %add3A_608 = arith.constant 4 : i32
          %add3A_609 = arith.addi %add3A_203, %add3A_608 : i32
          %get3A_610 = arith.index_cast %add3A_609 : i32 to index
          %get3A_611 = arith.constant 32 : index
          %get3A_612 = tpu.vector_load %arg10[%get3A_610, %get3A_611] {strides = array<i32>} : memref<128x128xf32, #tpu.memory_space<vmem>>, vector<16xf32>,
          %mul3A_613 = arith.mulf %get3A_612, %bitcast3A_585 : vector<16xf32>
          %add3A_614 = arith.constant 4 : i32
          %add3A_615 = arith.addi %add3A_203, %add3A_614 : i32
          %swap3A_616 = arith.index_cast %add3A_615 : i32 to index
          %swap3A_617 = arith.constant 32 : index
          %swap3A_618 = tpu.vector_load %arg10[%swap3A_616, %swap3A_617] {strides = array<i32>} : memref<128x128xf32, #tpu.memory_space<vmem>>, vector<16xf32>,
          tpu.vector_store %arg10[%swap3A_616, %swap3A_617], %mul3A_613 {strides = array<i32>} : memref<128x128xf32, #tpu.memory_space<vmem>>, vector<16xf32>,
          %add3A_619 = arith.constant 4 : i32
          %add3A_620 = arith.addi %add3A_203, %add3A_619 : i32
          %get3A_621 = arith.index_cast %add3A_620 : i32 to index
          %get3A_622 = arith.constant 48 : index
          %get3A_623 = tpu.vector_load %arg10[%get3A_621, %get3A_622] {strides = array<i32>} : memref<128x128xf32, #tpu.memory_space<vmem>>, vector<16xf32>,
          %mul3A_624 = arith.mulf %get3A_623, %bitcast3A_585 : vector<16xf32>
          %add3A_625 = arith.constant 4 : i32
          %add3A_626 = arith.addi %add3A_203, %add3A_625 : i32
          %swap3A_627 = arith.index_cast %add3A_626 : i32 to index
          %swap3A_628 = arith.constant 48 : index
          %swap3A_629 = tpu.vector_load %arg10[%swap3A_627, %swap3A_628] {strides = array<i32>} : memref<128x128xf32, #tpu.memory_space<vmem>>, vector<16xf32>,
          tpu.vector_store %arg10[%swap3A_627, %swap3A_628], %mul3A_624 {strides = array<i32>} : memref<128x128xf32, #tpu.memory_space<vmem>>, vector<16xf32>,
          %add3A_630 = arith.constant 4 : i32
          %add3A_631 = arith.addi %add3A_203, %add3A_630 : i32
          %get3A_632 = arith.index_cast %add3A_631 : i32 to index
          %get3A_633 = arith.constant 64 : index
          %get3A_634 = tpu.vector_load %arg10[%get3A_632, %get3A_633] {strides = array<i32>} : memref<128x128xf32, #tpu.memory_space<vmem>>, vector<16xf32>,
          %mul3A_635 = arith.mulf %get3A_634, %bitcast3A_585 : vector<16xf32>
          %add3A_636 = arith.constant 4 : i32
          %add3A_637 = arith.addi %add3A_203, %add3A_636 : i32
          %swap3A_638 = arith.index_cast %add3A_637 : i32 to index
          %swap3A_639 = arith.constant 64 : index
          %swap3A_640 = tpu.vector_load %arg10[%swap3A_638, %swap3A_639] {strides = array<i32>} : memref<128x128xf32, #tpu.memory_space<vmem>>, vector<16xf32>,
          tpu.vector_store %arg10[%swap3A_638, %swap3A_639], %mul3A_635 {strides = array<i32>} : memref<128x128xf32, #tpu.memory_space<vmem>>, vector<16xf32>,
          %add3A_641 = arith.constant 4 : i32
          %add3A_642 = arith.addi %add3A_203, %add3A_641 : i32
          %get3A_643 = arith.index_cast %add3A_642 : i32 to index
          %get3A_644 = arith.constant 80 : index
          %get3A_645 = tpu.vector_load %arg10[%get3A_643, %get3A_644] {strides = array<i32>} : memref<128x128xf32, #tpu.memory_space<vmem>>, vector<16xf32>,
          %mul3A_646 = arith.mulf %get3A_645, %bitcast3A_585 : vector<16xf32>
          %add3A_647 = arith.constant 4 : i32
          %add3A_648 = arith.addi %add3A_203, %add3A_647 : i32
          %swap3A_649 = arith.index_cast %add3A_648 : i32 to index
          %swap3A_650 = arith.constant 80 : index
          %swap3A_651 = tpu.vector_load %arg10[%swap3A_649, %swap3A_650] {strides = array<i32>} : memref<128x128xf32, #tpu.memory_space<vmem>>, vector<16xf32>,
          tpu.vector_store %arg10[%swap3A_649, %swap3A_650], %mul3A_646 {strides = array<i32>} : memref<128x128xf32, #tpu.memory_space<vmem>>, vector<16xf32>,
          %add3A_652 = arith.constant 4 : i32
          %add3A_653 = arith.addi %add3A_203, %add3A_652 : i32
          %get3A_654 = arith.index_cast %add3A_653 : i32 to index
          %get3A_655 = arith.constant 96 : index
          %get3A_656 = tpu.vector_load %arg10[%get3A_654, %get3A_655] {strides = array<i32>} : memref<128x128xf32, #tpu.memory_space<vmem>>, vector<16xf32>,
          %mul3A_657 = arith.mulf %get3A_656, %bitcast3A_585 : vector<16xf32>
          %add3A_658 = arith.constant 4 : i32
          %add3A_659 = arith.addi %add3A_203, %add3A_658 : i32
          %swap3A_660 = arith.index_cast %add3A_659 : i32 to index
          %swap3A_661 = arith.constant 96 : index
          %swap3A_662 = tpu.vector_load %arg10[%swap3A_660, %swap3A_661] {strides = array<i32>} : memref<128x128xf32, #tpu.memory_space<vmem>>, vector<16xf32>,
          tpu.vector_store %arg10[%swap3A_660, %swap3A_661], %mul3A_657 {strides = array<i32>} : memref<128x128xf32, #tpu.memory_space<vmem>>, vector<16xf32>,
          %add3A_663 = arith.constant 4 : i32
          %add3A_664 = arith.addi %add3A_203, %add3A_663 : i32
          %get3A_665 = arith.index_cast %add3A_664 : i32 to index
          %get3A_666 = arith.constant 112 : index
          %get3A_667 = tpu.vector_load %arg10[%get3A_665, %get3A_666] {strides = array<i32>} : memref<128x128xf32, #tpu.memory_space<vmem>>, vector<16xf32>,
          %mul3A_668 = arith.mulf %get3A_667, %bitcast3A_585 : vector<16xf32>
          %add3A_669 = arith.constant 4 : i32
          %add3A_670 = arith.addi %add3A_203, %add3A_669 : i32
          %swap3A_671 = arith.index_cast %add3A_670 : i32 to index
          %swap3A_672 = arith.constant 112 : index
          %swap3A_673 = tpu.vector_load %arg10[%swap3A_671, %swap3A_672] {strides = array<i32>} : memref<128x128xf32, #tpu.memory_space<vmem>>, vector<16xf32>,
          tpu.vector_store %arg10[%swap3A_671, %swap3A_672], %mul3A_668 {strides = array<i32>} : memref<128x128xf32, #tpu.memory_space<vmem>>, vector<16xf32>,
          %broadcast_in_dim3A_674 = arith.constant 2 : i32
          %broadcast_in_dim3A_675 = vector.broadcast %broadcast_in_dim3A_674 : i32 to vector<16xi32>
          %add3A_676 = arith.constant 5 : i32
          %add3A_677 = arith.addi %add3A_203, %add3A_676 : i32
          %broadcast_in_dim3A_678 = vector.broadcast %add3A_677 : i32 to vector<16xi32>
          %gather3A_679 = tpu.vector_load_idx %arg7[%broadcast_in_dim3A_675, %broadcast_in_dim3A_678] : memref<3x128xi32, #tpu.memory_space<vmem>>[vector<16xi32>, vector<16xi32>], vector<16xi32>,
          %bitcast3A_680 = vector.bitcast %gather3A_679 : vector<16xi32> to vector<16xf32>
          %add3A_681 = arith.constant 5 : i32
          %add3A_682 = arith.addi %add3A_203, %add3A_681 : i32
          %get3A_683 = arith.index_cast %add3A_682 : i32 to index
          %get3A_684 = arith.constant 0 : index
          %get3A_685 = tpu.vector_load %arg10[%get3A_683, %get3A_684] {strides = array<i32>} : memref<128x128xf32, #tpu.memory_space<vmem>>, vector<16xf32>,
          %mul3A_686 = arith.mulf %get3A_685, %bitcast3A_680 : vector<16xf32>
          %add3A_687 = arith.constant 5 : i32
          %add3A_688 = arith.addi %add3A_203, %add3A_687 : i32
          %swap3A_689 = arith.index_cast %add3A_688 : i32 to index
          %swap3A_690 = arith.constant 0 : index
          %swap3A_691 = tpu.vector_load %arg10[%swap3A_689, %swap3A_690] {strides = array<i32>} : memref<128x128xf32, #tpu.memory_space<vmem>>, vector<16xf32>,
          tpu.vector_store %arg10[%swap3A_689, %swap3A_690], %mul3A_686 {strides = array<i32>} : memref<128x128xf32, #tpu.memory_space<vmem>>, vector<16xf32>,
          %add3A_692 = arith.constant 5 : i32
          %add3A_693 = arith.addi %add3A_203, %add3A_692 : i32
          %get3A_694 = arith.index_cast %add3A_693 : i32 to index
          %get3A_695 = arith.constant 16 : index
          %get3A_696 = tpu.vector_load %arg10[%get3A_694, %get3A_695] {strides = array<i32>} : memref<128x128xf32, #tpu.memory_space<vmem>>, vector<16xf32>,
          %mul3A_697 = arith.mulf %get3A_696, %bitcast3A_680 : vector<16xf32>
          %add3A_698 = arith.constant 5 : i32
          %add3A_699 = arith.addi %add3A_203, %add3A_698 : i32
          %swap3A_700 = arith.index_cast %add3A_699 : i32 to index
          %swap3A_701 = arith.constant 16 : index
          %swap3A_702 = tpu.vector_load %arg10[%swap3A_700, %swap3A_701] {strides = array<i32>} : memref<128x128xf32, #tpu.memory_space<vmem>>, vector<16xf32>,
          tpu.vector_store %arg10[%swap3A_700, %swap3A_701], %mul3A_697 {strides = array<i32>} : memref<128x128xf32, #tpu.memory_space<vmem>>, vector<16xf32>,
          %add3A_703 = arith.constant 5 : i32
          %add3A_704 = arith.addi %add3A_203, %add3A_703 : i32
          %get3A_705 = arith.index_cast %add3A_704 : i32 to index
          %get3A_706 = arith.constant 32 : index
          %get3A_707 = tpu.vector_load %arg10[%get3A_705, %get3A_706] {strides = array<i32>} : memref<128x128xf32, #tpu.memory_space<vmem>>, vector<16xf32>,
          %mul3A_708 = arith.mulf %get3A_707, %bitcast3A_680 : vector<16xf32>
          %add3A_709 = arith.constant 5 : i32
          %add3A_710 = arith.addi %add3A_203, %add3A_709 : i32
          %swap3A_711 = arith.index_cast %add3A_710 : i32 to index
          %swap3A_712 = arith.constant 32 : index
          %swap3A_713 = tpu.vector_load %arg10[%swap3A_711, %swap3A_712] {strides = array<i32>} : memref<128x128xf32, #tpu.memory_space<vmem>>, vector<16xf32>,
          tpu.vector_store %arg10[%swap3A_711, %swap3A_712], %mul3A_708 {strides = array<i32>} : memref<128x128xf32, #tpu.memory_space<vmem>>, vector<16xf32>,
          %add3A_714 = arith.constant 5 : i32
          %add3A_715 = arith.addi %add3A_203, %add3A_714 : i32
          %get3A_716 = arith.index_cast %add3A_715 : i32 to index
          %get3A_717 = arith.constant 48 : index
          %get3A_718 = tpu.vector_load %arg10[%get3A_716, %get3A_717] {strides = array<i32>} : memref<128x128xf32, #tpu.memory_space<vmem>>, vector<16xf32>,
          %mul3A_719 = arith.mulf %get3A_718, %bitcast3A_680 : vector<16xf32>
          %add3A_720 = arith.constant 5 : i32
          %add3A_721 = arith.addi %add3A_203, %add3A_720 : i32
          %swap3A_722 = arith.index_cast %add3A_721 : i32 to index
          %swap3A_723 = arith.constant 48 : index
          %swap3A_724 = tpu.vector_load %arg10[%swap3A_722, %swap3A_723] {strides = array<i32>} : memref<128x128xf32, #tpu.memory_space<vmem>>, vector<16xf32>,
          tpu.vector_store %arg10[%swap3A_722, %swap3A_723], %mul3A_719 {strides = array<i32>} : memref<128x128xf32, #tpu.memory_space<vmem>>, vector<16xf32>,
          %add3A_725 = arith.constant 5 : i32
          %add3A_726 = arith.addi %add3A_203, %add3A_725 : i32
          %get3A_727 = arith.index_cast %add3A_726 : i32 to index
          %get3A_728 = arith.constant 64 : index
          %get3A_729 = tpu.vector_load %arg10[%get3A_727, %get3A_728] {strides = array<i32>} : memref<128x128xf32, #tpu.memory_space<vmem>>, vector<16xf32>,
          %mul3A_730 = arith.mulf %get3A_729, %bitcast3A_680 : vector<16xf32>
          %add3A_731 = arith.constant 5 : i32
          %add3A_732 = arith.addi %add3A_203, %add3A_731 : i32
          %swap3A_733 = arith.index_cast %add3A_732 : i32 to index
          %swap3A_734 = arith.constant 64 : index
          %swap3A_735 = tpu.vector_load %arg10[%swap3A_733, %swap3A_734] {strides = array<i32>} : memref<128x128xf32, #tpu.memory_space<vmem>>, vector<16xf32>,
          tpu.vector_store %arg10[%swap3A_733, %swap3A_734], %mul3A_730 {strides = array<i32>} : memref<128x128xf32, #tpu.memory_space<vmem>>, vector<16xf32>,
          %add3A_736 = arith.constant 5 : i32
          %add3A_737 = arith.addi %add3A_203, %add3A_736 : i32
          %get3A_738 = arith.index_cast %add3A_737 : i32 to index
          %get3A_739 = arith.constant 80 : index
          %get3A_740 = tpu.vector_load %arg10[%get3A_738, %get3A_739] {strides = array<i32>} : memref<128x128xf32, #tpu.memory_space<vmem>>, vector<16xf32>,
          %mul3A_741 = arith.mulf %get3A_740, %bitcast3A_680 : vector<16xf32>
          %add3A_742 = arith.constant 5 : i32
          %add3A_743 = arith.addi %add3A_203, %add3A_742 : i32
          %swap3A_744 = arith.index_cast %add3A_743 : i32 to index
          %swap3A_745 = arith.constant 80 : index
          %swap3A_746 = tpu.vector_load %arg10[%swap3A_744, %swap3A_745] {strides = array<i32>} : memref<128x128xf32, #tpu.memory_space<vmem>>, vector<16xf32>,
          tpu.vector_store %arg10[%swap3A_744, %swap3A_745], %mul3A_741 {strides = array<i32>} : memref<128x128xf32, #tpu.memory_space<vmem>>, vector<16xf32>,
          %add3A_747 = arith.constant 5 : i32
          %add3A_748 = arith.addi %add3A_203, %add3A_747 : i32
          %get3A_749 = arith.index_cast %add3A_748 : i32 to index
          %get3A_750 = arith.constant 96 : index
          %get3A_751 = tpu.vector_load %arg10[%get3A_749, %get3A_750] {strides = array<i32>} : memref<128x128xf32, #tpu.memory_space<vmem>>, vector<16xf32>,
          %mul3A_752 = arith.mulf %get3A_751, %bitcast3A_680 : vector<16xf32>
          %add3A_753 = arith.constant 5 : i32
          %add3A_754 = arith.addi %add3A_203, %add3A_753 : i32
          %swap3A_755 = arith.index_cast %add3A_754 : i32 to index
          %swap3A_756 = arith.constant 96 : index
          %swap3A_757 = tpu.vector_load %arg10[%swap3A_755, %swap3A_756] {strides = array<i32>} : memref<128x128xf32, #tpu.memory_space<vmem>>, vector<16xf32>,
          tpu.vector_store %arg10[%swap3A_755, %swap3A_756], %mul3A_752 {strides = array<i32>} : memref<128x128xf32, #tpu.memory_space<vmem>>, vector<16xf32>,
          %add3A_758 = arith.constant 5 : i32
          %add3A_759 = arith.addi %add3A_203, %add3A_758 : i32
          %get3A_760 = arith.index_cast %add3A_759 : i32 to index
          %get3A_761 = arith.constant 112 : index
          %get3A_762 = tpu.vector_load %arg10[%get3A_760, %get3A_761] {strides = array<i32>} : memref<128x128xf32, #tpu.memory_space<vmem>>, vector<16xf32>,
          %mul3A_763 = arith.mulf %get3A_762, %bitcast3A_680 : vector<16xf32>
          %add3A_764 = arith.constant 5 : i32
          %add3A_765 = arith.addi %add3A_203, %add3A_764 : i32
          %swap3A_766 = arith.index_cast %add3A_765 : i32 to index
          %swap3A_767 = arith.constant 112 : index
          %swap3A_768 = tpu.vector_load %arg10[%swap3A_766, %swap3A_767] {strides = array<i32>} : memref<128x128xf32, #tpu.memory_space<vmem>>, vector<16xf32>,
          tpu.vector_store %arg10[%swap3A_766, %swap3A_767], %mul3A_763 {strides = array<i32>} : memref<128x128xf32, #tpu.memory_space<vmem>>, vector<16xf32>,
          %broadcast_in_dim3A_769 = arith.constant 2 : i32
          %broadcast_in_dim3A_770 = vector.broadcast %broadcast_in_dim3A_769 : i32 to vector<16xi32>
          %add3A_771 = arith.constant 6 : i32
          %add3A_772 = arith.addi %add3A_203, %add3A_771 : i32
          %broadcast_in_dim3A_773 = vector.broadcast %add3A_772 : i32 to vector<16xi32>
          %gather3A_774 = tpu.vector_load_idx %arg7[%broadcast_in_dim3A_770, %broadcast_in_dim3A_773] : memref<3x128xi32, #tpu.memory_space<vmem>>[vector<16xi32>, vector<16xi32>], vector<16xi32>,
          %bitcast3A_775 = vector.bitcast %gather3A_774 : vector<16xi32> to vector<16xf32>
          %add3A_776 = arith.constant 6 : i32
          %add3A_777 = arith.addi %add3A_203, %add3A_776 : i32
          %get3A_778 = arith.index_cast %add3A_777 : i32 to index
          %get3A_779 = arith.constant 0 : index
          %get3A_780 = tpu.vector_load %arg10[%get3A_778, %get3A_779] {strides = array<i32>} : memref<128x128xf32, #tpu.memory_space<vmem>>, vector<16xf32>,
          %mul3A_781 = arith.mulf %get3A_780, %bitcast3A_775 : vector<16xf32>
          %add3A_782 = arith.constant 6 : i32
          %add3A_783 = arith.addi %add3A_203, %add3A_782 : i32
          %swap3A_784 = arith.index_cast %add3A_783 : i32 to index
          %swap3A_785 = arith.constant 0 : index
          %swap3A_786 = tpu.vector_load %arg10[%swap3A_784, %swap3A_785] {strides = array<i32>} : memref<128x128xf32, #tpu.memory_space<vmem>>, vector<16xf32>,
          tpu.vector_store %arg10[%swap3A_784, %swap3A_785], %mul3A_781 {strides = array<i32>} : memref<128x128xf32, #tpu.memory_space<vmem>>, vector<16xf32>,
          %add3A_787 = arith.constant 6 : i32
          %add3A_788 = arith.addi %add3A_203, %add3A_787 : i32
          %get3A_789 = arith.index_cast %add3A_788 : i32 to index
          %get3A_790 = arith.constant 16 : index
          %get3A_791 = tpu.vector_load %arg10[%get3A_789, %get3A_790] {strides = array<i32>} : memref<128x128xf32, #tpu.memory_space<vmem>>, vector<16xf32>,
          %mul3A_792 = arith.mulf %get3A_791, %bitcast3A_775 : vector<16xf32>
          %add3A_793 = arith.constant 6 : i32
          %add3A_794 = arith.addi %add3A_203, %add3A_793 : i32
          %swap3A_795 = arith.index_cast %add3A_794 : i32 to index
          %swap3A_796 = arith.constant 16 : index
          %swap3A_797 = tpu.vector_load %arg10[%swap3A_795, %swap3A_796] {strides = array<i32>} : memref<128x128xf32, #tpu.memory_space<vmem>>, vector<16xf32>,
          tpu.vector_store %arg10[%swap3A_795, %swap3A_796], %mul3A_792 {strides = array<i32>} : memref<128x128xf32, #tpu.memory_space<vmem>>, vector<16xf32>,
          %add3A_798 = arith.constant 6 : i32
          %add3A_799 = arith.addi %add3A_203, %add3A_798 : i32
          %get3A_800 = arith.index_cast %add3A_799 : i32 to index
          %get3A_801 = arith.constant 32 : index
          %get3A_802 = tpu.vector_load %arg10[%get3A_800, %get3A_801] {strides = array<i32>} : memref<128x128xf32, #tpu.memory_space<vmem>>, vector<16xf32>,
          %mul3A_803 = arith.mulf %get3A_802, %bitcast3A_775 : vector<16xf32>
          %add3A_804 = arith.constant 6 : i32
          %add3A_805 = arith.addi %add3A_203, %add3A_804 : i32
          %swap3A_806 = arith.index_cast %add3A_805 : i32 to index
          %swap3A_807 = arith.constant 32 : index
          %swap3A_808 = tpu.vector_load %arg10[%swap3A_806, %swap3A_807] {strides = array<i32>} : memref<128x128xf32, #tpu.memory_space<vmem>>, vector<16xf32>,
          tpu.vector_store %arg10[%swap3A_806, %swap3A_807], %mul3A_803 {strides = array<i32>} : memref<128x128xf32, #tpu.memory_space<vmem>>, vector<16xf32>,
          %add3A_809 = arith.constant 6 : i32
          %add3A_810 = arith.addi %add3A_203, %add3A_809 : i32
          %get3A_811 = arith.index_cast %add3A_810 : i32 to index
          %get3A_812 = arith.constant 48 : index
          %get3A_813 = tpu.vector_load %arg10[%get3A_811, %get3A_812] {strides = array<i32>} : memref<128x128xf32, #tpu.memory_space<vmem>>, vector<16xf32>,
          %mul3A_814 = arith.mulf %get3A_813, %bitcast3A_775 : vector<16xf32>
          %add3A_815 = arith.constant 6 : i32
          %add3A_816 = arith.addi %add3A_203, %add3A_815 : i32
          %swap3A_817 = arith.index_cast %add3A_816 : i32 to index
          %swap3A_818 = arith.constant 48 : index
          %swap3A_819 = tpu.vector_load %arg10[%swap3A_817, %swap3A_818] {strides = array<i32>} : memref<128x128xf32, #tpu.memory_space<vmem>>, vector<16xf32>,
          tpu.vector_store %arg10[%swap3A_817, %swap3A_818], %mul3A_814 {strides = array<i32>} : memref<128x128xf32, #tpu.memory_space<vmem>>, vector<16xf32>,
          %add3A_820 = arith.constant 6 : i32
          %add3A_821 = arith.addi %add3A_203, %add3A_820 : i32
          %get3A_822 = arith.index_cast %add3A_821 : i32 to index
          %get3A_823 = arith.constant 64 : index
          %get3A_824 = tpu.vector_load %arg10[%get3A_822, %get3A_823] {strides = array<i32>} : memref<128x128xf32, #tpu.memory_space<vmem>>, vector<16xf32>,
          %mul3A_825 = arith.mulf %get3A_824, %bitcast3A_775 : vector<16xf32>
          %add3A_826 = arith.constant 6 : i32
          %add3A_827 = arith.addi %add3A_203, %add3A_826 : i32
          %swap3A_828 = arith.index_cast %add3A_827 : i32 to index
          %swap3A_829 = arith.constant 64 : index
          %swap3A_830 = tpu.vector_load %arg10[%swap3A_828, %swap3A_829] {strides = array<i32>} : memref<128x128xf32, #tpu.memory_space<vmem>>, vector<16xf32>,
          tpu.vector_store %arg10[%swap3A_828, %swap3A_829], %mul3A_825 {strides = array<i32>} : memref<128x128xf32, #tpu.memory_space<vmem>>, vector<16xf32>,
          %add3A_831 = arith.constant 6 : i32
          %add3A_832 = arith.addi %add3A_203, %add3A_831 : i32
          %get3A_833 = arith.index_cast %add3A_832 : i32 to index
          %get3A_834 = arith.constant 80 : index
          %get3A_835 = tpu.vector_load %arg10[%get3A_833, %get3A_834] {strides = array<i32>} : memref<128x128xf32, #tpu.memory_space<vmem>>, vector<16xf32>,
          %mul3A_836 = arith.mulf %get3A_835, %bitcast3A_775 : vector<16xf32>
          %add3A_837 = arith.constant 6 : i32
          %add3A_838 = arith.addi %add3A_203, %add3A_837 : i32
          %swap3A_839 = arith.index_cast %add3A_838 : i32 to index
          %swap3A_840 = arith.constant 80 : index
          %swap3A_841 = tpu.vector_load %arg10[%swap3A_839, %swap3A_840] {strides = array<i32>} : memref<128x128xf32, #tpu.memory_space<vmem>>, vector<16xf32>,
          tpu.vector_store %arg10[%swap3A_839, %swap3A_840], %mul3A_836 {strides = array<i32>} : memref<128x128xf32, #tpu.memory_space<vmem>>, vector<16xf32>,
          %add3A_842 = arith.constant 6 : i32
          %add3A_843 = arith.addi %add3A_203, %add3A_842 : i32
          %get3A_844 = arith.index_cast %add3A_843 : i32 to index
          %get3A_845 = arith.constant 96 : index
          %get3A_846 = tpu.vector_load %arg10[%get3A_844, %get3A_845] {strides = array<i32>} : memref<128x128xf32, #tpu.memory_space<vmem>>, vector<16xf32>,
          %mul3A_847 = arith.mulf %get3A_846, %bitcast3A_775 : vector<16xf32>
          %add3A_848 = arith.constant 6 : i32
          %add3A_849 = arith.addi %add3A_203, %add3A_848 : i32
          %swap3A_850 = arith.index_cast %add3A_849 : i32 to index
          %swap3A_851 = arith.constant 96 : index
          %swap3A_852 = tpu.vector_load %arg10[%swap3A_850, %swap3A_851] {strides = array<i32>} : memref<128x128xf32, #tpu.memory_space<vmem>>, vector<16xf32>,
          tpu.vector_store %arg10[%swap3A_850, %swap3A_851], %mul3A_847 {strides = array<i32>} : memref<128x128xf32, #tpu.memory_space<vmem>>, vector<16xf32>,
          %add3A_853 = arith.constant 6 : i32
          %add3A_854 = arith.addi %add3A_203, %add3A_853 : i32
          %get3A_855 = arith.index_cast %add3A_854 : i32 to index
          %get3A_856 = arith.constant 112 : index
          %get3A_857 = tpu.vector_load %arg10[%get3A_855, %get3A_856] {strides = array<i32>} : memref<128x128xf32, #tpu.memory_space<vmem>>, vector<16xf32>,
          %mul3A_858 = arith.mulf %get3A_857, %bitcast3A_775 : vector<16xf32>
          %add3A_859 = arith.constant 6 : i32
          %add3A_860 = arith.addi %add3A_203, %add3A_859 : i32
          %swap3A_861 = arith.index_cast %add3A_860 : i32 to index
          %swap3A_862 = arith.constant 112 : index
          %swap3A_863 = tpu.vector_load %arg10[%swap3A_861, %swap3A_862] {strides = array<i32>} : memref<128x128xf32, #tpu.memory_space<vmem>>, vector<16xf32>,
          tpu.vector_store %arg10[%swap3A_861, %swap3A_862], %mul3A_858 {strides = array<i32>} : memref<128x128xf32, #tpu.memory_space<vmem>>, vector<16xf32>,
          %broadcast_in_dim3A_864 = arith.constant 2 : i32
          %broadcast_in_dim3A_865 = vector.broadcast %broadcast_in_dim3A_864 : i32 to vector<16xi32>
          %add3A_866 = arith.constant 7 : i32
          %add3A_867 = arith.addi %add3A_203, %add3A_866 : i32
          %broadcast_in_dim3A_868 = vector.broadcast %add3A_867 : i32 to vector<16xi32>
          %gather3A_869 = tpu.vector_load_idx %arg7[%broadcast_in_dim3A_865, %broadcast_in_dim3A_868] : memref<3x128xi32, #tpu.memory_space<vmem>>[vector<16xi32>, vector<16xi32>], vector<16xi32>,
          %bitcast3A_870 = vector.bitcast %gather3A_869 : vector<16xi32> to vector<16xf32>
          %add3A_871 = arith.constant 7 : i32
          %add3A_872 = arith.addi %add3A_203, %add3A_871 : i32
          %get3A_873 = arith.index_cast %add3A_872 : i32 to index
          %get3A_874 = arith.constant 0 : index
          %get3A_875 = tpu.vector_load %arg10[%get3A_873, %get3A_874] {strides = array<i32>} : memref<128x128xf32, #tpu.memory_space<vmem>>, vector<16xf32>,
          %mul3A_876 = arith.mulf %get3A_875, %bitcast3A_870 : vector<16xf32>
          %add3A_877 = arith.constant 7 : i32
          %add3A_878 = arith.addi %add3A_203, %add3A_877 : i32
          %swap3A_879 = arith.index_cast %add3A_878 : i32 to index
          %swap3A_880 = arith.constant 0 : index
          %swap3A_881 = tpu.vector_load %arg10[%swap3A_879, %swap3A_880] {strides = array<i32>} : memref<128x128xf32, #tpu.memory_space<vmem>>, vector<16xf32>,
          tpu.vector_store %arg10[%swap3A_879, %swap3A_880], %mul3A_876 {strides = array<i32>} : memref<128x128xf32, #tpu.memory_space<vmem>>, vector<16xf32>,
          %add3A_882 = arith.constant 7 : i32
          %add3A_883 = arith.addi %add3A_203, %add3A_882 : i32
          %get3A_884 = arith.index_cast %add3A_883 : i32 to index
          %get3A_885 = arith.constant 16 : index
          %get3A_886 = tpu.vector_load %arg10[%get3A_884, %get3A_885] {strides = array<i32>} : memref<128x128xf32, #tpu.memory_space<vmem>>, vector<16xf32>,
          %mul3A_887 = arith.mulf %get3A_886, %bitcast3A_870 : vector<16xf32>
          %add3A_888 = arith.constant 7 : i32
          %add3A_889 = arith.addi %add3A_203, %add3A_888 : i32
          %swap3A_890 = arith.index_cast %add3A_889 : i32 to index
          %swap3A_891 = arith.constant 16 : index
          %swap3A_892 = tpu.vector_load %arg10[%swap3A_890, %swap3A_891] {strides = array<i32>} : memref<128x128xf32, #tpu.memory_space<vmem>>, vector<16xf32>,
          tpu.vector_store %arg10[%swap3A_890, %swap3A_891], %mul3A_887 {strides = array<i32>} : memref<128x128xf32, #tpu.memory_space<vmem>>, vector<16xf32>,
          %add3A_893 = arith.constant 7 : i32
          %add3A_894 = arith.addi %add3A_203, %add3A_893 : i32
          %get3A_895 = arith.index_cast %add3A_894 : i32 to index
          %get3A_896 = arith.constant 32 : index
          %get3A_897 = tpu.vector_load %arg10[%get3A_895, %get3A_896] {strides = array<i32>} : memref<128x128xf32, #tpu.memory_space<vmem>>, vector<16xf32>,
          %mul3A_898 = arith.mulf %get3A_897, %bitcast3A_870 : vector<16xf32>
          %add3A_899 = arith.constant 7 : i32
          %add3A_900 = arith.addi %add3A_203, %add3A_899 : i32
          %swap3A_901 = arith.index_cast %add3A_900 : i32 to index
          %swap3A_902 = arith.constant 32 : index
          %swap3A_903 = tpu.vector_load %arg10[%swap3A_901, %swap3A_902] {strides = array<i32>} : memref<128x128xf32, #tpu.memory_space<vmem>>, vector<16xf32>,
          tpu.vector_store %arg10[%swap3A_901, %swap3A_902], %mul3A_898 {strides = array<i32>} : memref<128x128xf32, #tpu.memory_space<vmem>>, vector<16xf32>,
          %add3A_904 = arith.constant 7 : i32
          %add3A_905 = arith.addi %add3A_203, %add3A_904 : i32
          %get3A_906 = arith.index_cast %add3A_905 : i32 to index
          %get3A_907 = arith.constant 48 : index
          %get3A_908 = tpu.vector_load %arg10[%get3A_906, %get3A_907] {strides = array<i32>} : memref<128x128xf32, #tpu.memory_space<vmem>>, vector<16xf32>,
          %mul3A_909 = arith.mulf %get3A_908, %bitcast3A_870 : vector<16xf32>
          %add3A_910 = arith.constant 7 : i32
          %add3A_911 = arith.addi %add3A_203, %add3A_910 : i32
          %swap3A_912 = arith.index_cast %add3A_911 : i32 to index
          %swap3A_913 = arith.constant 48 : index
          %swap3A_914 = tpu.vector_load %arg10[%swap3A_912, %swap3A_913] {strides = array<i32>} : memref<128x128xf32, #tpu.memory_space<vmem>>, vector<16xf32>,
          tpu.vector_store %arg10[%swap3A_912, %swap3A_913], %mul3A_909 {strides = array<i32>} : memref<128x128xf32, #tpu.memory_space<vmem>>, vector<16xf32>,
          %add3A_915 = arith.constant 7 : i32
          %add3A_916 = arith.addi %add3A_203, %add3A_915 : i32
          %get3A_917 = arith.index_cast %add3A_916 : i32 to index
          %get3A_918 = arith.constant 64 : index
          %get3A_919 = tpu.vector_load %arg10[%get3A_917, %get3A_918] {strides = array<i32>} : memref<128x128xf32, #tpu.memory_space<vmem>>, vector<16xf32>,
          %mul3A_920 = arith.mulf %get3A_919, %bitcast3A_870 : vector<16xf32>
          %add3A_921 = arith.constant 7 : i32
          %add3A_922 = arith.addi %add3A_203, %add3A_921 : i32
          %swap3A_923 = arith.index_cast %add3A_922 : i32 to index
          %swap3A_924 = arith.constant 64 : index
          %swap3A_925 = tpu.vector_load %arg10[%swap3A_923, %swap3A_924] {strides = array<i32>} : memref<128x128xf32, #tpu.memory_space<vmem>>, vector<16xf32>,
          tpu.vector_store %arg10[%swap3A_923, %swap3A_924], %mul3A_920 {strides = array<i32>} : memref<128x128xf32, #tpu.memory_space<vmem>>, vector<16xf32>,
          %add3A_926 = arith.constant 7 : i32
          %add3A_927 = arith.addi %add3A_203, %add3A_926 : i32
          %get3A_928 = arith.index_cast %add3A_927 : i32 to index
          %get3A_929 = arith.constant 80 : index
          %get3A_930 = tpu.vector_load %arg10[%get3A_928, %get3A_929] {strides = array<i32>} : memref<128x128xf32, #tpu.memory_space<vmem>>, vector<16xf32>,
          %mul3A_931 = arith.mulf %get3A_930, %bitcast3A_870 : vector<16xf32>
          %add3A_932 = arith.constant 7 : i32
          %add3A_933 = arith.addi %add3A_203, %add3A_932 : i32
          %swap3A_934 = arith.index_cast %add3A_933 : i32 to index
          %swap3A_935 = arith.constant 80 : index
          %swap3A_936 = tpu.vector_load %arg10[%swap3A_934, %swap3A_935] {strides = array<i32>} : memref<128x128xf32, #tpu.memory_space<vmem>>, vector<16xf32>,
          tpu.vector_store %arg10[%swap3A_934, %swap3A_935], %mul3A_931 {strides = array<i32>} : memref<128x128xf32, #tpu.memory_space<vmem>>, vector<16xf32>,
          %add3A_937 = arith.constant 7 : i32
          %add3A_938 = arith.addi %add3A_203, %add3A_937 : i32
          %get3A_939 = arith.index_cast %add3A_938 : i32 to index
          %get3A_940 = arith.constant 96 : index
          %get3A_941 = tpu.vector_load %arg10[%get3A_939, %get3A_940] {strides = array<i32>} : memref<128x128xf32, #tpu.memory_space<vmem>>, vector<16xf32>,
          %mul3A_942 = arith.mulf %get3A_941, %bitcast3A_870 : vector<16xf32>
          %add3A_943 = arith.constant 7 : i32
          %add3A_944 = arith.addi %add3A_203, %add3A_943 : i32
          %swap3A_945 = arith.index_cast %add3A_944 : i32 to index
          %swap3A_946 = arith.constant 96 : index
          %swap3A_947 = tpu.vector_load %arg10[%swap3A_945, %swap3A_946] {strides = array<i32>} : memref<128x128xf32, #tpu.memory_space<vmem>>, vector<16xf32>,
          tpu.vector_store %arg10[%swap3A_945, %swap3A_946], %mul3A_942 {strides = array<i32>} : memref<128x128xf32, #tpu.memory_space<vmem>>, vector<16xf32>,
          %add3A_948 = arith.constant 7 : i32
          %add3A_949 = arith.addi %add3A_203, %add3A_948 : i32
          %get3A_950 = arith.index_cast %add3A_949 : i32 to index
          %get3A_951 = arith.constant 112 : index
          %get3A_952 = tpu.vector_load %arg10[%get3A_950, %get3A_951] {strides = array<i32>} : memref<128x128xf32, #tpu.memory_space<vmem>>, vector<16xf32>,
          %mul3A_953 = arith.mulf %get3A_952, %bitcast3A_870 : vector<16xf32>
          %add3A_954 = arith.constant 7 : i32
          %add3A_955 = arith.addi %add3A_203, %add3A_954 : i32
          %swap3A_956 = arith.index_cast %add3A_955 : i32 to index
          %swap3A_957 = arith.constant 112 : index
          %swap3A_958 = tpu.vector_load %arg10[%swap3A_956, %swap3A_957] {strides = array<i32>} : memref<128x128xf32, #tpu.memory_space<vmem>>, vector<16xf32>,
          tpu.vector_store %arg10[%swap3A_956, %swap3A_957], %mul3A_953 {strides = array<i32>} : memref<128x128xf32, #tpu.memory_space<vmem>>, vector<16xf32>,
        }
        %scan3A_191 = arith.constant 16 : i32
        %dma_start3A_192 = arith.constant 1 : i32
        %dma_start3A_193 = arith.constant 0 : i32
        %dma_start3A_194 = tpu.memref_slice %arg7[%dma_start3A_192, %dma_start3A_193] : memref<3x128xi32, #tpu.memory_space<vmem>> -> memref<1x128xi32, #tpu.memory_space<vmem>>
        %dma_start3A_195 = tpu.memref_squeeze %dma_start3A_194 : memref<1x128xi32, #tpu.memory_space<vmem>> -> memref<128xi32, #tpu.memory_space<vmem>>
        %dma_start3A_196 = arith.constant 0 : i32
        %dma_start3A_197 = arith.constant 0 : i32
        %dma_start3A_198 = tpu.memref_slice %arg11[%dma_start3A_196, %dma_start3A_197] : memref<10000x128xf32, #tpu.memory_space<vmem_shared>> -> memref<10000x128xf32, #tpu.memory_space<vmem_shared>>
        tpu.enqueue_indirect_dma source(%arg10 : memref<128x128xf32, #tpu.memory_space<vmem>>) target(%dma_start3A_198 : memref<10000x128xf32, #tpu.memory_space<vmem_shared>>) offsets(%dma_start3A_195 : memref<128xi32, #tpu.memory_space<vmem>>) semaphore(%arg20 : memref<!tpu.dma_semaphore, #tpu.memory_space<semaphore_mem>>) {add = true}
      } else {
      }
      %ge3A_163 = arith.constant 1 : i32
      %ge3A_164 = arith.cmpi sge, %add3A_147, %ge3A_163 : i32
      %sub3A_165 = arith.constant 16 : i32
      %sub3A_166 = arith.subi %add3A_150, %sub3A_165 : i32
      %lt3A_167 = arith.constant 1250 : i32
      %lt3A_168 = arith.cmpi slt, %sub3A_166, %lt3A_167 : i32
      %and3A_169 = arith.andi %ge3A_164, %lt3A_168 : i1
      %convert_element_type3A_170 = arith.extui %and3A_169 : i1 to i32
      %cond3A_171 = arith.constant 0 : i32
      %cond3A_172 = arith.cmpi ne, %convert_element_type3A_170, %cond3A_171 : i32
      scf.if %cond3A_172 {
        %dma_wait3A_180 = arith.constant 1 : i32
        %dma_wait3A_181 = arith.constant 0 : i32
        %dma_wait3A_182 = tpu.memref_slice %arg6[%dma_wait3A_180, %dma_wait3A_181] : memref<3x128xi32, #tpu.memory_space<vmem>> -> memref<1x128xi32, #tpu.memory_space<vmem>>
        %dma_wait3A_183 = tpu.memref_squeeze %dma_wait3A_182 : memref<1x128xi32, #tpu.memory_space<vmem>> -> memref<128xi32, #tpu.memory_space<vmem>>
        %dma_wait3A_184 = arith.constant 0 : i32
        %dma_wait3A_185 = arith.constant 0 : i32
        %dma_wait3A_186 = tpu.memref_slice %arg11[%dma_wait3A_184, %dma_wait3A_185] : memref<10000x128xf32, #tpu.memory_space<vmem_shared>> -> memref<10000x128xf32, #tpu.memory_space<vmem_shared>>
        tpu.wait_indirect_dma semaphore(%arg19 : memref<!tpu.dma_semaphore, #tpu.memory_space<semaphore_mem>>) src(%arg9 : memref<128x128xf32, #tpu.memory_space<vmem>>) dst(%dma_wait3A_186 : memref<10000x128xf32, #tpu.memory_space<vmem_shared>>)
      } else {
      }
      %add3A_173 = arith.constant 32 : i32
      %add3A_174 = arith.addi %add3A_150, %add3A_173 : i32
      %lt3A_175 = arith.constant 1250 : i32
      %lt3A_176 = arith.cmpi slt, %add3A_174, %lt3A_175 : i32
      %convert_element_type3A_177 = arith.extui %lt3A_176 : i1 to i32
      %cond3A_178 = arith.constant 0 : i32
      %cond3A_179 = arith.cmpi ne, %convert_element_type3A_177, %cond3A_178 : i32
      scf.if %cond3A_179 {
        %add3A_180 = arith.constant 32 : i32
        %add3A_181 = arith.addi %add3A_150, %add3A_180 : i32
        %mul3A_182 = arith.constant 1250 : i32
        %mul3A_183 = arith.muli %arg0, %mul3A_182 : i32
        %add3A_184 = arith.addi %mul3A_183, %add3A_181 : i32
        %dma_start3A_185 = arith.constant 0 : i32
        %dma_start3A_186 = arith.constant 0 : i32
        %dma_start3A_187 = tpu.memref_slice %arg3[%add3A_184, %dma_start3A_185, %dma_start3A_186] : memref<2500x3x128xi32, #tpu.memory_space<hbm>> -> memref<1x3x128xi32, #tpu.memory_space<hbm>>
        %dma_start3A_188 = tpu.memref_squeeze %dma_start3A_187 : memref<1x3x128xi32, #tpu.memory_space<hbm>> -> memref<3x128xi32, #tpu.memory_space<hbm>>
        %dma_start3A_189 = arith.constant 0 : i32
        %dma_start3A_190 = arith.constant 0 : i32
        %dma_start3A_191 = tpu.memref_slice %arg3[%add3A_184, %dma_start3A_189, %dma_start3A_190] : memref<2500x3x128xi32, #tpu.memory_space<hbm>> -> memref<1x3x128xi32, #tpu.memory_space<hbm>>
        %dma_start3A_192 = tpu.memref_squeeze %dma_start3A_191 : memref<1x3x128xi32, #tpu.memory_space<hbm>> -> memref<3x128xi32, #tpu.memory_space<hbm>>
        tpu.enqueue_dma source(%dma_start3A_192 : memref<3x128xi32, #tpu.memory_space<hbm>>) target(%arg6 : memref<3x128xi32, #tpu.memory_space<vmem>>) target_semaphore(%arg13 : memref<!tpu.dma_semaphore, #tpu.memory_space<semaphore_mem>>)
      } else {
      }
    }
    %scan3A_68 = arith.constant 27 : i32
    %barrier3A_69 = arith.constant 0 : index
    tpu.barrier barrier_id(%barrier3A_69)
    %mul3A_70 = arith.constant 624 : i32
    %mul3A_71 = arith.muli %arg1, %mul3A_70 : i32
    "tpu.region"() ({
      %run_scoped3A = tpu.sem_alloc : memref<!tpu.dma_semaphore, #tpu.memory_space<semaphore_mem>>
      %dma_start3A_77 = arith.constant 0 : i32
      %dma_start3A_78 = tpu.memref_slice %arg4[%arg0, %mul3A_71, %dma_start3A_77] : memref<2x10000x128xf32, #tpu.memory_space<hbm>> -> memref<1x624x128xf32, #tpu.memory_space<hbm>>
      %dma_start3A_79 = tpu.memref_squeeze %dma_start3A_78 : memref<1x624x128xf32, #tpu.memory_space<hbm>> -> memref<624x128xf32, #tpu.memory_space<hbm>>
      %dma_start3A_80 = arith.constant 0 : i32
      %dma_start3A_81 = tpu.memref_slice %arg11[%mul3A_71, %dma_start3A_80] : memref<10000x128xf32, #tpu.memory_space<vmem_shared>> -> memref<624x128xf32, #tpu.memory_space<vmem_shared>>
      tpu.enqueue_dma source(%dma_start3A_81 : memref<624x128xf32, #tpu.memory_space<vmem_shared>>) target(%dma_start3A_79 : memref<624x128xf32, #tpu.memory_space<hbm>>) target_semaphore(%run_scoped3A : memref<!tpu.dma_semaphore, #tpu.memory_space<semaphore_mem>>)
      %dma_wait3A_82 = arith.constant 0 : i32
      %dma_wait3A_83 = tpu.memref_slice %arg4[%arg0, %mul3A_71, %dma_wait3A_82] : memref<2x10000x128xf32, #tpu.memory_space<hbm>> -> memref<1x624x128xf32, #tpu.memory_space<hbm>>
      %dma_wait3A_84 = tpu.memref_squeeze %dma_wait3A_83 : memref<1x624x128xf32, #tpu.memory_space<hbm>> -> memref<624x128xf32, #tpu.memory_space<hbm>>
      %dma_wait3A_85 = arith.constant 0 : i32
      %dma_wait3A_86 = tpu.memref_slice %arg11[%mul3A_71, %dma_wait3A_85] : memref<10000x128xf32, #tpu.memory_space<vmem_shared>> -> memref<624x128xf32, #tpu.memory_space<vmem_shared>>
      tpu.wait_dma2 semaphore(%run_scoped3A : memref<!tpu.dma_semaphore, #tpu.memory_space<semaphore_mem>>) src(%dma_wait3A_86 : memref<624x128xf32, #tpu.memory_space<vmem_shared>>) dst(%dma_wait3A_84 : memref<624x128xf32, #tpu.memory_space<hbm>>)
      tpu.yield
    }) : () -> ()
    %eq3A_72 = arith.constant 15 : i32
    %eq3A_73 = arith.cmpi eq, %arg1, %eq3A_72 : i32
    %convert_element_type3A_74 = arith.extui %eq3A_73 : i1 to i32
    %cond3A_75 = arith.constant 0 : i32
    %cond3A_76 = arith.cmpi ne, %convert_element_type3A_74, %cond3A_75 : i32
    scf.if %cond3A_76 {
      "tpu.region"() ({
        %run_scoped3A = tpu.sem_alloc : memref<!tpu.dma_semaphore, #tpu.memory_space<semaphore_mem>>
        %dma_start3A_77 = arith.constant 9984 : i32
        %dma_start3A_78 = arith.constant 0 : i32
        %dma_start3A_79 = tpu.memref_slice %arg4[%arg0, %dma_start3A_77, %dma_start3A_78] : memref<2x10000x128xf32, #tpu.memory_space<hbm>> -> memref<1x16x128xf32, #tpu.memory_space<hbm>>
        %dma_start3A_80 = tpu.memref_squeeze %dma_start3A_79 : memref<1x16x128xf32, #tpu.memory_space<hbm>> -> memref<16x128xf32, #tpu.memory_space<hbm>>
        %dma_start3A_81 = arith.constant 9984 : i32
        %dma_start3A_82 = arith.constant 0 : i32
        %dma_start3A_83 = tpu.memref_slice %arg11[%dma_start3A_81, %dma_start3A_82] : memref<10000x128xf32, #tpu.memory_space<vmem_shared>> -> memref<16x128xf32, #tpu.memory_space<vmem_shared>>
        tpu.enqueue_dma source(%dma_start3A_83 : memref<16x128xf32, #tpu.memory_space<vmem_shared>>) target(%dma_start3A_80 : memref<16x128xf32, #tpu.memory_space<hbm>>) target_semaphore(%run_scoped3A : memref<!tpu.dma_semaphore, #tpu.memory_space<semaphore_mem>>)
        %dma_wait3A_84 = arith.constant 9984 : i32
        %dma_wait3A_85 = arith.constant 0 : i32
        %dma_wait3A_86 = tpu.memref_slice %arg4[%arg0, %dma_wait3A_84, %dma_wait3A_85] : memref<2x10000x128xf32, #tpu.memory_space<hbm>> -> memref<1x16x128xf32, #tpu.memory_space<hbm>>
        %dma_wait3A_87 = tpu.memref_squeeze %dma_wait3A_86 : memref<1x16x128xf32, #tpu.memory_space<hbm>> -> memref<16x128xf32, #tpu.memory_space<hbm>>
        %dma_wait3A_88 = arith.constant 9984 : i32
        %dma_wait3A_89 = arith.constant 0 : i32
        %dma_wait3A_90 = tpu.memref_slice %arg11[%dma_wait3A_88, %dma_wait3A_89] : memref<10000x128xf32, #tpu.memory_space<vmem_shared>> -> memref<16x128xf32, #tpu.memory_space<vmem_shared>>
        tpu.wait_dma2 semaphore(%run_scoped3A : memref<!tpu.dma_semaphore, #tpu.memory_space<semaphore_mem>>) src(%dma_wait3A_90 : memref<16x128xf32, #tpu.memory_space<vmem_shared>>) dst(%dma_wait3A_87 : memref<16x128xf32, #tpu.memory_space<hbm>>)
        tpu.yield
      }) : () -> ()
    } else {
    }
    return
  }
}

module attributes {stable_mosaic.version = 14 : i64} {
  func.func @_mm_body(%arg0: i32, %arg1: memref<1000x128xf32, #tpu.memory_space<vmem>>, %arg2: memref<128x128xf32, #tpu.memory_space<vmem>>, %arg3: memref<1000x128xf32, #tpu.memory_space<vmem>>) attributes {dimension_semantics = [#tpu.dimension_semantics<arbitrary>], iteration_bounds = array<i64: 10>, scalar_prefetch = 0 : i64, scratch_operands = 0 : i64, tpu.core_type = #tpu.core_type<tc>, window_params = [{transform_indices = @transform_0, window_bounds = array<i64: 1000, 128>}, {pipeline_mode = #tpu.pipeline_mode<synchronous>, transform_indices = @transform_1, window_bounds = array<i64: 128, 128>}, {transform_indices = @transform_2, window_bounds = array<i64: 1000, 128>}]} {
    %get3A = arith.constant 0 : index
    %get3A_0 = arith.constant 0 : index
    %get3A_1 = vector.load %arg1[%get3A, %get3A_0] : memref<1000x128xf32, #tpu.memory_space<vmem>>, vector<1000x128xf32>
    %get3A_2 = arith.constant 0 : index
    %get3A_3 = arith.constant 0 : index
    %get3A_4 = vector.load %arg2[%get3A_2, %get3A_3] : memref<128x128xf32, #tpu.memory_space<vmem>>, vector<128x128xf32>
    %dot_general3A = arith.constant dense<0.000000e+00> : vector<1000x128xf32>
    %dot_general3A_5 = tpu.matmul %get3A_1, %get3A_4, %dot_general3A {dimension_numbers = #tpu.dot_dimension_numbers<[1], [0], [0], [1], [0, 0, 1, 1], [], []>, transpose_lhs_hint = false} : vector<1000x128xf32>, vector<128x128xf32>, vector<1000x128xf32> -> vector<1000x128xf32>
    %swap3A = arith.constant 0 : index
    %swap3A_6 = arith.constant 0 : index
    %swap3A_7 = vector.load %arg3[%swap3A, %swap3A_6] : memref<1000x128xf32, #tpu.memory_space<vmem>>, vector<1000x128xf32>
    tpu.vector_store %arg3[%swap3A, %swap3A_6], %dot_general3A_5 {strides = array<i32>} : memref<1000x128xf32, #tpu.memory_space<vmem>>, vector<1000x128xf32>,
    return
  }
  func.func @transform_0(%arg0: i32) -> (i32, i32) {
    %c0_i32 = arith.constant 0 : i32
    %c0_i32_0 = arith.constant 0 : i32
    return %arg0, %c0_i32 : i32, i32
  }
  func.func @transform_1(%arg0: i32) -> (i32, i32) {
    %c0_i32 = arith.constant 0 : i32
    %c0_i32_0 = arith.constant 0 : i32
    %c0_i32_1 = arith.constant 0 : i32
    return %c0_i32, %c0_i32_0 : i32, i32
  }
  func.func @transform_2(%arg0: i32) -> (i32, i32) {
    %c0_i32 = arith.constant 0 : i32
    %c0_i32_0 = arith.constant 0 : i32
    return %arg0, %c0_i32 : i32, i32
  }
}

module attributes {stable_mosaic.version = 14 : i64} {
  func.func @_add_body(%arg0: i32, %arg1: memref<2x1000x128xf32, #tpu.memory_space<vmem>>, %arg2: memref<1000x128xf32, #tpu.memory_space<vmem>>) attributes {dimension_semantics = [#tpu.dimension_semantics<arbitrary>], iteration_bounds = array<i64: 10>, scalar_prefetch = 0 : i64, scratch_operands = 0 : i64, tpu.core_type = #tpu.core_type<tc>, window_params = [{transform_indices = @transform_0, window_bounds = array<i64: 2, 1000, 128>}, {transform_indices = @transform_1, window_bounds = array<i64: 1000, 128>}]} {
    %get3A = arith.constant 0 : index
    %get3A_0 = arith.constant 0 : index
    %get3A_1 = arith.constant 0 : index
    %get3A_2 = vector.load %arg1[%get3A, %get3A_0, %get3A_1] : memref<2x1000x128xf32, #tpu.memory_space<vmem>>, vector<1x1000x128xf32>
    %get3A_3 = vector.shape_cast %get3A_2 : vector<1x1000x128xf32> to vector<1000x128xf32>
    %get3A_4 = arith.constant 1 : index
    %get3A_5 = arith.constant 0 : index
    %get3A_6 = arith.constant 0 : index
    %get3A_7 = vector.load %arg1[%get3A_4, %get3A_5, %get3A_6] : memref<2x1000x128xf32, #tpu.memory_space<vmem>>, vector<1x1000x128xf32>
    %get3A_8 = vector.shape_cast %get3A_7 : vector<1x1000x128xf32> to vector<1000x128xf32>
    %add3A = arith.addf %get3A_3, %get3A_8 : vector<1000x128xf32>
    %swap3A = arith.constant 0 : index
    %swap3A_9 = arith.constant 0 : index
    %swap3A_10 = vector.load %arg2[%swap3A, %swap3A_9] : memref<1000x128xf32, #tpu.memory_space<vmem>>, vector<1000x128xf32>
    tpu.vector_store %arg2[%swap3A, %swap3A_9], %add3A {strides = array<i32>} : memref<1000x128xf32, #tpu.memory_space<vmem>>, vector<1000x128xf32>,
    return
  }
  func.func @transform_0(%arg0: i32) -> (i32, i32, i32) {
    %c0_i32 = arith.constant 0 : i32
    %c0_i32_0 = arith.constant 0 : i32
    %c0_i32_1 = arith.constant 0 : i32
    return %c0_i32, %arg0, %c0_i32_0 : i32, i32, i32
  }
  func.func @transform_1(%arg0: i32) -> (i32, i32) {
    %c0_i32 = arith.constant 0 : i32
    %c0_i32_0 = arith.constant 0 : i32
    return %arg0, %c0_i32 : i32, i32
  }
}

</mosaic_0001>

<sc_bundles>
// kernel: kernel.5.cloned.1.call-start
scs
__scs_entry_jumppad:
0x0: {  	(pc) =	sbr.rel $0x88, $3  }
0x1: {  	(tag) =	ssettag $0x0;
	lr =	simm.s32 $0x1  }
0x2: {  	[smem:$0x3F9D] =	sst lr;
	_ =	strace $0xD0000000  }
0x3: {  	_ = 	snop  }
0x4: {  	_ = 	snop  }
0x5: {  	_ = 	snop  }
0x6: {  	_ = 	snop  }
0x7: {  	_ = 	snop  }
__scs_overlays_trampoline_lowered:
0x8: {  	[smem:$0x3FAC] =	sst s0  }
0x9: {  	[smem:$0x3FAD] =	sst s1  }
0xa: {  	[smem:$0x3FAE] =	sst s2  }
0xb: {  	[smem:$0x3FAF] =	sst s3  }
0xc: {  	[smem:$0x3FB0] =	sst s4  }
0xd: {  	[smem:$0x3FB1] =	sst s5  }
0xe: {  	[smem:$0x3FB2] =	sst s6  }
0xf: {  	[smem:$0x3FB3] =	sst s7  }
0x10: {  	[smem:$0x3FB4] =	sst s8  }
0x11: {  	[smem:$0x3FB5] =	sst s9;
	s0 =	simm.s32 @!p0 $0x0  }
0x12: {  	s1 =	sld [smem:$0x3F9B];
	s0 =	simm.s32 @p0 $0x1  }
0x13: {  	[smem:$0x3FB6] =	sst s0;
	s0 =	simm.s32 @!p1 $0x0  }
0x14: {  	s2 =	sld [smem:$0x3F9A];
	s0 =	simm.s32 @p1 $0x1  }
0x15: {  	[smem:$0x3FB7] =	sst s0;
	s0 =	simm.s32 @!p2 $0x0  }
0x16: {  	s3 =	sld [smem:$0x3FDB];
	s0 =	simm.s32 @p2 $0x1  }
0x17: {  	s4 =	simm.s32 $0x1BF5;
	[smem:$0x3FB9] =	sst s0  }
0x18: {  	s0 =	sld [smem:$0x3F9C];
	_ =	swait.ge [sflag:s4], $0x0  }
0x19: {  	s7 =	sld [smem:$0x3F9D]  }
0x1a: {  	s8 =	sadd.s32 $0xFFFFE003, lr  }
0x1b: {  	s9 =	sadd.s32 $0xFFFFFEF7, lr;
	s5 =	simm.s32 $0xFFFFFFFF;
	p2 =	slt.u32 s8, $0xFFFFF086  }
0x1c: {  	p1 =	slt.u32 s9, $0xF7A;
	s5 =	simm.s32 @!p2 $0x0  }
0x1d: {  	s5 =	simm.s32 @p1 $0x1;
	p0 =	seq.s32 s7, s2  }
0x1e: {  	s7 =	smul.u32 @!p0 $0xF7A, s2;
	p2 =	seq.s32 @!p0 s5, $0x0  }
0x1f: {  	s9 =	smul.u32 $0xF7A, s1;
	s8 =	simm.s32 @!p0 $0x1BF5;
	p2 =	por !p2, p0  }
0x20: {  	[sflag:s8] =	ssyncset.s32 @!p0 $0xFFFFF086;
	s6 =	sadd.s32 @!p0 s3, s7;
	s7 =	simm.s32 @!p0 $0x108  }
0x21: {  	s3 =	sadd.s32 s3, s9;
	s6 =	sadd.s32 @!p0 $0x88, s6;
	s7 =	simm.s32 @p2 $0x1082  }
0x22: {  	[simem:s7], [sflag:s8] =	dma.local @!p0 [hbm:s6], $0xF7A  }
0x23: {  	s9 =	sor.u32 $0xD0000000, s2;
	s6 =	simm.s32 $0x108;
	_ =	swait.ge @!p0 [sflag:s8], $0x0  }
0x24: {  	s3 =	sadd.s32 $0x88, s3;
	s6 =	simm.s32 @!p1 $0x1082;
	[sflag:s4] =	ssyncset.s32 $0xFFFFF086  }
0x25: {  	[simem:s6], [sflag:s4] =	dma.local [hbm:s3], $0xF7A  }
0x26: {  	[smem:$0x3F9D] =	sst s1;
	(tag) =	ssettag s2;
	_ =	strace s9  }
0x27: {  	s1 =	sld [smem:$0x3FAD]  }
0x28: {  	s2 =	sld [smem:$0x3FAE]  }
0x29: {  	s4 =	sld [smem:$0x3FB0]  }
0x2a: {  	p0 =	seq.s32 s5, $0x0;
	s5 =	sld [smem:$0x3FB1]  }
0x2b: {  	s6 =	sld [smem:$0x3FB2]  }
0x2c: {  	s7 =	sld [smem:$0x3FB3]  }
0x2d: {  	s3 =	simm.s32 $0x108;
	s8 =	sld [smem:$0x3FB4]  }
0x2e: {  	s3 =	simm.s32 @!p0 $0x1082;
	s9 =	sld [smem:$0x3FB5]  }
0x2f: {  	lr =	sadd.s32 s0, s3;
	s0 =	sld [smem:$0x3FAC]  }
0x30: {  	s3 =	sld [smem:$0x3FAF]  }
0x31: {  	[smem:$0x3FB8] =	sst s10  }
0x32: {  	s10 =	sld [smem:$0x3FB6];
	_ =	sdelay $0x3  }
0x33: {  	p0 =	seq.s32 s10, $0x1;
	s10 =	sld [smem:$0x3FB8];
	_ =	sdelay $0x3  }
0x34: {  	[smem:$0x3FB8] =	sst s10  }
0x35: {  	s10 =	sld [smem:$0x3FB7];
	_ =	sdelay $0x3  }
0x36: {  	p1 =	seq.s32 s10, $0x1;
	s10 =	sld [smem:$0x3FB8];
	_ =	sdelay $0x3  }
0x37: {  	[smem:$0x3FB8] =	sst s10  }
0x38: {  	s10 =	sld [smem:$0x3FB9]  }
0x39: {  	_ = 	snop;
	(pc) =	sbr.ind lr, $3  }
0x3a: {  	_ = 	snop  }
0x3b: {  	_ = 	snop  }
0x3c: {  	p2 =	seq.s32 s10, $0x1;
	s10 =	sld [smem:$0x3FB8]  }
0x3d: {  	_ =	shalt  }
0x3e: {  	_ =	shalt  }
0x3f: {  	_ =	shalt  }
0x40: {  	_ =	shalt  }
0x41: {  	_ =	shalt  }
0x42: {  	_ =	shalt  }
0x43: {  	_ =	shalt  }
0x44: {  	_ =	shalt  }
0x45: {  	_ =	shalt  }
0x46: {  	_ =	shalt  }
0x47: {  	_ =	shalt  }
0x48: {  	_ =	shalt  }
0x49: {  	_ =	shalt  }
0x4a: {  	_ =	shalt  }
0x4b: {  	_ =	shalt  }
0x4c: {  	_ =	shalt  }
0x4d: {  	_ =	shalt  }
0x4e: {  	_ =	shalt  }
0x4f: {  	_ =	shalt  }
0x50: {  	_ =	shalt  }
0x51: {  	_ =	shalt  }
0x52: {  	_ =	shalt  }
0x53: {  	_ =	shalt  }
0x54: {  	_ =	shalt  }
0x55: {  	_ =	shalt  }
0x56: {  	_ =	shalt  }
0x57: {  	_ =	shalt  }
0x58: {  	_ =	shalt  }
0x59: {  	_ =	shalt  }
0x5a: {  	_ =	shalt  }
0x5b: {  	_ =	shalt  }
0x5c: {  	_ =	shalt  }
0x5d: {  	_ =	shalt  }
0x5e: {  	_ =	shalt  }
0x5f: {  	_ =	shalt  }
0x60: {  	_ =	shalt  }
0x61: {  	_ =	shalt  }
0x62: {  	_ =	shalt  }
0x63: {  	_ =	shalt  }
0x64: {  	_ =	shalt  }
0x65: {  	_ =	shalt  }
0x66: {  	_ =	shalt  }
0x67: {  	_ =	shalt  }
0x68: {  	_ =	shalt  }
0x69: {  	_ =	shalt  }
0x6a: {  	_ =	shalt  }
0x6b: {  	_ =	shalt  }
0x6c: {  	_ =	shalt  }
0x6d: {  	_ =	shalt  }
0x6e: {  	_ =	shalt  }
0x6f: {  	_ =	shalt  }
0x70: {  	_ =	shalt  }
0x71: {  	_ =	shalt  }
0x72: {  	_ =	shalt  }
0x73: {  	_ =	shalt  }
0x74: {  	_ =	shalt  }
0x75: {  	_ =	shalt  }
0x76: {  	_ =	shalt  }
0x77: {  	_ =	shalt  }
0x78: {  	_ =	shalt  }
0x79: {  	_ =	shalt  }
0x7a: {  	_ =	shalt  }
0x7b: {  	_ =	shalt  }
0x7c: {  	_ =	shalt  }
0x7d: {  	_ =	shalt  }
0x7e: {  	_ =	shalt  }
0x7f: {  	_ =	shalt  }
0x80: {  	_ =	shalt  }
0x81: {  	_ =	shalt  }
0x82: {  	_ =	shalt  }
0x83: {  	_ =	shalt  }
0x84: {  	_ =	shalt  }
0x85: {  	_ =	shalt  }
0x86: {  	_ =	shalt  }
0x87: {  	_ =	shalt  }
.Lfunc_end0:
.L_simem_size_0:
called_computation_lowered:
.L_overlay_start_0:
0x88: {  	s2 =	sld [smem:$0x3FD9]  }
0x89: {  	s3 =	sld [smem:$0x3FFE];
	_ =	sdelay $0x1  }
0x8a: {  	s1 =	srdreg.scid  }
0x8b: {  	s0 =	sand.u32 $0x1, s1  }
0x8c: {  	s17 =	sshll.u32 s0, $0xA;
	s2 =	sadd.s32 s3, s2  }
0x8d: {  	s2 =	sadd.s32 s2, s17  }
0x8e: {  	[smem:$0x3FC4] =	sst s2  }
0x8f: {  	_ = 	snop  }
0x90: {  	s2 =	sld [smem:$0x3FD0];
	(tm) =	ssettm $0x1  }
0x91: {  	s18 =	sld [smem:$0x3FFB];
	_ =	sdelay $0x3  }
0x92: {  	_ =	strace s18  }
0x93: {  	s3 =	sld [smem:$0x3FFC];
	_ =	sdelay $0x3  }
0x94: {  	_ =	strace s3  }
0x95: {  	s3 =	sld [smem:$0x3FFD];
	_ =	sdelay $0x3  }
0x96: {  	_ =	strace s3  }
0x97: {  	_ =	strace $0x8FFFFFFF  }
0x98: {  	s19 =	sld [smem:$0x3FDB];
	_ =	sdelay $0x1  }
0x99: {  	s4 =	simm.s32 $_scs_section_size  }
0x9a: {  	s5 =	simm.s32 $_size__tile_overlayer_lowered;
	s6 =	simm.s32 $_tile_overlayer_lowered  }
0x9b: {  	s22 =	simm.s32 $0x1BFF;
	s21 =	sshll.u32 s6, $0x1;
	s3 =	sadd.s32 s4, s19  }
0x9c: {  	s7 =	simm.s32 $0x0;
	s20 =	sshll.u32 s5, $0x1;
	s5 =	sadd.s32 s21, s3  }
0x9d: {  	[timem:s7], [sflag:s22] =	dma.local [hbm:s5], s20  }
0x9e: {  	_ =	swait.ge [sflag:s22], s20  }
0x9f: {  	s4 =	ssub.s32 $0x0, s20;
	[sflag:s22] =	ssyncset.done $0x0  }
0xa0: {  	[sflag:s22] =	ssyncadd.s32 s4;
	_ =	sdelay $0x1  }
0xa1: {  	s23 =	simm.s32 $0x1B8B  }
0xa2: {  	_ =	swait.ge [sflag:s23], $0x1  }
0xa3: {  	[sflag:s23] =	ssyncset.done $0x0  }
0xa4: {  	s25 =	simm.s32 $0x1B8E;
	s24 =	sld [smem:$0x3FFE];
	[sflag:s23] =	ssyncadd.s32 $0xFFFFFFFF  }
0xa5: {  	s26 =	simm.s32 $execute0_lowered;
	[smem:$0x3FD2] =	sst s25  }
0xa6: {  	s5 =	sshll.u32 s26, $0x1;
	_ =	strace $0x80000046;
	[dreg:$0x1] =	wrdreg $0xFFFFFFFF  }
0xa7: {  	s28 =	simm.s32 $_size_execute0_lowered;
	s3 =	sadd.s32 s3, s5;
	[dreg:$0x0] =	wrdreg $0x0  }
0xa8: {  	s5 =	sshll.u32 s28, $0x1;
	[dreg:$0x2] =	wrdreg s3  }
0xa9: {  	[dreg:$0x3] =	wrdreg s5  }
0xaa: {  	[dreg:$0x4] =	wrdreg $0xC0  }
0xab: {  	_ =	task [dreg:s7], $0x5FFFF  }
0xac: {  	[dreg:$0x1] =	wrdreg $0xFFFFFFFF  }
0xad: {  	[dreg:$0x0] =	wrdreg $0x60  }
0xae: {  	[dreg:$0x2] =	wrdreg s2  }
0xaf: {  	[dreg:$0x3] =	wrdreg s24  }
0xb0: {  	[dreg:$0x4] =	wrdreg $0xC6000  }
0xb1: {  	[dreg:$0x5] =	wrdreg $0x9  }
0xb2: {  	_ =	task.clear_ibuf [dreg:s7], $0x6FFFF;
	_ =	strace $0x90000046  }
0xb3: {  	s29 =	simm.s32 $0x9;
	_ =	strace $0x80000048  }
0xb4: {  	_ =	swait.ge [sflag:s29], $0x1  }
0xb5: {  	[sflag:s29] =	ssyncadd.s32 $0xFFFFFFFF  }
0xb6: {  	_ =	strace $0x90000048  }
0xb7: {  	_ =	sfence  }
0xb8: {  	s30 =	sld [smem:$0x0];
	_ =	sdelay $0x2  }
0xb9: {  	s31 =	sshll.u32 s1, $0xD;
	s1 =	sshrl.u32 s1, $0x2  }
0xba: {  	s3 =	sand.u32 $0x4000, s31;
	s1 =	sadd.s32 s1, s30  }
0xbb: {  	s0 =	sor.u32 s3, s0;
	s1 =	sshll.u32 s1, $0x11  }
0xbc: {  	s0 =	sor.u32 s1, s0  }
0xbd: {  	s0 =	sadd.s32 $0x8F2B, s0  }
0xbe: {  	[sflag:s0] =	ssyncadd.remote.s32 $0x1  }
0xbf: {  	_ =	sfence.sel $0xFFFF  }
0xc0: {  	[dreg:$0x0] =	wrdreg $0xFFFFFFFF;
	(pc) =	sbr.abs _section_cstart, $3  }
0xc1: {  	[dreg:$0x1] =	wrdreg $0xFFFFFFFF  }
0xc2: {  	_ =	task.clear_ibuf [dreg:s7], $0x2FFFF;
	_ =	strace $0x9FFFFFFF  }
0xc3: {  	(tm) =	ssettm $0x7FFFFFFF  }
tec
execute0_lowered:
.L_overlay_start_1:
0x0: {  	(tag) =	ssettag $0x1  }
0x1: {  	s1 =	rddreg [dreg:$0x0]  }
0x2: {  	s0 =	rddreg [dreg:$0x1]  }
0x3: {  	s2 =	rddreg [dreg:$0x2];
	s3 =	simm.s32 $0x0  }
0x4: {  	s4 =	srdreg.scid;
	s28 =	simm.s32 $0x4;
	s29 =	simm.s32 $0x3  }
0x5: {  	s30 =	simm.s32 $0x400;
	[smem:$0x7FF] =	sst s3;
	s7 =	sand.u32 $0x1, s4  }
0x6: {  	s31 =	simm.s32 $0x8600;
	s4 =	stileid.u32;
	s9 =	smul.u32 $0x4E2, s7  }
0x7: {  	s5 =	sadd.s32 $0x1600, s0;
	s0 =	sadd.s32 $0x28800, s0;
	s12 =	smul.u32 $0x4E000, s4  }
0x8: {  	s14 =	sadd.s32 $0x138000, s2;
	s8 =	ssub.s32 $0x2, s7;
	s7 =	smul.u32 $0x138800, s7  }
0x9: {  	_ =	strace $0x80000047;
	s6 =	sor.u32 $0x10, s4;
	s22 =	smul.u32 $0x13800, s4  }
0xa: {  	s15 =	sor.u32 $0x20, s4;
	p0 =	sne.s32 s4, $0xF;
	s10 =	sshrl.u32 s8, $0x1  }
0xb: {  	[dreg:$0xb] =	wrdreg s14;
	s11 =	sadd.s32 s4, s9;
	s8 =	ssub.s32 s8, s10  }
0xc: {  	s17 =	sadd.s32 s9, s6;
	s19 =	sshrl.u32 s12, $0x2;
	s26 =	smax.u32 s8, $0x1  }
0xd: {  	s16 =	sshll.u32 s11, $0x6;
	s13 =	sadd.s32 s19, s2;
	[dreg:$0xe] =	wrdreg s26  }
0xe: {  	s12 =	simm.s32 $0x0;
	s10 =	sadd.s32 s5, s16;
	[dreg:$0x6] =	wrdreg s13  }
0xf: {  	s18 =	sshll.u32 s17, $0x6;
	s20 =	sadd.s32 $0x4000, s13;
	[dreg:$0x4] =	wrdreg s10  }
0x10: {  	s17 =	simm.s32 $0xA;
	s21 =	sadd.s32 $0x8000, s13;
	[dreg:$0x7] =	wrdreg s20  }
0x11: {  	s8 =	simm.s32 $0x6;
	s11 =	sadd.s32 $0xC000, s13;
	[dreg:$0x8] =	wrdreg s21  }
0x12: {  	s23 =	sadd.s32 $0x10000, s13;
	s16 =	sadd.s32 $0x20, s9;
	[dreg:$0x9] =	wrdreg s11  }
0x13: {  	s26 =	simm.s32 $0x4600;
	s10 =	sadd.s32 s5, s18;
	[dreg:$0xa] =	wrdreg s23  }
0x14: {  	s20 =	simm.s32 $0x200;
	s21 =	simm.s32 $0x600;
	s23 =	simm.s32 $0x1  }
.Ltmp0:
0x15: {  	[dreg:$0x5] =	wrdreg s10;
	s10 =	sadd.s32 s22, s7;
	(pc) =	sbr.rel .LBB2_1-.Ltmp0, $4  }
0x16: {  	s11 =	simm.s32 $0x8;
	s7 =	sshrl.u32 s7, $0x3;
	s24 =	sshrl.u32 s10, $0x3  }
0x17: {  	s7 =	sadd.s32 s0, s7;
	s10 =	simm.s32 $0x480;
	s0 =	sadd.s32 s0, s24  }
0x18: {  	s25 =	sadd.s32 $0x27000, s7;
	s24 =	simm.s32 $0x80;
	[dreg:$0xc] =	wrdreg s0  }
0x19: {  	v0 =	vimm.f32 $0.0e+00;
	[dreg:$0xd] =	wrdreg s25;
	s25 =	simm.s32 $0x2;
	s0 =	simm.s32 $0x5  }
.LBB2_25:
0x1a: {  	[bflag:$0x0] =	sbarrier.arrive $0xFFFF  }
0x1b: {  	s7 =	sshll.u32 s4, $0x6;
	s17 =	simm.s32 $0xA;
	s13 =	rddreg [dreg:$0x6]  }
0x1c: {  	s7 =	sor.u32 $0x1C0A, s7;
	s12 =	rddreg [dreg:$0xc];
	s9 =	sshrl.u32 s13, $0x3  }
0x1d: {  	[hbm:s12], [sflag:s7] =	dma.local [spmem:s9], $0x2700  }
0x1e: {  	_ =	swait.ge [sflag:s17], $0x2700  }
0x1f: {  	[sflag:s17] =	ssyncset.done $0x0;
	s14 =	rddreg [dreg:$0xb]  }
0x20: {  	s12 =	rddreg [dreg:$0xd];
	[sflag:s17] =	ssyncadd.s32 $0xFFFFD900;
	s9 =	sshrl.u32 @!p0 s14, $0x3  }
0x21: {  	[hbm:s12], [sflag:s7] =	dma.local @!p0 [spmem:s9], $0x100  }
0x22: {  	s7 =	simm.s32 @!p0 $0xA  }
0x23: {  	_ =	swait.ge @!p0 [sflag:s7], $0x100  }
0x24: {  	s19 =	rddreg [dreg:$0xf]  }
0x25: {  	s22 =	rddreg [dreg:$0xe];
	s12 =	sadd.s32 $0x1, s19  }
0x26: {  	p1 =	sne.s32 s12, s22  }
.Ltmp1:
0x27: {  	_ = 	snop;
	(pc) =	sbr.rel @!p1 .LBB2_26-.Ltmp1, $3  }
0x28: {  	_ =	sdelay $0x1  }
0x29: {  	[sflag:s7] =	ssyncset.done @!p0 $0x0  }
0x2a: {  	[sflag:s7] =	ssyncadd.s32 @!p0 $0xFFFFFF00  }
.LBB2_1:
0x2b: {  	[dreg:$0xf] =	wrdreg s12  }
0x2c: {  	s7 =	rddreg [dreg:$0x4]  }
0x2d: {  	[tilespmem:s3], [sflag:$0x1] =	stream.linear.gather [hbm4b:s7+s3], $0x180, $0x38;
	[tilespmem:$0x1FE80] =	vst v63  }
0x2e: {  	s22 =	rddreg [dreg:$0x5];
	s9 =	simm.s32 $0x0;
	s12 =	simm.s32 $0x200  }
0x2f: {  	[tilespmem:s20], [sflag:$0x2] =	stream.linear.gather [hbm4b:s22+s3], $0x180, $0x38;
	[tilespmem:$0x1FE80] =	vst v63  }
.LBB2_2:
0x30: {  	p1 =	sne.s32 s12, $0xFE00;
	[tilespmem:s9+$0x670] =	vst v0  }
0x31: {  	[tilespmem:s9+$0x600] =	vst v0  }
0x32: {  	[tilespmem:s9+$0x610] =	vst v0  }
.Ltmp2:
0x33: {  	[tilespmem:s9+$0x620] =	vst v0;
	(pc) =	sbr.rel @p1 .LBB2_2-.Ltmp2, $4  }
0x34: {  	[tilespmem:s9+$0x630] =	vst v0  }
0x35: {  	[tilespmem:s9+$0x640] =	vst v0  }
0x36: {  	[tilespmem:s9+$0x650] =	vst v0  }
0x37: {  	[tilespmem:s9+$0x660] =	vst v0;
	s9 =	sshra.s32 s12, $0x2;
	s12 =	sadd.s32 $0x200, s12  }
0x38: {  	[tilespmem:s9+$0x670] =	vst v0  }
0x39: {  	[tilespmem:s9+$0x600] =	vst v0  }
0x3a: {  	[tilespmem:s9+$0x610] =	vst v0  }
0x3b: {  	[tilespmem:s9+$0x620] =	vst v0  }
0x3c: {  	[tilespmem:s9+$0x630] =	vst v0  }
0x3d: {  	[tilespmem:s9+$0x640] =	vst v0  }
0x3e: {  	[tilespmem:s9+$0x650] =	vst v0  }
0x3f: {  	[tilespmem:s9+$0x660] =	vst v0  }
0x40: {  	[spmem:s13] =	stream.linear.scatter [tilespmem:s21], [sflag:$0xA], $0x4000, $0x38;
	[tilespmem:$0x1FE80] =	vst v63  }
0x41: {  	_ =	swait.ge [sflag:s17], $0x4000  }
0x42: {  	[sflag:s17] =	ssyncset.done $0x0  }
0x43: {  	s7 =	rddreg [dreg:$0x7];
	[sflag:s17] =	ssyncadd.s32 $0xFFFFC000  }
0x44: {  	[spmem:s7] =	stream.linear.scatter [tilespmem:s21], [sflag:$0xA], $0x4000, $0x38;
	[tilespmem:$0x1FE80] =	vst v63  }
0x45: {  	_ =	swait.ge [sflag:s17], $0x4000  }
0x46: {  	[sflag:s17] =	ssyncset.done $0x0  }
0x47: {  	s18 =	rddreg [dreg:$0x8];
	[sflag:s17] =	ssyncadd.s32 $0xFFFFC000  }
0x48: {  	[spmem:s18] =	stream.linear.scatter [tilespmem:s21], [sflag:$0xA], $0x4000, $0x38;
	[tilespmem:$0x1FE80] =	vst v63  }
0x49: {  	_ =	swait.ge [sflag:s17], $0x4000  }
0x4a: {  	[sflag:s17] =	ssyncset.done $0x0  }
0x4b: {  	s19 =	rddreg [dreg:$0x9];
	[sflag:s17] =	ssyncadd.s32 $0xFFFFC000  }
0x4c: {  	[spmem:s19] =	stream.linear.scatter [tilespmem:s21], [sflag:$0xA], $0x4000, $0x38;
	[tilespmem:$0x1FE80] =	vst v63  }
0x4d: {  	_ =	swait.ge [sflag:s17], $0x4000  }
0x4e: {  	[sflag:s17] =	ssyncset.done $0x0  }
0x4f: {  	s22 =	rddreg [dreg:$0xa];
	[sflag:s17] =	ssyncadd.s32 $0xFFFFC000  }
0x50: {  	[spmem:s22] =	stream.linear.scatter [tilespmem:s21], [sflag:$0xA], $0x3800, $0x38;
	[tilespmem:$0x1FE80] =	vst v63  }
0x51: {  	_ =	swait.ge [sflag:s17], $0x3800  }
0x52: {  	[sflag:s17] =	ssyncset.done $0x0  }
0x53: {  	s9 =	simm.s32 @!p0 $0x600;
	[sflag:s17] =	ssyncadd.s32 $0xFFFFC800  }
0x54: {  	[spmem:s14] =	stream.linear.scatter @!p0 [tilespmem:s9], [sflag:$0xA], $0x800, $0x38;
	[tilespmem:$0x1FE80] =	vst v63  }
0x55: {  	s9 =	simm.s32 @!p0 $0xA  }
0x56: {  	_ =	swait.ge @!p0 [sflag:s9], $0x800  }
0x57: {  	[sflag:s9] =	ssyncset.done @!p0 $0x0  }
0x58: {  	[sflag:s9] =	ssyncadd.s32 @!p0 $0xFFFFF800  }
0x59: {  	_ =	swait.ge [sflag:s23], $0x180  }
.Ltmp3:
0x5a: {  	[sflag:s23] =	ssyncset.done $0x0;
	(pc) =	sbr.rel .LBB2_4-.Ltmp3, $3  }
0x5b: {  	s13 =	simm.s32 $0x0;
	[sflag:s23] =	ssyncadd.s32 $0xFFFFFE80  }
0x5c: {  	[tilespmem:s21], [sflag:$0x4] =	stream.indirect.gather [hbm4b:s1+s24], $0x80, s13, s24, $0xb8;
	[tilespmem:$0x1FE80] =	vst v63  }
0x5d: {  	[bflag:$0x0] =	sbarrier.arrive $0xFFFF;
	_ =	sdelay $0x1  }
.LBB2_23:
0x5e: {  	p1 =	sgt.u32 s17, $0x4C1  }
0x5f: {  	_ =	swait.ge [sflag:s11], $0x4000;
	s7 =	sadd.s32 @!p1 s17, s16  }
0x60: {  	[sflag:s11] =	ssyncset.done $0x0;
	s9 =	simm.s32 @!p1 $0x0;
	s7 =	sshll.u32 @!p1 s7, $0x6  }
0x61: {  	s12 =	simm.s32 @!p1 $0x200;
	[sflag:s11] =	ssyncadd.s32 $0xFFFFC000;
	s7 =	sadd.s32 @!p1 s5, s7  }
0x62: {  	[tilespmem:s12], [sflag:$0x2] =	stream.linear.gather @!p1 [hbm4b:s7+s9], $0x180, $0x38;
	[tilespmem:$0x1FE80] =	vst v63  }
.LBB2_24:
0x63: {  	s13 =	sadd.s32 $0x1, s13  }
0x64: {  	p1 =	sne.s32 s13, $0x1B  }
.Ltmp4:
0x65: {  	_ = 	snop;
	(pc) =	sbr.rel @!p1 .LBB2_25-.Ltmp4, $1  }
0x66: {  	_ =	sdelay $0x3  }
.LBB2_4:
0x67: {  	s17 =	smul.u32 $0x30, s13;
	_ =	sdelay $0x1  }
0x68: {  	s18 =	sor.u32 s4, s17  }
0x69: {  	p1 =	sgt.u32 s18, $0x4D1  }
.Ltmp5:
0x6a: {  	_ = 	snop;
	(pc) =	sbr.rel @p1 .LBB2_6-.Ltmp5, $1  }
0x6b: {  	_ =	sdelay $0x3  }
.Ltmp6:
0x6c: {  	(pc) =	sbr.rel .LBB2_7-.Ltmp6, $4  }
0x6d: {  	_ =	swait.ge [sflag:s25], $0x180  }
0x6e: {  	[sflag:s25] =	ssyncset.done $0x0  }
0x6f: {  	[sflag:s25] =	ssyncadd.s32 $0xFFFFFE80  }
0x70: {  	[tilespmem:s26], [sflag:$0x5] =	stream.indirect.gather [hbm4b:s1+s24], $0x80, s20, s24, $0xb8;
	[tilespmem:$0x1FE80] =	vst v63  }
.LBB2_6:
0x71: {  	p2 =	sgt.u32 s18, $0x4E1  }
.Ltmp7:
0x72: {  	_ = 	snop;
	(pc) =	sbr.rel @p2 .LBB2_10-.Ltmp7, $2  }
0x73: {  	_ =	sdelay $0x2  }
0x74: {  	p1 =	por $0x0, $0x0  }
.LBB2_7:
0x75: {  	s9 =	simm.s32 $0x0  }
0x76: {  	v1 =	vmov s9  }
0x77: {  	v1 =	vand.u32 $0x78, v1  }
0x78: {  	v1 =	vor.u32 $0x100, v1  }
0x79: {  	v1 =	vbroadcast v1, $0x0;
	_ =	sdelay $0x1  }
0x7a: {  	_ =	swait.ge [sflag:s28], $0x4000  }
0x7b: {  	[sflag:s28] =	ssyncset.done $0x0  }
0x7c: {  	s19 =	simm.s32 $0x800;
	[sflag:s28] =	ssyncadd.s32 $0xFFFFC000  }
0x7d: {  	v2 =	vld [tilespmem:s19+$0xFFFFFE00]  }
0x7e: {  	v1 =	vld.idx.msk [tilespmem:v1+s3+$0x0], $0xffff  }
0x7f: {  	v3 =	vld [tilespmem:s19+$0xFFFFFE70]  }
0x80: {  	v4 =	vld [tilespmem:s19+$0xFFFFFE50]  }
0x81: {  	v5 =	vld [tilespmem:s19+$0xFFFFFE20]  }
0x82: {  	v6 =	vld [tilespmem:s19+$0xFFFFFE30]  }
0x83: {  	s7 =	simm.s32 $0x1;
	v7 =	vld [tilespmem:s19+$0xFFFFFE10];
	v2 =	vmul.f32 v1, v2  }
0x84: {  	v9 =	vmov s7;
	v8 =	vld [tilespmem:s19+$0xFFFFFE60];
	v3 =	vmul.f32 v1, v3  }
0x85: {  	v10 =	vld [tilespmem:s19+$0xFFFFFE40];
	v4 =	vmul.f32 v1, v4;
	[tilespmem:s19+$0xFFFFFE00] =	vst v2;
	v2 =	vand.u32 $0x79, v9  }
0x86: {  	v5 =	vmul.f32 v1, v5;
	[tilespmem:s19+$0xFFFFFE70] =	vst v3;
	v2 =	vor.u32 $0x100, v2  }
0x87: {  	v3 =	vmul.f32 v1, v6;
	[tilespmem:s19+$0xFFFFFE50] =	vst v4;
	v2 =	vbroadcast v2, $0x0  }
0x88: {  	v4 =	vmul.f32 v1, v7;
	[tilespmem:s19+$0xFFFFFE20] =	vst v5  }
0x89: {  	v5 =	vmul.f32 v1, v8;
	[tilespmem:s19+$0xFFFFFE30] =	vst v3  }
0x8a: {  	v1 =	vmul.f32 v1, v10;
	[tilespmem:s19+$0xFFFFFE10] =	vst v4  }
0x8b: {  	[tilespmem:s19+$0xFFFFFE60] =	vst v5  }
0x8c: {  	[tilespmem:s19+$0xFFFFFE40] =	vst v1;
	v1 =	vld [tilespmem:s19+$0xFFFFFEE0]  }
0x8d: {  	v2 =	vld.idx.msk [tilespmem:v2+s3+$0x0], $0xffff  }
0x8e: {  	v3 =	vld [tilespmem:s19+$0xFFFFFE80]  }
0x8f: {  	v4 =	vld [tilespmem:s19+$0xFFFFFE90]  }
0x90: {  	v5 =	vld [tilespmem:s19+$0xFFFFFED0]  }
0x91: {  	v6 =	vld [tilespmem:s19+$0xFFFFFEC0]  }
0x92: {  	s12 =	simm.s32 $0x2;
	v7 =	vld [tilespmem:s19+$0xFFFFFEB0];
	v1 =	vmul.f32 v2, v1  }
0x93: {  	v8 =	vld [tilespmem:s19+$0xFFFFFEF0];
	v9 =	vmov s12;
	v3 =	vmul.f32 v2, v3  }
0x94: {  	v10 =	vld [tilespmem:s19+$0xFFFFFEA0];
	v4 =	vmul.f32 v2, v4;
	[tilespmem:s19+$0xFFFFFEE0] =	vst v1;
	v1 =	vand.u32 $0x7A, v9  }
0x95: {  	v5 =	vmul.f32 v2, v5;
	[tilespmem:s19+$0xFFFFFE80] =	vst v3;
	v1 =	vor.u32 $0x100, v1  }
0x96: {  	v3 =	vmul.f32 v2, v6;
	[tilespmem:s19+$0xFFFFFE90] =	vst v4;
	v1 =	vbroadcast v1, $0x0  }
0x97: {  	v4 =	vmul.f32 v2, v7;
	[tilespmem:s19+$0xFFFFFED0] =	vst v5  }
0x98: {  	v5 =	vmul.f32 v2, v8;
	[tilespmem:s19+$0xFFFFFEC0] =	vst v3  }
0x99: {  	v2 =	vmul.f32 v2, v10;
	[tilespmem:s19+$0xFFFFFEB0] =	vst v4  }
0x9a: {  	[tilespmem:s19+$0xFFFFFEF0] =	vst v5  }
0x9b: {  	[tilespmem:s19+$0xFFFFFEA0] =	vst v2;
	v2 =	vld [tilespmem:s19+$0xFFFFFF40]  }
0x9c: {  	v1 =	vld.idx.msk [tilespmem:v1+s3+$0x0], $0xffff  }
0x9d: {  	v4 =	vld [tilespmem:s19+$0xFFFFFF20]  }
0x9e: {  	v5 =	vld [tilespmem:s19+$0xFFFFFF10]  }
0x9f: {  	v6 =	vld [tilespmem:s19+$0xFFFFFF50]  }
0xa0: {  	v3 =	vld [tilespmem:s19+$0xFFFFFF70]  }
0xa1: {  	s14 =	simm.s32 $0x3;
	v7 =	vld [tilespmem:s19+$0xFFFFFF00];
	v2 =	vmul.f32 v1, v2  }
0xa2: {  	v8 =	vld [tilespmem:s19+$0xFFFFFF30];
	v10 =	vmov s14;
	v4 =	vmul.f32 v1, v4  }
0xa3: {  	v9 =	vld [tilespmem:s19+$0xFFFFFF60];
	v5 =	vmul.f32 v1, v5;
	[tilespmem:s19+$0xFFFFFF40] =	vst v2;
	v2 =	vand.u32 $0x7B, v10  }
0xa4: {  	v6 =	vmul.f32 v1, v6;
	[tilespmem:s19+$0xFFFFFF20] =	vst v4;
	v2 =	vor.u32 $0x100, v2  }
0xa5: {  	v3 =	vmul.f32 v1, v3;
	[tilespmem:s19+$0xFFFFFF10] =	vst v5;
	v2 =	vbroadcast v2, $0x0  }
0xa6: {  	v4 =	vmul.f32 v1, v7;
	[tilespmem:s19+$0xFFFFFF50] =	vst v6  }
0xa7: {  	v5 =	vmul.f32 v1, v8;
	[tilespmem:s19+$0xFFFFFF70] =	vst v3  }
0xa8: {  	v1 =	vmul.f32 v1, v9;
	[tilespmem:s19+$0xFFFFFF00] =	vst v4  }
0xa9: {  	[tilespmem:s19+$0xFFFFFF30] =	vst v5  }
0xaa: {  	[tilespmem:s19+$0xFFFFFF60] =	vst v1  }
0xab: {  	v1 =	vld.idx.msk [tilespmem:v2+s3+$0x0], $0xffff  }
0xac: {  	v2 =	vld [tilespmem:s19+$0xFFFFFFA0]  }
0xad: {  	v4 =	vld [tilespmem:s19+$0xFFFFFFE0]  }
0xae: {  	v5 =	vld [tilespmem:s19+$0xFFFFFF80]  }
0xaf: {  	v6 =	vld [tilespmem:s19+$0xFFFFFFC0]  }
0xb0: {  	v7 =	vld [tilespmem:s19+$0xFFFFFFF0]  }
0xb1: {  	s22 =	simm.s32 $0x4;
	v3 =	vld [tilespmem:s19+$0xFFFFFF90];
	v2 =	vmul.f32 v1, v2  }
0xb2: {  	v9 =	vld [tilespmem:s19+$0xFFFFFFB0];
	v10 =	vmov s22;
	v4 =	vmul.f32 v1, v4  }
0xb3: {  	v8 =	vld [tilespmem:s19+$0xFFFFFFD0];
	v5 =	vmul.f32 v1, v5;
	[tilespmem:s19+$0xFFFFFFA0] =	vst v2;
	v2 =	vand.u32 $0x7C, v10  }
0xb4: {  	v6 =	vmul.f32 v1, v6;
	[tilespmem:s19+$0xFFFFFFE0] =	vst v4;
	v2 =	vor.u32 $0x100, v2  }
0xb5: {  	v4 =	vmul.f32 v1, v7;
	[tilespmem:s19+$0xFFFFFF80] =	vst v5;
	v5 =	vbroadcast v2, $0x0  }
0xb6: {  	[tilespmem:s19+$0xFFFFFFC0] =	vst v6;
	v2 =	vmul.f32 v1, v3  }
0xb7: {  	v6 =	vld [tilespmem:s19+$0x0];
	v3 =	vmul.f32 v1, v9;
	[tilespmem:s19+$0xFFFFFFF0] =	vst v4  }
0xb8: {  	v10 =	vld [tilespmem:s19+$0x40];
	v1 =	vmul.f32 v1, v8;
	[tilespmem:s19+$0xFFFFFF90] =	vst v2  }
0xb9: {  	v7 =	vld [tilespmem:s19+$0x20];
	[tilespmem:s19+$0xFFFFFFB0] =	vst v3  }
0xba: {  	v8 =	vld [tilespmem:s19+$0x30];
	[tilespmem:s19+$0xFFFFFFD0] =	vst v1  }
0xbb: {  	v1 =	vld.idx.msk [tilespmem:v5+s3+$0x0], $0xffff  }
0xbc: {  	v4 =	vld [tilespmem:s19+$0x60]  }
0xbd: {  	v2 =	vld [tilespmem:s19+$0x50]  }
0xbe: {  	v3 =	vld [tilespmem:s19+$0x10]  }
0xbf: {  	s9 =	simm.s32 $0x7;
	v5 =	vld [tilespmem:s19+$0x70]  }
0xc0: {  	s12 =	simm.s32 $0xF;
	s14 =	simm.s32 $0x800;
	s22 =	simm.s32 $0x5;
	v9 =	vmul.f32 v1, v6;
	v6 =	vmul.f32 v1, v10  }
.LBB2_8:
0xc1: {  	p1 =	sne.s32 s12, $0x7F  }
0xc2: {  	v7 =	vmul.f32 v1, v7;
	v8 =	vmul.f32 v1, v8;
	v10 =	vmov s22;
	s19 =	sadd.s32 $0x400, s19;
	s22 =	smov.u32 s12;
	s12 =	sadd.s32 $0x8, s12  }
0xc3: {  	v3 =	vmul.f32 v1, v3;
	v2 =	vmul.f32 v1, v2;
	[tilespmem:s14+$0x0] =	vst v9;
	v9 =	vand.u32 $0x7D, v10  }
0xc4: {  	[tilespmem:s14+$0x20] =	vst v7;
	v4 =	vmul.f32 v1, v4;
	v1 =	vmul.f32 v1, v5;
	v5 =	vor.u32 $0x100, v9  }
0xc5: {  	[tilespmem:s14+$0x50] =	vst v2;
	v2 =	vbroadcast v5, $0x0  }
0xc6: {  	[tilespmem:s14+$0x40] =	vst v6  }
0xc7: {  	[tilespmem:s14+$0x10] =	vst v3;
	v3 =	vld [tilespmem:s14+$0x80]  }
0xc8: {  	[tilespmem:s14+$0x30] =	vst v8;
	v5 =	vld [tilespmem:s14+$0xE0]  }
0xc9: {  	[tilespmem:s14+$0x70] =	vst v1;
	v1 =	vld [tilespmem:s14+$0x90]  }
0xca: {  	[tilespmem:s14+$0x60] =	vst v4;
	v4 =	vld [tilespmem:s14+$0xF0]  }
0xcb: {  	v2 =	vld.idx.msk [tilespmem:v2+s3+$0x0], $0xffff  }
0xcc: {  	v6 =	vld [tilespmem:s14+$0xD0]  }
0xcd: {  	v7 =	vld [tilespmem:s14+$0xA0]  }
0xce: {  	v8 =	vld [tilespmem:s14+$0xC0]  }
0xcf: {  	v9 =	vld [tilespmem:s14+$0xB0];
	_ =	sdelay $0x1  }
0xd0: {  	s7 =	sadd.s32 $0xFFFFFFFF, s9;
	v3 =	vmul.f32 v2, v3;
	v6 =	vmul.f32 v2, v6  }
0xd1: {  	v10 =	vmov s7;
	v4 =	vmul.f32 v2, v4;
	v7 =	vmul.f32 v2, v7  }
0xd2: {  	v1 =	vmul.f32 v2, v1;
	[tilespmem:s14+$0x80] =	vst v3;
	v3 =	vmul.f32 v2, v8;
	v8 =	vand.u32 $0x7E, v10  }
0xd3: {  	v9 =	vmul.f32 v2, v9;
	[tilespmem:s14+$0xD0] =	vst v6;
	v2 =	vmul.f32 v2, v5;
	v5 =	vor.u32 $0x100, v8  }
0xd4: {  	[tilespmem:s14+$0xF0] =	vst v4;
	v4 =	vbroadcast v5, $0x0  }
0xd5: {  	[tilespmem:s14+$0x90] =	vst v1  }
0xd6: {  	[tilespmem:s14+$0xE0] =	vst v2;
	v1 =	vld [tilespmem:s14+$0x170]  }
0xd7: {  	[tilespmem:s14+$0xC0] =	vst v3;
	v2 =	vld [tilespmem:s14+$0x160]  }
0xd8: {  	[tilespmem:s14+$0xA0] =	vst v7;
	v3 =	vld [tilespmem:s14+$0x130]  }
0xd9: {  	[tilespmem:s14+$0xB0] =	vst v9;
	v5 =	vld [tilespmem:s14+$0x110]  }
0xda: {  	v4 =	vld.idx.msk [tilespmem:v4+s3+$0x0], $0xffff  }
0xdb: {  	v6 =	vld [tilespmem:s14+$0x100]  }
0xdc: {  	v7 =	vld [tilespmem:s14+$0x120]  }
0xdd: {  	v8 =	vld [tilespmem:s14+$0x140]  }
0xde: {  	v9 =	vld [tilespmem:s14+$0x150];
	_ =	sdelay $0x1  }
0xdf: {  	v5 =	vmul.f32 v4, v5;
	v6 =	vmul.f32 v4, v6  }
0xe0: {  	v10 =	vmov s9;
	s9 =	smov.u32 s22;
	v3 =	vmul.f32 v4, v3;
	v7 =	vmul.f32 v4, v7  }
0xe1: {  	v2 =	vmul.f32 v4, v2;
	[tilespmem:s14+$0x100] =	vst v6;
	v6 =	vmul.f32 v4, v8;
	v8 =	vand.u32 $0x7F, v10  }
0xe2: {  	v1 =	vmul.f32 v4, v1;
	[tilespmem:s14+$0x110] =	vst v5;
	v5 =	vmul.f32 v4, v9;
	v4 =	vor.u32 $0x100, v8  }
0xe3: {  	[tilespmem:s14+$0x130] =	vst v3;
	v3 =	vbroadcast v4, $0x0  }
0xe4: {  	[tilespmem:s14+$0x160] =	vst v2  }
0xe5: {  	[tilespmem:s14+$0x170] =	vst v1;
	v1 =	vld [tilespmem:s14+$0x180]  }
0xe6: {  	[tilespmem:s14+$0x120] =	vst v7;
	v2 =	vld [tilespmem:s14+$0x1D0]  }
0xe7: {  	[tilespmem:s14+$0x150] =	vst v5;
	v4 =	vld [tilespmem:s14+$0x1F0]  }
0xe8: {  	[tilespmem:s14+$0x140] =	vst v6;
	v5 =	vld [tilespmem:s14+$0x1A0]  }
0xe9: {  	v3 =	vld.idx.msk [tilespmem:v3+s3+$0x0], $0xffff  }
0xea: {  	v6 =	vld [tilespmem:s14+$0x190]  }
0xeb: {  	v7 =	vld [tilespmem:s14+$0x1B0]  }
0xec: {  	v8 =	vld [tilespmem:s14+$0x1C0]  }
0xed: {  	v9 =	vld [tilespmem:s14+$0x1E0];
	_ =	sdelay $0x1  }
0xee: {  	s7 =	sadd.s32 $0xFFFFFFF9, s9;
	v1 =	vmul.f32 v3, v1;
	v6 =	vmul.f32 v3, v6  }
0xef: {  	v10 =	vmov s7;
	v5 =	vmul.f32 v3, v5;
	v7 =	vmul.f32 v3, v7  }
0xf0: {  	v10 =	vand.u32 $0x78, v10;
	v2 =	vmul.f32 v3, v2;
	[tilespmem:s14+$0x180] =	vst v1;
	v1 =	vmul.f32 v3, v8  }
0xf1: {  	v8 =	vor.u32 $0x100, v10;
	[tilespmem:s14+$0x190] =	vst v6;
	v6 =	vmul.f32 v3, v9;
	v3 =	vmul.f32 v3, v4  }
0xf2: {  	v4 =	vbroadcast v8, $0x0;
	[tilespmem:s14+$0x1D0] =	vst v2  }
0xf3: {  	[tilespmem:s14+$0x1F0] =	vst v3  }
0xf4: {  	v2 =	vld [tilespmem:s19+$0xFFFFFE40];
	[tilespmem:s14+$0x1A0] =	vst v5  }
0xf5: {  	v3 =	vld [tilespmem:s19+$0xFFFFFE60];
	[tilespmem:s14+$0x1B0] =	vst v7  }
0xf6: {  	v5 =	vld [tilespmem:s19+$0xFFFFFE50];
	[tilespmem:s14+$0x1E0] =	vst v6  }
0xf7: {  	v6 =	vld [tilespmem:s19+$0xFFFFFE70];
	[tilespmem:s14+$0x1C0] =	vst v1;
	s14 =	smov.u32 s19  }
0xf8: {  	v1 =	vld.idx.msk [tilespmem:v4+s3+$0x0], $0xffff  }
0xf9: {  	v4 =	vld [tilespmem:s19+$0xFFFFFE00]  }
0xfa: {  	v7 =	vld [tilespmem:s19+$0xFFFFFE20]  }
0xfb: {  	v8 =	vld [tilespmem:s19+$0xFFFFFE10]  }
0xfc: {  	v9 =	vld [tilespmem:s19+$0xFFFFFE30];
	_ =	sdelay $0x1  }
0xfd: {  	s7 =	sadd.s32 $0xFFFFFFFA, s9;
	v6 =	vmul.f32 v1, v6;
	v4 =	vmul.f32 v1, v4  }
0xfe: {  	v10 =	vmov s7;
	v5 =	vmul.f32 v1, v5;
	v7 =	vmul.f32 v1, v7  }
0xff: {  	v3 =	vmul.f32 v1, v3;
	[tilespmem:s19+$0xFFFFFE00] =	vst v4;
	v4 =	vmul.f32 v1, v8;
	v8 =	vand.u32 $0x79, v10  }
0x100: {  	v9 =	vmul.f32 v1, v9;
	v1 =	vmul.f32 v1, v2;
	[tilespmem:s19+$0xFFFFFE70] =	vst v6;
	v2 =	vor.u32 $0x100, v8  }
0x101: {  	[tilespmem:s19+$0xFFFFFE50] =	vst v5;
	v2 =	vbroadcast v2, $0x0  }
0x102: {  	[tilespmem:s19+$0xFFFFFE20] =	vst v7  }
0x103: {  	[tilespmem:s19+$0xFFFFFE30] =	vst v9;
	v5 =	vld [tilespmem:s19+$0xFFFFFEF0]  }
0x104: {  	[tilespmem:s19+$0xFFFFFE10] =	vst v4;
	v4 =	vld [tilespmem:s19+$0xFFFFFED0]  }
0x105: {  	[tilespmem:s19+$0xFFFFFE60] =	vst v3;
	v3 =	vld [tilespmem:s19+$0xFFFFFEB0]  }
0x106: {  	[tilespmem:s19+$0xFFFFFE40] =	vst v1;
	v1 =	vld [tilespmem:s19+$0xFFFFFEE0]  }
0x107: {  	v2 =	vld.idx.msk [tilespmem:v2+s3+$0x0], $0xffff  }
0x108: {  	v6 =	vld [tilespmem:s19+$0xFFFFFE80]  }
0x109: {  	v7 =	vld [tilespmem:s19+$0xFFFFFE90]  }
0x10a: {  	v8 =	vld [tilespmem:s19+$0xFFFFFEA0]  }
0x10b: {  	v9 =	vld [tilespmem:s19+$0xFFFFFEC0];
	_ =	sdelay $0x1  }
0x10c: {  	s7 =	sadd.s32 $0xFFFFFFFB, s9;
	v1 =	vmul.f32 v2, v1;
	v6 =	vmul.f32 v2, v6  }
0x10d: {  	v10 =	vmov s7;
	v3 =	vmul.f32 v2, v3;
	v7 =	vmul.f32 v2, v7  }
0x10e: {  	v4 =	vmul.f32 v2, v4;
	v8 =	vmul.f32 v2, v8;
	[tilespmem:s19+$0xFFFFFEE0] =	vst v1;
	v1 =	vand.u32 $0x7A, v10  }
0x10f: {  	[tilespmem:s19+$0xFFFFFE80] =	vst v6;
	v6 =	vmul.f32 v2, v9;
	v2 =	vmul.f32 v2, v5;
	v1 =	vor.u32 $0x100, v1  }
0x110: {  	[tilespmem:s19+$0xFFFFFE90] =	vst v7;
	v1 =	vbroadcast v1, $0x0  }
0x111: {  	[tilespmem:s19+$0xFFFFFED0] =	vst v4  }
0x112: {  	[tilespmem:s19+$0xFFFFFEC0] =	vst v6;
	v4 =	vld [tilespmem:s19+$0xFFFFFF70]  }
0x113: {  	[tilespmem:s19+$0xFFFFFEB0] =	vst v3;
	v3 =	vld [tilespmem:s19+$0xFFFFFF50]  }
0x114: {  	[tilespmem:s19+$0xFFFFFEF0] =	vst v2;
	v2 =	vld [tilespmem:s19+$0xFFFFFF30]  }
0x115: {  	[tilespmem:s19+$0xFFFFFEA0] =	vst v8;
	v5 =	vld [tilespmem:s19+$0xFFFFFF40]  }
0x116: {  	v1 =	vld.idx.msk [tilespmem:v1+s3+$0x0], $0xffff  }
0x117: {  	v6 =	vld [tilespmem:s19+$0xFFFFFF20]  }
0x118: {  	v7 =	vld [tilespmem:s19+$0xFFFFFF10]  }
0x119: {  	v8 =	vld [tilespmem:s19+$0xFFFFFF00]  }
0x11a: {  	v9 =	vld [tilespmem:s19+$0xFFFFFF60];
	_ =	sdelay $0x1  }
0x11b: {  	s7 =	sadd.s32 $0xFFFFFFFC, s9;
	v5 =	vmul.f32 v1, v5;
	v6 =	vmul.f32 v1, v6  }
0x11c: {  	v10 =	vmov s7;
	v2 =	vmul.f32 v1, v2;
	v7 =	vmul.f32 v1, v7  }
0x11d: {  	v3 =	vmul.f32 v1, v3;
	v8 =	vmul.f32 v1, v8;
	[tilespmem:s19+$0xFFFFFF40] =	vst v5;
	v5 =	vand.u32 $0x7B, v10  }
0x11e: {  	[tilespmem:s19+$0xFFFFFF20] =	vst v6;
	v6 =	vmul.f32 v1, v9;
	v1 =	vmul.f32 v1, v4;
	v4 =	vor.u32 $0x100, v5  }
0x11f: {  	[tilespmem:s19+$0xFFFFFF10] =	vst v7;
	v4 =	vbroadcast v4, $0x0  }
0x120: {  	[tilespmem:s19+$0xFFFFFF50] =	vst v3  }
0x121: {  	[tilespmem:s19+$0xFFFFFF00] =	vst v8;
	v3 =	vld [tilespmem:s19+$0xFFFFFFF0]  }
0x122: {  	[tilespmem:s19+$0xFFFFFF30] =	vst v2;
	v2 =	vld [tilespmem:s19+$0xFFFFFFD0]  }
0x123: {  	[tilespmem:s19+$0xFFFFFF70] =	vst v1;
	v1 =	vld [tilespmem:s19+$0xFFFFFF90]  }
0x124: {  	[tilespmem:s19+$0xFFFFFF60] =	vst v6;
	v5 =	vld [tilespmem:s19+$0xFFFFFFE0]  }
0x125: {  	v4 =	vld.idx.msk [tilespmem:v4+s3+$0x0], $0xffff  }
0x126: {  	v6 =	vld [tilespmem:s19+$0xFFFFFFA0]  }
0x127: {  	v7 =	vld [tilespmem:s19+$0xFFFFFF80]  }
0x128: {  	v8 =	vld [tilespmem:s19+$0xFFFFFFC0]  }
0x129: {  	v9 =	vld [tilespmem:s19+$0xFFFFFFB0];
	_ =	sdelay $0x1  }
0x12a: {  	s7 =	sadd.s32 $0xFFFFFFFD, s9;
	v5 =	vmul.f32 v4, v5;
	v6 =	vmul.f32 v4, v6  }
0x12b: {  	v10 =	vmov s7;
	v1 =	vmul.f32 v4, v1;
	v7 =	vmul.f32 v4, v7  }
0x12c: {  	[tilespmem:s19+$0xFFFFFFA0] =	vst v6;
	v6 =	vmul.f32 v4, v8;
	v8 =	vmul.f32 v4, v2;
	v2 =	vand.u32 $0x7C, v10  }
0x12d: {  	v3 =	vmul.f32 v4, v3;
	v9 =	vmul.f32 v4, v9;
	[tilespmem:s19+$0xFFFFFFE0] =	vst v5;
	v2 =	vor.u32 $0x100, v2  }
0x12e: {  	[tilespmem:s19+$0xFFFFFF80] =	vst v7;
	v4 =	vbroadcast v2, $0x0  }
0x12f: {  	[tilespmem:s19+$0xFFFFFFC0] =	vst v6  }
0x130: {  	[tilespmem:s19+$0xFFFFFFF0] =	vst v3;
	v2 =	vld [tilespmem:s19+$0x50]  }
0x131: {  	[tilespmem:s19+$0xFFFFFF90] =	vst v1;
	v7 =	vld [tilespmem:s19+$0x20]  }
0x132: {  	[tilespmem:s19+$0xFFFFFFB0] =	vst v9;
	v6 =	vld [tilespmem:s19+$0x0]  }
0x133: {  	[tilespmem:s19+$0xFFFFFFD0] =	vst v8;
	v3 =	vld [tilespmem:s19+$0x10]  }
0x134: {  	v1 =	vld.idx.msk [tilespmem:v4+s3+$0x0], $0xffff  }
0x135: {  	v10 =	vld [tilespmem:s19+$0x40]  }
.Ltmp8:
0x136: {  	v8 =	vld [tilespmem:s19+$0x30];
	(pc) =	sbr.rel @p1 .LBB2_8-.Ltmp8, $3  }
0x137: {  	v5 =	vld [tilespmem:s19+$0x70]  }
0x138: {  	v4 =	vld [tilespmem:s19+$0x60];
	_ =	sdelay $0x1  }
0x139: {  	s22 =	sadd.s32 $0xFFFFFFFE, s9;
	v9 =	vmul.f32 v1, v6;
	v6 =	vmul.f32 v1, v10  }
0x13a: {  	v10 =	vmov s22  }
0x13b: {  	v2 =	vmul.f32 v1, v2;
	[tilespmem:s14+$0x0] =	vst v9;
	v36 =	vand.u32 $0x7D, v10  }
0x13c: {  	v7 =	vmul.f32 v1, v7;
	[tilespmem:s14+$0x40] =	vst v6;
	v37 =	vor.u32 $0x100, v36  }
0x13d: {  	v3 =	vmul.f32 v1, v3;
	[tilespmem:s14+$0x50] =	vst v2;
	v2 =	vbroadcast v37, $0x0  }
0x13e: {  	v38 =	vmul.f32 v1, v8;
	[tilespmem:s14+$0x20] =	vst v7  }
0x13f: {  	v5 =	vmul.f32 v1, v5;
	[tilespmem:s14+$0x10] =	vst v3  }
0x140: {  	v1 =	vmul.f32 v1, v4;
	[tilespmem:s14+$0x30] =	vst v38  }
0x141: {  	[tilespmem:s14+$0x70] =	vst v5  }
0x142: {  	v3 =	vld [tilespmem:s14+$0x80];
	[tilespmem:s14+$0x60] =	vst v1  }
0x143: {  	v1 =	vld.idx.msk [tilespmem:v2+s3+$0x0], $0xffff  }
0x144: {  	v2 =	vld [tilespmem:s14+$0xD0]  }
0x145: {  	v40 =	vld [tilespmem:s14+$0xF0]  }
0x146: {  	v39 =	vld [tilespmem:s14+$0x90]  }
0x147: {  	v43 =	vld [tilespmem:s14+$0xC0]  }
0x148: {  	v42 =	vld [tilespmem:s14+$0xA0];
	s7 =	sadd.s32 $0xFFFFFFFF, s9;
	v3 =	vmul.f32 v1, v3  }
0x149: {  	v41 =	vld [tilespmem:s14+$0xE0];
	v45 =	vmov s7;
	v2 =	vmul.f32 v1, v2  }
0x14a: {  	v44 =	vld [tilespmem:s14+$0xB0];
	v5 =	vmul.f32 v1, v40;
	[tilespmem:s14+$0x80] =	vst v3;
	v3 =	vand.u32 $0x7E, v45  }
0x14b: {  	v4 =	vmul.f32 v1, v39;
	[tilespmem:s14+$0xD0] =	vst v2;
	v2 =	vor.u32 $0x100, v3  }
0x14c: {  	v46 =	vmul.f32 v1, v43;
	[tilespmem:s14+$0xF0] =	vst v5;
	v2 =	vbroadcast v2, $0x0  }
0x14d: {  	v47 =	vmul.f32 v1, v42;
	[tilespmem:s14+$0x90] =	vst v4  }
0x14e: {  	[tilespmem:s14+$0xC0] =	vst v46;
	v3 =	vmul.f32 v1, v41  }
0x14f: {  	[tilespmem:s14+$0xA0] =	vst v47;
	v1 =	vmul.f32 v1, v44  }
0x150: {  	[tilespmem:s14+$0xE0] =	vst v3  }
0x151: {  	[tilespmem:s14+$0xB0] =	vst v1  }
0x152: {  	v1 =	vld.idx.msk [tilespmem:v2+s3+$0x0], $0xffff  }
0x153: {  	v2 =	vld [tilespmem:s14+$0x100]  }
0x154: {  	v3 =	vld [tilespmem:s14+$0x110]  }
0x155: {  	v48 =	vld [tilespmem:s14+$0x130]  }
0x156: {  	v49 =	vld [tilespmem:s14+$0x160]  }
0x157: {  	v51 =	vld [tilespmem:s14+$0x120]  }
0x158: {  	v52 =	vld [tilespmem:s14+$0x150];
	v2 =	vmul.f32 v1, v2  }
0x159: {  	v50 =	vld [tilespmem:s14+$0x170];
	v53 =	vmov s9;
	v3 =	vmul.f32 v1, v3  }
0x15a: {  	v54 =	vld [tilespmem:s14+$0x140];
	v4 =	vmul.f32 v1, v48;
	[tilespmem:s14+$0x100] =	vst v2;
	v2 =	vand.u32 $0x7F, v53  }
0x15b: {  	v5 =	vmul.f32 v1, v49;
	[tilespmem:s14+$0x110] =	vst v3;
	v2 =	vor.u32 $0x100, v2  }
0x15c: {  	v55 =	vmul.f32 v1, v51;
	[tilespmem:s14+$0x130] =	vst v4;
	v2 =	vbroadcast v2, $0x0  }
0x15d: {  	v56 =	vmul.f32 v1, v52;
	[tilespmem:s14+$0x160] =	vst v5  }
0x15e: {  	v3 =	vmul.f32 v1, v50;
	[tilespmem:s14+$0x120] =	vst v55  }
0x15f: {  	v1 =	vmul.f32 v1, v54;
	[tilespmem:s14+$0x150] =	vst v56  }
0x160: {  	[tilespmem:s14+$0x170] =	vst v3  }
0x161: {  	v3 =	vld [tilespmem:s14+$0x180];
	[tilespmem:s14+$0x140] =	vst v1  }
0x162: {  	v1 =	vld.idx.msk [tilespmem:v2+s3+$0x0], $0xffff  }
0x163: {  	v2 =	vld [tilespmem:s14+$0x190]  }
0x164: {  	v59 =	vld [tilespmem:s14+$0x1A0]  }
0x165: {  	v57 =	vld [tilespmem:s14+$0x1D0]  }
0x166: {  	v58 =	vld [tilespmem:s14+$0x1F0]  }
0x167: {  	v60 =	vld [tilespmem:s14+$0x1B0];
	v3 =	vmul.f32 v1, v3  }
0x168: {  	v61 =	vld [tilespmem:s14+$0x1E0];
	v2 =	vmul.f32 v1, v2  }
0x169: {  	v62 =	vld [tilespmem:s14+$0x1C0];
	v63 =	vmul.f32 v1, v59;
	[tilespmem:s14+$0x180] =	vst v3  }
0x16a: {  	v3 =	vmul.f32 v1, v57;
	[tilespmem:s14+$0x190] =	vst v2  }
0x16b: {  	v2 =	vmul.f32 v1, v58;
	[tilespmem:s14+$0x1A0] =	vst v63  }
0x16c: {  	[tilespmem:s14+$0x1D0] =	vst v3;
	v3 =	vmul.f32 v1, v60  }
0x16d: {  	[tilespmem:s14+$0x1F0] =	vst v2;
	v2 =	vmul.f32 v1, v61  }
0x16e: {  	v1 =	vmul.f32 v1, v62;
	[tilespmem:s14+$0x1B0] =	vst v3  }
0x16f: {  	[tilespmem:s14+$0x1E0] =	vst v2  }
0x170: {  	p1 =	por $0x1, $0x1;
	[tilespmem:s14+$0x1C0] =	vst v1  }
0x171: {  	[spmem:s2] =	stream.indirect.scatter.add.f32 [tilespmem:s21], [sflag:$0x7], $0x80, s24, s24, $0xb8;
	[tilespmem:$0x1FE80] =	vst v63  }
.LBB2_10:
0x172: {  	p2 =	seq.s32 s13, $0x0  }
0x173: {  	s7 =	simm.s32 @!p2 $0x9  }
0x174: {  	p3 =	sgt.u32 s18, $0x4C1;
	_ =	swait.ge @!p2 [sflag:s7], $0x4000  }
0x175: {  	s9 =	sadd.s32 @!p3 s18, s16;
	s18 =	sadd.s32 s6, s17;
	[sflag:s7] =	ssyncset.done @!p2 $0x0  }
0x176: {  	[sflag:s7] =	ssyncadd.s32 @!p2 $0xFFFFC000;
	p2 =	sgt.u32 s18, $0x4D1  }
.Ltmp9:
0x177: {  	_ = 	snop;
	(pc) =	sbr.rel @p2 .LBB2_12-.Ltmp9, $4  }
0x178: {  	_ = 	snop  }
0x179: {  	s7 =	sshll.u32 @!p3 s9, $0x6  }
0x17a: {  	s12 =	simm.s32 @!p3 $0x400;
	s9 =	simm.s32 @!p3 $0x0;
	s7 =	sadd.s32 @!p3 s5, s7  }
0x17b: {  	[tilespmem:s12], [sflag:$0x3] =	stream.linear.gather @!p3 [hbm4b:s7+s9], $0x180, $0x38;
	[tilespmem:$0x1FE80] =	vst v63  }
.Ltmp10:
0x17c: {  	(pc) =	sbr.rel .LBB2_13-.Ltmp10, $4  }
0x17d: {  	_ =	swait.ge [sflag:s29], $0x180  }
0x17e: {  	[sflag:s29] =	ssyncset.done $0x0  }
0x17f: {  	[sflag:s29] =	ssyncadd.s32 $0xFFFFFE80  }
0x180: {  	[tilespmem:s31], [sflag:$0x6] =	stream.indirect.gather [hbm4b:s1+s24], $0x80, s30, s24, $0xb8;
	[tilespmem:$0x1FE80] =	vst v63  }
.LBB2_12:
0x181: {  	p2 =	sgt.u32 s18, $0x4E1  }
.Ltmp11:
0x182: {  	_ = 	snop;
	(pc) =	sbr.rel @p2 .LBB2_16-.Ltmp11, $1  }
0x183: {  	_ =	sdelay $0x3  }
.LBB2_13:
0x184: {  	s7 =	simm.s32 $0x0  }
0x185: {  	v1 =	vmov s7  }
0x186: {  	v1 =	vand.u32 $0x78, v1  }
0x187: {  	v1 =	vor.u32 $0x100, v1  }
0x188: {  	v1 =	vbroadcast v1, $0x0;
	_ =	sdelay $0x1  }
0x189: {  	_ =	swait.ge [sflag:s0], $0x4000  }
0x18a: {  	[sflag:s0] =	ssyncset.done $0x0  }
0x18b: {  	s19 =	simm.s32 $0x4800;
	[sflag:s0] =	ssyncadd.s32 $0xFFFFC000  }
0x18c: {  	v2 =	vld [tilespmem:s19+$0xFFFFFE00]  }
0x18d: {  	v1 =	vld.idx.msk [tilespmem:v1+s20+$0x0], $0xffff  }
0x18e: {  	v3 =	vld [tilespmem:s19+$0xFFFFFE70]  }
0x18f: {  	v4 =	vld [tilespmem:s19+$0xFFFFFE50]  }
0x190: {  	v5 =	vld [tilespmem:s19+$0xFFFFFE20]  }
0x191: {  	v6 =	vld [tilespmem:s19+$0xFFFFFE30]  }
0x192: {  	s9 =	simm.s32 $0x1;
	v7 =	vld [tilespmem:s19+$0xFFFFFE10];
	v2 =	vmul.f32 v1, v2  }
0x193: {  	v9 =	vmov s9;
	v8 =	vld [tilespmem:s19+$0xFFFFFE60];
	v3 =	vmul.f32 v1, v3  }
0x194: {  	v10 =	vld [tilespmem:s19+$0xFFFFFE40];
	v4 =	vmul.f32 v1, v4;
	[tilespmem:s19+$0xFFFFFE00] =	vst v2;
	v2 =	vand.u32 $0x79, v9  }
0x195: {  	v5 =	vmul.f32 v1, v5;
	[tilespmem:s19+$0xFFFFFE70] =	vst v3;
	v2 =	vor.u32 $0x100, v2  }
0x196: {  	v3 =	vmul.f32 v1, v6;
	[tilespmem:s19+$0xFFFFFE50] =	vst v4;
	v2 =	vbroadcast v2, $0x0  }
0x197: {  	v4 =	vmul.f32 v1, v7;
	[tilespmem:s19+$0xFFFFFE20] =	vst v5  }
0x198: {  	v5 =	vmul.f32 v1, v8;
	[tilespmem:s19+$0xFFFFFE30] =	vst v3  }
0x199: {  	v1 =	vmul.f32 v1, v10;
	[tilespmem:s19+$0xFFFFFE10] =	vst v4  }
0x19a: {  	[tilespmem:s19+$0xFFFFFE60] =	vst v5  }
0x19b: {  	[tilespmem:s19+$0xFFFFFE40] =	vst v1;
	v1 =	vld [tilespmem:s19+$0xFFFFFEE0]  }
0x19c: {  	v2 =	vld.idx.msk [tilespmem:v2+s20+$0x0], $0xffff  }
0x19d: {  	v3 =	vld [tilespmem:s19+$0xFFFFFE80]  }
0x19e: {  	v4 =	vld [tilespmem:s19+$0xFFFFFE90]  }
0x19f: {  	v5 =	vld [tilespmem:s19+$0xFFFFFED0]  }
0x1a0: {  	v6 =	vld [tilespmem:s19+$0xFFFFFEC0]  }
0x1a1: {  	s12 =	simm.s32 $0x2;
	v7 =	vld [tilespmem:s19+$0xFFFFFEB0];
	v1 =	vmul.f32 v2, v1  }
0x1a2: {  	v8 =	vld [tilespmem:s19+$0xFFFFFEF0];
	v9 =	vmov s12;
	v3 =	vmul.f32 v2, v3  }
0x1a3: {  	v10 =	vld [tilespmem:s19+$0xFFFFFEA0];
	v4 =	vmul.f32 v2, v4;
	[tilespmem:s19+$0xFFFFFEE0] =	vst v1;
	v1 =	vand.u32 $0x7A, v9  }
0x1a4: {  	v5 =	vmul.f32 v2, v5;
	[tilespmem:s19+$0xFFFFFE80] =	vst v3;
	v1 =	vor.u32 $0x100, v1  }
0x1a5: {  	v3 =	vmul.f32 v2, v6;
	[tilespmem:s19+$0xFFFFFE90] =	vst v4;
	v1 =	vbroadcast v1, $0x0  }
0x1a6: {  	v4 =	vmul.f32 v2, v7;
	[tilespmem:s19+$0xFFFFFED0] =	vst v5  }
0x1a7: {  	v5 =	vmul.f32 v2, v8;
	[tilespmem:s19+$0xFFFFFEC0] =	vst v3  }
0x1a8: {  	v2 =	vmul.f32 v2, v10;
	[tilespmem:s19+$0xFFFFFEB0] =	vst v4  }
0x1a9: {  	[tilespmem:s19+$0xFFFFFEF0] =	vst v5  }
0x1aa: {  	[tilespmem:s19+$0xFFFFFEA0] =	vst v2;
	v2 =	vld [tilespmem:s19+$0xFFFFFF40]  }
0x1ab: {  	v1 =	vld.idx.msk [tilespmem:v1+s20+$0x0], $0xffff  }
0x1ac: {  	v4 =	vld [tilespmem:s19+$0xFFFFFF20]  }
0x1ad: {  	v5 =	vld [tilespmem:s19+$0xFFFFFF10]  }
0x1ae: {  	v6 =	vld [tilespmem:s19+$0xFFFFFF50]  }
0x1af: {  	v3 =	vld [tilespmem:s19+$0xFFFFFF70]  }
0x1b0: {  	s14 =	simm.s32 $0x3;
	v7 =	vld [tilespmem:s19+$0xFFFFFF00];
	v2 =	vmul.f32 v1, v2  }
0x1b1: {  	v8 =	vld [tilespmem:s19+$0xFFFFFF30];
	v10 =	vmov s14;
	v4 =	vmul.f32 v1, v4  }
0x1b2: {  	v9 =	vld [tilespmem:s19+$0xFFFFFF60];
	v5 =	vmul.f32 v1, v5;
	[tilespmem:s19+$0xFFFFFF40] =	vst v2;
	v2 =	vand.u32 $0x7B, v10  }
0x1b3: {  	v6 =	vmul.f32 v1, v6;
	[tilespmem:s19+$0xFFFFFF20] =	vst v4;
	v2 =	vor.u32 $0x100, v2  }
0x1b4: {  	v3 =	vmul.f32 v1, v3;
	[tilespmem:s19+$0xFFFFFF10] =	vst v5;
	v2 =	vbroadcast v2, $0x0  }
0x1b5: {  	v4 =	vmul.f32 v1, v7;
	[tilespmem:s19+$0xFFFFFF50] =	vst v6  }
0x1b6: {  	v5 =	vmul.f32 v1, v8;
	[tilespmem:s19+$0xFFFFFF70] =	vst v3  }
0x1b7: {  	v1 =	vmul.f32 v1, v9;
	[tilespmem:s19+$0xFFFFFF00] =	vst v4  }
0x1b8: {  	[tilespmem:s19+$0xFFFFFF30] =	vst v5  }
0x1b9: {  	[tilespmem:s19+$0xFFFFFF60] =	vst v1  }
0x1ba: {  	v1 =	vld.idx.msk [tilespmem:v2+s20+$0x0], $0xffff  }
0x1bb: {  	v2 =	vld [tilespmem:s19+$0xFFFFFFA0]  }
0x1bc: {  	v4 =	vld [tilespmem:s19+$0xFFFFFFE0]  }
0x1bd: {  	v5 =	vld [tilespmem:s19+$0xFFFFFF80]  }
0x1be: {  	v6 =	vld [tilespmem:s19+$0xFFFFFFC0]  }
0x1bf: {  	v7 =	vld [tilespmem:s19+$0xFFFFFFF0]  }
0x1c0: {  	s22 =	simm.s32 $0x4;
	v3 =	vld [tilespmem:s19+$0xFFFFFF90];
	v2 =	vmul.f32 v1, v2  }
0x1c1: {  	v9 =	vld [tilespmem:s19+$0xFFFFFFB0];
	v10 =	vmov s22;
	v4 =	vmul.f32 v1, v4  }
0x1c2: {  	v8 =	vld [tilespmem:s19+$0xFFFFFFD0];
	v5 =	vmul.f32 v1, v5;
	[tilespmem:s19+$0xFFFFFFA0] =	vst v2;
	v2 =	vand.u32 $0x7C, v10  }
0x1c3: {  	v6 =	vmul.f32 v1, v6;
	[tilespmem:s19+$0xFFFFFFE0] =	vst v4;
	v2 =	vor.u32 $0x100, v2  }
0x1c4: {  	v4 =	vmul.f32 v1, v7;
	[tilespmem:s19+$0xFFFFFF80] =	vst v5;
	v5 =	vbroadcast v2, $0x0  }
0x1c5: {  	[tilespmem:s19+$0xFFFFFFC0] =	vst v6;
	v2 =	vmul.f32 v1, v3  }
0x1c6: {  	v6 =	vld [tilespmem:s19+$0x0];
	v3 =	vmul.f32 v1, v9;
	[tilespmem:s19+$0xFFFFFFF0] =	vst v4  }
0x1c7: {  	v10 =	vld [tilespmem:s19+$0x40];
	v1 =	vmul.f32 v1, v8;
	[tilespmem:s19+$0xFFFFFF90] =	vst v2  }
0x1c8: {  	v7 =	vld [tilespmem:s19+$0x20];
	[tilespmem:s19+$0xFFFFFFB0] =	vst v3  }
0x1c9: {  	v8 =	vld [tilespmem:s19+$0x30];
	[tilespmem:s19+$0xFFFFFFD0] =	vst v1  }
0x1ca: {  	v1 =	vld.idx.msk [tilespmem:v5+s20+$0x0], $0xffff  }
0x1cb: {  	v4 =	vld [tilespmem:s19+$0x60]  }
0x1cc: {  	v2 =	vld [tilespmem:s19+$0x50]  }
0x1cd: {  	v3 =	vld [tilespmem:s19+$0x10]  }
0x1ce: {  	s9 =	simm.s32 $0x7;
	v5 =	vld [tilespmem:s19+$0x70]  }
0x1cf: {  	s12 =	simm.s32 $0xF;
	s14 =	simm.s32 $0x4800;
	s22 =	simm.s32 $0x5;
	v9 =	vmul.f32 v1, v6;
	v6 =	vmul.f32 v1, v10  }
.LBB2_14:
0x1d0: {  	p2 =	sne.s32 s12, $0x7F  }
0x1d1: {  	v7 =	vmul.f32 v1, v7;
	v8 =	vmul.f32 v1, v8;
	v10 =	vmov s22;
	s19 =	sadd.s32 $0x400, s19;
	s22 =	smov.u32 s12;
	s12 =	sadd.s32 $0x8, s12  }
0x1d2: {  	v3 =	vmul.f32 v1, v3;
	v2 =	vmul.f32 v1, v2;
	[tilespmem:s14+$0x0] =	vst v9;
	v9 =	vand.u32 $0x7D, v10  }
0x1d3: {  	[tilespmem:s14+$0x20] =	vst v7;
	v4 =	vmul.f32 v1, v4;
	v1 =	vmul.f32 v1, v5;
	v5 =	vor.u32 $0x100, v9  }
0x1d4: {  	[tilespmem:s14+$0x50] =	vst v2;
	v2 =	vbroadcast v5, $0x0  }
0x1d5: {  	[tilespmem:s14+$0x40] =	vst v6  }
0x1d6: {  	[tilespmem:s14+$0x10] =	vst v3;
	v3 =	vld [tilespmem:s14+$0x80]  }
0x1d7: {  	[tilespmem:s14+$0x30] =	vst v8;
	v5 =	vld [tilespmem:s14+$0xE0]  }
0x1d8: {  	[tilespmem:s14+$0x70] =	vst v1;
	v1 =	vld [tilespmem:s14+$0x90]  }
0x1d9: {  	[tilespmem:s14+$0x60] =	vst v4;
	v4 =	vld [tilespmem:s14+$0xF0]  }
0x1da: {  	v2 =	vld.idx.msk [tilespmem:v2+s20+$0x0], $0xffff  }
0x1db: {  	v6 =	vld [tilespmem:s14+$0xD0]  }
0x1dc: {  	v7 =	vld [tilespmem:s14+$0xA0]  }
0x1dd: {  	v8 =	vld [tilespmem:s14+$0xC0]  }
0x1de: {  	v9 =	vld [tilespmem:s14+$0xB0];
	_ =	sdelay $0x1  }
0x1df: {  	s7 =	sadd.s32 $0xFFFFFFFF, s9;
	v3 =	vmul.f32 v2, v3;
	v6 =	vmul.f32 v2, v6  }
0x1e0: {  	v10 =	vmov s7;
	v4 =	vmul.f32 v2, v4;
	v7 =	vmul.f32 v2, v7  }
0x1e1: {  	v1 =	vmul.f32 v2, v1;
	[tilespmem:s14+$0x80] =	vst v3;
	v3 =	vmul.f32 v2, v8;
	v8 =	vand.u32 $0x7E, v10  }
0x1e2: {  	v9 =	vmul.f32 v2, v9;
	[tilespmem:s14+$0xD0] =	vst v6;
	v2 =	vmul.f32 v2, v5;
	v5 =	vor.u32 $0x100, v8  }
0x1e3: {  	[tilespmem:s14+$0xF0] =	vst v4;
	v4 =	vbroadcast v5, $0x0  }
0x1e4: {  	[tilespmem:s14+$0x90] =	vst v1  }
0x1e5: {  	[tilespmem:s14+$0xE0] =	vst v2;
	v1 =	vld [tilespmem:s14+$0x170]  }
0x1e6: {  	[tilespmem:s14+$0xC0] =	vst v3;
	v2 =	vld [tilespmem:s14+$0x160]  }
0x1e7: {  	[tilespmem:s14+$0xA0] =	vst v7;
	v3 =	vld [tilespmem:s14+$0x130]  }
0x1e8: {  	[tilespmem:s14+$0xB0] =	vst v9;
	v5 =	vld [tilespmem:s14+$0x110]  }
0x1e9: {  	v4 =	vld.idx.msk [tilespmem:v4+s20+$0x0], $0xffff  }
0x1ea: {  	v6 =	vld [tilespmem:s14+$0x100]  }
0x1eb: {  	v7 =	vld [tilespmem:s14+$0x120]  }
0x1ec: {  	v8 =	vld [tilespmem:s14+$0x140]  }
0x1ed: {  	v9 =	vld [tilespmem:s14+$0x150];
	_ =	sdelay $0x1  }
0x1ee: {  	v5 =	vmul.f32 v4, v5;
	v6 =	vmul.f32 v4, v6  }
0x1ef: {  	v10 =	vmov s9;
	s9 =	smov.u32 s22;
	v3 =	vmul.f32 v4, v3;
	v7 =	vmul.f32 v4, v7  }
0x1f0: {  	v2 =	vmul.f32 v4, v2;
	[tilespmem:s14+$0x100] =	vst v6;
	v6 =	vmul.f32 v4, v8;
	v8 =	vand.u32 $0x7F, v10  }
0x1f1: {  	v1 =	vmul.f32 v4, v1;
	[tilespmem:s14+$0x110] =	vst v5;
	v5 =	vmul.f32 v4, v9;
	v4 =	vor.u32 $0x100, v8  }
0x1f2: {  	[tilespmem:s14+$0x130] =	vst v3;
	v3 =	vbroadcast v4, $0x0  }
0x1f3: {  	[tilespmem:s14+$0x160] =	vst v2  }
0x1f4: {  	[tilespmem:s14+$0x170] =	vst v1;
	v1 =	vld [tilespmem:s14+$0x180]  }
0x1f5: {  	[tilespmem:s14+$0x120] =	vst v7;
	v2 =	vld [tilespmem:s14+$0x1D0]  }
0x1f6: {  	[tilespmem:s14+$0x150] =	vst v5;
	v4 =	vld [tilespmem:s14+$0x1F0]  }
0x1f7: {  	[tilespmem:s14+$0x140] =	vst v6;
	v5 =	vld [tilespmem:s14+$0x1A0]  }
0x1f8: {  	v3 =	vld.idx.msk [tilespmem:v3+s20+$0x0], $0xffff  }
0x1f9: {  	v6 =	vld [tilespmem:s14+$0x190]  }
0x1fa: {  	v7 =	vld [tilespmem:s14+$0x1B0]  }
0x1fb: {  	v8 =	vld [tilespmem:s14+$0x1C0]  }
0x1fc: {  	v9 =	vld [tilespmem:s14+$0x1E0];
	_ =	sdelay $0x1  }
0x1fd: {  	s7 =	sadd.s32 $0xFFFFFFF9, s9;
	v1 =	vmul.f32 v3, v1;
	v6 =	vmul.f32 v3, v6  }
0x1fe: {  	v10 =	vmov s7;
	v5 =	vmul.f32 v3, v5;
	v7 =	vmul.f32 v3, v7  }
0x1ff: {  	v10 =	vand.u32 $0x78, v10;
	v2 =	vmul.f32 v3, v2;
	[tilespmem:s14+$0x180] =	vst v1;
	v1 =	vmul.f32 v3, v8  }
0x200: {  	v8 =	vor.u32 $0x100, v10;
	[tilespmem:s14+$0x190] =	vst v6;
	v6 =	vmul.f32 v3, v9;
	v3 =	vmul.f32 v3, v4  }
0x201: {  	v4 =	vbroadcast v8, $0x0;
	[tilespmem:s14+$0x1D0] =	vst v2  }
0x202: {  	[tilespmem:s14+$0x1F0] =	vst v3  }
0x203: {  	v2 =	vld [tilespmem:s19+$0xFFFFFE40];
	[tilespmem:s14+$0x1A0] =	vst v5  }
0x204: {  	v3 =	vld [tilespmem:s19+$0xFFFFFE60];
	[tilespmem:s14+$0x1B0] =	vst v7  }
0x205: {  	v5 =	vld [tilespmem:s19+$0xFFFFFE50];
	[tilespmem:s14+$0x1E0] =	vst v6  }
0x206: {  	v6 =	vld [tilespmem:s19+$0xFFFFFE70];
	[tilespmem:s14+$0x1C0] =	vst v1;
	s14 =	smov.u32 s19  }
0x207: {  	v1 =	vld.idx.msk [tilespmem:v4+s20+$0x0], $0xffff  }
0x208: {  	v4 =	vld [tilespmem:s19+$0xFFFFFE00]  }
0x209: {  	v7 =	vld [tilespmem:s19+$0xFFFFFE20]  }
0x20a: {  	v8 =	vld [tilespmem:s19+$0xFFFFFE10]  }
0x20b: {  	v9 =	vld [tilespmem:s19+$0xFFFFFE30];
	_ =	sdelay $0x1  }
0x20c: {  	s7 =	sadd.s32 $0xFFFFFFFA, s9;
	v6 =	vmul.f32 v1, v6;
	v4 =	vmul.f32 v1, v4  }
0x20d: {  	v10 =	vmov s7;
	v5 =	vmul.f32 v1, v5;
	v7 =	vmul.f32 v1, v7  }
0x20e: {  	v3 =	vmul.f32 v1, v3;
	[tilespmem:s19+$0xFFFFFE00] =	vst v4;
	v4 =	vmul.f32 v1, v8;
	v8 =	vand.u32 $0x79, v10  }
0x20f: {  	v9 =	vmul.f32 v1, v9;
	v1 =	vmul.f32 v1, v2;
	[tilespmem:s19+$0xFFFFFE70] =	vst v6;
	v2 =	vor.u32 $0x100, v8  }
0x210: {  	[tilespmem:s19+$0xFFFFFE50] =	vst v5;
	v2 =	vbroadcast v2, $0x0  }
0x211: {  	[tilespmem:s19+$0xFFFFFE20] =	vst v7  }
0x212: {  	[tilespmem:s19+$0xFFFFFE30] =	vst v9;
	v5 =	vld [tilespmem:s19+$0xFFFFFEF0]  }
0x213: {  	[tilespmem:s19+$0xFFFFFE10] =	vst v4;
	v4 =	vld [tilespmem:s19+$0xFFFFFED0]  }
0x214: {  	[tilespmem:s19+$0xFFFFFE60] =	vst v3;
	v3 =	vld [tilespmem:s19+$0xFFFFFEB0]  }
0x215: {  	[tilespmem:s19+$0xFFFFFE40] =	vst v1;
	v1 =	vld [tilespmem:s19+$0xFFFFFEE0]  }
0x216: {  	v2 =	vld.idx.msk [tilespmem:v2+s20+$0x0], $0xffff  }
0x217: {  	v6 =	vld [tilespmem:s19+$0xFFFFFE80]  }
0x218: {  	v7 =	vld [tilespmem:s19+$0xFFFFFE90]  }
0x219: {  	v8 =	vld [tilespmem:s19+$0xFFFFFEA0]  }
0x21a: {  	v9 =	vld [tilespmem:s19+$0xFFFFFEC0];
	_ =	sdelay $0x1  }
0x21b: {  	s7 =	sadd.s32 $0xFFFFFFFB, s9;
	v1 =	vmul.f32 v2, v1;
	v6 =	vmul.f32 v2, v6  }
0x21c: {  	v10 =	vmov s7;
	v3 =	vmul.f32 v2, v3;
	v7 =	vmul.f32 v2, v7  }
0x21d: {  	v4 =	vmul.f32 v2, v4;
	v8 =	vmul.f32 v2, v8;
	[tilespmem:s19+$0xFFFFFEE0] =	vst v1;
	v1 =	vand.u32 $0x7A, v10  }
0x21e: {  	[tilespmem:s19+$0xFFFFFE80] =	vst v6;
	v6 =	vmul.f32 v2, v9;
	v2 =	vmul.f32 v2, v5;
	v1 =	vor.u32 $0x100, v1  }
0x21f: {  	[tilespmem:s19+$0xFFFFFE90] =	vst v7;
	v1 =	vbroadcast v1, $0x0  }
0x220: {  	[tilespmem:s19+$0xFFFFFED0] =	vst v4  }
0x221: {  	[tilespmem:s19+$0xFFFFFEC0] =	vst v6;
	v4 =	vld [tilespmem:s19+$0xFFFFFF70]  }
0x222: {  	[tilespmem:s19+$0xFFFFFEB0] =	vst v3;
	v3 =	vld [tilespmem:s19+$0xFFFFFF50]  }
0x223: {  	[tilespmem:s19+$0xFFFFFEF0] =	vst v2;
	v2 =	vld [tilespmem:s19+$0xFFFFFF30]  }
0x224: {  	[tilespmem:s19+$0xFFFFFEA0] =	vst v8;
	v5 =	vld [tilespmem:s19+$0xFFFFFF40]  }
0x225: {  	v1 =	vld.idx.msk [tilespmem:v1+s20+$0x0], $0xffff  }
0x226: {  	v6 =	vld [tilespmem:s19+$0xFFFFFF20]  }
0x227: {  	v7 =	vld [tilespmem:s19+$0xFFFFFF10]  }
0x228: {  	v8 =	vld [tilespmem:s19+$0xFFFFFF00]  }
0x229: {  	v9 =	vld [tilespmem:s19+$0xFFFFFF60];
	_ =	sdelay $0x1  }
0x22a: {  	s7 =	sadd.s32 $0xFFFFFFFC, s9;
	v5 =	vmul.f32 v1, v5;
	v6 =	vmul.f32 v1, v6  }
0x22b: {  	v10 =	vmov s7;
	v2 =	vmul.f32 v1, v2;
	v7 =	vmul.f32 v1, v7  }
0x22c: {  	v3 =	vmul.f32 v1, v3;
	v8 =	vmul.f32 v1, v8;
	[tilespmem:s19+$0xFFFFFF40] =	vst v5;
	v5 =	vand.u32 $0x7B, v10  }
0x22d: {  	[tilespmem:s19+$0xFFFFFF20] =	vst v6;
	v6 =	vmul.f32 v1, v9;
	v1 =	vmul.f32 v1, v4;
	v4 =	vor.u32 $0x100, v5  }
0x22e: {  	[tilespmem:s19+$0xFFFFFF10] =	vst v7;
	v4 =	vbroadcast v4, $0x0  }
0x22f: {  	[tilespmem:s19+$0xFFFFFF50] =	vst v3  }
0x230: {  	[tilespmem:s19+$0xFFFFFF00] =	vst v8;
	v3 =	vld [tilespmem:s19+$0xFFFFFFF0]  }
0x231: {  	[tilespmem:s19+$0xFFFFFF30] =	vst v2;
	v2 =	vld [tilespmem:s19+$0xFFFFFFD0]  }
0x232: {  	[tilespmem:s19+$0xFFFFFF70] =	vst v1;
	v1 =	vld [tilespmem:s19+$0xFFFFFF90]  }
0x233: {  	[tilespmem:s19+$0xFFFFFF60] =	vst v6;
	v5 =	vld [tilespmem:s19+$0xFFFFFFE0]  }
0x234: {  	v4 =	vld.idx.msk [tilespmem:v4+s20+$0x0], $0xffff  }
0x235: {  	v6 =	vld [tilespmem:s19+$0xFFFFFFA0]  }
0x236: {  	v7 =	vld [tilespmem:s19+$0xFFFFFF80]  }
0x237: {  	v8 =	vld [tilespmem:s19+$0xFFFFFFC0]  }
0x238: {  	v9 =	vld [tilespmem:s19+$0xFFFFFFB0];
	_ =	sdelay $0x1  }
0x239: {  	s7 =	sadd.s32 $0xFFFFFFFD, s9;
	v5 =	vmul.f32 v4, v5;
	v6 =	vmul.f32 v4, v6  }
0x23a: {  	v10 =	vmov s7;
	v1 =	vmul.f32 v4, v1;
	v7 =	vmul.f32 v4, v7  }
0x23b: {  	[tilespmem:s19+$0xFFFFFFA0] =	vst v6;
	v6 =	vmul.f32 v4, v8;
	v8 =	vmul.f32 v4, v2;
	v2 =	vand.u32 $0x7C, v10  }
0x23c: {  	v3 =	vmul.f32 v4, v3;
	v9 =	vmul.f32 v4, v9;
	[tilespmem:s19+$0xFFFFFFE0] =	vst v5;
	v2 =	vor.u32 $0x100, v2  }
0x23d: {  	[tilespmem:s19+$0xFFFFFF80] =	vst v7;
	v4 =	vbroadcast v2, $0x0  }
0x23e: {  	[tilespmem:s19+$0xFFFFFFC0] =	vst v6  }
0x23f: {  	[tilespmem:s19+$0xFFFFFFF0] =	vst v3;
	v2 =	vld [tilespmem:s19+$0x50]  }
0x240: {  	[tilespmem:s19+$0xFFFFFF90] =	vst v1;
	v7 =	vld [tilespmem:s19+$0x20]  }
0x241: {  	[tilespmem:s19+$0xFFFFFFB0] =	vst v9;
	v6 =	vld [tilespmem:s19+$0x0]  }
0x242: {  	[tilespmem:s19+$0xFFFFFFD0] =	vst v8;
	v3 =	vld [tilespmem:s19+$0x10]  }
0x243: {  	v1 =	vld.idx.msk [tilespmem:v4+s20+$0x0], $0xffff  }
0x244: {  	v10 =	vld [tilespmem:s19+$0x40]  }
.Ltmp12:
0x245: {  	v8 =	vld [tilespmem:s19+$0x30];
	(pc) =	sbr.rel @p2 .LBB2_14-.Ltmp12, $3  }
0x246: {  	v5 =	vld [tilespmem:s19+$0x70]  }
0x247: {  	v4 =	vld [tilespmem:s19+$0x60];
	_ =	sdelay $0x1  }
0x248: {  	s22 =	sadd.s32 $0xFFFFFFFE, s9;
	v9 =	vmul.f32 v1, v6;
	v6 =	vmul.f32 v1, v10  }
0x249: {  	v10 =	vmov s22  }
0x24a: {  	v2 =	vmul.f32 v1, v2;
	[tilespmem:s14+$0x0] =	vst v9;
	v36 =	vand.u32 $0x7D, v10  }
0x24b: {  	v7 =	vmul.f32 v1, v7;
	[tilespmem:s14+$0x40] =	vst v6;
	v37 =	vor.u32 $0x100, v36  }
0x24c: {  	v3 =	vmul.f32 v1, v3;
	[tilespmem:s14+$0x50] =	vst v2;
	v2 =	vbroadcast v37, $0x0  }
0x24d: {  	v38 =	vmul.f32 v1, v8;
	[tilespmem:s14+$0x20] =	vst v7  }
0x24e: {  	v5 =	vmul.f32 v1, v5;
	[tilespmem:s14+$0x10] =	vst v3  }
0x24f: {  	v1 =	vmul.f32 v1, v4;
	[tilespmem:s14+$0x30] =	vst v38  }
0x250: {  	[tilespmem:s14+$0x70] =	vst v5  }
0x251: {  	v3 =	vld [tilespmem:s14+$0x80];
	[tilespmem:s14+$0x60] =	vst v1  }
0x252: {  	v1 =	vld.idx.msk [tilespmem:v2+s20+$0x0], $0xffff  }
0x253: {  	v2 =	vld [tilespmem:s14+$0xD0]  }
0x254: {  	v40 =	vld [tilespmem:s14+$0xF0]  }
0x255: {  	v39 =	vld [tilespmem:s14+$0x90]  }
0x256: {  	v43 =	vld [tilespmem:s14+$0xC0]  }
0x257: {  	v42 =	vld [tilespmem:s14+$0xA0];
	s7 =	sadd.s32 $0xFFFFFFFF, s9;
	v3 =	vmul.f32 v1, v3  }
0x258: {  	v41 =	vld [tilespmem:s14+$0xE0];
	v45 =	vmov s7;
	v2 =	vmul.f32 v1, v2  }
0x259: {  	v44 =	vld [tilespmem:s14+$0xB0];
	v5 =	vmul.f32 v1, v40;
	[tilespmem:s14+$0x80] =	vst v3;
	v3 =	vand.u32 $0x7E, v45  }
0x25a: {  	v4 =	vmul.f32 v1, v39;
	[tilespmem:s14+$0xD0] =	vst v2;
	v2 =	vor.u32 $0x100, v3  }
0x25b: {  	v46 =	vmul.f32 v1, v43;
	[tilespmem:s14+$0xF0] =	vst v5;
	v2 =	vbroadcast v2, $0x0  }
0x25c: {  	v47 =	vmul.f32 v1, v42;
	[tilespmem:s14+$0x90] =	vst v4  }
0x25d: {  	[tilespmem:s14+$0xC0] =	vst v46;
	v3 =	vmul.f32 v1, v41  }
0x25e: {  	[tilespmem:s14+$0xA0] =	vst v47;
	v1 =	vmul.f32 v1, v44  }
0x25f: {  	[tilespmem:s14+$0xE0] =	vst v3  }
0x260: {  	[tilespmem:s14+$0xB0] =	vst v1  }
0x261: {  	v1 =	vld.idx.msk [tilespmem:v2+s20+$0x0], $0xffff  }
0x262: {  	v2 =	vld [tilespmem:s14+$0x100]  }
0x263: {  	v3 =	vld [tilespmem:s14+$0x110]  }
0x264: {  	v48 =	vld [tilespmem:s14+$0x130]  }
0x265: {  	v49 =	vld [tilespmem:s14+$0x160]  }
0x266: {  	v51 =	vld [tilespmem:s14+$0x120]  }
0x267: {  	v52 =	vld [tilespmem:s14+$0x150];
	v2 =	vmul.f32 v1, v2  }
0x268: {  	v50 =	vld [tilespmem:s14+$0x170];
	v53 =	vmov s9;
	v3 =	vmul.f32 v1, v3  }
0x269: {  	v54 =	vld [tilespmem:s14+$0x140];
	v4 =	vmul.f32 v1, v48;
	[tilespmem:s14+$0x100] =	vst v2;
	v2 =	vand.u32 $0x7F, v53  }
0x26a: {  	v5 =	vmul.f32 v1, v49;
	[tilespmem:s14+$0x110] =	vst v3;
	v2 =	vor.u32 $0x100, v2  }
0x26b: {  	v55 =	vmul.f32 v1, v51;
	[tilespmem:s14+$0x130] =	vst v4;
	v2 =	vbroadcast v2, $0x0  }
0x26c: {  	v56 =	vmul.f32 v1, v52;
	[tilespmem:s14+$0x160] =	vst v5  }
0x26d: {  	v3 =	vmul.f32 v1, v50;
	[tilespmem:s14+$0x120] =	vst v55  }
0x26e: {  	v1 =	vmul.f32 v1, v54;
	[tilespmem:s14+$0x150] =	vst v56  }
0x26f: {  	[tilespmem:s14+$0x170] =	vst v3  }
0x270: {  	v3 =	vld [tilespmem:s14+$0x180];
	[tilespmem:s14+$0x140] =	vst v1  }
0x271: {  	v1 =	vld.idx.msk [tilespmem:v2+s20+$0x0], $0xffff  }
0x272: {  	v2 =	vld [tilespmem:s14+$0x190]  }
0x273: {  	v59 =	vld [tilespmem:s14+$0x1A0]  }
0x274: {  	v57 =	vld [tilespmem:s14+$0x1D0]  }
0x275: {  	v58 =	vld [tilespmem:s14+$0x1F0]  }
0x276: {  	v60 =	vld [tilespmem:s14+$0x1B0];
	v3 =	vmul.f32 v1, v3  }
0x277: {  	v61 =	vld [tilespmem:s14+$0x1E0];
	v2 =	vmul.f32 v1, v2  }
0x278: {  	v62 =	vld [tilespmem:s14+$0x1C0];
	v63 =	vmul.f32 v1, v59;
	[tilespmem:s14+$0x180] =	vst v3  }
0x279: {  	v3 =	vmul.f32 v1, v57;
	[tilespmem:s14+$0x190] =	vst v2  }
0x27a: {  	v2 =	vmul.f32 v1, v58;
	[tilespmem:s14+$0x1A0] =	vst v63  }
0x27b: {  	[tilespmem:s14+$0x1D0] =	vst v3;
	v3 =	vmul.f32 v1, v60  }
0x27c: {  	[tilespmem:s14+$0x1F0] =	vst v2;
	v2 =	vmul.f32 v1, v61  }
0x27d: {  	v1 =	vmul.f32 v1, v62;
	[tilespmem:s14+$0x1B0] =	vst v3  }
0x27e: {  	[tilespmem:s14+$0x1E0] =	vst v2  }
0x27f: {  	s22 =	simm.s32 $0x280;
	[tilespmem:s14+$0x1C0] =	vst v1  }
0x280: {  	[spmem:s2] =	stream.indirect.scatter.add.f32 [tilespmem:s26], [sflag:$0x8], $0x80, s22, s24, $0xb8;
	[tilespmem:$0x1FE80] =	vst v63  }
.LBB2_16:
0x281: {  	s7 =	simm.s32 @p1 $0x7  }
0x282: {  	_ =	swait.ge @p1 [sflag:s7], $0x4000  }
0x283: {  	s17 =	sadd.s32 s15, s17;
	[sflag:s7] =	ssyncset.done @p1 $0x0  }
0x284: {  	[sflag:s7] =	ssyncadd.s32 @p1 $0xFFFFC000;
	p1 =	sgt.u32 s17, $0x4D1  }
.Ltmp13:
0x285: {  	p2 =	sgt.u32 s18, $0x4C1;
	(pc) =	sbr.rel @p1 .LBB2_18-.Ltmp13, $4  }
0x286: {  	s9 =	sadd.s32 @!p2 s18, s16  }
0x287: {  	s9 =	sshll.u32 @!p2 s9, $0x6  }
0x288: {  	s7 =	sadd.s32 @!p2 s5, s9;
	s9 =	simm.s32 @!p2 $0x0  }
0x289: {  	[tilespmem:s9], [sflag:$0x1] =	stream.linear.gather @!p2 [hbm4b:s7+s9], $0x180, $0x38;
	[tilespmem:$0x1FE80] =	vst v63  }
.Ltmp14:
0x28a: {  	(pc) =	sbr.rel .LBB2_19-.Ltmp14, $4  }
0x28b: {  	_ =	swait.ge [sflag:s23], $0x180  }
0x28c: {  	[sflag:s23] =	ssyncset.done $0x0  }
0x28d: {  	[sflag:s23] =	ssyncadd.s32 $0xFFFFFE80  }
0x28e: {  	[tilespmem:s21], [sflag:$0x4] =	stream.indirect.gather [hbm4b:s1+s24], $0x80, s3, s24, $0xb8;
	[tilespmem:$0x1FE80] =	vst v63  }
.LBB2_18:
0x28f: {  	p1 =	sgt.u32 s17, $0x4E1  }
.Ltmp15:
0x290: {  	_ = 	snop;
	(pc) =	sbr.rel @p1 .LBB2_22-.Ltmp15, $1  }
0x291: {  	_ =	sdelay $0x3  }
.LBB2_19:
0x292: {  	s7 =	simm.s32 $0x0  }
0x293: {  	v1 =	vmov s7  }
0x294: {  	v1 =	vand.u32 $0x78, v1  }
0x295: {  	v1 =	vor.u32 $0x100, v1  }
0x296: {  	v1 =	vbroadcast v1, $0x0;
	_ =	sdelay $0x1  }
0x297: {  	_ =	swait.ge [sflag:s8], $0x4000  }
0x298: {  	[sflag:s8] =	ssyncset.done $0x0  }
0x299: {  	s18 =	simm.s32 $0x8800;
	[sflag:s8] =	ssyncadd.s32 $0xFFFFC000  }
0x29a: {  	v2 =	vld [tilespmem:s18+$0xFFFFFE00]  }
0x29b: {  	v1 =	vld.idx.msk [tilespmem:v1+s30+$0x0], $0xffff  }
0x29c: {  	v3 =	vld [tilespmem:s18+$0xFFFFFE70]  }
0x29d: {  	v4 =	vld [tilespmem:s18+$0xFFFFFE50]  }
0x29e: {  	v5 =	vld [tilespmem:s18+$0xFFFFFE20]  }
0x29f: {  	v6 =	vld [tilespmem:s18+$0xFFFFFE30]  }
0x2a0: {  	s12 =	simm.s32 $0x1;
	v7 =	vld [tilespmem:s18+$0xFFFFFE10];
	v2 =	vmul.f32 v1, v2  }
0x2a1: {  	v9 =	vmov s12;
	v8 =	vld [tilespmem:s18+$0xFFFFFE60];
	v3 =	vmul.f32 v1, v3  }
0x2a2: {  	v10 =	vld [tilespmem:s18+$0xFFFFFE40];
	v4 =	vmul.f32 v1, v4;
	[tilespmem:s18+$0xFFFFFE00] =	vst v2;
	v2 =	vand.u32 $0x79, v9  }
0x2a3: {  	v5 =	vmul.f32 v1, v5;
	[tilespmem:s18+$0xFFFFFE70] =	vst v3;
	v2 =	vor.u32 $0x100, v2  }
0x2a4: {  	v3 =	vmul.f32 v1, v6;
	[tilespmem:s18+$0xFFFFFE50] =	vst v4;
	v2 =	vbroadcast v2, $0x0  }
0x2a5: {  	v4 =	vmul.f32 v1, v7;
	[tilespmem:s18+$0xFFFFFE20] =	vst v5  }
0x2a6: {  	v5 =	vmul.f32 v1, v8;
	[tilespmem:s18+$0xFFFFFE30] =	vst v3  }
0x2a7: {  	v1 =	vmul.f32 v1, v10;
	[tilespmem:s18+$0xFFFFFE10] =	vst v4  }
0x2a8: {  	[tilespmem:s18+$0xFFFFFE60] =	vst v5  }
0x2a9: {  	[tilespmem:s18+$0xFFFFFE40] =	vst v1;
	v1 =	vld [tilespmem:s18+$0xFFFFFEE0]  }
0x2aa: {  	v2 =	vld.idx.msk [tilespmem:v2+s30+$0x0], $0xffff  }
0x2ab: {  	v3 =	vld [tilespmem:s18+$0xFFFFFE80]  }
0x2ac: {  	v4 =	vld [tilespmem:s18+$0xFFFFFE90]  }
0x2ad: {  	v5 =	vld [tilespmem:s18+$0xFFFFFED0]  }
0x2ae: {  	v6 =	vld [tilespmem:s18+$0xFFFFFEC0]  }
0x2af: {  	s14 =	simm.s32 $0x2;
	v7 =	vld [tilespmem:s18+$0xFFFFFEB0];
	v1 =	vmul.f32 v2, v1  }
0x2b0: {  	v8 =	vld [tilespmem:s18+$0xFFFFFEF0];
	v9 =	vmov s14;
	v3 =	vmul.f32 v2, v3  }
0x2b1: {  	v10 =	vld [tilespmem:s18+$0xFFFFFEA0];
	v4 =	vmul.f32 v2, v4;
	[tilespmem:s18+$0xFFFFFEE0] =	vst v1;
	v1 =	vand.u32 $0x7A, v9  }
0x2b2: {  	v5 =	vmul.f32 v2, v5;
	[tilespmem:s18+$0xFFFFFE80] =	vst v3;
	v1 =	vor.u32 $0x100, v1  }
0x2b3: {  	v3 =	vmul.f32 v2, v6;
	[tilespmem:s18+$0xFFFFFE90] =	vst v4;
	v1 =	vbroadcast v1, $0x0  }
0x2b4: {  	v4 =	vmul.f32 v2, v7;
	[tilespmem:s18+$0xFFFFFED0] =	vst v5  }
0x2b5: {  	v5 =	vmul.f32 v2, v8;
	[tilespmem:s18+$0xFFFFFEC0] =	vst v3  }
0x2b6: {  	v2 =	vmul.f32 v2, v10;
	[tilespmem:s18+$0xFFFFFEB0] =	vst v4  }
0x2b7: {  	[tilespmem:s18+$0xFFFFFEF0] =	vst v5  }
0x2b8: {  	[tilespmem:s18+$0xFFFFFEA0] =	vst v2;
	v2 =	vld [tilespmem:s18+$0xFFFFFF40]  }
0x2b9: {  	v1 =	vld.idx.msk [tilespmem:v1+s30+$0x0], $0xffff  }
0x2ba: {  	v4 =	vld [tilespmem:s18+$0xFFFFFF20]  }
0x2bb: {  	v5 =	vld [tilespmem:s18+$0xFFFFFF10]  }
0x2bc: {  	v6 =	vld [tilespmem:s18+$0xFFFFFF50]  }
0x2bd: {  	v3 =	vld [tilespmem:s18+$0xFFFFFF70]  }
0x2be: {  	s19 =	simm.s32 $0x3;
	v7 =	vld [tilespmem:s18+$0xFFFFFF00];
	v2 =	vmul.f32 v1, v2  }
0x2bf: {  	v8 =	vld [tilespmem:s18+$0xFFFFFF30];
	v10 =	vmov s19;
	v4 =	vmul.f32 v1, v4  }
0x2c0: {  	v9 =	vld [tilespmem:s18+$0xFFFFFF60];
	v5 =	vmul.f32 v1, v5;
	[tilespmem:s18+$0xFFFFFF40] =	vst v2;
	v2 =	vand.u32 $0x7B, v10  }
0x2c1: {  	v6 =	vmul.f32 v1, v6;
	[tilespmem:s18+$0xFFFFFF20] =	vst v4;
	v2 =	vor.u32 $0x100, v2  }
0x2c2: {  	v3 =	vmul.f32 v1, v3;
	[tilespmem:s18+$0xFFFFFF10] =	vst v5;
	v2 =	vbroadcast v2, $0x0  }
0x2c3: {  	v4 =	vmul.f32 v1, v7;
	[tilespmem:s18+$0xFFFFFF50] =	vst v6  }
0x2c4: {  	v5 =	vmul.f32 v1, v8;
	[tilespmem:s18+$0xFFFFFF70] =	vst v3  }
0x2c5: {  	v1 =	vmul.f32 v1, v9;
	[tilespmem:s18+$0xFFFFFF00] =	vst v4  }
0x2c6: {  	[tilespmem:s18+$0xFFFFFF30] =	vst v5  }
0x2c7: {  	[tilespmem:s18+$0xFFFFFF60] =	vst v1  }
0x2c8: {  	v1 =	vld.idx.msk [tilespmem:v2+s30+$0x0], $0xffff  }
0x2c9: {  	v2 =	vld [tilespmem:s18+$0xFFFFFFA0]  }
0x2ca: {  	v4 =	vld [tilespmem:s18+$0xFFFFFFE0]  }
0x2cb: {  	v5 =	vld [tilespmem:s18+$0xFFFFFF80]  }
0x2cc: {  	v6 =	vld [tilespmem:s18+$0xFFFFFFC0]  }
0x2cd: {  	v7 =	vld [tilespmem:s18+$0xFFFFFFF0]  }
0x2ce: {  	s22 =	simm.s32 $0x4;
	v3 =	vld [tilespmem:s18+$0xFFFFFF90];
	v2 =	vmul.f32 v1, v2  }
0x2cf: {  	v9 =	vld [tilespmem:s18+$0xFFFFFFB0];
	v10 =	vmov s22;
	v4 =	vmul.f32 v1, v4  }
0x2d0: {  	v8 =	vld [tilespmem:s18+$0xFFFFFFD0];
	v5 =	vmul.f32 v1, v5;
	[tilespmem:s18+$0xFFFFFFA0] =	vst v2;
	v2 =	vand.u32 $0x7C, v10  }
0x2d1: {  	v6 =	vmul.f32 v1, v6;
	[tilespmem:s18+$0xFFFFFFE0] =	vst v4;
	v2 =	vor.u32 $0x100, v2  }
0x2d2: {  	v4 =	vmul.f32 v1, v7;
	[tilespmem:s18+$0xFFFFFF80] =	vst v5;
	v5 =	vbroadcast v2, $0x0  }
0x2d3: {  	[tilespmem:s18+$0xFFFFFFC0] =	vst v6;
	v2 =	vmul.f32 v1, v3  }
0x2d4: {  	v6 =	vld [tilespmem:s18+$0x0];
	v3 =	vmul.f32 v1, v9;
	[tilespmem:s18+$0xFFFFFFF0] =	vst v4  }
0x2d5: {  	v10 =	vld [tilespmem:s18+$0x40];
	v1 =	vmul.f32 v1, v8;
	[tilespmem:s18+$0xFFFFFF90] =	vst v2  }
0x2d6: {  	v7 =	vld [tilespmem:s18+$0x20];
	[tilespmem:s18+$0xFFFFFFB0] =	vst v3  }
0x2d7: {  	v8 =	vld [tilespmem:s18+$0x30];
	[tilespmem:s18+$0xFFFFFFD0] =	vst v1  }
0x2d8: {  	v1 =	vld.idx.msk [tilespmem:v5+s30+$0x0], $0xffff  }
0x2d9: {  	v4 =	vld [tilespmem:s18+$0x60]  }
0x2da: {  	v2 =	vld [tilespmem:s18+$0x50]  }
0x2db: {  	v3 =	vld [tilespmem:s18+$0x10]  }
0x2dc: {  	s9 =	simm.s32 $0x7;
	v5 =	vld [tilespmem:s18+$0x70]  }
0x2dd: {  	s12 =	simm.s32 $0xF;
	s14 =	simm.s32 $0x8800;
	s19 =	simm.s32 $0x5;
	v9 =	vmul.f32 v1, v6;
	v6 =	vmul.f32 v1, v10  }
.LBB2_20:
0x2de: {  	p1 =	sne.s32 s12, $0x7F  }
0x2df: {  	v7 =	vmul.f32 v1, v7;
	v8 =	vmul.f32 v1, v8;
	v10 =	vmov s19;
	s18 =	sadd.s32 $0x400, s18;
	s19 =	smov.u32 s12;
	s12 =	sadd.s32 $0x8, s12  }
0x2e0: {  	v3 =	vmul.f32 v1, v3;
	v2 =	vmul.f32 v1, v2;
	[tilespmem:s14+$0x0] =	vst v9;
	v9 =	vand.u32 $0x7D, v10  }
0x2e1: {  	[tilespmem:s14+$0x20] =	vst v7;
	v4 =	vmul.f32 v1, v4;
	v1 =	vmul.f32 v1, v5;
	v5 =	vor.u32 $0x100, v9  }
0x2e2: {  	[tilespmem:s14+$0x50] =	vst v2;
	v2 =	vbroadcast v5, $0x0  }
0x2e3: {  	[tilespmem:s14+$0x40] =	vst v6  }
0x2e4: {  	[tilespmem:s14+$0x10] =	vst v3;
	v3 =	vld [tilespmem:s14+$0x80]  }
0x2e5: {  	[tilespmem:s14+$0x30] =	vst v8;
	v5 =	vld [tilespmem:s14+$0xE0]  }
0x2e6: {  	[tilespmem:s14+$0x70] =	vst v1;
	v1 =	vld [tilespmem:s14+$0x90]  }
0x2e7: {  	[tilespmem:s14+$0x60] =	vst v4;
	v4 =	vld [tilespmem:s14+$0xF0]  }
0x2e8: {  	v2 =	vld.idx.msk [tilespmem:v2+s30+$0x0], $0xffff  }
0x2e9: {  	v6 =	vld [tilespmem:s14+$0xD0]  }
0x2ea: {  	v7 =	vld [tilespmem:s14+$0xA0]  }
0x2eb: {  	v8 =	vld [tilespmem:s14+$0xC0]  }
0x2ec: {  	v9 =	vld [tilespmem:s14+$0xB0];
	_ =	sdelay $0x1  }
0x2ed: {  	s7 =	sadd.s32 $0xFFFFFFFF, s9;
	v3 =	vmul.f32 v2, v3;
	v6 =	vmul.f32 v2, v6  }
0x2ee: {  	v10 =	vmov s7;
	v4 =	vmul.f32 v2, v4;
	v7 =	vmul.f32 v2, v7  }
0x2ef: {  	v1 =	vmul.f32 v2, v1;
	[tilespmem:s14+$0x80] =	vst v3;
	v3 =	vmul.f32 v2, v8;
	v8 =	vand.u32 $0x7E, v10  }
0x2f0: {  	v9 =	vmul.f32 v2, v9;
	[tilespmem:s14+$0xD0] =	vst v6;
	v2 =	vmul.f32 v2, v5;
	v5 =	vor.u32 $0x100, v8  }
0x2f1: {  	[tilespmem:s14+$0xF0] =	vst v4;
	v4 =	vbroadcast v5, $0x0  }
0x2f2: {  	[tilespmem:s14+$0x90] =	vst v1  }
0x2f3: {  	[tilespmem:s14+$0xE0] =	vst v2;
	v1 =	vld [tilespmem:s14+$0x170]  }
0x2f4: {  	[tilespmem:s14+$0xC0] =	vst v3;
	v2 =	vld [tilespmem:s14+$0x160]  }
0x2f5: {  	[tilespmem:s14+$0xA0] =	vst v7;
	v3 =	vld [tilespmem:s14+$0x130]  }
0x2f6: {  	[tilespmem:s14+$0xB0] =	vst v9;
	v5 =	vld [tilespmem:s14+$0x110]  }
0x2f7: {  	v4 =	vld.idx.msk [tilespmem:v4+s30+$0x0], $0xffff  }
0x2f8: {  	v6 =	vld [tilespmem:s14+$0x100]  }
0x2f9: {  	v7 =	vld [tilespmem:s14+$0x120]  }
0x2fa: {  	v8 =	vld [tilespmem:s14+$0x140]  }
0x2fb: {  	v9 =	vld [tilespmem:s14+$0x150];
	_ =	sdelay $0x1  }
0x2fc: {  	v5 =	vmul.f32 v4, v5;
	v6 =	vmul.f32 v4, v6  }
0x2fd: {  	v10 =	vmov s9;
	s9 =	smov.u32 s19;
	v3 =	vmul.f32 v4, v3;
	v7 =	vmul.f32 v4, v7  }
0x2fe: {  	v2 =	vmul.f32 v4, v2;
	[tilespmem:s14+$0x100] =	vst v6;
	v6 =	vmul.f32 v4, v8;
	v8 =	vand.u32 $0x7F, v10  }
0x2ff: {  	v1 =	vmul.f32 v4, v1;
	[tilespmem:s14+$0x110] =	vst v5;
	v5 =	vmul.f32 v4, v9;
	v4 =	vor.u32 $0x100, v8  }
0x300: {  	[tilespmem:s14+$0x130] =	vst v3;
	v3 =	vbroadcast v4, $0x0  }
0x301: {  	[tilespmem:s14+$0x160] =	vst v2  }
0x302: {  	[tilespmem:s14+$0x170] =	vst v1;
	v1 =	vld [tilespmem:s14+$0x180]  }
0x303: {  	[tilespmem:s14+$0x120] =	vst v7;
	v2 =	vld [tilespmem:s14+$0x1D0]  }
0x304: {  	[tilespmem:s14+$0x150] =	vst v5;
	v4 =	vld [tilespmem:s14+$0x1F0]  }
0x305: {  	[tilespmem:s14+$0x140] =	vst v6;
	v5 =	vld [tilespmem:s14+$0x1A0]  }
0x306: {  	v3 =	vld.idx.msk [tilespmem:v3+s30+$0x0], $0xffff  }
0x307: {  	v6 =	vld [tilespmem:s14+$0x190]  }
0x308: {  	v7 =	vld [tilespmem:s14+$0x1B0]  }
0x309: {  	v8 =	vld [tilespmem:s14+$0x1C0]  }
0x30a: {  	v9 =	vld [tilespmem:s14+$0x1E0];
	_ =	sdelay $0x1  }
0x30b: {  	s7 =	sadd.s32 $0xFFFFFFF9, s9;
	v1 =	vmul.f32 v3, v1;
	v6 =	vmul.f32 v3, v6  }
0x30c: {  	v10 =	vmov s7;
	v5 =	vmul.f32 v3, v5;
	v7 =	vmul.f32 v3, v7  }
0x30d: {  	v10 =	vand.u32 $0x78, v10;
	v2 =	vmul.f32 v3, v2;
	[tilespmem:s14+$0x180] =	vst v1;
	v1 =	vmul.f32 v3, v8  }
0x30e: {  	v8 =	vor.u32 $0x100, v10;
	[tilespmem:s14+$0x190] =	vst v6;
	v6 =	vmul.f32 v3, v9;
	v3 =	vmul.f32 v3, v4  }
0x30f: {  	v4 =	vbroadcast v8, $0x0;
	[tilespmem:s14+$0x1D0] =	vst v2  }
0x310: {  	[tilespmem:s14+$0x1F0] =	vst v3  }
0x311: {  	v2 =	vld [tilespmem:s18+$0xFFFFFE40];
	[tilespmem:s14+$0x1A0] =	vst v5  }
0x312: {  	v3 =	vld [tilespmem:s18+$0xFFFFFE60];
	[tilespmem:s14+$0x1B0] =	vst v7  }
0x313: {  	v5 =	vld [tilespmem:s18+$0xFFFFFE50];
	[tilespmem:s14+$0x1E0] =	vst v6  }
0x314: {  	v6 =	vld [tilespmem:s18+$0xFFFFFE70];
	[tilespmem:s14+$0x1C0] =	vst v1;
	s14 =	smov.u32 s18  }
0x315: {  	v1 =	vld.idx.msk [tilespmem:v4+s30+$0x0], $0xffff  }
0x316: {  	v4 =	vld [tilespmem:s18+$0xFFFFFE00]  }
0x317: {  	v7 =	vld [tilespmem:s18+$0xFFFFFE20]  }
0x318: {  	v8 =	vld [tilespmem:s18+$0xFFFFFE10]  }
0x319: {  	v9 =	vld [tilespmem:s18+$0xFFFFFE30];
	_ =	sdelay $0x1  }
0x31a: {  	s7 =	sadd.s32 $0xFFFFFFFA, s9;
	v6 =	vmul.f32 v1, v6;
	v4 =	vmul.f32 v1, v4  }
0x31b: {  	v10 =	vmov s7;
	v5 =	vmul.f32 v1, v5;
	v7 =	vmul.f32 v1, v7  }
0x31c: {  	v3 =	vmul.f32 v1, v3;
	[tilespmem:s18+$0xFFFFFE00] =	vst v4;
	v4 =	vmul.f32 v1, v8;
	v8 =	vand.u32 $0x79, v10  }
0x31d: {  	v9 =	vmul.f32 v1, v9;
	v1 =	vmul.f32 v1, v2;
	[tilespmem:s18+$0xFFFFFE70] =	vst v6;
	v2 =	vor.u32 $0x100, v8  }
0x31e: {  	[tilespmem:s18+$0xFFFFFE50] =	vst v5;
	v2 =	vbroadcast v2, $0x0  }
0x31f: {  	[tilespmem:s18+$0xFFFFFE20] =	vst v7  }
0x320: {  	[tilespmem:s18+$0xFFFFFE30] =	vst v9;
	v5 =	vld [tilespmem:s18+$0xFFFFFEF0]  }
0x321: {  	[tilespmem:s18+$0xFFFFFE10] =	vst v4;
	v4 =	vld [tilespmem:s18+$0xFFFFFED0]  }
0x322: {  	[tilespmem:s18+$0xFFFFFE60] =	vst v3;
	v3 =	vld [tilespmem:s18+$0xFFFFFEB0]  }
0x323: {  	[tilespmem:s18+$0xFFFFFE40] =	vst v1;
	v1 =	vld [tilespmem:s18+$0xFFFFFEE0]  }
0x324: {  	v2 =	vld.idx.msk [tilespmem:v2+s30+$0x0], $0xffff  }
0x325: {  	v6 =	vld [tilespmem:s18+$0xFFFFFE80]  }
0x326: {  	v7 =	vld [tilespmem:s18+$0xFFFFFE90]  }
0x327: {  	v8 =	vld [tilespmem:s18+$0xFFFFFEA0]  }
0x328: {  	v9 =	vld [tilespmem:s18+$0xFFFFFEC0];
	_ =	sdelay $0x1  }
0x329: {  	s7 =	sadd.s32 $0xFFFFFFFB, s9;
	v1 =	vmul.f32 v2, v1;
	v6 =	vmul.f32 v2, v6  }
0x32a: {  	v10 =	vmov s7;
	v3 =	vmul.f32 v2, v3;
	v7 =	vmul.f32 v2, v7  }
0x32b: {  	v4 =	vmul.f32 v2, v4;
	v8 =	vmul.f32 v2, v8;
	[tilespmem:s18+$0xFFFFFEE0] =	vst v1;
	v1 =	vand.u32 $0x7A, v10  }
0x32c: {  	[tilespmem:s18+$0xFFFFFE80] =	vst v6;
	v6 =	vmul.f32 v2, v9;
	v2 =	vmul.f32 v2, v5;
	v1 =	vor.u32 $0x100, v1  }
0x32d: {  	[tilespmem:s18+$0xFFFFFE90] =	vst v7;
	v1 =	vbroadcast v1, $0x0  }
0x32e: {  	[tilespmem:s18+$0xFFFFFED0] =	vst v4  }
0x32f: {  	[tilespmem:s18+$0xFFFFFEC0] =	vst v6;
	v4 =	vld [tilespmem:s18+$0xFFFFFF70]  }
0x330: {  	[tilespmem:s18+$0xFFFFFEB0] =	vst v3;
	v3 =	vld [tilespmem:s18+$0xFFFFFF50]  }
0x331: {  	[tilespmem:s18+$0xFFFFFEF0] =	vst v2;
	v2 =	vld [tilespmem:s18+$0xFFFFFF30]  }
0x332: {  	[tilespmem:s18+$0xFFFFFEA0] =	vst v8;
	v5 =	vld [tilespmem:s18+$0xFFFFFF40]  }
0x333: {  	v1 =	vld.idx.msk [tilespmem:v1+s30+$0x0], $0xffff  }
0x334: {  	v6 =	vld [tilespmem:s18+$0xFFFFFF20]  }
0x335: {  	v7 =	vld [tilespmem:s18+$0xFFFFFF10]  }
0x336: {  	v8 =	vld [tilespmem:s18+$0xFFFFFF00]  }
0x337: {  	v9 =	vld [tilespmem:s18+$0xFFFFFF60];
	_ =	sdelay $0x1  }
0x338: {  	s7 =	sadd.s32 $0xFFFFFFFC, s9;
	v5 =	vmul.f32 v1, v5;
	v6 =	vmul.f32 v1, v6  }
0x339: {  	v10 =	vmov s7;
	v2 =	vmul.f32 v1, v2;
	v7 =	vmul.f32 v1, v7  }
0x33a: {  	v3 =	vmul.f32 v1, v3;
	v8 =	vmul.f32 v1, v8;
	[tilespmem:s18+$0xFFFFFF40] =	vst v5;
	v5 =	vand.u32 $0x7B, v10  }
0x33b: {  	[tilespmem:s18+$0xFFFFFF20] =	vst v6;
	v6 =	vmul.f32 v1, v9;
	v1 =	vmul.f32 v1, v4;
	v4 =	vor.u32 $0x100, v5  }
0x33c: {  	[tilespmem:s18+$0xFFFFFF10] =	vst v7;
	v4 =	vbroadcast v4, $0x0  }
0x33d: {  	[tilespmem:s18+$0xFFFFFF50] =	vst v3  }
0x33e: {  	[tilespmem:s18+$0xFFFFFF00] =	vst v8;
	v3 =	vld [tilespmem:s18+$0xFFFFFFF0]  }
0x33f: {  	[tilespmem:s18+$0xFFFFFF30] =	vst v2;
	v2 =	vld [tilespmem:s18+$0xFFFFFFD0]  }
0x340: {  	[tilespmem:s18+$0xFFFFFF70] =	vst v1;
	v1 =	vld [tilespmem:s18+$0xFFFFFF90]  }
0x341: {  	[tilespmem:s18+$0xFFFFFF60] =	vst v6;
	v5 =	vld [tilespmem:s18+$0xFFFFFFE0]  }
0x342: {  	v4 =	vld.idx.msk [tilespmem:v4+s30+$0x0], $0xffff  }
0x343: {  	v6 =	vld [tilespmem:s18+$0xFFFFFFA0]  }
0x344: {  	v7 =	vld [tilespmem:s18+$0xFFFFFF80]  }
0x345: {  	v8 =	vld [tilespmem:s18+$0xFFFFFFC0]  }
0x346: {  	v9 =	vld [tilespmem:s18+$0xFFFFFFB0];
	_ =	sdelay $0x1  }
0x347: {  	s7 =	sadd.s32 $0xFFFFFFFD, s9;
	v5 =	vmul.f32 v4, v5;
	v6 =	vmul.f32 v4, v6  }
0x348: {  	v10 =	vmov s7;
	v1 =	vmul.f32 v4, v1;
	v7 =	vmul.f32 v4, v7  }
0x349: {  	[tilespmem:s18+$0xFFFFFFA0] =	vst v6;
	v6 =	vmul.f32 v4, v8;
	v8 =	vmul.f32 v4, v2;
	v2 =	vand.u32 $0x7C, v10  }
0x34a: {  	v3 =	vmul.f32 v4, v3;
	v9 =	vmul.f32 v4, v9;
	[tilespmem:s18+$0xFFFFFFE0] =	vst v5;
	v2 =	vor.u32 $0x100, v2  }
0x34b: {  	[tilespmem:s18+$0xFFFFFF80] =	vst v7;
	v4 =	vbroadcast v2, $0x0  }
0x34c: {  	[tilespmem:s18+$0xFFFFFFC0] =	vst v6  }
0x34d: {  	[tilespmem:s18+$0xFFFFFFF0] =	vst v3;
	v2 =	vld [tilespmem:s18+$0x50]  }
0x34e: {  	[tilespmem:s18+$0xFFFFFF90] =	vst v1;
	v7 =	vld [tilespmem:s18+$0x20]  }
0x34f: {  	[tilespmem:s18+$0xFFFFFFB0] =	vst v9;
	v6 =	vld [tilespmem:s18+$0x0]  }
0x350: {  	[tilespmem:s18+$0xFFFFFFD0] =	vst v8;
	v3 =	vld [tilespmem:s18+$0x10]  }
0x351: {  	v1 =	vld.idx.msk [tilespmem:v4+s30+$0x0], $0xffff  }
0x352: {  	v10 =	vld [tilespmem:s18+$0x40]  }
.Ltmp16:
0x353: {  	v8 =	vld [tilespmem:s18+$0x30];
	(pc) =	sbr.rel @p1 .LBB2_20-.Ltmp16, $3  }
0x354: {  	v5 =	vld [tilespmem:s18+$0x70]  }
0x355: {  	v4 =	vld [tilespmem:s18+$0x60];
	_ =	sdelay $0x1  }
0x356: {  	s19 =	sadd.s32 $0xFFFFFFFE, s9;
	v9 =	vmul.f32 v1, v6;
	v6 =	vmul.f32 v1, v10  }
0x357: {  	v10 =	vmov s19  }
0x358: {  	v2 =	vmul.f32 v1, v2;
	[tilespmem:s14+$0x0] =	vst v9;
	v36 =	vand.u32 $0x7D, v10  }
0x359: {  	v7 =	vmul.f32 v1, v7;
	[tilespmem:s14+$0x40] =	vst v6;
	v37 =	vor.u32 $0x100, v36  }
0x35a: {  	v3 =	vmul.f32 v1, v3;
	[tilespmem:s14+$0x50] =	vst v2;
	v2 =	vbroadcast v37, $0x0  }
0x35b: {  	v38 =	vmul.f32 v1, v8;
	[tilespmem:s14+$0x20] =	vst v7  }
0x35c: {  	v5 =	vmul.f32 v1, v5;
	[tilespmem:s14+$0x10] =	vst v3  }
0x35d: {  	v1 =	vmul.f32 v1, v4;
	[tilespmem:s14+$0x30] =	vst v38  }
0x35e: {  	[tilespmem:s14+$0x70] =	vst v5  }
0x35f: {  	v3 =	vld [tilespmem:s14+$0x80];
	[tilespmem:s14+$0x60] =	vst v1  }
0x360: {  	v1 =	vld.idx.msk [tilespmem:v2+s30+$0x0], $0xffff  }
0x361: {  	v2 =	vld [tilespmem:s14+$0xD0]  }
0x362: {  	v40 =	vld [tilespmem:s14+$0xF0]  }
0x363: {  	v39 =	vld [tilespmem:s14+$0x90]  }
0x364: {  	v43 =	vld [tilespmem:s14+$0xC0]  }
0x365: {  	v42 =	vld [tilespmem:s14+$0xA0];
	s7 =	sadd.s32 $0xFFFFFFFF, s9;
	v3 =	vmul.f32 v1, v3  }
0x366: {  	v41 =	vld [tilespmem:s14+$0xE0];
	v45 =	vmov s7;
	v2 =	vmul.f32 v1, v2  }
0x367: {  	v44 =	vld [tilespmem:s14+$0xB0];
	v5 =	vmul.f32 v1, v40;
	[tilespmem:s14+$0x80] =	vst v3;
	v3 =	vand.u32 $0x7E, v45  }
0x368: {  	v4 =	vmul.f32 v1, v39;
	[tilespmem:s14+$0xD0] =	vst v2;
	v2 =	vor.u32 $0x100, v3  }
0x369: {  	v46 =	vmul.f32 v1, v43;
	[tilespmem:s14+$0xF0] =	vst v5;
	v2 =	vbroadcast v2, $0x0  }
0x36a: {  	v47 =	vmul.f32 v1, v42;
	[tilespmem:s14+$0x90] =	vst v4  }
0x36b: {  	[tilespmem:s14+$0xC0] =	vst v46;
	v3 =	vmul.f32 v1, v41  }
0x36c: {  	[tilespmem:s14+$0xA0] =	vst v47;
	v1 =	vmul.f32 v1, v44  }
0x36d: {  	[tilespmem:s14+$0xE0] =	vst v3  }
0x36e: {  	[tilespmem:s14+$0xB0] =	vst v1  }
0x36f: {  	v1 =	vld.idx.msk [tilespmem:v2+s30+$0x0], $0xffff  }
0x370: {  	v2 =	vld [tilespmem:s14+$0x100]  }
0x371: {  	v3 =	vld [tilespmem:s14+$0x110]  }
0x372: {  	v48 =	vld [tilespmem:s14+$0x130]  }
0x373: {  	v49 =	vld [tilespmem:s14+$0x160]  }
0x374: {  	v51 =	vld [tilespmem:s14+$0x120]  }
0x375: {  	v52 =	vld [tilespmem:s14+$0x150];
	v2 =	vmul.f32 v1, v2  }
0x376: {  	v50 =	vld [tilespmem:s14+$0x170];
	v53 =	vmov s9;
	v3 =	vmul.f32 v1, v3  }
0x377: {  	v54 =	vld [tilespmem:s14+$0x140];
	v4 =	vmul.f32 v1, v48;
	[tilespmem:s14+$0x100] =	vst v2;
	v2 =	vand.u32 $0x7F, v53  }
0x378: {  	v5 =	vmul.f32 v1, v49;
	[tilespmem:s14+$0x110] =	vst v3;
	v2 =	vor.u32 $0x100, v2  }
0x379: {  	v55 =	vmul.f32 v1, v51;
	[tilespmem:s14+$0x130] =	vst v4;
	v2 =	vbroadcast v2, $0x0  }
0x37a: {  	v56 =	vmul.f32 v1, v52;
	[tilespmem:s14+$0x160] =	vst v5  }
0x37b: {  	v3 =	vmul.f32 v1, v50;
	[tilespmem:s14+$0x120] =	vst v55  }
0x37c: {  	v1 =	vmul.f32 v1, v54;
	[tilespmem:s14+$0x150] =	vst v56  }
0x37d: {  	[tilespmem:s14+$0x170] =	vst v3  }
0x37e: {  	v3 =	vld [tilespmem:s14+$0x180];
	[tilespmem:s14+$0x140] =	vst v1  }
0x37f: {  	v1 =	vld.idx.msk [tilespmem:v2+s30+$0x0], $0xffff  }
0x380: {  	v2 =	vld [tilespmem:s14+$0x190]  }
0x381: {  	v59 =	vld [tilespmem:s14+$0x1A0]  }
0x382: {  	v57 =	vld [tilespmem:s14+$0x1D0]  }
0x383: {  	v58 =	vld [tilespmem:s14+$0x1F0]  }
0x384: {  	v60 =	vld [tilespmem:s14+$0x1B0];
	v3 =	vmul.f32 v1, v3  }
0x385: {  	v61 =	vld [tilespmem:s14+$0x1E0];
	v2 =	vmul.f32 v1, v2  }
0x386: {  	v62 =	vld [tilespmem:s14+$0x1C0];
	v63 =	vmul.f32 v1, v59;
	[tilespmem:s14+$0x180] =	vst v3  }
0x387: {  	v3 =	vmul.f32 v1, v57;
	[tilespmem:s14+$0x190] =	vst v2  }
0x388: {  	v2 =	vmul.f32 v1, v58;
	[tilespmem:s14+$0x1A0] =	vst v63  }
0x389: {  	[tilespmem:s14+$0x1D0] =	vst v3;
	v3 =	vmul.f32 v1, v60  }
.Ltmp17:
0x38a: {  	[tilespmem:s14+$0x1F0] =	vst v2;
	v2 =	vmul.f32 v1, v61;
	(pc) =	sbr.rel .LBB2_23-.Ltmp17, $4  }
0x38b: {  	v1 =	vmul.f32 v1, v62;
	[tilespmem:s14+$0x1B0] =	vst v3  }
0x38c: {  	[tilespmem:s14+$0x1E0] =	vst v2  }
0x38d: {  	[tilespmem:s14+$0x1C0] =	vst v1  }
0x38e: {  	[spmem:s2] =	stream.indirect.scatter.add.f32 [tilespmem:s31], [sflag:$0x9], $0x80, s10, s24, $0xb8;
	[tilespmem:$0x1FE80] =	vst v63  }
.LBB2_22:
0x38f: {  	p1 =	sgt.u32 s17, $0x4F1  }
.Ltmp18:
0x390: {  	_ = 	snop;
	(pc) =	sbr.rel @p1 .LBB2_24-.Ltmp18, $4  }
.Ltmp19:
0x391: {  	_ = 	snop;
	(pc) =	sbr.rel @!p1 .LBB2_23-.Ltmp19, $4  }
0x392: {  	_ = 	snop  }
0x393: {  	_ = 	snop  }
0x394: {  	_ = 	snop  }
0x395: {  	_ = 	snop  }
.LBB2_26:
0x396: {  	_ =	sfence.sel $0x180000  }
0x397: {  	[bflag:$0x0] =	sbarrier.arrive $0xFFFF  }
0x398: {  	_ =	strace $0x90000047  }
0x399: {  	[bflag:$0x2] =	sbarrier.arrive $0xFFFF  }
0x39a: {  	p0 =	sne.s32 s4, $0x0;
	s0 =	rddreg [dreg:$0x3]  }
0x39b: {  	s0 =	sadd.s32 @!p0 $0x100000, s0  }
0x39c: {  	[sflag:s0] =	ssyncadd.tile.s32 @!p0 $0x1;
	_ =	shalt  }
.Lfunc_end2:
_tile_overlayer_lowered:
.L_overlay_start_2:
0x39d: {  	(tag) =	ssettag $0x2  }
0x39e: {  	s0 =	rddreg [dreg:$0x0];
	s2 =	stileid.u32  }
0x39f: {  	s1 =	rddreg [dreg:$0x1];
	p0 =	sne.s32 s2, $0x0  }
0x3a0: {  	s3 =	rddreg [dreg:$0x2];
	[bflag:$0x3] =	sbarrier.arrive $0xFFFF;
	s2 =	simm.s32 @!p0 $0x1C0A  }
0x3a1: {  	[timem:s3], [sflag:s2] =	dma.local @!p0 [hbm:s0], s1  }
0x3a2: {  	s0 =	simm.s32 @!p0 $0xA  }
0x3a3: {  	_ =	swait.ge @!p0 [sflag:s0], s1  }
0x3a4: {  	s1 =	ssub.s32 @!p0 $0x0, s1;
	[sflag:s0] =	ssyncset.done @!p0 $0x0  }
0x3a5: {  	[sflag:s0] =	ssyncadd.s32 @!p0 s1  }
0x3a6: {  	[bflag:$0x3] =	sbarrier.arrive $0xFFFF  }
0x3a7: {  	_ =	shalt  }

</sc_bundles>
